<compile_context>
chip_gen: v7x
topology: tpu7x:2x2x1
jax: 0.10.2.dev20260603
libtpu: 0.0.44.dev20260713+nightly
codegen_flags: <defaults>
</compile_context>

<pallas_src>
import functools

import jax
import jax.numpy as jnp
from jax import lax
from jax.experimental import pallas as pl
from jax.experimental.pallas import tpu as pltpu
from jax.experimental.pallas import tpu_sc as plsc

N_NODES = 10000
N_EDGES = 320000
D = 128
LANES = 16
DL = D // LANES
NC = 2
NS = 16
NW = NC * NS
EDGES_PER_W = N_EDGES // NW
CHUNK = 80
NCHUNKS = EDGES_PER_W // CHUNK
NTRIP = NCHUNKS // 3
N_PAD = 10240
ROWS_PER_S = N_PAD // NS
ZROWS = 16
IDX_BITS = 14

_DNUMS = lax.GatherDimensionNumbers(
    offset_dims=(), collapsed_slice_dims=(0,), start_index_map=(0,))


def _bcast_lane(vec, i):
    idx = jnp.full((LANES, 1), i, jnp.int32)
    return lax.gather(vec, idx, _DNUMS, (1,),
                      mode=lax.GatherScatterMode.PROMISE_IN_BOUNDS)


def _sc_scatter(pk_r, w_r, x):
    mesh = plsc.VectorSubcoreMesh(core_axis_name="c", subcore_axis_name="s")

    @functools.partial(
        pl.kernel,
        mesh=mesh,
        out_type=jax.ShapeDtypeStruct((NC, N_PAD, D), jnp.float32),
        scratch_types=[
            pltpu.VMEM((3, CHUNK), jnp.int32),
            pltpu.VMEM((3, CHUNK), jnp.float32),
            pltpu.VMEM((3, CHUNK), jnp.int32),
            pltpu.VMEM((3, CHUNK), jnp.int32),
            pltpu.VMEM((3, CHUNK, D), jnp.float32),
            pltpu.VMEM((ZROWS, D), jnp.float32),
            pltpu.VMEM_SHARED((N_PAD, D), jnp.float32),
            pltpu.SemaphoreType.DMA,
            pltpu.SemaphoreType.DMA,
            pltpu.SemaphoreType.DMA,
            pltpu.SemaphoreType.DMA,
            pltpu.SemaphoreType.DMA,
            pltpu.SemaphoreType.DMA,
            pltpu.SemaphoreType.DMA,
            pltpu.SemaphoreType.DMA,
            pltpu.SemaphoreType.DMA,
        ],
    )
    def sc_kernel(pk_hbm, w_hbm, x_hbm, out_hbm,
                  pk_v, w_v, src_v, dst_v, rows_v, zero_v, h_sh,
                  psem0, psem1, psem2, gsem0, gsem1, gsem2,
                  ssem0, ssem1, ssem2):
        cid = lax.axis_index("c")
        sid = lax.axis_index("s")
        wid = cid * NS + sid
        psems = (psem0, psem1, psem2)
        gsems = (gsem0, gsem1, gsem2)
        ssems = (ssem0, ssem1, ssem2)

        def pkw_issue(k, b):
            pltpu.make_async_copy(
                pk_hbm.at[wid, k], pk_v.at[b], psems[b]).start()
            pltpu.make_async_copy(
                w_hbm.at[wid, k], w_v.at[b], psems[b]).start()

        def pkw_wait(k, b):
            pltpu.make_async_copy(
                pk_hbm.at[wid, k], pk_v.at[b], psems[b]).wait()
            pltpu.make_async_copy(
                w_hbm.at[wid, k], w_v.at[b], psems[b]).wait()

        def decode(b):
            for g in range(CHUNK // LANES):
                sl = pl.ds(g * LANES, LANES)
                p = pk_v[b, sl]
                src_v[b, sl] = lax.bitwise_and(p, (1 << IDX_BITS) - 1)
                dst_v[b, sl] = lax.shift_right_logical(p, IDX_BITS)

        def gather_issue(b):
            pltpu.make_async_copy(
                x_hbm.at[src_v.at[b]], rows_v.at[b], gsems[b]).start()

        def gather_wait(b):
            pltpu.make_async_copy(
                x_hbm.at[src_v.at[b]], rows_v.at[b], gsems[b]).wait()

        def scale(b):
            def group(g, c):
                wg = w_v[b, pl.ds(g * LANES, LANES)]
                for i in range(LANES):
                    e = g * LANES + i
                    wv = _bcast_lane(wg, i)
                    for j in range(DL):
                        sl = pl.ds(j * LANES, LANES)
                        rows_v[b, e, sl] = rows_v[b, e, sl] * wv
                return c
            lax.fori_loop(0, CHUNK // LANES, group, 0)

        def scatter_issue(b):
            pltpu.async_copy(
                rows_v.at[b], h_sh.at[dst_v.at[b]], ssems[b], add=True)

        def scatter_wait(b):
            pltpu.make_async_copy(
                rows_v.at[b], h_sh.at[dst_v.at[b]], ssems[b]).wait()

        def process(k, b, wait_scatter=True, prep=True):
            gather_wait(b)
            if prep:
                @pl.when(k + 3 < NCHUNKS)
                def _():
                    pkw_issue(k + 3, b)
                b2 = (b + 2) % 3
                pkw_wait(k + 2, b2)
                decode(b2)
                gather_issue(b2)

        pkw_issue(0, 0)
        pkw_issue(1, 1)
        pkw_issue(2, 2)

        zv = jnp.zeros((LANES,), jnp.float32)
        for r in range(ZROWS):
            for j in range(DL):
                zero_v[r, pl.ds(j * LANES, LANES)] = zv
        for z in range(ROWS_PER_S // ZROWS):
            pltpu.sync_copy(
                zero_v, h_sh.at[pl.ds(sid * ROWS_PER_S + z * ZROWS, ZROWS)])
        plsc.subcore_barrier()

        pkw_wait(0, 0)
        decode(0)
        gather_issue(0)
        pkw_wait(1, 1)
        decode(1)
        gather_issue(1)

        process(0, 0, wait_scatter=False)
        process(1, 1)
        process(2, 2)

        def trip(t, carry):
            k0 = 3 * t
            process(k0, 0)
            process(k0 + 1, 1)
            process(k0 + 2, 2)
            return carry

        lax.fori_loop(1, NTRIP, trip, 0)

        process(NCHUNKS - 2, 0, prep=False)
        process(NCHUNKS - 1, 1, prep=False)

        plsc.subcore_barrier()

        pltpu.sync_copy(
            h_sh.at[pl.ds(sid * ROWS_PER_S, ROWS_PER_S)],
            out_hbm.at[cid, pl.ds(sid * ROWS_PER_S, ROWS_PER_S)])

    return sc_kernel(pk_r, w_r, x)


BN = 400


def _tc_body(hp_ref, wt_ref, b_ref, o_ref):
    h = hp_ref[0] + hp_ref[1]
    y = jnp.dot(h, wt_ref[...], preferred_element_type=jnp.float32)
    o_ref[...] = jnp.maximum(y + b_ref[...], 0.0)


def _tc_linear(hp, wt, b):
    return pl.pallas_call(
        _tc_body,
        grid=(N_NODES // BN,),
        in_specs=[
            pl.BlockSpec((NC, BN, D), lambda i: (0, i, 0)),
            pl.BlockSpec((D, D), lambda i: (0, 0)),
            pl.BlockSpec((1, D), lambda i: (0, 0)),
        ],
        out_specs=pl.BlockSpec((BN, D), lambda i: (i, 0)),
        out_shape=jax.ShapeDtypeStruct((N_NODES, D), jnp.float32),
    )(hp, wt, b)


@jax.jit
def kernel(edge_index, edge_weight, X, W, b):
    shp = (NW, NCHUNKS, CHUNK)
    pk = (edge_index[0] << IDX_BITS) | edge_index[1]
    pk_r = pk.reshape(shp)
    w_r = edge_weight.reshape(shp)
    hp = _sc_scatter(pk_r, w_r, X)
    return _tc_linear(hp, W.T, b.reshape(1, D))

# --- scband reference (transcript-rebuilt; emitter-appended) ---
"""Pipeline reference for scband-gcnlayer-9912784519225 (READ-ONLY COPY).

The authoritative reference and input builder live on the scoring server;
editing this copy changes nothing except your own understanding.
"""

import jax, jax.numpy as jnp
import numpy as np

N = 10000
E = 320000
D_IN = 128
D_OUT = 128


def setup_inputs(seed: int = 0) -> dict:
    key = jax.random.key(seed)
    k1, k2, k3, k4, k5 = jax.random.split(key, 5)
    X = jax.random.normal(k1, (N, D_IN), dtype=jnp.float32)
    edge_index = jax.random.randint(k2, (2, E), 0, N, dtype=jnp.int32)
    edge_weight = jax.random.uniform(k3, (E,), dtype=jnp.float32)
    # nn.Linear(in_dim, out_dim): weight [out_dim, in_dim], bias [out_dim]
    bound = 1.0 / np.sqrt(D_IN)
    W = jax.random.uniform(k4, (D_OUT, D_IN), dtype=jnp.float32, minval=-bound, maxval=bound)
    b = jax.random.uniform(k5, (D_OUT,), dtype=jnp.float32, minval=-bound, maxval=bound)
    return {"edge_index": edge_index, "edge_weight": edge_weight, "X": X, "W": W, "b": b}


def reference(edge_index, edge_weight, X, W, b):
    # A_sparse represented in COO form: row 0 = dst (row idx), row 1 = src (col idx)
    dst = edge_index[0]
    src = edge_index[1]
    # H = torch.sparse.mm(A_sparse, X): gather neighbor feats, weight, scatter-add by dst
    msgs = X[src] * edge_weight[:, None]
    H = jax.ops.segment_sum(msgs, dst, num_segments=N)
    # H = self.linear(H)
    H = H @ W.T + b
    # activation=True -> relu; use_dropout=False -> identity
    H = jax.nn.relu(H)
    return H

if __name__ == "__main__":
    import jax
    _d = setup_inputs()
    print(jax.jit(kernel)(*tuple(_d.values())))

</pallas_src>

<mosaic_0001>
#map = affine_map<(d0, d1) -> (0, 0, 0)>
#map1 = affine_map<(d0, d1) -> (0, 0)>
module attributes {stable_mosaic.version = 14 : i64} {
  func.func @sc_kernel(%arg0: i32, %arg1: i32, %arg2: memref<32x125x80xi32, #tpu.memory_space<hbm>>, %arg3: memref<32x125x80xf32, #tpu.memory_space<hbm>>, %arg4: memref<10000x128xf32, #tpu.memory_space<hbm>>, %arg5: memref<2x10240x128xf32, #tpu.memory_space<hbm>>, %arg6: memref<3x80xi32, #tpu.memory_space<vmem>>, %arg7: memref<3x80xf32, #tpu.memory_space<vmem>>, %arg8: memref<3x80xi32, #tpu.memory_space<vmem>>, %arg9: memref<3x80xi32, #tpu.memory_space<vmem>>, %arg10: memref<3x80x128xf32, #tpu.memory_space<vmem>>, %arg11: memref<16x128xf32, #tpu.memory_space<vmem>>, %arg12: memref<10240x128xf32, #tpu.memory_space<vmem_shared>>, %arg13: memref<!tpu.dma_semaphore, #tpu.memory_space<semaphore_mem>>, %arg14: memref<!tpu.dma_semaphore, #tpu.memory_space<semaphore_mem>>, %arg15: memref<!tpu.dma_semaphore, #tpu.memory_space<semaphore_mem>>, %arg16: memref<!tpu.dma_semaphore, #tpu.memory_space<semaphore_mem>>, %arg17: memref<!tpu.dma_semaphore, #tpu.memory_space<semaphore_mem>>, %arg18: memref<!tpu.dma_semaphore, #tpu.memory_space<semaphore_mem>>, %arg19: memref<!tpu.dma_semaphore, #tpu.memory_space<semaphore_mem>>, %arg20: memref<!tpu.dma_semaphore, #tpu.memory_space<semaphore_mem>>, %arg21: memref<!tpu.dma_semaphore, #tpu.memory_space<semaphore_mem>>) attributes {dimension_semantics = [#tpu.dimension_semantics<core_parallel>, #tpu.dimension_semantics<subcore_parallel>], iteration_bounds = array<i64: 2, 16>, scalar_prefetch = 0 : i64, scratch_operands = 16 : i64, tpu.core_type = #tpu.core_type<sc_vector_subcore>, window_params = [{transform_indices = #map}, {transform_indices = #map}, {transform_indices = #map1}, {transform_indices = #map}]} {
    %mul3A = arith.constant 16 : i32
    %mul3A_0 = arith.muli %arg0, %mul3A : i32
    %add3A = arith.addi %mul3A_0, %arg1 : i32
    %dma_start3A = arith.constant 0 : i32
    %dma_start3A_1 = arith.constant 0 : i32
    %dma_start3A_2 = arith.constant 0 : i32
    %dma_start3A_3 = tpu.memref_slice %arg6[%dma_start3A_1, %dma_start3A_2] : memref<3x80xi32, #tpu.memory_space<vmem>> -> memref<1x80xi32, #tpu.memory_space<vmem>>
    %dma_start3A_4 = tpu.memref_squeeze %dma_start3A_3 : memref<1x80xi32, #tpu.memory_space<vmem>> -> memref<80xi32, #tpu.memory_space<vmem>>
    %dma_start3A_5 = arith.constant 0 : i32
    %dma_start3A_6 = tpu.memref_slice %arg2[%add3A, %dma_start3A, %dma_start3A_5] : memref<32x125x80xi32, #tpu.memory_space<hbm>> -> memref<1x1x80xi32, #tpu.memory_space<hbm>>
    %dma_start3A_7 = tpu.memref_squeeze %dma_start3A_6 : memref<1x1x80xi32, #tpu.memory_space<hbm>> -> memref<80xi32, #tpu.memory_space<hbm>>
    %dma_start3A_8 = arith.constant 0 : i32
    %dma_start3A_9 = tpu.memref_slice %arg6[%dma_start3A_1, %dma_start3A_8] : memref<3x80xi32, #tpu.memory_space<vmem>> -> memref<1x80xi32, #tpu.memory_space<vmem>>
    %dma_start3A_10 = tpu.memref_squeeze %dma_start3A_9 : memref<1x80xi32, #tpu.memory_space<vmem>> -> memref<80xi32, #tpu.memory_space<vmem>>
    %dma_start3A_11 = arith.constant 0 : i32
    %dma_start3A_12 = tpu.memref_slice %arg2[%add3A, %dma_start3A, %dma_start3A_11] : memref<32x125x80xi32, #tpu.memory_space<hbm>> -> memref<1x1x80xi32, #tpu.memory_space<hbm>>
    %dma_start3A_13 = tpu.memref_squeeze %dma_start3A_12 : memref<1x1x80xi32, #tpu.memory_space<hbm>> -> memref<80xi32, #tpu.memory_space<hbm>>
    tpu.enqueue_dma source(%dma_start3A_13 : memref<80xi32, #tpu.memory_space<hbm>>) target(%dma_start3A_10 : memref<80xi32, #tpu.memory_space<vmem>>) target_semaphore(%arg13 : memref<!tpu.dma_semaphore, #tpu.memory_space<semaphore_mem>>)
    %dma_start3A_14 = arith.constant 0 : i32
    %dma_start3A_15 = arith.constant 0 : i32
    %dma_start3A_16 = arith.constant 0 : i32
    %dma_start3A_17 = tpu.memref_slice %arg7[%dma_start3A_15, %dma_start3A_16] : memref<3x80xf32, #tpu.memory_space<vmem>> -> memref<1x80xf32, #tpu.memory_space<vmem>>
    %dma_start3A_18 = tpu.memref_squeeze %dma_start3A_17 : memref<1x80xf32, #tpu.memory_space<vmem>> -> memref<80xf32, #tpu.memory_space<vmem>>
    %dma_start3A_19 = arith.constant 0 : i32
    %dma_start3A_20 = tpu.memref_slice %arg3[%add3A, %dma_start3A_14, %dma_start3A_19] : memref<32x125x80xf32, #tpu.memory_space<hbm>> -> memref<1x1x80xf32, #tpu.memory_space<hbm>>
    %dma_start3A_21 = tpu.memref_squeeze %dma_start3A_20 : memref<1x1x80xf32, #tpu.memory_space<hbm>> -> memref<80xf32, #tpu.memory_space<hbm>>
    %dma_start3A_22 = arith.constant 0 : i32
    %dma_start3A_23 = tpu.memref_slice %arg7[%dma_start3A_15, %dma_start3A_22] : memref<3x80xf32, #tpu.memory_space<vmem>> -> memref<1x80xf32, #tpu.memory_space<vmem>>
    %dma_start3A_24 = tpu.memref_squeeze %dma_start3A_23 : memref<1x80xf32, #tpu.memory_space<vmem>> -> memref<80xf32, #tpu.memory_space<vmem>>
    %dma_start3A_25 = arith.constant 0 : i32
    %dma_start3A_26 = tpu.memref_slice %arg3[%add3A, %dma_start3A_14, %dma_start3A_25] : memref<32x125x80xf32, #tpu.memory_space<hbm>> -> memref<1x1x80xf32, #tpu.memory_space<hbm>>
    %dma_start3A_27 = tpu.memref_squeeze %dma_start3A_26 : memref<1x1x80xf32, #tpu.memory_space<hbm>> -> memref<80xf32, #tpu.memory_space<hbm>>
    tpu.enqueue_dma source(%dma_start3A_27 : memref<80xf32, #tpu.memory_space<hbm>>) target(%dma_start3A_24 : memref<80xf32, #tpu.memory_space<vmem>>) target_semaphore(%arg13 : memref<!tpu.dma_semaphore, #tpu.memory_space<semaphore_mem>>)
    %dma_start3A_28 = arith.constant 1 : i32
    %dma_start3A_29 = arith.constant 1 : i32
    %dma_start3A_30 = arith.constant 0 : i32
    %dma_start3A_31 = tpu.memref_slice %arg6[%dma_start3A_29, %dma_start3A_30] : memref<3x80xi32, #tpu.memory_space<vmem>> -> memref<1x80xi32, #tpu.memory_space<vmem>>
    %dma_start3A_32 = tpu.memref_squeeze %dma_start3A_31 : memref<1x80xi32, #tpu.memory_space<vmem>> -> memref<80xi32, #tpu.memory_space<vmem>>
    %dma_start3A_33 = arith.constant 0 : i32
    %dma_start3A_34 = tpu.memref_slice %arg2[%add3A, %dma_start3A_28, %dma_start3A_33] : memref<32x125x80xi32, #tpu.memory_space<hbm>> -> memref<1x1x80xi32, #tpu.memory_space<hbm>>
    %dma_start3A_35 = tpu.memref_squeeze %dma_start3A_34 : memref<1x1x80xi32, #tpu.memory_space<hbm>> -> memref<80xi32, #tpu.memory_space<hbm>>
    %dma_start3A_36 = arith.constant 0 : i32
    %dma_start3A_37 = tpu.memref_slice %arg6[%dma_start3A_29, %dma_start3A_36] : memref<3x80xi32, #tpu.memory_space<vmem>> -> memref<1x80xi32, #tpu.memory_space<vmem>>
    %dma_start3A_38 = tpu.memref_squeeze %dma_start3A_37 : memref<1x80xi32, #tpu.memory_space<vmem>> -> memref<80xi32, #tpu.memory_space<vmem>>
    %dma_start3A_39 = arith.constant 0 : i32
    %dma_start3A_40 = tpu.memref_slice %arg2[%add3A, %dma_start3A_28, %dma_start3A_39] : memref<32x125x80xi32, #tpu.memory_space<hbm>> -> memref<1x1x80xi32, #tpu.memory_space<hbm>>
    %dma_start3A_41 = tpu.memref_squeeze %dma_start3A_40 : memref<1x1x80xi32, #tpu.memory_space<hbm>> -> memref<80xi32, #tpu.memory_space<hbm>>
    tpu.enqueue_dma source(%dma_start3A_41 : memref<80xi32, #tpu.memory_space<hbm>>) target(%dma_start3A_38 : memref<80xi32, #tpu.memory_space<vmem>>) target_semaphore(%arg14 : memref<!tpu.dma_semaphore, #tpu.memory_space<semaphore_mem>>)
    %dma_start3A_42 = arith.constant 1 : i32
    %dma_start3A_43 = arith.constant 1 : i32
    %dma_start3A_44 = arith.constant 0 : i32
    %dma_start3A_45 = tpu.memref_slice %arg7[%dma_start3A_43, %dma_start3A_44] : memref<3x80xf32, #tpu.memory_space<vmem>> -> memref<1x80xf32, #tpu.memory_space<vmem>>
    %dma_start3A_46 = tpu.memref_squeeze %dma_start3A_45 : memref<1x80xf32, #tpu.memory_space<vmem>> -> memref<80xf32, #tpu.memory_space<vmem>>
    %dma_start3A_47 = arith.constant 0 : i32
    %dma_start3A_48 = tpu.memref_slice %arg3[%add3A, %dma_start3A_42, %dma_start3A_47] : memref<32x125x80xf32, #tpu.memory_space<hbm>> -> memref<1x1x80xf32, #tpu.memory_space<hbm>>
    %dma_start3A_49 = tpu.memref_squeeze %dma_start3A_48 : memref<1x1x80xf32, #tpu.memory_space<hbm>> -> memref<80xf32, #tpu.memory_space<hbm>>
    %dma_start3A_50 = arith.constant 0 : i32
    %dma_start3A_51 = tpu.memref_slice %arg7[%dma_start3A_43, %dma_start3A_50] : memref<3x80xf32, #tpu.memory_space<vmem>> -> memref<1x80xf32, #tpu.memory_space<vmem>>
    %dma_start3A_52 = tpu.memref_squeeze %dma_start3A_51 : memref<1x80xf32, #tpu.memory_space<vmem>> -> memref<80xf32, #tpu.memory_space<vmem>>
    %dma_start3A_53 = arith.constant 0 : i32
    %dma_start3A_54 = tpu.memref_slice %arg3[%add3A, %dma_start3A_42, %dma_start3A_53] : memref<32x125x80xf32, #tpu.memory_space<hbm>> -> memref<1x1x80xf32, #tpu.memory_space<hbm>>
    %dma_start3A_55 = tpu.memref_squeeze %dma_start3A_54 : memref<1x1x80xf32, #tpu.memory_space<hbm>> -> memref<80xf32, #tpu.memory_space<hbm>>
    tpu.enqueue_dma source(%dma_start3A_55 : memref<80xf32, #tpu.memory_space<hbm>>) target(%dma_start3A_52 : memref<80xf32, #tpu.memory_space<vmem>>) target_semaphore(%arg14 : memref<!tpu.dma_semaphore, #tpu.memory_space<semaphore_mem>>)
    %dma_start3A_56 = arith.constant 2 : i32
    %dma_start3A_57 = arith.constant 2 : i32
    %dma_start3A_58 = arith.constant 0 : i32
    %dma_start3A_59 = tpu.memref_slice %arg6[%dma_start3A_57, %dma_start3A_58] : memref<3x80xi32, #tpu.memory_space<vmem>> -> memref<1x80xi32, #tpu.memory_space<vmem>>
    %dma_start3A_60 = tpu.memref_squeeze %dma_start3A_59 : memref<1x80xi32, #tpu.memory_space<vmem>> -> memref<80xi32, #tpu.memory_space<vmem>>
    %dma_start3A_61 = arith.constant 0 : i32
    %dma_start3A_62 = tpu.memref_slice %arg2[%add3A, %dma_start3A_56, %dma_start3A_61] : memref<32x125x80xi32, #tpu.memory_space<hbm>> -> memref<1x1x80xi32, #tpu.memory_space<hbm>>
    %dma_start3A_63 = tpu.memref_squeeze %dma_start3A_62 : memref<1x1x80xi32, #tpu.memory_space<hbm>> -> memref<80xi32, #tpu.memory_space<hbm>>
    %dma_start3A_64 = arith.constant 0 : i32
    %dma_start3A_65 = tpu.memref_slice %arg6[%dma_start3A_57, %dma_start3A_64] : memref<3x80xi32, #tpu.memory_space<vmem>> -> memref<1x80xi32, #tpu.memory_space<vmem>>
    %dma_start3A_66 = tpu.memref_squeeze %dma_start3A_65 : memref<1x80xi32, #tpu.memory_space<vmem>> -> memref<80xi32, #tpu.memory_space<vmem>>
    %dma_start3A_67 = arith.constant 0 : i32
    %dma_start3A_68 = tpu.memref_slice %arg2[%add3A, %dma_start3A_56, %dma_start3A_67] : memref<32x125x80xi32, #tpu.memory_space<hbm>> -> memref<1x1x80xi32, #tpu.memory_space<hbm>>
    %dma_start3A_69 = tpu.memref_squeeze %dma_start3A_68 : memref<1x1x80xi32, #tpu.memory_space<hbm>> -> memref<80xi32, #tpu.memory_space<hbm>>
    tpu.enqueue_dma source(%dma_start3A_69 : memref<80xi32, #tpu.memory_space<hbm>>) target(%dma_start3A_66 : memref<80xi32, #tpu.memory_space<vmem>>) target_semaphore(%arg15 : memref<!tpu.dma_semaphore, #tpu.memory_space<semaphore_mem>>)
    %dma_start3A_70 = arith.constant 2 : i32
    %dma_start3A_71 = arith.constant 2 : i32
    %dma_start3A_72 = arith.constant 0 : i32
    %dma_start3A_73 = tpu.memref_slice %arg7[%dma_start3A_71, %dma_start3A_72] : memref<3x80xf32, #tpu.memory_space<vmem>> -> memref<1x80xf32, #tpu.memory_space<vmem>>
    %dma_start3A_74 = tpu.memref_squeeze %dma_start3A_73 : memref<1x80xf32, #tpu.memory_space<vmem>> -> memref<80xf32, #tpu.memory_space<vmem>>
    %dma_start3A_75 = arith.constant 0 : i32
    %dma_start3A_76 = tpu.memref_slice %arg3[%add3A, %dma_start3A_70, %dma_start3A_75] : memref<32x125x80xf32, #tpu.memory_space<hbm>> -> memref<1x1x80xf32, #tpu.memory_space<hbm>>
    %dma_start3A_77 = tpu.memref_squeeze %dma_start3A_76 : memref<1x1x80xf32, #tpu.memory_space<hbm>> -> memref<80xf32, #tpu.memory_space<hbm>>
    %dma_start3A_78 = arith.constant 0 : i32
    %dma_start3A_79 = tpu.memref_slice %arg7[%dma_start3A_71, %dma_start3A_78] : memref<3x80xf32, #tpu.memory_space<vmem>> -> memref<1x80xf32, #tpu.memory_space<vmem>>
    %dma_start3A_80 = tpu.memref_squeeze %dma_start3A_79 : memref<1x80xf32, #tpu.memory_space<vmem>> -> memref<80xf32, #tpu.memory_space<vmem>>
    %dma_start3A_81 = arith.constant 0 : i32
    %dma_start3A_82 = tpu.memref_slice %arg3[%add3A, %dma_start3A_70, %dma_start3A_81] : memref<32x125x80xf32, #tpu.memory_space<hbm>> -> memref<1x1x80xf32, #tpu.memory_space<hbm>>
    %dma_start3A_83 = tpu.memref_squeeze %dma_start3A_82 : memref<1x1x80xf32, #tpu.memory_space<hbm>> -> memref<80xf32, #tpu.memory_space<hbm>>
    tpu.enqueue_dma source(%dma_start3A_83 : memref<80xf32, #tpu.memory_space<hbm>>) target(%dma_start3A_80 : memref<80xf32, #tpu.memory_space<vmem>>) target_semaphore(%arg15 : memref<!tpu.dma_semaphore, #tpu.memory_space<semaphore_mem>>)
    %broadcast_in_dim3A = arith.constant 0.000000e+00 : f32
    %broadcast_in_dim3A_84 = vector.broadcast %broadcast_in_dim3A : f32 to vector<16xf32>
    %swap3A = arith.constant 0 : i32
    %swap3A_85 = arith.index_cast %swap3A : i32 to index
    %swap3A_86 = arith.constant 0 : index
    %swap3A_87 = tpu.vector_load %arg11[%swap3A_85, %swap3A_86] {strides = array<i32>} : memref<16x128xf32, #tpu.memory_space<vmem>>, vector<1x16xf32>,
    %swap3A_88 = vector.shape_cast %swap3A_87 : vector<1x16xf32> to vector<16xf32>
    %swap3A_89 = vector.shape_cast %broadcast_in_dim3A_84 : vector<16xf32> to vector<1x16xf32>
    tpu.vector_store %arg11[%swap3A_85, %swap3A_86], %swap3A_89 {strides = array<i32>} : memref<16x128xf32, #tpu.memory_space<vmem>>, vector<1x16xf32>,
    %swap3A_90 = arith.constant 0 : i32
    %swap3A_91 = arith.index_cast %swap3A_90 : i32 to index
    %swap3A_92 = arith.constant 16 : index
    %swap3A_93 = tpu.vector_load %arg11[%swap3A_91, %swap3A_92] {strides = array<i32>} : memref<16x128xf32, #tpu.memory_space<vmem>>, vector<1x16xf32>,
    %swap3A_94 = vector.shape_cast %swap3A_93 : vector<1x16xf32> to vector<16xf32>
    %swap3A_95 = vector.shape_cast %broadcast_in_dim3A_84 : vector<16xf32> to vector<1x16xf32>
    tpu.vector_store %arg11[%swap3A_91, %swap3A_92], %swap3A_95 {strides = array<i32>} : memref<16x128xf32, #tpu.memory_space<vmem>>, vector<1x16xf32>,
    %swap3A_96 = arith.constant 0 : i32
    %swap3A_97 = arith.index_cast %swap3A_96 : i32 to index
    %swap3A_98 = arith.constant 32 : index
    %swap3A_99 = tpu.vector_load %arg11[%swap3A_97, %swap3A_98] {strides = array<i32>} : memref<16x128xf32, #tpu.memory_space<vmem>>, vector<1x16xf32>,
    %swap3A_100 = vector.shape_cast %swap3A_99 : vector<1x16xf32> to vector<16xf32>
    %swap3A_101 = vector.shape_cast %broadcast_in_dim3A_84 : vector<16xf32> to vector<1x16xf32>
    tpu.vector_store %arg11[%swap3A_97, %swap3A_98], %swap3A_101 {strides = array<i32>} : memref<16x128xf32, #tpu.memory_space<vmem>>, vector<1x16xf32>,
    %swap3A_102 = arith.constant 0 : i32
    %swap3A_103 = arith.index_cast %swap3A_102 : i32 to index
    %swap3A_104 = arith.constant 48 : index
    %swap3A_105 = tpu.vector_load %arg11[%swap3A_103, %swap3A_104] {strides = array<i32>} : memref<16x128xf32, #tpu.memory_space<vmem>>, vector<1x16xf32>,
    %swap3A_106 = vector.shape_cast %swap3A_105 : vector<1x16xf32> to vector<16xf32>
    %swap3A_107 = vector.shape_cast %broadcast_in_dim3A_84 : vector<16xf32> to vector<1x16xf32>
    tpu.vector_store %arg11[%swap3A_103, %swap3A_104], %swap3A_107 {strides = array<i32>} : memref<16x128xf32, #tpu.memory_space<vmem>>, vector<1x16xf32>,
    %swap3A_108 = arith.constant 0 : i32
    %swap3A_109 = arith.index_cast %swap3A_108 : i32 to index
    %swap3A_110 = arith.constant 64 : index
    %swap3A_111 = tpu.vector_load %arg11[%swap3A_109, %swap3A_110] {strides = array<i32>} : memref<16x128xf32, #tpu.memory_space<vmem>>, vector<1x16xf32>,
    %swap3A_112 = vector.shape_cast %swap3A_111 : vector<1x16xf32> to vector<16xf32>
    %swap3A_113 = vector.shape_cast %broadcast_in_dim3A_84 : vector<16xf32> to vector<1x16xf32>
    tpu.vector_store %arg11[%swap3A_109, %swap3A_110], %swap3A_113 {strides = array<i32>} : memref<16x128xf32, #tpu.memory_space<vmem>>, vector<1x16xf32>,
    %swap3A_114 = arith.constant 0 : i32
    %swap3A_115 = arith.index_cast %swap3A_114 : i32 to index
    %swap3A_116 = arith.constant 80 : index
    %swap3A_117 = tpu.vector_load %arg11[%swap3A_115, %swap3A_116] {strides = array<i32>} : memref<16x128xf32, #tpu.memory_space<vmem>>, vector<1x16xf32>,
    %swap3A_118 = vector.shape_cast %swap3A_117 : vector<1x16xf32> to vector<16xf32>
    %swap3A_119 = vector.shape_cast %broadcast_in_dim3A_84 : vector<16xf32> to vector<1x16xf32>
    tpu.vector_store %arg11[%swap3A_115, %swap3A_116], %swap3A_119 {strides = array<i32>} : memref<16x128xf32, #tpu.memory_space<vmem>>, vector<1x16xf32>,
    %swap3A_120 = arith.constant 0 : i32
    %swap3A_121 = arith.index_cast %swap3A_120 : i32 to index
    %swap3A_122 = arith.constant 96 : index
    %swap3A_123 = tpu.vector_load %arg11[%swap3A_121, %swap3A_122] {strides = array<i32>} : memref<16x128xf32, #tpu.memory_space<vmem>>, vector<1x16xf32>,
    %swap3A_124 = vector.shape_cast %swap3A_123 : vector<1x16xf32> to vector<16xf32>
    %swap3A_125 = vector.shape_cast %broadcast_in_dim3A_84 : vector<16xf32> to vector<1x16xf32>
    tpu.vector_store %arg11[%swap3A_121, %swap3A_122], %swap3A_125 {strides = array<i32>} : memref<16x128xf32, #tpu.memory_space<vmem>>, vector<1x16xf32>,
    %swap3A_126 = arith.constant 0 : i32
    %swap3A_127 = arith.index_cast %swap3A_126 : i32 to index
    %swap3A_128 = arith.constant 112 : index
    %swap3A_129 = tpu.vector_load %arg11[%swap3A_127, %swap3A_128] {strides = array<i32>} : memref<16x128xf32, #tpu.memory_space<vmem>>, vector<1x16xf32>,
    %swap3A_130 = vector.shape_cast %swap3A_129 : vector<1x16xf32> to vector<16xf32>
    %swap3A_131 = vector.shape_cast %broadcast_in_dim3A_84 : vector<16xf32> to vector<1x16xf32>
    tpu.vector_store %arg11[%swap3A_127, %swap3A_128], %swap3A_131 {strides = array<i32>} : memref<16x128xf32, #tpu.memory_space<vmem>>, vector<1x16xf32>,
    %swap3A_132 = arith.constant 1 : i32
    %swap3A_133 = arith.index_cast %swap3A_132 : i32 to index
    %swap3A_134 = arith.constant 0 : index
    %swap3A_135 = tpu.vector_load %arg11[%swap3A_133, %swap3A_134] {strides = array<i32>} : memref<16x128xf32, #tpu.memory_space<vmem>>, vector<1x16xf32>,
    %swap3A_136 = vector.shape_cast %swap3A_135 : vector<1x16xf32> to vector<16xf32>
    %swap3A_137 = vector.shape_cast %broadcast_in_dim3A_84 : vector<16xf32> to vector<1x16xf32>
    tpu.vector_store %arg11[%swap3A_133, %swap3A_134], %swap3A_137 {strides = array<i32>} : memref<16x128xf32, #tpu.memory_space<vmem>>, vector<1x16xf32>,
    %swap3A_138 = arith.constant 1 : i32
    %swap3A_139 = arith.index_cast %swap3A_138 : i32 to index
    %swap3A_140 = arith.constant 16 : index
    %swap3A_141 = tpu.vector_load %arg11[%swap3A_139, %swap3A_140] {strides = array<i32>} : memref<16x128xf32, #tpu.memory_space<vmem>>, vector<1x16xf32>,
    %swap3A_142 = vector.shape_cast %swap3A_141 : vector<1x16xf32> to vector<16xf32>
    %swap3A_143 = vector.shape_cast %broadcast_in_dim3A_84 : vector<16xf32> to vector<1x16xf32>
    tpu.vector_store %arg11[%swap3A_139, %swap3A_140], %swap3A_143 {strides = array<i32>} : memref<16x128xf32, #tpu.memory_space<vmem>>, vector<1x16xf32>,
    %swap3A_144 = arith.constant 1 : i32
    %swap3A_145 = arith.index_cast %swap3A_144 : i32 to index
    %swap3A_146 = arith.constant 32 : index
    %swap3A_147 = tpu.vector_load %arg11[%swap3A_145, %swap3A_146] {strides = array<i32>} : memref<16x128xf32, #tpu.memory_space<vmem>>, vector<1x16xf32>,
    %swap3A_148 = vector.shape_cast %swap3A_147 : vector<1x16xf32> to vector<16xf32>
    %swap3A_149 = vector.shape_cast %broadcast_in_dim3A_84 : vector<16xf32> to vector<1x16xf32>
    tpu.vector_store %arg11[%swap3A_145, %swap3A_146], %swap3A_149 {strides = array<i32>} : memref<16x128xf32, #tpu.memory_space<vmem>>, vector<1x16xf32>,
    %swap3A_150 = arith.constant 1 : i32
    %swap3A_151 = arith.index_cast %swap3A_150 : i32 to index
    %swap3A_152 = arith.constant 48 : index
    %swap3A_153 = tpu.vector_load %arg11[%swap3A_151, %swap3A_152] {strides = array<i32>} : memref<16x128xf32, #tpu.memory_space<vmem>>, vector<1x16xf32>,
    %swap3A_154 = vector.shape_cast %swap3A_153 : vector<1x16xf32> to vector<16xf32>
    %swap3A_155 = vector.shape_cast %broadcast_in_dim3A_84 : vector<16xf32> to vector<1x16xf32>
    tpu.vector_store %arg11[%swap3A_151, %swap3A_152], %swap3A_155 {strides = array<i32>} : memref<16x128xf32, #tpu.memory_space<vmem>>, vector<1x16xf32>,
    %swap3A_156 = arith.constant 1 : i32
    %swap3A_157 = arith.index_cast %swap3A_156 : i32 to index
    %swap3A_158 = arith.constant 64 : index
    %swap3A_159 = tpu.vector_load %arg11[%swap3A_157, %swap3A_158] {strides = array<i32>} : memref<16x128xf32, #tpu.memory_space<vmem>>, vector<1x16xf32>,
    %swap3A_160 = vector.shape_cast %swap3A_159 : vector<1x16xf32> to vector<16xf32>
    %swap3A_161 = vector.shape_cast %broadcast_in_dim3A_84 : vector<16xf32> to vector<1x16xf32>
    tpu.vector_store %arg11[%swap3A_157, %swap3A_158], %swap3A_161 {strides = array<i32>} : memref<16x128xf32, #tpu.memory_space<vmem>>, vector<1x16xf32>,
    %swap3A_162 = arith.constant 1 : i32
    %swap3A_163 = arith.index_cast %swap3A_162 : i32 to index
    %swap3A_164 = arith.constant 80 : index
    %swap3A_165 = tpu.vector_load %arg11[%swap3A_163, %swap3A_164] {strides = array<i32>} : memref<16x128xf32, #tpu.memory_space<vmem>>, vector<1x16xf32>,
    %swap3A_166 = vector.shape_cast %swap3A_165 : vector<1x16xf32> to vector<16xf32>
    %swap3A_167 = vector.shape_cast %broadcast_in_dim3A_84 : vector<16xf32> to vector<1x16xf32>
    tpu.vector_store %arg11[%swap3A_163, %swap3A_164], %swap3A_167 {strides = array<i32>} : memref<16x128xf32, #tpu.memory_space<vmem>>, vector<1x16xf32>,
    %swap3A_168 = arith.constant 1 : i32
    %swap3A_169 = arith.index_cast %swap3A_168 : i32 to index
    %swap3A_170 = arith.constant 96 : index
    %swap3A_171 = tpu.vector_load %arg11[%swap3A_169, %swap3A_170] {strides = array<i32>} : memref<16x128xf32, #tpu.memory_space<vmem>>, vector<1x16xf32>,
    %swap3A_172 = vector.shape_cast %swap3A_171 : vector<1x16xf32> to vector<16xf32>
    %swap3A_173 = vector.shape_cast %broadcast_in_dim3A_84 : vector<16xf32> to vector<1x16xf32>
    tpu.vector_store %arg11[%swap3A_169, %swap3A_170], %swap3A_173 {strides = array<i32>} : memref<16x128xf32, #tpu.memory_space<vmem>>, vector<1x16xf32>,
    %swap3A_174 = arith.constant 1 : i32
    %swap3A_175 = arith.index_cast %swap3A_174 : i32 to index
    %swap3A_176 = arith.constant 112 : index
    %swap3A_177 = tpu.vector_load %arg11[%swap3A_175, %swap3A_176] {strides = array<i32>} : memref<16x128xf32, #tpu.memory_space<vmem>>, vector<1x16xf32>,
    %swap3A_178 = vector.shape_cast %swap3A_177 : vector<1x16xf32> to vector<16xf32>
    %swap3A_179 = vector.shape_cast %broadcast_in_dim3A_84 : vector<16xf32> to vector<1x16xf32>
    tpu.vector_store %arg11[%swap3A_175, %swap3A_176], %swap3A_179 {strides = array<i32>} : memref<16x128xf32, #tpu.memory_space<vmem>>, vector<1x16xf32>,
    %swap3A_180 = arith.constant 2 : i32
    %swap3A_181 = arith.index_cast %swap3A_180 : i32 to index
    %swap3A_182 = arith.constant 0 : index
    %swap3A_183 = tpu.vector_load %arg11[%swap3A_181, %swap3A_182] {strides = array<i32>} : memref<16x128xf32, #tpu.memory_space<vmem>>, vector<1x16xf32>,
    %swap3A_184 = vector.shape_cast %swap3A_183 : vector<1x16xf32> to vector<16xf32>
    %swap3A_185 = vector.shape_cast %broadcast_in_dim3A_84 : vector<16xf32> to vector<1x16xf32>
    tpu.vector_store %arg11[%swap3A_181, %swap3A_182], %swap3A_185 {strides = array<i32>} : memref<16x128xf32, #tpu.memory_space<vmem>>, vector<1x16xf32>,
    %swap3A_186 = arith.constant 2 : i32
    %swap3A_187 = arith.index_cast %swap3A_186 : i32 to index
    %swap3A_188 = arith.constant 16 : index
    %swap3A_189 = tpu.vector_load %arg11[%swap3A_187, %swap3A_188] {strides = array<i32>} : memref<16x128xf32, #tpu.memory_space<vmem>>, vector<1x16xf32>,
    %swap3A_190 = vector.shape_cast %swap3A_189 : vector<1x16xf32> to vector<16xf32>
    %swap3A_191 = vector.shape_cast %broadcast_in_dim3A_84 : vector<16xf32> to vector<1x16xf32>
    tpu.vector_store %arg11[%swap3A_187, %swap3A_188], %swap3A_191 {strides = array<i32>} : memref<16x128xf32, #tpu.memory_space<vmem>>, vector<1x16xf32>,
    %swap3A_192 = arith.constant 2 : i32
    %swap3A_193 = arith.index_cast %swap3A_192 : i32 to index
    %swap3A_194 = arith.constant 32 : index
    %swap3A_195 = tpu.vector_load %arg11[%swap3A_193, %swap3A_194] {strides = array<i32>} : memref<16x128xf32, #tpu.memory_space<vmem>>, vector<1x16xf32>,
    %swap3A_196 = vector.shape_cast %swap3A_195 : vector<1x16xf32> to vector<16xf32>
    %swap3A_197 = vector.shape_cast %broadcast_in_dim3A_84 : vector<16xf32> to vector<1x16xf32>
    tpu.vector_store %arg11[%swap3A_193, %swap3A_194], %swap3A_197 {strides = array<i32>} : memref<16x128xf32, #tpu.memory_space<vmem>>, vector<1x16xf32>,
    %swap3A_198 = arith.constant 2 : i32
    %swap3A_199 = arith.index_cast %swap3A_198 : i32 to index
    %swap3A_200 = arith.constant 48 : index
    %swap3A_201 = tpu.vector_load %arg11[%swap3A_199, %swap3A_200] {strides = array<i32>} : memref<16x128xf32, #tpu.memory_space<vmem>>, vector<1x16xf32>,
    %swap3A_202 = vector.shape_cast %swap3A_201 : vector<1x16xf32> to vector<16xf32>
    %swap3A_203 = vector.shape_cast %broadcast_in_dim3A_84 : vector<16xf32> to vector<1x16xf32>
    tpu.vector_store %arg11[%swap3A_199, %swap3A_200], %swap3A_203 {strides = array<i32>} : memref<16x128xf32, #tpu.memory_space<vmem>>, vector<1x16xf32>,
    %swap3A_204 = arith.constant 2 : i32
    %swap3A_205 = arith.index_cast %swap3A_204 : i32 to index
    %swap3A_206 = arith.constant 64 : index
    %swap3A_207 = tpu.vector_load %arg11[%swap3A_205, %swap3A_206] {strides = array<i32>} : memref<16x128xf32, #tpu.memory_space<vmem>>, vector<1x16xf32>,
    %swap3A_208 = vector.shape_cast %swap3A_207 : vector<1x16xf32> to vector<16xf32>
    %swap3A_209 = vector.shape_cast %broadcast_in_dim3A_84 : vector<16xf32> to vector<1x16xf32>
    tpu.vector_store %arg11[%swap3A_205, %swap3A_206], %swap3A_209 {strides = array<i32>} : memref<16x128xf32, #tpu.memory_space<vmem>>, vector<1x16xf32>,
    %swap3A_210 = arith.constant 2 : i32
    %swap3A_211 = arith.index_cast %swap3A_210 : i32 to index
    %swap3A_212 = arith.constant 80 : index
    %swap3A_213 = tpu.vector_load %arg11[%swap3A_211, %swap3A_212] {strides = array<i32>} : memref<16x128xf32, #tpu.memory_space<vmem>>, vector<1x16xf32>,
    %swap3A_214 = vector.shape_cast %swap3A_213 : vector<1x16xf32> to vector<16xf32>
    %swap3A_215 = vector.shape_cast %broadcast_in_dim3A_84 : vector<16xf32> to vector<1x16xf32>
    tpu.vector_store %arg11[%swap3A_211, %swap3A_212], %swap3A_215 {strides = array<i32>} : memref<16x128xf32, #tpu.memory_space<vmem>>, vector<1x16xf32>,
    %swap3A_216 = arith.constant 2 : i32
    %swap3A_217 = arith.index_cast %swap3A_216 : i32 to index
    %swap3A_218 = arith.constant 96 : index
    %swap3A_219 = tpu.vector_load %arg11[%swap3A_217, %swap3A_218] {strides = array<i32>} : memref<16x128xf32, #tpu.memory_space<vmem>>, vector<1x16xf32>,
    %swap3A_220 = vector.shape_cast %swap3A_219 : vector<1x16xf32> to vector<16xf32>
    %swap3A_221 = vector.shape_cast %broadcast_in_dim3A_84 : vector<16xf32> to vector<1x16xf32>
    tpu.vector_store %arg11[%swap3A_217, %swap3A_218], %swap3A_221 {strides = array<i32>} : memref<16x128xf32, #tpu.memory_space<vmem>>, vector<1x16xf32>,
    %swap3A_222 = arith.constant 2 : i32
    %swap3A_223 = arith.index_cast %swap3A_222 : i32 to index
    %swap3A_224 = arith.constant 112 : index
    %swap3A_225 = tpu.vector_load %arg11[%swap3A_223, %swap3A_224] {strides = array<i32>} : memref<16x128xf32, #tpu.memory_space<vmem>>, vector<1x16xf32>,
    %swap3A_226 = vector.shape_cast %swap3A_225 : vector<1x16xf32> to vector<16xf32>
    %swap3A_227 = vector.shape_cast %broadcast_in_dim3A_84 : vector<16xf32> to vector<1x16xf32>
    tpu.vector_store %arg11[%swap3A_223, %swap3A_224], %swap3A_227 {strides = array<i32>} : memref<16x128xf32, #tpu.memory_space<vmem>>, vector<1x16xf32>,
    %swap3A_228 = arith.constant 3 : i32
    %swap3A_229 = arith.index_cast %swap3A_228 : i32 to index
    %swap3A_230 = arith.constant 0 : index
    %swap3A_231 = tpu.vector_load %arg11[%swap3A_229, %swap3A_230] {strides = array<i32>} : memref<16x128xf32, #tpu.memory_space<vmem>>, vector<1x16xf32>,
    %swap3A_232 = vector.shape_cast %swap3A_231 : vector<1x16xf32> to vector<16xf32>
    %swap3A_233 = vector.shape_cast %broadcast_in_dim3A_84 : vector<16xf32> to vector<1x16xf32>
    tpu.vector_store %arg11[%swap3A_229, %swap3A_230], %swap3A_233 {strides = array<i32>} : memref<16x128xf32, #tpu.memory_space<vmem>>, vector<1x16xf32>,
    %swap3A_234 = arith.constant 3 : i32
    %swap3A_235 = arith.index_cast %swap3A_234 : i32 to index
    %swap3A_236 = arith.constant 16 : index
    %swap3A_237 = tpu.vector_load %arg11[%swap3A_235, %swap3A_236] {strides = array<i32>} : memref<16x128xf32, #tpu.memory_space<vmem>>, vector<1x16xf32>,
    %swap3A_238 = vector.shape_cast %swap3A_237 : vector<1x16xf32> to vector<16xf32>
    %swap3A_239 = vector.shape_cast %broadcast_in_dim3A_84 : vector<16xf32> to vector<1x16xf32>
    tpu.vector_store %arg11[%swap3A_235, %swap3A_236], %swap3A_239 {strides = array<i32>} : memref<16x128xf32, #tpu.memory_space<vmem>>, vector<1x16xf32>,
    %swap3A_240 = arith.constant 3 : i32
    %swap3A_241 = arith.index_cast %swap3A_240 : i32 to index
    %swap3A_242 = arith.constant 32 : index
    %swap3A_243 = tpu.vector_load %arg11[%swap3A_241, %swap3A_242] {strides = array<i32>} : memref<16x128xf32, #tpu.memory_space<vmem>>, vector<1x16xf32>,
    %swap3A_244 = vector.shape_cast %swap3A_243 : vector<1x16xf32> to vector<16xf32>
    %swap3A_245 = vector.shape_cast %broadcast_in_dim3A_84 : vector<16xf32> to vector<1x16xf32>
    tpu.vector_store %arg11[%swap3A_241, %swap3A_242], %swap3A_245 {strides = array<i32>} : memref<16x128xf32, #tpu.memory_space<vmem>>, vector<1x16xf32>,
    %swap3A_246 = arith.constant 3 : i32
    %swap3A_247 = arith.index_cast %swap3A_246 : i32 to index
    %swap3A_248 = arith.constant 48 : index
    %swap3A_249 = tpu.vector_load %arg11[%swap3A_247, %swap3A_248] {strides = array<i32>} : memref<16x128xf32, #tpu.memory_space<vmem>>, vector<1x16xf32>,
    %swap3A_250 = vector.shape_cast %swap3A_249 : vector<1x16xf32> to vector<16xf32>
    %swap3A_251 = vector.shape_cast %broadcast_in_dim3A_84 : vector<16xf32> to vector<1x16xf32>
    tpu.vector_store %arg11[%swap3A_247, %swap3A_248], %swap3A_251 {strides = array<i32>} : memref<16x128xf32, #tpu.memory_space<vmem>>, vector<1x16xf32>,
    %swap3A_252 = arith.constant 3 : i32
    %swap3A_253 = arith.index_cast %swap3A_252 : i32 to index
    %swap3A_254 = arith.constant 64 : index
    %swap3A_255 = tpu.vector_load %arg11[%swap3A_253, %swap3A_254] {strides = array<i32>} : memref<16x128xf32, #tpu.memory_space<vmem>>, vector<1x16xf32>,
    %swap3A_256 = vector.shape_cast %swap3A_255 : vector<1x16xf32> to vector<16xf32>
    %swap3A_257 = vector.shape_cast %broadcast_in_dim3A_84 : vector<16xf32> to vector<1x16xf32>
    tpu.vector_store %arg11[%swap3A_253, %swap3A_254], %swap3A_257 {strides = array<i32>} : memref<16x128xf32, #tpu.memory_space<vmem>>, vector<1x16xf32>,
    %swap3A_258 = arith.constant 3 : i32
    %swap3A_259 = arith.index_cast %swap3A_258 : i32 to index
    %swap3A_260 = arith.constant 80 : index
    %swap3A_261 = tpu.vector_load %arg11[%swap3A_259, %swap3A_260] {strides = array<i32>} : memref<16x128xf32, #tpu.memory_space<vmem>>, vector<1x16xf32>,
    %swap3A_262 = vector.shape_cast %swap3A_261 : vector<1x16xf32> to vector<16xf32>
    %swap3A_263 = vector.shape_cast %broadcast_in_dim3A_84 : vector<16xf32> to vector<1x16xf32>
    tpu.vector_store %arg11[%swap3A_259, %swap3A_260], %swap3A_263 {strides = array<i32>} : memref<16x128xf32, #tpu.memory_space<vmem>>, vector<1x16xf32>,
    %swap3A_264 = arith.constant 3 : i32
    %swap3A_265 = arith.index_cast %swap3A_264 : i32 to index
    %swap3A_266 = arith.constant 96 : index
    %swap3A_267 = tpu.vector_load %arg11[%swap3A_265, %swap3A_266] {strides = array<i32>} : memref<16x128xf32, #tpu.memory_space<vmem>>, vector<1x16xf32>,
    %swap3A_268 = vector.shape_cast %swap3A_267 : vector<1x16xf32> to vector<16xf32>
    %swap3A_269 = vector.shape_cast %broadcast_in_dim3A_84 : vector<16xf32> to vector<1x16xf32>
    tpu.vector_store %arg11[%swap3A_265, %swap3A_266], %swap3A_269 {strides = array<i32>} : memref<16x128xf32, #tpu.memory_space<vmem>>, vector<1x16xf32>,
    %swap3A_270 = arith.constant 3 : i32
    %swap3A_271 = arith.index_cast %swap3A_270 : i32 to index
    %swap3A_272 = arith.constant 112 : index
    %swap3A_273 = tpu.vector_load %arg11[%swap3A_271, %swap3A_272] {strides = array<i32>} : memref<16x128xf32, #tpu.memory_space<vmem>>, vector<1x16xf32>,
    %swap3A_274 = vector.shape_cast %swap3A_273 : vector<1x16xf32> to vector<16xf32>
    %swap3A_275 = vector.shape_cast %broadcast_in_dim3A_84 : vector<16xf32> to vector<1x16xf32>
    tpu.vector_store %arg11[%swap3A_271, %swap3A_272], %swap3A_275 {strides = array<i32>} : memref<16x128xf32, #tpu.memory_space<vmem>>, vector<1x16xf32>,
    %swap3A_276 = arith.constant 4 : i32
    %swap3A_277 = arith.index_cast %swap3A_276 : i32 to index
    %swap3A_278 = arith.constant 0 : index
    %swap3A_279 = tpu.vector_load %arg11[%swap3A_277, %swap3A_278] {strides = array<i32>} : memref<16x128xf32, #tpu.memory_space<vmem>>, vector<1x16xf32>,
    %swap3A_280 = vector.shape_cast %swap3A_279 : vector<1x16xf32> to vector<16xf32>
    %swap3A_281 = vector.shape_cast %broadcast_in_dim3A_84 : vector<16xf32> to vector<1x16xf32>
    tpu.vector_store %arg11[%swap3A_277, %swap3A_278], %swap3A_281 {strides = array<i32>} : memref<16x128xf32, #tpu.memory_space<vmem>>, vector<1x16xf32>,
    %swap3A_282 = arith.constant 4 : i32
    %swap3A_283 = arith.index_cast %swap3A_282 : i32 to index
    %swap3A_284 = arith.constant 16 : index
    %swap3A_285 = tpu.vector_load %arg11[%swap3A_283, %swap3A_284] {strides = array<i32>} : memref<16x128xf32, #tpu.memory_space<vmem>>, vector<1x16xf32>,
    %swap3A_286 = vector.shape_cast %swap3A_285 : vector<1x16xf32> to vector<16xf32>
    %swap3A_287 = vector.shape_cast %broadcast_in_dim3A_84 : vector<16xf32> to vector<1x16xf32>
    tpu.vector_store %arg11[%swap3A_283, %swap3A_284], %swap3A_287 {strides = array<i32>} : memref<16x128xf32, #tpu.memory_space<vmem>>, vector<1x16xf32>,
    %swap3A_288 = arith.constant 4 : i32
    %swap3A_289 = arith.index_cast %swap3A_288 : i32 to index
    %swap3A_290 = arith.constant 32 : index
    %swap3A_291 = tpu.vector_load %arg11[%swap3A_289, %swap3A_290] {strides = array<i32>} : memref<16x128xf32, #tpu.memory_space<vmem>>, vector<1x16xf32>,
    %swap3A_292 = vector.shape_cast %swap3A_291 : vector<1x16xf32> to vector<16xf32>
    %swap3A_293 = vector.shape_cast %broadcast_in_dim3A_84 : vector<16xf32> to vector<1x16xf32>
    tpu.vector_store %arg11[%swap3A_289, %swap3A_290], %swap3A_293 {strides = array<i32>} : memref<16x128xf32, #tpu.memory_space<vmem>>, vector<1x16xf32>,
    %swap3A_294 = arith.constant 4 : i32
    %swap3A_295 = arith.index_cast %swap3A_294 : i32 to index
    %swap3A_296 = arith.constant 48 : index
    %swap3A_297 = tpu.vector_load %arg11[%swap3A_295, %swap3A_296] {strides = array<i32>} : memref<16x128xf32, #tpu.memory_space<vmem>>, vector<1x16xf32>,
    %swap3A_298 = vector.shape_cast %swap3A_297 : vector<1x16xf32> to vector<16xf32>
    %swap3A_299 = vector.shape_cast %broadcast_in_dim3A_84 : vector<16xf32> to vector<1x16xf32>
    tpu.vector_store %arg11[%swap3A_295, %swap3A_296], %swap3A_299 {strides = array<i32>} : memref<16x128xf32, #tpu.memory_space<vmem>>, vector<1x16xf32>,
    %swap3A_300 = arith.constant 4 : i32
    %swap3A_301 = arith.index_cast %swap3A_300 : i32 to index
    %swap3A_302 = arith.constant 64 : index
    %swap3A_303 = tpu.vector_load %arg11[%swap3A_301, %swap3A_302] {strides = array<i32>} : memref<16x128xf32, #tpu.memory_space<vmem>>, vector<1x16xf32>,
    %swap3A_304 = vector.shape_cast %swap3A_303 : vector<1x16xf32> to vector<16xf32>
    %swap3A_305 = vector.shape_cast %broadcast_in_dim3A_84 : vector<16xf32> to vector<1x16xf32>
    tpu.vector_store %arg11[%swap3A_301, %swap3A_302], %swap3A_305 {strides = array<i32>} : memref<16x128xf32, #tpu.memory_space<vmem>>, vector<1x16xf32>,
    %swap3A_306 = arith.constant 4 : i32
    %swap3A_307 = arith.index_cast %swap3A_306 : i32 to index
    %swap3A_308 = arith.constant 80 : index
    %swap3A_309 = tpu.vector_load %arg11[%swap3A_307, %swap3A_308] {strides = array<i32>} : memref<16x128xf32, #tpu.memory_space<vmem>>, vector<1x16xf32>,
    %swap3A_310 = vector.shape_cast %swap3A_309 : vector<1x16xf32> to vector<16xf32>
    %swap3A_311 = vector.shape_cast %broadcast_in_dim3A_84 : vector<16xf32> to vector<1x16xf32>
    tpu.vector_store %arg11[%swap3A_307, %swap3A_308], %swap3A_311 {strides = array<i32>} : memref<16x128xf32, #tpu.memory_space<vmem>>, vector<1x16xf32>,
    %swap3A_312 = arith.constant 4 : i32
    %swap3A_313 = arith.index_cast %swap3A_312 : i32 to index
    %swap3A_314 = arith.constant 96 : index
    %swap3A_315 = tpu.vector_load %arg11[%swap3A_313, %swap3A_314] {strides = array<i32>} : memref<16x128xf32, #tpu.memory_space<vmem>>, vector<1x16xf32>,
    %swap3A_316 = vector.shape_cast %swap3A_315 : vector<1x16xf32> to vector<16xf32>
    %swap3A_317 = vector.shape_cast %broadcast_in_dim3A_84 : vector<16xf32> to vector<1x16xf32>
    tpu.vector_store %arg11[%swap3A_313, %swap3A_314], %swap3A_317 {strides = array<i32>} : memref<16x128xf32, #tpu.memory_space<vmem>>, vector<1x16xf32>,
    %swap3A_318 = arith.constant 4 : i32
    %swap3A_319 = arith.index_cast %swap3A_318 : i32 to index
    %swap3A_320 = arith.constant 112 : index
    %swap3A_321 = tpu.vector_load %arg11[%swap3A_319, %swap3A_320] {strides = array<i32>} : memref<16x128xf32, #tpu.memory_space<vmem>>, vector<1x16xf32>,
    %swap3A_322 = vector.shape_cast %swap3A_321 : vector<1x16xf32> to vector<16xf32>
    %swap3A_323 = vector.shape_cast %broadcast_in_dim3A_84 : vector<16xf32> to vector<1x16xf32>
    tpu.vector_store %arg11[%swap3A_319, %swap3A_320], %swap3A_323 {strides = array<i32>} : memref<16x128xf32, #tpu.memory_space<vmem>>, vector<1x16xf32>,
    %swap3A_324 = arith.constant 5 : i32
    %swap3A_325 = arith.index_cast %swap3A_324 : i32 to index
    %swap3A_326 = arith.constant 0 : index
    %swap3A_327 = tpu.vector_load %arg11[%swap3A_325, %swap3A_326] {strides = array<i32>} : memref<16x128xf32, #tpu.memory_space<vmem>>, vector<1x16xf32>,
    %swap3A_328 = vector.shape_cast %swap3A_327 : vector<1x16xf32> to vector<16xf32>
    %swap3A_329 = vector.shape_cast %broadcast_in_dim3A_84 : vector<16xf32> to vector<1x16xf32>
    tpu.vector_store %arg11[%swap3A_325, %swap3A_326], %swap3A_329 {strides = array<i32>} : memref<16x128xf32, #tpu.memory_space<vmem>>, vector<1x16xf32>,
    %swap3A_330 = arith.constant 5 : i32
    %swap3A_331 = arith.index_cast %swap3A_330 : i32 to index
    %swap3A_332 = arith.constant 16 : index
    %swap3A_333 = tpu.vector_load %arg11[%swap3A_331, %swap3A_332] {strides = array<i32>} : memref<16x128xf32, #tpu.memory_space<vmem>>, vector<1x16xf32>,
    %swap3A_334 = vector.shape_cast %swap3A_333 : vector<1x16xf32> to vector<16xf32>
    %swap3A_335 = vector.shape_cast %broadcast_in_dim3A_84 : vector<16xf32> to vector<1x16xf32>
    tpu.vector_store %arg11[%swap3A_331, %swap3A_332], %swap3A_335 {strides = array<i32>} : memref<16x128xf32, #tpu.memory_space<vmem>>, vector<1x16xf32>,
    %swap3A_336 = arith.constant 5 : i32
    %swap3A_337 = arith.index_cast %swap3A_336 : i32 to index
    %swap3A_338 = arith.constant 32 : index
    %swap3A_339 = tpu.vector_load %arg11[%swap3A_337, %swap3A_338] {strides = array<i32>} : memref<16x128xf32, #tpu.memory_space<vmem>>, vector<1x16xf32>,
    %swap3A_340 = vector.shape_cast %swap3A_339 : vector<1x16xf32> to vector<16xf32>
    %swap3A_341 = vector.shape_cast %broadcast_in_dim3A_84 : vector<16xf32> to vector<1x16xf32>
    tpu.vector_store %arg11[%swap3A_337, %swap3A_338], %swap3A_341 {strides = array<i32>} : memref<16x128xf32, #tpu.memory_space<vmem>>, vector<1x16xf32>,
    %swap3A_342 = arith.constant 5 : i32
    %swap3A_343 = arith.index_cast %swap3A_342 : i32 to index
    %swap3A_344 = arith.constant 48 : index
    %swap3A_345 = tpu.vector_load %arg11[%swap3A_343, %swap3A_344] {strides = array<i32>} : memref<16x128xf32, #tpu.memory_space<vmem>>, vector<1x16xf32>,
    %swap3A_346 = vector.shape_cast %swap3A_345 : vector<1x16xf32> to vector<16xf32>
    %swap3A_347 = vector.shape_cast %broadcast_in_dim3A_84 : vector<16xf32> to vector<1x16xf32>
    tpu.vector_store %arg11[%swap3A_343, %swap3A_344], %swap3A_347 {strides = array<i32>} : memref<16x128xf32, #tpu.memory_space<vmem>>, vector<1x16xf32>,
    %swap3A_348 = arith.constant 5 : i32
    %swap3A_349 = arith.index_cast %swap3A_348 : i32 to index
    %swap3A_350 = arith.constant 64 : index
    %swap3A_351 = tpu.vector_load %arg11[%swap3A_349, %swap3A_350] {strides = array<i32>} : memref<16x128xf32, #tpu.memory_space<vmem>>, vector<1x16xf32>,
    %swap3A_352 = vector.shape_cast %swap3A_351 : vector<1x16xf32> to vector<16xf32>
    %swap3A_353 = vector.shape_cast %broadcast_in_dim3A_84 : vector<16xf32> to vector<1x16xf32>
    tpu.vector_store %arg11[%swap3A_349, %swap3A_350], %swap3A_353 {strides = array<i32>} : memref<16x128xf32, #tpu.memory_space<vmem>>, vector<1x16xf32>,
    %swap3A_354 = arith.constant 5 : i32
    %swap3A_355 = arith.index_cast %swap3A_354 : i32 to index
    %swap3A_356 = arith.constant 80 : index
    %swap3A_357 = tpu.vector_load %arg11[%swap3A_355, %swap3A_356] {strides = array<i32>} : memref<16x128xf32, #tpu.memory_space<vmem>>, vector<1x16xf32>,
    %swap3A_358 = vector.shape_cast %swap3A_357 : vector<1x16xf32> to vector<16xf32>
    %swap3A_359 = vector.shape_cast %broadcast_in_dim3A_84 : vector<16xf32> to vector<1x16xf32>
    tpu.vector_store %arg11[%swap3A_355, %swap3A_356], %swap3A_359 {strides = array<i32>} : memref<16x128xf32, #tpu.memory_space<vmem>>, vector<1x16xf32>,
    %swap3A_360 = arith.constant 5 : i32
    %swap3A_361 = arith.index_cast %swap3A_360 : i32 to index
    %swap3A_362 = arith.constant 96 : index
    %swap3A_363 = tpu.vector_load %arg11[%swap3A_361, %swap3A_362] {strides = array<i32>} : memref<16x128xf32, #tpu.memory_space<vmem>>, vector<1x16xf32>,
    %swap3A_364 = vector.shape_cast %swap3A_363 : vector<1x16xf32> to vector<16xf32>
    %swap3A_365 = vector.shape_cast %broadcast_in_dim3A_84 : vector<16xf32> to vector<1x16xf32>
    tpu.vector_store %arg11[%swap3A_361, %swap3A_362], %swap3A_365 {strides = array<i32>} : memref<16x128xf32, #tpu.memory_space<vmem>>, vector<1x16xf32>,
    %swap3A_366 = arith.constant 5 : i32
    %swap3A_367 = arith.index_cast %swap3A_366 : i32 to index
    %swap3A_368 = arith.constant 112 : index
    %swap3A_369 = tpu.vector_load %arg11[%swap3A_367, %swap3A_368] {strides = array<i32>} : memref<16x128xf32, #tpu.memory_space<vmem>>, vector<1x16xf32>,
    %swap3A_370 = vector.shape_cast %swap3A_369 : vector<1x16xf32> to vector<16xf32>
    %swap3A_371 = vector.shape_cast %broadcast_in_dim3A_84 : vector<16xf32> to vector<1x16xf32>
    tpu.vector_store %arg11[%swap3A_367, %swap3A_368], %swap3A_371 {strides = array<i32>} : memref<16x128xf32, #tpu.memory_space<vmem>>, vector<1x16xf32>,
    %swap3A_372 = arith.constant 6 : i32
    %swap3A_373 = arith.index_cast %swap3A_372 : i32 to index
    %swap3A_374 = arith.constant 0 : index
    %swap3A_375 = tpu.vector_load %arg11[%swap3A_373, %swap3A_374] {strides = array<i32>} : memref<16x128xf32, #tpu.memory_space<vmem>>, vector<1x16xf32>,
    %swap3A_376 = vector.shape_cast %swap3A_375 : vector<1x16xf32> to vector<16xf32>
    %swap3A_377 = vector.shape_cast %broadcast_in_dim3A_84 : vector<16xf32> to vector<1x16xf32>
    tpu.vector_store %arg11[%swap3A_373, %swap3A_374], %swap3A_377 {strides = array<i32>} : memref<16x128xf32, #tpu.memory_space<vmem>>, vector<1x16xf32>,
    %swap3A_378 = arith.constant 6 : i32
    %swap3A_379 = arith.index_cast %swap3A_378 : i32 to index
    %swap3A_380 = arith.constant 16 : index
    %swap3A_381 = tpu.vector_load %arg11[%swap3A_379, %swap3A_380] {strides = array<i32>} : memref<16x128xf32, #tpu.memory_space<vmem>>, vector<1x16xf32>,
    %swap3A_382 = vector.shape_cast %swap3A_381 : vector<1x16xf32> to vector<16xf32>
    %swap3A_383 = vector.shape_cast %broadcast_in_dim3A_84 : vector<16xf32> to vector<1x16xf32>
    tpu.vector_store %arg11[%swap3A_379, %swap3A_380], %swap3A_383 {strides = array<i32>} : memref<16x128xf32, #tpu.memory_space<vmem>>, vector<1x16xf32>,
    %swap3A_384 = arith.constant 6 : i32
    %swap3A_385 = arith.index_cast %swap3A_384 : i32 to index
    %swap3A_386 = arith.constant 32 : index
    %swap3A_387 = tpu.vector_load %arg11[%swap3A_385, %swap3A_386] {strides = array<i32>} : memref<16x128xf32, #tpu.memory_space<vmem>>, vector<1x16xf32>,
    %swap3A_388 = vector.shape_cast %swap3A_387 : vector<1x16xf32> to vector<16xf32>
    %swap3A_389 = vector.shape_cast %broadcast_in_dim3A_84 : vector<16xf32> to vector<1x16xf32>
    tpu.vector_store %arg11[%swap3A_385, %swap3A_386], %swap3A_389 {strides = array<i32>} : memref<16x128xf32, #tpu.memory_space<vmem>>, vector<1x16xf32>,
    %swap3A_390 = arith.constant 6 : i32
    %swap3A_391 = arith.index_cast %swap3A_390 : i32 to index
    %swap3A_392 = arith.constant 48 : index
    %swap3A_393 = tpu.vector_load %arg11[%swap3A_391, %swap3A_392] {strides = array<i32>} : memref<16x128xf32, #tpu.memory_space<vmem>>, vector<1x16xf32>,
    %swap3A_394 = vector.shape_cast %swap3A_393 : vector<1x16xf32> to vector<16xf32>
    %swap3A_395 = vector.shape_cast %broadcast_in_dim3A_84 : vector<16xf32> to vector<1x16xf32>
    tpu.vector_store %arg11[%swap3A_391, %swap3A_392], %swap3A_395 {strides = array<i32>} : memref<16x128xf32, #tpu.memory_space<vmem>>, vector<1x16xf32>,
    %swap3A_396 = arith.constant 6 : i32
    %swap3A_397 = arith.index_cast %swap3A_396 : i32 to index
    %swap3A_398 = arith.constant 64 : index
    %swap3A_399 = tpu.vector_load %arg11[%swap3A_397, %swap3A_398] {strides = array<i32>} : memref<16x128xf32, #tpu.memory_space<vmem>>, vector<1x16xf32>,
    %swap3A_400 = vector.shape_cast %swap3A_399 : vector<1x16xf32> to vector<16xf32>
    %swap3A_401 = vector.shape_cast %broadcast_in_dim3A_84 : vector<16xf32> to vector<1x16xf32>
    tpu.vector_store %arg11[%swap3A_397, %swap3A_398], %swap3A_401 {strides = array<i32>} : memref<16x128xf32, #tpu.memory_space<vmem>>, vector<1x16xf32>,
    %swap3A_402 = arith.constant 6 : i32
    %swap3A_403 = arith.index_cast %swap3A_402 : i32 to index
    %swap3A_404 = arith.constant 80 : index
    %swap3A_405 = tpu.vector_load %arg11[%swap3A_403, %swap3A_404] {strides = array<i32>} : memref<16x128xf32, #tpu.memory_space<vmem>>, vector<1x16xf32>,
    %swap3A_406 = vector.shape_cast %swap3A_405 : vector<1x16xf32> to vector<16xf32>
    %swap3A_407 = vector.shape_cast %broadcast_in_dim3A_84 : vector<16xf32> to vector<1x16xf32>
    tpu.vector_store %arg11[%swap3A_403, %swap3A_404], %swap3A_407 {strides = array<i32>} : memref<16x128xf32, #tpu.memory_space<vmem>>, vector<1x16xf32>,
    %swap3A_408 = arith.constant 6 : i32
    %swap3A_409 = arith.index_cast %swap3A_408 : i32 to index
    %swap3A_410 = arith.constant 96 : index
    %swap3A_411 = tpu.vector_load %arg11[%swap3A_409, %swap3A_410] {strides = array<i32>} : memref<16x128xf32, #tpu.memory_space<vmem>>, vector<1x16xf32>,
    %swap3A_412 = vector.shape_cast %swap3A_411 : vector<1x16xf32> to vector<16xf32>
    %swap3A_413 = vector.shape_cast %broadcast_in_dim3A_84 : vector<16xf32> to vector<1x16xf32>
    tpu.vector_store %arg11[%swap3A_409, %swap3A_410], %swap3A_413 {strides = array<i32>} : memref<16x128xf32, #tpu.memory_space<vmem>>, vector<1x16xf32>,
    %swap3A_414 = arith.constant 6 : i32
    %swap3A_415 = arith.index_cast %swap3A_414 : i32 to index
    %swap3A_416 = arith.constant 112 : index
    %swap3A_417 = tpu.vector_load %arg11[%swap3A_415, %swap3A_416] {strides = array<i32>} : memref<16x128xf32, #tpu.memory_space<vmem>>, vector<1x16xf32>,
    %swap3A_418 = vector.shape_cast %swap3A_417 : vector<1x16xf32> to vector<16xf32>
    %swap3A_419 = vector.shape_cast %broadcast_in_dim3A_84 : vector<16xf32> to vector<1x16xf32>
    tpu.vector_store %arg11[%swap3A_415, %swap3A_416], %swap3A_419 {strides = array<i32>} : memref<16x128xf32, #tpu.memory_space<vmem>>, vector<1x16xf32>,
    %swap3A_420 = arith.constant 7 : i32
    %swap3A_421 = arith.index_cast %swap3A_420 : i32 to index
    %swap3A_422 = arith.constant 0 : index
    %swap3A_423 = tpu.vector_load %arg11[%swap3A_421, %swap3A_422] {strides = array<i32>} : memref<16x128xf32, #tpu.memory_space<vmem>>, vector<1x16xf32>,
    %swap3A_424 = vector.shape_cast %swap3A_423 : vector<1x16xf32> to vector<16xf32>
    %swap3A_425 = vector.shape_cast %broadcast_in_dim3A_84 : vector<16xf32> to vector<1x16xf32>
    tpu.vector_store %arg11[%swap3A_421, %swap3A_422], %swap3A_425 {strides = array<i32>} : memref<16x128xf32, #tpu.memory_space<vmem>>, vector<1x16xf32>,
    %swap3A_426 = arith.constant 7 : i32
    %swap3A_427 = arith.index_cast %swap3A_426 : i32 to index
    %swap3A_428 = arith.constant 16 : index
    %swap3A_429 = tpu.vector_load %arg11[%swap3A_427, %swap3A_428] {strides = array<i32>} : memref<16x128xf32, #tpu.memory_space<vmem>>, vector<1x16xf32>,
    %swap3A_430 = vector.shape_cast %swap3A_429 : vector<1x16xf32> to vector<16xf32>
    %swap3A_431 = vector.shape_cast %broadcast_in_dim3A_84 : vector<16xf32> to vector<1x16xf32>
    tpu.vector_store %arg11[%swap3A_427, %swap3A_428], %swap3A_431 {strides = array<i32>} : memref<16x128xf32, #tpu.memory_space<vmem>>, vector<1x16xf32>,
    %swap3A_432 = arith.constant 7 : i32
    %swap3A_433 = arith.index_cast %swap3A_432 : i32 to index
    %swap3A_434 = arith.constant 32 : index
    %swap3A_435 = tpu.vector_load %arg11[%swap3A_433, %swap3A_434] {strides = array<i32>} : memref<16x128xf32, #tpu.memory_space<vmem>>, vector<1x16xf32>,
    %swap3A_436 = vector.shape_cast %swap3A_435 : vector<1x16xf32> to vector<16xf32>
    %swap3A_437 = vector.shape_cast %broadcast_in_dim3A_84 : vector<16xf32> to vector<1x16xf32>
    tpu.vector_store %arg11[%swap3A_433, %swap3A_434], %swap3A_437 {strides = array<i32>} : memref<16x128xf32, #tpu.memory_space<vmem>>, vector<1x16xf32>,
    %swap3A_438 = arith.constant 7 : i32
    %swap3A_439 = arith.index_cast %swap3A_438 : i32 to index
    %swap3A_440 = arith.constant 48 : index
    %swap3A_441 = tpu.vector_load %arg11[%swap3A_439, %swap3A_440] {strides = array<i32>} : memref<16x128xf32, #tpu.memory_space<vmem>>, vector<1x16xf32>,
    %swap3A_442 = vector.shape_cast %swap3A_441 : vector<1x16xf32> to vector<16xf32>
    %swap3A_443 = vector.shape_cast %broadcast_in_dim3A_84 : vector<16xf32> to vector<1x16xf32>
    tpu.vector_store %arg11[%swap3A_439, %swap3A_440], %swap3A_443 {strides = array<i32>} : memref<16x128xf32, #tpu.memory_space<vmem>>, vector<1x16xf32>,
    %swap3A_444 = arith.constant 7 : i32
    %swap3A_445 = arith.index_cast %swap3A_444 : i32 to index
    %swap3A_446 = arith.constant 64 : index
    %swap3A_447 = tpu.vector_load %arg11[%swap3A_445, %swap3A_446] {strides = array<i32>} : memref<16x128xf32, #tpu.memory_space<vmem>>, vector<1x16xf32>,
    %swap3A_448 = vector.shape_cast %swap3A_447 : vector<1x16xf32> to vector<16xf32>
    %swap3A_449 = vector.shape_cast %broadcast_in_dim3A_84 : vector<16xf32> to vector<1x16xf32>
    tpu.vector_store %arg11[%swap3A_445, %swap3A_446], %swap3A_449 {strides = array<i32>} : memref<16x128xf32, #tpu.memory_space<vmem>>, vector<1x16xf32>,
    %swap3A_450 = arith.constant 7 : i32
    %swap3A_451 = arith.index_cast %swap3A_450 : i32 to index
    %swap3A_452 = arith.constant 80 : index
    %swap3A_453 = tpu.vector_load %arg11[%swap3A_451, %swap3A_452] {strides = array<i32>} : memref<16x128xf32, #tpu.memory_space<vmem>>, vector<1x16xf32>,
    %swap3A_454 = vector.shape_cast %swap3A_453 : vector<1x16xf32> to vector<16xf32>
    %swap3A_455 = vector.shape_cast %broadcast_in_dim3A_84 : vector<16xf32> to vector<1x16xf32>
    tpu.vector_store %arg11[%swap3A_451, %swap3A_452], %swap3A_455 {strides = array<i32>} : memref<16x128xf32, #tpu.memory_space<vmem>>, vector<1x16xf32>,
    %swap3A_456 = arith.constant 7 : i32
    %swap3A_457 = arith.index_cast %swap3A_456 : i32 to index
    %swap3A_458 = arith.constant 96 : index
    %swap3A_459 = tpu.vector_load %arg11[%swap3A_457, %swap3A_458] {strides = array<i32>} : memref<16x128xf32, #tpu.memory_space<vmem>>, vector<1x16xf32>,
    %swap3A_460 = vector.shape_cast %swap3A_459 : vector<1x16xf32> to vector<16xf32>
    %swap3A_461 = vector.shape_cast %broadcast_in_dim3A_84 : vector<16xf32> to vector<1x16xf32>
    tpu.vector_store %arg11[%swap3A_457, %swap3A_458], %swap3A_461 {strides = array<i32>} : memref<16x128xf32, #tpu.memory_space<vmem>>, vector<1x16xf32>,
    %swap3A_462 = arith.constant 7 : i32
    %swap3A_463 = arith.index_cast %swap3A_462 : i32 to index
    %swap3A_464 = arith.constant 112 : index
    %swap3A_465 = tpu.vector_load %arg11[%swap3A_463, %swap3A_464] {strides = array<i32>} : memref<16x128xf32, #tpu.memory_space<vmem>>, vector<1x16xf32>,
    %swap3A_466 = vector.shape_cast %swap3A_465 : vector<1x16xf32> to vector<16xf32>
    %swap3A_467 = vector.shape_cast %broadcast_in_dim3A_84 : vector<16xf32> to vector<1x16xf32>
    tpu.vector_store %arg11[%swap3A_463, %swap3A_464], %swap3A_467 {strides = array<i32>} : memref<16x128xf32, #tpu.memory_space<vmem>>, vector<1x16xf32>,
    %swap3A_468 = arith.constant 8 : i32
    %swap3A_469 = arith.index_cast %swap3A_468 : i32 to index
    %swap3A_470 = arith.constant 0 : index
    %swap3A_471 = tpu.vector_load %arg11[%swap3A_469, %swap3A_470] {strides = array<i32>} : memref<16x128xf32, #tpu.memory_space<vmem>>, vector<1x16xf32>,
    %swap3A_472 = vector.shape_cast %swap3A_471 : vector<1x16xf32> to vector<16xf32>
    %swap3A_473 = vector.shape_cast %broadcast_in_dim3A_84 : vector<16xf32> to vector<1x16xf32>
    tpu.vector_store %arg11[%swap3A_469, %swap3A_470], %swap3A_473 {strides = array<i32>} : memref<16x128xf32, #tpu.memory_space<vmem>>, vector<1x16xf32>,
    %swap3A_474 = arith.constant 8 : i32
    %swap3A_475 = arith.index_cast %swap3A_474 : i32 to index
    %swap3A_476 = arith.constant 16 : index
    %swap3A_477 = tpu.vector_load %arg11[%swap3A_475, %swap3A_476] {strides = array<i32>} : memref<16x128xf32, #tpu.memory_space<vmem>>, vector<1x16xf32>,
    %swap3A_478 = vector.shape_cast %swap3A_477 : vector<1x16xf32> to vector<16xf32>
    %swap3A_479 = vector.shape_cast %broadcast_in_dim3A_84 : vector<16xf32> to vector<1x16xf32>
    tpu.vector_store %arg11[%swap3A_475, %swap3A_476], %swap3A_479 {strides = array<i32>} : memref<16x128xf32, #tpu.memory_space<vmem>>, vector<1x16xf32>,
    %swap3A_480 = arith.constant 8 : i32
    %swap3A_481 = arith.index_cast %swap3A_480 : i32 to index
    %swap3A_482 = arith.constant 32 : index
    %swap3A_483 = tpu.vector_load %arg11[%swap3A_481, %swap3A_482] {strides = array<i32>} : memref<16x128xf32, #tpu.memory_space<vmem>>, vector<1x16xf32>,
    %swap3A_484 = vector.shape_cast %swap3A_483 : vector<1x16xf32> to vector<16xf32>
    %swap3A_485 = vector.shape_cast %broadcast_in_dim3A_84 : vector<16xf32> to vector<1x16xf32>
    tpu.vector_store %arg11[%swap3A_481, %swap3A_482], %swap3A_485 {strides = array<i32>} : memref<16x128xf32, #tpu.memory_space<vmem>>, vector<1x16xf32>,
    %swap3A_486 = arith.constant 8 : i32
    %swap3A_487 = arith.index_cast %swap3A_486 : i32 to index
    %swap3A_488 = arith.constant 48 : index
    %swap3A_489 = tpu.vector_load %arg11[%swap3A_487, %swap3A_488] {strides = array<i32>} : memref<16x128xf32, #tpu.memory_space<vmem>>, vector<1x16xf32>,
    %swap3A_490 = vector.shape_cast %swap3A_489 : vector<1x16xf32> to vector<16xf32>
    %swap3A_491 = vector.shape_cast %broadcast_in_dim3A_84 : vector<16xf32> to vector<1x16xf32>
    tpu.vector_store %arg11[%swap3A_487, %swap3A_488], %swap3A_491 {strides = array<i32>} : memref<16x128xf32, #tpu.memory_space<vmem>>, vector<1x16xf32>,
    %swap3A_492 = arith.constant 8 : i32
    %swap3A_493 = arith.index_cast %swap3A_492 : i32 to index
    %swap3A_494 = arith.constant 64 : index
    %swap3A_495 = tpu.vector_load %arg11[%swap3A_493, %swap3A_494] {strides = array<i32>} : memref<16x128xf32, #tpu.memory_space<vmem>>, vector<1x16xf32>,
    %swap3A_496 = vector.shape_cast %swap3A_495 : vector<1x16xf32> to vector<16xf32>
    %swap3A_497 = vector.shape_cast %broadcast_in_dim3A_84 : vector<16xf32> to vector<1x16xf32>
    tpu.vector_store %arg11[%swap3A_493, %swap3A_494], %swap3A_497 {strides = array<i32>} : memref<16x128xf32, #tpu.memory_space<vmem>>, vector<1x16xf32>,
    %swap3A_498 = arith.constant 8 : i32
    %swap3A_499 = arith.index_cast %swap3A_498 : i32 to index
    %swap3A_500 = arith.constant 80 : index
    %swap3A_501 = tpu.vector_load %arg11[%swap3A_499, %swap3A_500] {strides = array<i32>} : memref<16x128xf32, #tpu.memory_space<vmem>>, vector<1x16xf32>,
    %swap3A_502 = vector.shape_cast %swap3A_501 : vector<1x16xf32> to vector<16xf32>
    %swap3A_503 = vector.shape_cast %broadcast_in_dim3A_84 : vector<16xf32> to vector<1x16xf32>
    tpu.vector_store %arg11[%swap3A_499, %swap3A_500], %swap3A_503 {strides = array<i32>} : memref<16x128xf32, #tpu.memory_space<vmem>>, vector<1x16xf32>,
    %swap3A_504 = arith.constant 8 : i32
    %swap3A_505 = arith.index_cast %swap3A_504 : i32 to index
    %swap3A_506 = arith.constant 96 : index
    %swap3A_507 = tpu.vector_load %arg11[%swap3A_505, %swap3A_506] {strides = array<i32>} : memref<16x128xf32, #tpu.memory_space<vmem>>, vector<1x16xf32>,
    %swap3A_508 = vector.shape_cast %swap3A_507 : vector<1x16xf32> to vector<16xf32>
    %swap3A_509 = vector.shape_cast %broadcast_in_dim3A_84 : vector<16xf32> to vector<1x16xf32>
    tpu.vector_store %arg11[%swap3A_505, %swap3A_506], %swap3A_509 {strides = array<i32>} : memref<16x128xf32, #tpu.memory_space<vmem>>, vector<1x16xf32>,
    %swap3A_510 = arith.constant 8 : i32
    %swap3A_511 = arith.index_cast %swap3A_510 : i32 to index
    %swap3A_512 = arith.constant 112 : index
    %swap3A_513 = tpu.vector_load %arg11[%swap3A_511, %swap3A_512] {strides = array<i32>} : memref<16x128xf32, #tpu.memory_space<vmem>>, vector<1x16xf32>,
    %swap3A_514 = vector.shape_cast %swap3A_513 : vector<1x16xf32> to vector<16xf32>
    %swap3A_515 = vector.shape_cast %broadcast_in_dim3A_84 : vector<16xf32> to vector<1x16xf32>
    tpu.vector_store %arg11[%swap3A_511, %swap3A_512], %swap3A_515 {strides = array<i32>} : memref<16x128xf32, #tpu.memory_space<vmem>>, vector<1x16xf32>,
    %swap3A_516 = arith.constant 9 : i32
    %swap3A_517 = arith.index_cast %swap3A_516 : i32 to index
    %swap3A_518 = arith.constant 0 : index
    %swap3A_519 = tpu.vector_load %arg11[%swap3A_517, %swap3A_518] {strides = array<i32>} : memref<16x128xf32, #tpu.memory_space<vmem>>, vector<1x16xf32>,
    %swap3A_520 = vector.shape_cast %swap3A_519 : vector<1x16xf32> to vector<16xf32>
    %swap3A_521 = vector.shape_cast %broadcast_in_dim3A_84 : vector<16xf32> to vector<1x16xf32>
    tpu.vector_store %arg11[%swap3A_517, %swap3A_518], %swap3A_521 {strides = array<i32>} : memref<16x128xf32, #tpu.memory_space<vmem>>, vector<1x16xf32>,
    %swap3A_522 = arith.constant 9 : i32
    %swap3A_523 = arith.index_cast %swap3A_522 : i32 to index
    %swap3A_524 = arith.constant 16 : index
    %swap3A_525 = tpu.vector_load %arg11[%swap3A_523, %swap3A_524] {strides = array<i32>} : memref<16x128xf32, #tpu.memory_space<vmem>>, vector<1x16xf32>,
    %swap3A_526 = vector.shape_cast %swap3A_525 : vector<1x16xf32> to vector<16xf32>
    %swap3A_527 = vector.shape_cast %broadcast_in_dim3A_84 : vector<16xf32> to vector<1x16xf32>
    tpu.vector_store %arg11[%swap3A_523, %swap3A_524], %swap3A_527 {strides = array<i32>} : memref<16x128xf32, #tpu.memory_space<vmem>>, vector<1x16xf32>,
    %swap3A_528 = arith.constant 9 : i32
    %swap3A_529 = arith.index_cast %swap3A_528 : i32 to index
    %swap3A_530 = arith.constant 32 : index
    %swap3A_531 = tpu.vector_load %arg11[%swap3A_529, %swap3A_530] {strides = array<i32>} : memref<16x128xf32, #tpu.memory_space<vmem>>, vector<1x16xf32>,
    %swap3A_532 = vector.shape_cast %swap3A_531 : vector<1x16xf32> to vector<16xf32>
    %swap3A_533 = vector.shape_cast %broadcast_in_dim3A_84 : vector<16xf32> to vector<1x16xf32>
    tpu.vector_store %arg11[%swap3A_529, %swap3A_530], %swap3A_533 {strides = array<i32>} : memref<16x128xf32, #tpu.memory_space<vmem>>, vector<1x16xf32>,
    %swap3A_534 = arith.constant 9 : i32
    %swap3A_535 = arith.index_cast %swap3A_534 : i32 to index
    %swap3A_536 = arith.constant 48 : index
    %swap3A_537 = tpu.vector_load %arg11[%swap3A_535, %swap3A_536] {strides = array<i32>} : memref<16x128xf32, #tpu.memory_space<vmem>>, vector<1x16xf32>,
    %swap3A_538 = vector.shape_cast %swap3A_537 : vector<1x16xf32> to vector<16xf32>
    %swap3A_539 = vector.shape_cast %broadcast_in_dim3A_84 : vector<16xf32> to vector<1x16xf32>
    tpu.vector_store %arg11[%swap3A_535, %swap3A_536], %swap3A_539 {strides = array<i32>} : memref<16x128xf32, #tpu.memory_space<vmem>>, vector<1x16xf32>,
    %swap3A_540 = arith.constant 9 : i32
    %swap3A_541 = arith.index_cast %swap3A_540 : i32 to index
    %swap3A_542 = arith.constant 64 : index
    %swap3A_543 = tpu.vector_load %arg11[%swap3A_541, %swap3A_542] {strides = array<i32>} : memref<16x128xf32, #tpu.memory_space<vmem>>, vector<1x16xf32>,
    %swap3A_544 = vector.shape_cast %swap3A_543 : vector<1x16xf32> to vector<16xf32>
    %swap3A_545 = vector.shape_cast %broadcast_in_dim3A_84 : vector<16xf32> to vector<1x16xf32>
    tpu.vector_store %arg11[%swap3A_541, %swap3A_542], %swap3A_545 {strides = array<i32>} : memref<16x128xf32, #tpu.memory_space<vmem>>, vector<1x16xf32>,
    %swap3A_546 = arith.constant 9 : i32
    %swap3A_547 = arith.index_cast %swap3A_546 : i32 to index
    %swap3A_548 = arith.constant 80 : index
    %swap3A_549 = tpu.vector_load %arg11[%swap3A_547, %swap3A_548] {strides = array<i32>} : memref<16x128xf32, #tpu.memory_space<vmem>>, vector<1x16xf32>,
    %swap3A_550 = vector.shape_cast %swap3A_549 : vector<1x16xf32> to vector<16xf32>
    %swap3A_551 = vector.shape_cast %broadcast_in_dim3A_84 : vector<16xf32> to vector<1x16xf32>
    tpu.vector_store %arg11[%swap3A_547, %swap3A_548], %swap3A_551 {strides = array<i32>} : memref<16x128xf32, #tpu.memory_space<vmem>>, vector<1x16xf32>,
    %swap3A_552 = arith.constant 9 : i32
    %swap3A_553 = arith.index_cast %swap3A_552 : i32 to index
    %swap3A_554 = arith.constant 96 : index
    %swap3A_555 = tpu.vector_load %arg11[%swap3A_553, %swap3A_554] {strides = array<i32>} : memref<16x128xf32, #tpu.memory_space<vmem>>, vector<1x16xf32>,
    %swap3A_556 = vector.shape_cast %swap3A_555 : vector<1x16xf32> to vector<16xf32>
    %swap3A_557 = vector.shape_cast %broadcast_in_dim3A_84 : vector<16xf32> to vector<1x16xf32>
    tpu.vector_store %arg11[%swap3A_553, %swap3A_554], %swap3A_557 {strides = array<i32>} : memref<16x128xf32, #tpu.memory_space<vmem>>, vector<1x16xf32>,
    %swap3A_558 = arith.constant 9 : i32
    %swap3A_559 = arith.index_cast %swap3A_558 : i32 to index
    %swap3A_560 = arith.constant 112 : index
    %swap3A_561 = tpu.vector_load %arg11[%swap3A_559, %swap3A_560] {strides = array<i32>} : memref<16x128xf32, #tpu.memory_space<vmem>>, vector<1x16xf32>,
    %swap3A_562 = vector.shape_cast %swap3A_561 : vector<1x16xf32> to vector<16xf32>
    %swap3A_563 = vector.shape_cast %broadcast_in_dim3A_84 : vector<16xf32> to vector<1x16xf32>
    tpu.vector_store %arg11[%swap3A_559, %swap3A_560], %swap3A_563 {strides = array<i32>} : memref<16x128xf32, #tpu.memory_space<vmem>>, vector<1x16xf32>,
    %swap3A_564 = arith.constant 10 : i32
    %swap3A_565 = arith.index_cast %swap3A_564 : i32 to index
    %swap3A_566 = arith.constant 0 : index
    %swap3A_567 = tpu.vector_load %arg11[%swap3A_565, %swap3A_566] {strides = array<i32>} : memref<16x128xf32, #tpu.memory_space<vmem>>, vector<1x16xf32>,
    %swap3A_568 = vector.shape_cast %swap3A_567 : vector<1x16xf32> to vector<16xf32>
    %swap3A_569 = vector.shape_cast %broadcast_in_dim3A_84 : vector<16xf32> to vector<1x16xf32>
    tpu.vector_store %arg11[%swap3A_565, %swap3A_566], %swap3A_569 {strides = array<i32>} : memref<16x128xf32, #tpu.memory_space<vmem>>, vector<1x16xf32>,
    %swap3A_570 = arith.constant 10 : i32
    %swap3A_571 = arith.index_cast %swap3A_570 : i32 to index
    %swap3A_572 = arith.constant 16 : index
    %swap3A_573 = tpu.vector_load %arg11[%swap3A_571, %swap3A_572] {strides = array<i32>} : memref<16x128xf32, #tpu.memory_space<vmem>>, vector<1x16xf32>,
    %swap3A_574 = vector.shape_cast %swap3A_573 : vector<1x16xf32> to vector<16xf32>
    %swap3A_575 = vector.shape_cast %broadcast_in_dim3A_84 : vector<16xf32> to vector<1x16xf32>
    tpu.vector_store %arg11[%swap3A_571, %swap3A_572], %swap3A_575 {strides = array<i32>} : memref<16x128xf32, #tpu.memory_space<vmem>>, vector<1x16xf32>,
    %swap3A_576 = arith.constant 10 : i32
    %swap3A_577 = arith.index_cast %swap3A_576 : i32 to index
    %swap3A_578 = arith.constant 32 : index
    %swap3A_579 = tpu.vector_load %arg11[%swap3A_577, %swap3A_578] {strides = array<i32>} : memref<16x128xf32, #tpu.memory_space<vmem>>, vector<1x16xf32>,
    %swap3A_580 = vector.shape_cast %swap3A_579 : vector<1x16xf32> to vector<16xf32>
    %swap3A_581 = vector.shape_cast %broadcast_in_dim3A_84 : vector<16xf32> to vector<1x16xf32>
    tpu.vector_store %arg11[%swap3A_577, %swap3A_578], %swap3A_581 {strides = array<i32>} : memref<16x128xf32, #tpu.memory_space<vmem>>, vector<1x16xf32>,
    %swap3A_582 = arith.constant 10 : i32
    %swap3A_583 = arith.index_cast %swap3A_582 : i32 to index
    %swap3A_584 = arith.constant 48 : index
    %swap3A_585 = tpu.vector_load %arg11[%swap3A_583, %swap3A_584] {strides = array<i32>} : memref<16x128xf32, #tpu.memory_space<vmem>>, vector<1x16xf32>,
    %swap3A_586 = vector.shape_cast %swap3A_585 : vector<1x16xf32> to vector<16xf32>
    %swap3A_587 = vector.shape_cast %broadcast_in_dim3A_84 : vector<16xf32> to vector<1x16xf32>
    tpu.vector_store %arg11[%swap3A_583, %swap3A_584], %swap3A_587 {strides = array<i32>} : memref<16x128xf32, #tpu.memory_space<vmem>>, vector<1x16xf32>,
    %swap3A_588 = arith.constant 10 : i32
    %swap3A_589 = arith.index_cast %swap3A_588 : i32 to index
    %swap3A_590 = arith.constant 64 : index
    %swap3A_591 = tpu.vector_load %arg11[%swap3A_589, %swap3A_590] {strides = array<i32>} : memref<16x128xf32, #tpu.memory_space<vmem>>, vector<1x16xf32>,
    %swap3A_592 = vector.shape_cast %swap3A_591 : vector<1x16xf32> to vector<16xf32>
    %swap3A_593 = vector.shape_cast %broadcast_in_dim3A_84 : vector<16xf32> to vector<1x16xf32>
    tpu.vector_store %arg11[%swap3A_589, %swap3A_590], %swap3A_593 {strides = array<i32>} : memref<16x128xf32, #tpu.memory_space<vmem>>, vector<1x16xf32>,
    %swap3A_594 = arith.constant 10 : i32
    %swap3A_595 = arith.index_cast %swap3A_594 : i32 to index
    %swap3A_596 = arith.constant 80 : index
    %swap3A_597 = tpu.vector_load %arg11[%swap3A_595, %swap3A_596] {strides = array<i32>} : memref<16x128xf32, #tpu.memory_space<vmem>>, vector<1x16xf32>,
    %swap3A_598 = vector.shape_cast %swap3A_597 : vector<1x16xf32> to vector<16xf32>
    %swap3A_599 = vector.shape_cast %broadcast_in_dim3A_84 : vector<16xf32> to vector<1x16xf32>
    tpu.vector_store %arg11[%swap3A_595, %swap3A_596], %swap3A_599 {strides = array<i32>} : memref<16x128xf32, #tpu.memory_space<vmem>>, vector<1x16xf32>,
    %swap3A_600 = arith.constant 10 : i32
    %swap3A_601 = arith.index_cast %swap3A_600 : i32 to index
    %swap3A_602 = arith.constant 96 : index
    %swap3A_603 = tpu.vector_load %arg11[%swap3A_601, %swap3A_602] {strides = array<i32>} : memref<16x128xf32, #tpu.memory_space<vmem>>, vector<1x16xf32>,
    %swap3A_604 = vector.shape_cast %swap3A_603 : vector<1x16xf32> to vector<16xf32>
    %swap3A_605 = vector.shape_cast %broadcast_in_dim3A_84 : vector<16xf32> to vector<1x16xf32>
    tpu.vector_store %arg11[%swap3A_601, %swap3A_602], %swap3A_605 {strides = array<i32>} : memref<16x128xf32, #tpu.memory_space<vmem>>, vector<1x16xf32>,
    %swap3A_606 = arith.constant 10 : i32
    %swap3A_607 = arith.index_cast %swap3A_606 : i32 to index
    %swap3A_608 = arith.constant 112 : index
    %swap3A_609 = tpu.vector_load %arg11[%swap3A_607, %swap3A_608] {strides = array<i32>} : memref<16x128xf32, #tpu.memory_space<vmem>>, vector<1x16xf32>,
    %swap3A_610 = vector.shape_cast %swap3A_609 : vector<1x16xf32> to vector<16xf32>
    %swap3A_611 = vector.shape_cast %broadcast_in_dim3A_84 : vector<16xf32> to vector<1x16xf32>
    tpu.vector_store %arg11[%swap3A_607, %swap3A_608], %swap3A_611 {strides = array<i32>} : memref<16x128xf32, #tpu.memory_space<vmem>>, vector<1x16xf32>,
    %swap3A_612 = arith.constant 11 : i32
    %swap3A_613 = arith.index_cast %swap3A_612 : i32 to index
    %swap3A_614 = arith.constant 0 : index
    %swap3A_615 = tpu.vector_load %arg11[%swap3A_613, %swap3A_614] {strides = array<i32>} : memref<16x128xf32, #tpu.memory_space<vmem>>, vector<1x16xf32>,
    %swap3A_616 = vector.shape_cast %swap3A_615 : vector<1x16xf32> to vector<16xf32>
    %swap3A_617 = vector.shape_cast %broadcast_in_dim3A_84 : vector<16xf32> to vector<1x16xf32>
    tpu.vector_store %arg11[%swap3A_613, %swap3A_614], %swap3A_617 {strides = array<i32>} : memref<16x128xf32, #tpu.memory_space<vmem>>, vector<1x16xf32>,
    %swap3A_618 = arith.constant 11 : i32
    %swap3A_619 = arith.index_cast %swap3A_618 : i32 to index
    %swap3A_620 = arith.constant 16 : index
    %swap3A_621 = tpu.vector_load %arg11[%swap3A_619, %swap3A_620] {strides = array<i32>} : memref<16x128xf32, #tpu.memory_space<vmem>>, vector<1x16xf32>,
    %swap3A_622 = vector.shape_cast %swap3A_621 : vector<1x16xf32> to vector<16xf32>
    %swap3A_623 = vector.shape_cast %broadcast_in_dim3A_84 : vector<16xf32> to vector<1x16xf32>
    tpu.vector_store %arg11[%swap3A_619, %swap3A_620], %swap3A_623 {strides = array<i32>} : memref<16x128xf32, #tpu.memory_space<vmem>>, vector<1x16xf32>,
    %swap3A_624 = arith.constant 11 : i32
    %swap3A_625 = arith.index_cast %swap3A_624 : i32 to index
    %swap3A_626 = arith.constant 32 : index
    %swap3A_627 = tpu.vector_load %arg11[%swap3A_625, %swap3A_626] {strides = array<i32>} : memref<16x128xf32, #tpu.memory_space<vmem>>, vector<1x16xf32>,
    %swap3A_628 = vector.shape_cast %swap3A_627 : vector<1x16xf32> to vector<16xf32>
    %swap3A_629 = vector.shape_cast %broadcast_in_dim3A_84 : vector<16xf32> to vector<1x16xf32>
    tpu.vector_store %arg11[%swap3A_625, %swap3A_626], %swap3A_629 {strides = array<i32>} : memref<16x128xf32, #tpu.memory_space<vmem>>, vector<1x16xf32>,
    %swap3A_630 = arith.constant 11 : i32
    %swap3A_631 = arith.index_cast %swap3A_630 : i32 to index
    %swap3A_632 = arith.constant 48 : index
    %swap3A_633 = tpu.vector_load %arg11[%swap3A_631, %swap3A_632] {strides = array<i32>} : memref<16x128xf32, #tpu.memory_space<vmem>>, vector<1x16xf32>,
    %swap3A_634 = vector.shape_cast %swap3A_633 : vector<1x16xf32> to vector<16xf32>
    %swap3A_635 = vector.shape_cast %broadcast_in_dim3A_84 : vector<16xf32> to vector<1x16xf32>
    tpu.vector_store %arg11[%swap3A_631, %swap3A_632], %swap3A_635 {strides = array<i32>} : memref<16x128xf32, #tpu.memory_space<vmem>>, vector<1x16xf32>,
    %swap3A_636 = arith.constant 11 : i32
    %swap3A_637 = arith.index_cast %swap3A_636 : i32 to index
    %swap3A_638 = arith.constant 64 : index
    %swap3A_639 = tpu.vector_load %arg11[%swap3A_637, %swap3A_638] {strides = array<i32>} : memref<16x128xf32, #tpu.memory_space<vmem>>, vector<1x16xf32>,
    %swap3A_640 = vector.shape_cast %swap3A_639 : vector<1x16xf32> to vector<16xf32>
    %swap3A_641 = vector.shape_cast %broadcast_in_dim3A_84 : vector<16xf32> to vector<1x16xf32>
    tpu.vector_store %arg11[%swap3A_637, %swap3A_638], %swap3A_641 {strides = array<i32>} : memref<16x128xf32, #tpu.memory_space<vmem>>, vector<1x16xf32>,
    %swap3A_642 = arith.constant 11 : i32
    %swap3A_643 = arith.index_cast %swap3A_642 : i32 to index
    %swap3A_644 = arith.constant 80 : index
    %swap3A_645 = tpu.vector_load %arg11[%swap3A_643, %swap3A_644] {strides = array<i32>} : memref<16x128xf32, #tpu.memory_space<vmem>>, vector<1x16xf32>,
    %swap3A_646 = vector.shape_cast %swap3A_645 : vector<1x16xf32> to vector<16xf32>
    %swap3A_647 = vector.shape_cast %broadcast_in_dim3A_84 : vector<16xf32> to vector<1x16xf32>
    tpu.vector_store %arg11[%swap3A_643, %swap3A_644], %swap3A_647 {strides = array<i32>} : memref<16x128xf32, #tpu.memory_space<vmem>>, vector<1x16xf32>,
    %swap3A_648 = arith.constant 11 : i32
    %swap3A_649 = arith.index_cast %swap3A_648 : i32 to index
    %swap3A_650 = arith.constant 96 : index
    %swap3A_651 = tpu.vector_load %arg11[%swap3A_649, %swap3A_650] {strides = array<i32>} : memref<16x128xf32, #tpu.memory_space<vmem>>, vector<1x16xf32>,
    %swap3A_652 = vector.shape_cast %swap3A_651 : vector<1x16xf32> to vector<16xf32>
    %swap3A_653 = vector.shape_cast %broadcast_in_dim3A_84 : vector<16xf32> to vector<1x16xf32>
    tpu.vector_store %arg11[%swap3A_649, %swap3A_650], %swap3A_653 {strides = array<i32>} : memref<16x128xf32, #tpu.memory_space<vmem>>, vector<1x16xf32>,
    %swap3A_654 = arith.constant 11 : i32
    %swap3A_655 = arith.index_cast %swap3A_654 : i32 to index
    %swap3A_656 = arith.constant 112 : index
    %swap3A_657 = tpu.vector_load %arg11[%swap3A_655, %swap3A_656] {strides = array<i32>} : memref<16x128xf32, #tpu.memory_space<vmem>>, vector<1x16xf32>,
    %swap3A_658 = vector.shape_cast %swap3A_657 : vector<1x16xf32> to vector<16xf32>
    %swap3A_659 = vector.shape_cast %broadcast_in_dim3A_84 : vector<16xf32> to vector<1x16xf32>
    tpu.vector_store %arg11[%swap3A_655, %swap3A_656], %swap3A_659 {strides = array<i32>} : memref<16x128xf32, #tpu.memory_space<vmem>>, vector<1x16xf32>,
    %swap3A_660 = arith.constant 12 : i32
    %swap3A_661 = arith.index_cast %swap3A_660 : i32 to index
    %swap3A_662 = arith.constant 0 : index
    %swap3A_663 = tpu.vector_load %arg11[%swap3A_661, %swap3A_662] {strides = array<i32>} : memref<16x128xf32, #tpu.memory_space<vmem>>, vector<1x16xf32>,
    %swap3A_664 = vector.shape_cast %swap3A_663 : vector<1x16xf32> to vector<16xf32>
    %swap3A_665 = vector.shape_cast %broadcast_in_dim3A_84 : vector<16xf32> to vector<1x16xf32>
    tpu.vector_store %arg11[%swap3A_661, %swap3A_662], %swap3A_665 {strides = array<i32>} : memref<16x128xf32, #tpu.memory_space<vmem>>, vector<1x16xf32>,
    %swap3A_666 = arith.constant 12 : i32
    %swap3A_667 = arith.index_cast %swap3A_666 : i32 to index
    %swap3A_668 = arith.constant 16 : index
    %swap3A_669 = tpu.vector_load %arg11[%swap3A_667, %swap3A_668] {strides = array<i32>} : memref<16x128xf32, #tpu.memory_space<vmem>>, vector<1x16xf32>,
    %swap3A_670 = vector.shape_cast %swap3A_669 : vector<1x16xf32> to vector<16xf32>
    %swap3A_671 = vector.shape_cast %broadcast_in_dim3A_84 : vector<16xf32> to vector<1x16xf32>
    tpu.vector_store %arg11[%swap3A_667, %swap3A_668], %swap3A_671 {strides = array<i32>} : memref<16x128xf32, #tpu.memory_space<vmem>>, vector<1x16xf32>,
    %swap3A_672 = arith.constant 12 : i32
    %swap3A_673 = arith.index_cast %swap3A_672 : i32 to index
    %swap3A_674 = arith.constant 32 : index
    %swap3A_675 = tpu.vector_load %arg11[%swap3A_673, %swap3A_674] {strides = array<i32>} : memref<16x128xf32, #tpu.memory_space<vmem>>, vector<1x16xf32>,
    %swap3A_676 = vector.shape_cast %swap3A_675 : vector<1x16xf32> to vector<16xf32>
    %swap3A_677 = vector.shape_cast %broadcast_in_dim3A_84 : vector<16xf32> to vector<1x16xf32>
    tpu.vector_store %arg11[%swap3A_673, %swap3A_674], %swap3A_677 {strides = array<i32>} : memref<16x128xf32, #tpu.memory_space<vmem>>, vector<1x16xf32>,
    %swap3A_678 = arith.constant 12 : i32
    %swap3A_679 = arith.index_cast %swap3A_678 : i32 to index
    %swap3A_680 = arith.constant 48 : index
    %swap3A_681 = tpu.vector_load %arg11[%swap3A_679, %swap3A_680] {strides = array<i32>} : memref<16x128xf32, #tpu.memory_space<vmem>>, vector<1x16xf32>,
    %swap3A_682 = vector.shape_cast %swap3A_681 : vector<1x16xf32> to vector<16xf32>
    %swap3A_683 = vector.shape_cast %broadcast_in_dim3A_84 : vector<16xf32> to vector<1x16xf32>
    tpu.vector_store %arg11[%swap3A_679, %swap3A_680], %swap3A_683 {strides = array<i32>} : memref<16x128xf32, #tpu.memory_space<vmem>>, vector<1x16xf32>,
    %swap3A_684 = arith.constant 12 : i32
    %swap3A_685 = arith.index_cast %swap3A_684 : i32 to index
    %swap3A_686 = arith.constant 64 : index
    %swap3A_687 = tpu.vector_load %arg11[%swap3A_685, %swap3A_686] {strides = array<i32>} : memref<16x128xf32, #tpu.memory_space<vmem>>, vector<1x16xf32>,
    %swap3A_688 = vector.shape_cast %swap3A_687 : vector<1x16xf32> to vector<16xf32>
    %swap3A_689 = vector.shape_cast %broadcast_in_dim3A_84 : vector<16xf32> to vector<1x16xf32>
    tpu.vector_store %arg11[%swap3A_685, %swap3A_686], %swap3A_689 {strides = array<i32>} : memref<16x128xf32, #tpu.memory_space<vmem>>, vector<1x16xf32>,
    %swap3A_690 = arith.constant 12 : i32
    %swap3A_691 = arith.index_cast %swap3A_690 : i32 to index
    %swap3A_692 = arith.constant 80 : index
    %swap3A_693 = tpu.vector_load %arg11[%swap3A_691, %swap3A_692] {strides = array<i32>} : memref<16x128xf32, #tpu.memory_space<vmem>>, vector<1x16xf32>,
    %swap3A_694 = vector.shape_cast %swap3A_693 : vector<1x16xf32> to vector<16xf32>
    %swap3A_695 = vector.shape_cast %broadcast_in_dim3A_84 : vector<16xf32> to vector<1x16xf32>
    tpu.vector_store %arg11[%swap3A_691, %swap3A_692], %swap3A_695 {strides = array<i32>} : memref<16x128xf32, #tpu.memory_space<vmem>>, vector<1x16xf32>,
    %swap3A_696 = arith.constant 12 : i32
    %swap3A_697 = arith.index_cast %swap3A_696 : i32 to index
    %swap3A_698 = arith.constant 96 : index
    %swap3A_699 = tpu.vector_load %arg11[%swap3A_697, %swap3A_698] {strides = array<i32>} : memref<16x128xf32, #tpu.memory_space<vmem>>, vector<1x16xf32>,
    %swap3A_700 = vector.shape_cast %swap3A_699 : vector<1x16xf32> to vector<16xf32>
    %swap3A_701 = vector.shape_cast %broadcast_in_dim3A_84 : vector<16xf32> to vector<1x16xf32>
    tpu.vector_store %arg11[%swap3A_697, %swap3A_698], %swap3A_701 {strides = array<i32>} : memref<16x128xf32, #tpu.memory_space<vmem>>, vector<1x16xf32>,
    %swap3A_702 = arith.constant 12 : i32
    %swap3A_703 = arith.index_cast %swap3A_702 : i32 to index
    %swap3A_704 = arith.constant 112 : index
    %swap3A_705 = tpu.vector_load %arg11[%swap3A_703, %swap3A_704] {strides = array<i32>} : memref<16x128xf32, #tpu.memory_space<vmem>>, vector<1x16xf32>,
    %swap3A_706 = vector.shape_cast %swap3A_705 : vector<1x16xf32> to vector<16xf32>
    %swap3A_707 = vector.shape_cast %broadcast_in_dim3A_84 : vector<16xf32> to vector<1x16xf32>
    tpu.vector_store %arg11[%swap3A_703, %swap3A_704], %swap3A_707 {strides = array<i32>} : memref<16x128xf32, #tpu.memory_space<vmem>>, vector<1x16xf32>,
    %swap3A_708 = arith.constant 13 : i32
    %swap3A_709 = arith.index_cast %swap3A_708 : i32 to index
    %swap3A_710 = arith.constant 0 : index
    %swap3A_711 = tpu.vector_load %arg11[%swap3A_709, %swap3A_710] {strides = array<i32>} : memref<16x128xf32, #tpu.memory_space<vmem>>, vector<1x16xf32>,
    %swap3A_712 = vector.shape_cast %swap3A_711 : vector<1x16xf32> to vector<16xf32>
    %swap3A_713 = vector.shape_cast %broadcast_in_dim3A_84 : vector<16xf32> to vector<1x16xf32>
    tpu.vector_store %arg11[%swap3A_709, %swap3A_710], %swap3A_713 {strides = array<i32>} : memref<16x128xf32, #tpu.memory_space<vmem>>, vector<1x16xf32>,
    %swap3A_714 = arith.constant 13 : i32
    %swap3A_715 = arith.index_cast %swap3A_714 : i32 to index
    %swap3A_716 = arith.constant 16 : index
    %swap3A_717 = tpu.vector_load %arg11[%swap3A_715, %swap3A_716] {strides = array<i32>} : memref<16x128xf32, #tpu.memory_space<vmem>>, vector<1x16xf32>,
    %swap3A_718 = vector.shape_cast %swap3A_717 : vector<1x16xf32> to vector<16xf32>
    %swap3A_719 = vector.shape_cast %broadcast_in_dim3A_84 : vector<16xf32> to vector<1x16xf32>
    tpu.vector_store %arg11[%swap3A_715, %swap3A_716], %swap3A_719 {strides = array<i32>} : memref<16x128xf32, #tpu.memory_space<vmem>>, vector<1x16xf32>,
    %swap3A_720 = arith.constant 13 : i32
    %swap3A_721 = arith.index_cast %swap3A_720 : i32 to index
    %swap3A_722 = arith.constant 32 : index
    %swap3A_723 = tpu.vector_load %arg11[%swap3A_721, %swap3A_722] {strides = array<i32>} : memref<16x128xf32, #tpu.memory_space<vmem>>, vector<1x16xf32>,
    %swap3A_724 = vector.shape_cast %swap3A_723 : vector<1x16xf32> to vector<16xf32>
    %swap3A_725 = vector.shape_cast %broadcast_in_dim3A_84 : vector<16xf32> to vector<1x16xf32>
    tpu.vector_store %arg11[%swap3A_721, %swap3A_722], %swap3A_725 {strides = array<i32>} : memref<16x128xf32, #tpu.memory_space<vmem>>, vector<1x16xf32>,
    %swap3A_726 = arith.constant 13 : i32
    %swap3A_727 = arith.index_cast %swap3A_726 : i32 to index
    %swap3A_728 = arith.constant 48 : index
    %swap3A_729 = tpu.vector_load %arg11[%swap3A_727, %swap3A_728] {strides = array<i32>} : memref<16x128xf32, #tpu.memory_space<vmem>>, vector<1x16xf32>,
    %swap3A_730 = vector.shape_cast %swap3A_729 : vector<1x16xf32> to vector<16xf32>
    %swap3A_731 = vector.shape_cast %broadcast_in_dim3A_84 : vector<16xf32> to vector<1x16xf32>
    tpu.vector_store %arg11[%swap3A_727, %swap3A_728], %swap3A_731 {strides = array<i32>} : memref<16x128xf32, #tpu.memory_space<vmem>>, vector<1x16xf32>,
    %swap3A_732 = arith.constant 13 : i32
    %swap3A_733 = arith.index_cast %swap3A_732 : i32 to index
    %swap3A_734 = arith.constant 64 : index
    %swap3A_735 = tpu.vector_load %arg11[%swap3A_733, %swap3A_734] {strides = array<i32>} : memref<16x128xf32, #tpu.memory_space<vmem>>, vector<1x16xf32>,
    %swap3A_736 = vector.shape_cast %swap3A_735 : vector<1x16xf32> to vector<16xf32>
    %swap3A_737 = vector.shape_cast %broadcast_in_dim3A_84 : vector<16xf32> to vector<1x16xf32>
    tpu.vector_store %arg11[%swap3A_733, %swap3A_734], %swap3A_737 {strides = array<i32>} : memref<16x128xf32, #tpu.memory_space<vmem>>, vector<1x16xf32>,
    %swap3A_738 = arith.constant 13 : i32
    %swap3A_739 = arith.index_cast %swap3A_738 : i32 to index
    %swap3A_740 = arith.constant 80 : index
    %swap3A_741 = tpu.vector_load %arg11[%swap3A_739, %swap3A_740] {strides = array<i32>} : memref<16x128xf32, #tpu.memory_space<vmem>>, vector<1x16xf32>,
    %swap3A_742 = vector.shape_cast %swap3A_741 : vector<1x16xf32> to vector<16xf32>
    %swap3A_743 = vector.shape_cast %broadcast_in_dim3A_84 : vector<16xf32> to vector<1x16xf32>
    tpu.vector_store %arg11[%swap3A_739, %swap3A_740], %swap3A_743 {strides = array<i32>} : memref<16x128xf32, #tpu.memory_space<vmem>>, vector<1x16xf32>,
    %swap3A_744 = arith.constant 13 : i32
    %swap3A_745 = arith.index_cast %swap3A_744 : i32 to index
    %swap3A_746 = arith.constant 96 : index
    %swap3A_747 = tpu.vector_load %arg11[%swap3A_745, %swap3A_746] {strides = array<i32>} : memref<16x128xf32, #tpu.memory_space<vmem>>, vector<1x16xf32>,
    %swap3A_748 = vector.shape_cast %swap3A_747 : vector<1x16xf32> to vector<16xf32>
    %swap3A_749 = vector.shape_cast %broadcast_in_dim3A_84 : vector<16xf32> to vector<1x16xf32>
    tpu.vector_store %arg11[%swap3A_745, %swap3A_746], %swap3A_749 {strides = array<i32>} : memref<16x128xf32, #tpu.memory_space<vmem>>, vector<1x16xf32>,
    %swap3A_750 = arith.constant 13 : i32
    %swap3A_751 = arith.index_cast %swap3A_750 : i32 to index
    %swap3A_752 = arith.constant 112 : index
    %swap3A_753 = tpu.vector_load %arg11[%swap3A_751, %swap3A_752] {strides = array<i32>} : memref<16x128xf32, #tpu.memory_space<vmem>>, vector<1x16xf32>,
    %swap3A_754 = vector.shape_cast %swap3A_753 : vector<1x16xf32> to vector<16xf32>
    %swap3A_755 = vector.shape_cast %broadcast_in_dim3A_84 : vector<16xf32> to vector<1x16xf32>
    tpu.vector_store %arg11[%swap3A_751, %swap3A_752], %swap3A_755 {strides = array<i32>} : memref<16x128xf32, #tpu.memory_space<vmem>>, vector<1x16xf32>,
    %swap3A_756 = arith.constant 14 : i32
    %swap3A_757 = arith.index_cast %swap3A_756 : i32 to index
    %swap3A_758 = arith.constant 0 : index
    %swap3A_759 = tpu.vector_load %arg11[%swap3A_757, %swap3A_758] {strides = array<i32>} : memref<16x128xf32, #tpu.memory_space<vmem>>, vector<1x16xf32>,
    %swap3A_760 = vector.shape_cast %swap3A_759 : vector<1x16xf32> to vector<16xf32>
    %swap3A_761 = vector.shape_cast %broadcast_in_dim3A_84 : vector<16xf32> to vector<1x16xf32>
    tpu.vector_store %arg11[%swap3A_757, %swap3A_758], %swap3A_761 {strides = array<i32>} : memref<16x128xf32, #tpu.memory_space<vmem>>, vector<1x16xf32>,
    %swap3A_762 = arith.constant 14 : i32
    %swap3A_763 = arith.index_cast %swap3A_762 : i32 to index
    %swap3A_764 = arith.constant 16 : index
    %swap3A_765 = tpu.vector_load %arg11[%swap3A_763, %swap3A_764] {strides = array<i32>} : memref<16x128xf32, #tpu.memory_space<vmem>>, vector<1x16xf32>,
    %swap3A_766 = vector.shape_cast %swap3A_765 : vector<1x16xf32> to vector<16xf32>
    %swap3A_767 = vector.shape_cast %broadcast_in_dim3A_84 : vector<16xf32> to vector<1x16xf32>
    tpu.vector_store %arg11[%swap3A_763, %swap3A_764], %swap3A_767 {strides = array<i32>} : memref<16x128xf32, #tpu.memory_space<vmem>>, vector<1x16xf32>,
    %swap3A_768 = arith.constant 14 : i32
    %swap3A_769 = arith.index_cast %swap3A_768 : i32 to index
    %swap3A_770 = arith.constant 32 : index
    %swap3A_771 = tpu.vector_load %arg11[%swap3A_769, %swap3A_770] {strides = array<i32>} : memref<16x128xf32, #tpu.memory_space<vmem>>, vector<1x16xf32>,
    %swap3A_772 = vector.shape_cast %swap3A_771 : vector<1x16xf32> to vector<16xf32>
    %swap3A_773 = vector.shape_cast %broadcast_in_dim3A_84 : vector<16xf32> to vector<1x16xf32>
    tpu.vector_store %arg11[%swap3A_769, %swap3A_770], %swap3A_773 {strides = array<i32>} : memref<16x128xf32, #tpu.memory_space<vmem>>, vector<1x16xf32>,
    %swap3A_774 = arith.constant 14 : i32
    %swap3A_775 = arith.index_cast %swap3A_774 : i32 to index
    %swap3A_776 = arith.constant 48 : index
    %swap3A_777 = tpu.vector_load %arg11[%swap3A_775, %swap3A_776] {strides = array<i32>} : memref<16x128xf32, #tpu.memory_space<vmem>>, vector<1x16xf32>,
    %swap3A_778 = vector.shape_cast %swap3A_777 : vector<1x16xf32> to vector<16xf32>
    %swap3A_779 = vector.shape_cast %broadcast_in_dim3A_84 : vector<16xf32> to vector<1x16xf32>
    tpu.vector_store %arg11[%swap3A_775, %swap3A_776], %swap3A_779 {strides = array<i32>} : memref<16x128xf32, #tpu.memory_space<vmem>>, vector<1x16xf32>,
    %swap3A_780 = arith.constant 14 : i32
    %swap3A_781 = arith.index_cast %swap3A_780 : i32 to index
    %swap3A_782 = arith.constant 64 : index
    %swap3A_783 = tpu.vector_load %arg11[%swap3A_781, %swap3A_782] {strides = array<i32>} : memref<16x128xf32, #tpu.memory_space<vmem>>, vector<1x16xf32>,
    %swap3A_784 = vector.shape_cast %swap3A_783 : vector<1x16xf32> to vector<16xf32>
    %swap3A_785 = vector.shape_cast %broadcast_in_dim3A_84 : vector<16xf32> to vector<1x16xf32>
    tpu.vector_store %arg11[%swap3A_781, %swap3A_782], %swap3A_785 {strides = array<i32>} : memref<16x128xf32, #tpu.memory_space<vmem>>, vector<1x16xf32>,
    %swap3A_786 = arith.constant 14 : i32
    %swap3A_787 = arith.index_cast %swap3A_786 : i32 to index
    %swap3A_788 = arith.constant 80 : index
    %swap3A_789 = tpu.vector_load %arg11[%swap3A_787, %swap3A_788] {strides = array<i32>} : memref<16x128xf32, #tpu.memory_space<vmem>>, vector<1x16xf32>,
    %swap3A_790 = vector.shape_cast %swap3A_789 : vector<1x16xf32> to vector<16xf32>
    %swap3A_791 = vector.shape_cast %broadcast_in_dim3A_84 : vector<16xf32> to vector<1x16xf32>
    tpu.vector_store %arg11[%swap3A_787, %swap3A_788], %swap3A_791 {strides = array<i32>} : memref<16x128xf32, #tpu.memory_space<vmem>>, vector<1x16xf32>,
    %swap3A_792 = arith.constant 14 : i32
    %swap3A_793 = arith.index_cast %swap3A_792 : i32 to index
    %swap3A_794 = arith.constant 96 : index
    %swap3A_795 = tpu.vector_load %arg11[%swap3A_793, %swap3A_794] {strides = array<i32>} : memref<16x128xf32, #tpu.memory_space<vmem>>, vector<1x16xf32>,
    %swap3A_796 = vector.shape_cast %swap3A_795 : vector<1x16xf32> to vector<16xf32>
    %swap3A_797 = vector.shape_cast %broadcast_in_dim3A_84 : vector<16xf32> to vector<1x16xf32>
    tpu.vector_store %arg11[%swap3A_793, %swap3A_794], %swap3A_797 {strides = array<i32>} : memref<16x128xf32, #tpu.memory_space<vmem>>, vector<1x16xf32>,
    %swap3A_798 = arith.constant 14 : i32
    %swap3A_799 = arith.index_cast %swap3A_798 : i32 to index
    %swap3A_800 = arith.constant 112 : index
    %swap3A_801 = tpu.vector_load %arg11[%swap3A_799, %swap3A_800] {strides = array<i32>} : memref<16x128xf32, #tpu.memory_space<vmem>>, vector<1x16xf32>,
    %swap3A_802 = vector.shape_cast %swap3A_801 : vector<1x16xf32> to vector<16xf32>
    %swap3A_803 = vector.shape_cast %broadcast_in_dim3A_84 : vector<16xf32> to vector<1x16xf32>
    tpu.vector_store %arg11[%swap3A_799, %swap3A_800], %swap3A_803 {strides = array<i32>} : memref<16x128xf32, #tpu.memory_space<vmem>>, vector<1x16xf32>,
    %swap3A_804 = arith.constant 15 : i32
    %swap3A_805 = arith.index_cast %swap3A_804 : i32 to index
    %swap3A_806 = arith.constant 0 : index
    %swap3A_807 = tpu.vector_load %arg11[%swap3A_805, %swap3A_806] {strides = array<i32>} : memref<16x128xf32, #tpu.memory_space<vmem>>, vector<1x16xf32>,
    %swap3A_808 = vector.shape_cast %swap3A_807 : vector<1x16xf32> to vector<16xf32>
    %swap3A_809 = vector.shape_cast %broadcast_in_dim3A_84 : vector<16xf32> to vector<1x16xf32>
    tpu.vector_store %arg11[%swap3A_805, %swap3A_806], %swap3A_809 {strides = array<i32>} : memref<16x128xf32, #tpu.memory_space<vmem>>, vector<1x16xf32>,
    %swap3A_810 = arith.constant 15 : i32
    %swap3A_811 = arith.index_cast %swap3A_810 : i32 to index
    %swap3A_812 = arith.constant 16 : index
    %swap3A_813 = tpu.vector_load %arg11[%swap3A_811, %swap3A_812] {strides = array<i32>} : memref<16x128xf32, #tpu.memory_space<vmem>>, vector<1x16xf32>,
    %swap3A_814 = vector.shape_cast %swap3A_813 : vector<1x16xf32> to vector<16xf32>
    %swap3A_815 = vector.shape_cast %broadcast_in_dim3A_84 : vector<16xf32> to vector<1x16xf32>
    tpu.vector_store %arg11[%swap3A_811, %swap3A_812], %swap3A_815 {strides = array<i32>} : memref<16x128xf32, #tpu.memory_space<vmem>>, vector<1x16xf32>,
    %swap3A_816 = arith.constant 15 : i32
    %swap3A_817 = arith.index_cast %swap3A_816 : i32 to index
    %swap3A_818 = arith.constant 32 : index
    %swap3A_819 = tpu.vector_load %arg11[%swap3A_817, %swap3A_818] {strides = array<i32>} : memref<16x128xf32, #tpu.memory_space<vmem>>, vector<1x16xf32>,
    %swap3A_820 = vector.shape_cast %swap3A_819 : vector<1x16xf32> to vector<16xf32>
    %swap3A_821 = vector.shape_cast %broadcast_in_dim3A_84 : vector<16xf32> to vector<1x16xf32>
    tpu.vector_store %arg11[%swap3A_817, %swap3A_818], %swap3A_821 {strides = array<i32>} : memref<16x128xf32, #tpu.memory_space<vmem>>, vector<1x16xf32>,
    %swap3A_822 = arith.constant 15 : i32
    %swap3A_823 = arith.index_cast %swap3A_822 : i32 to index
    %swap3A_824 = arith.constant 48 : index
    %swap3A_825 = tpu.vector_load %arg11[%swap3A_823, %swap3A_824] {strides = array<i32>} : memref<16x128xf32, #tpu.memory_space<vmem>>, vector<1x16xf32>,
    %swap3A_826 = vector.shape_cast %swap3A_825 : vector<1x16xf32> to vector<16xf32>
    %swap3A_827 = vector.shape_cast %broadcast_in_dim3A_84 : vector<16xf32> to vector<1x16xf32>
    tpu.vector_store %arg11[%swap3A_823, %swap3A_824], %swap3A_827 {strides = array<i32>} : memref<16x128xf32, #tpu.memory_space<vmem>>, vector<1x16xf32>,
    %swap3A_828 = arith.constant 15 : i32
    %swap3A_829 = arith.index_cast %swap3A_828 : i32 to index
    %swap3A_830 = arith.constant 64 : index
    %swap3A_831 = tpu.vector_load %arg11[%swap3A_829, %swap3A_830] {strides = array<i32>} : memref<16x128xf32, #tpu.memory_space<vmem>>, vector<1x16xf32>,
    %swap3A_832 = vector.shape_cast %swap3A_831 : vector<1x16xf32> to vector<16xf32>
    %swap3A_833 = vector.shape_cast %broadcast_in_dim3A_84 : vector<16xf32> to vector<1x16xf32>
    tpu.vector_store %arg11[%swap3A_829, %swap3A_830], %swap3A_833 {strides = array<i32>} : memref<16x128xf32, #tpu.memory_space<vmem>>, vector<1x16xf32>,
    %swap3A_834 = arith.constant 15 : i32
    %swap3A_835 = arith.index_cast %swap3A_834 : i32 to index
    %swap3A_836 = arith.constant 80 : index
    %swap3A_837 = tpu.vector_load %arg11[%swap3A_835, %swap3A_836] {strides = array<i32>} : memref<16x128xf32, #tpu.memory_space<vmem>>, vector<1x16xf32>,
    %swap3A_838 = vector.shape_cast %swap3A_837 : vector<1x16xf32> to vector<16xf32>
    %swap3A_839 = vector.shape_cast %broadcast_in_dim3A_84 : vector<16xf32> to vector<1x16xf32>
    tpu.vector_store %arg11[%swap3A_835, %swap3A_836], %swap3A_839 {strides = array<i32>} : memref<16x128xf32, #tpu.memory_space<vmem>>, vector<1x16xf32>,
    %swap3A_840 = arith.constant 15 : i32
    %swap3A_841 = arith.index_cast %swap3A_840 : i32 to index
    %swap3A_842 = arith.constant 96 : index
    %swap3A_843 = tpu.vector_load %arg11[%swap3A_841, %swap3A_842] {strides = array<i32>} : memref<16x128xf32, #tpu.memory_space<vmem>>, vector<1x16xf32>,
    %swap3A_844 = vector.shape_cast %swap3A_843 : vector<1x16xf32> to vector<16xf32>
    %swap3A_845 = vector.shape_cast %broadcast_in_dim3A_84 : vector<16xf32> to vector<1x16xf32>
    tpu.vector_store %arg11[%swap3A_841, %swap3A_842], %swap3A_845 {strides = array<i32>} : memref<16x128xf32, #tpu.memory_space<vmem>>, vector<1x16xf32>,
    %swap3A_846 = arith.constant 15 : i32
    %swap3A_847 = arith.index_cast %swap3A_846 : i32 to index
    %swap3A_848 = arith.constant 112 : index
    %swap3A_849 = tpu.vector_load %arg11[%swap3A_847, %swap3A_848] {strides = array<i32>} : memref<16x128xf32, #tpu.memory_space<vmem>>, vector<1x16xf32>,
    %swap3A_850 = vector.shape_cast %swap3A_849 : vector<1x16xf32> to vector<16xf32>
    %swap3A_851 = vector.shape_cast %broadcast_in_dim3A_84 : vector<16xf32> to vector<1x16xf32>
    tpu.vector_store %arg11[%swap3A_847, %swap3A_848], %swap3A_851 {strides = array<i32>} : memref<16x128xf32, #tpu.memory_space<vmem>>, vector<1x16xf32>,
    %mul3A_852 = arith.constant 640 : i32
    %mul3A_853 = arith.muli %arg1, %mul3A_852 : i32
    %add3A_854 = arith.constant 0 : i32
    %add3A_855 = arith.addi %mul3A_853, %add3A_854 : i32
    "tpu.region"() ({
      %run_scoped3A = tpu.sem_alloc : memref<!tpu.dma_semaphore, #tpu.memory_space<semaphore_mem>>
      %dma_start3A_1937 = arith.constant 0 : i32
      %dma_start3A_1938 = tpu.memref_slice %arg12[%add3A_855, %dma_start3A_1937] : memref<10240x128xf32, #tpu.memory_space<vmem_shared>> -> memref<16x128xf32, #tpu.memory_space<vmem_shared>>
      %dma_start3A_1939 = arith.constant 0 : i32
      %dma_start3A_1940 = tpu.memref_slice %arg12[%add3A_855, %dma_start3A_1939] : memref<10240x128xf32, #tpu.memory_space<vmem_shared>> -> memref<16x128xf32, #tpu.memory_space<vmem_shared>>
      tpu.enqueue_dma source(%arg11 : memref<16x128xf32, #tpu.memory_space<vmem>>) target(%dma_start3A_1940 : memref<16x128xf32, #tpu.memory_space<vmem_shared>>) target_semaphore(%run_scoped3A : memref<!tpu.dma_semaphore, #tpu.memory_space<semaphore_mem>>)
      %dma_wait3A_1941 = arith.constant 0 : i32
      %dma_wait3A_1942 = tpu.memref_slice %arg12[%add3A_855, %dma_wait3A_1941] : memref<10240x128xf32, #tpu.memory_space<vmem_shared>> -> memref<16x128xf32, #tpu.memory_space<vmem_shared>>
      %dma_wait3A_1943 = arith.constant 0 : i32
      %dma_wait3A_1944 = tpu.memref_slice %arg12[%add3A_855, %dma_wait3A_1943] : memref<10240x128xf32, #tpu.memory_space<vmem_shared>> -> memref<16x128xf32, #tpu.memory_space<vmem_shared>>
      tpu.wait_dma2 semaphore(%run_scoped3A : memref<!tpu.dma_semaphore, #tpu.memory_space<semaphore_mem>>) src(%arg11 : memref<16x128xf32, #tpu.memory_space<vmem>>) dst(%dma_wait3A_1944 : memref<16x128xf32, #tpu.memory_space<vmem_shared>>)
      tpu.yield
    }) : () -> ()
    %mul3A_856 = arith.constant 640 : i32
    %mul3A_857 = arith.muli %arg1, %mul3A_856 : i32
    %add3A_858 = arith.constant 16 : i32
    %add3A_859 = arith.addi %mul3A_857, %add3A_858 : i32
    "tpu.region"() ({
      %run_scoped3A = tpu.sem_alloc : memref<!tpu.dma_semaphore, #tpu.memory_space<semaphore_mem>>
      %dma_start3A_1937 = arith.constant 0 : i32
      %dma_start3A_1938 = tpu.memref_slice %arg12[%add3A_859, %dma_start3A_1937] : memref<10240x128xf32, #tpu.memory_space<vmem_shared>> -> memref<16x128xf32, #tpu.memory_space<vmem_shared>>
      %dma_start3A_1939 = arith.constant 0 : i32
      %dma_start3A_1940 = tpu.memref_slice %arg12[%add3A_859, %dma_start3A_1939] : memref<10240x128xf32, #tpu.memory_space<vmem_shared>> -> memref<16x128xf32, #tpu.memory_space<vmem_shared>>
      tpu.enqueue_dma source(%arg11 : memref<16x128xf32, #tpu.memory_space<vmem>>) target(%dma_start3A_1940 : memref<16x128xf32, #tpu.memory_space<vmem_shared>>) target_semaphore(%run_scoped3A : memref<!tpu.dma_semaphore, #tpu.memory_space<semaphore_mem>>)
      %dma_wait3A_1941 = arith.constant 0 : i32
      %dma_wait3A_1942 = tpu.memref_slice %arg12[%add3A_859, %dma_wait3A_1941] : memref<10240x128xf32, #tpu.memory_space<vmem_shared>> -> memref<16x128xf32, #tpu.memory_space<vmem_shared>>
      %dma_wait3A_1943 = arith.constant 0 : i32
      %dma_wait3A_1944 = tpu.memref_slice %arg12[%add3A_859, %dma_wait3A_1943] : memref<10240x128xf32, #tpu.memory_space<vmem_shared>> -> memref<16x128xf32, #tpu.memory_space<vmem_shared>>
      tpu.wait_dma2 semaphore(%run_scoped3A : memref<!tpu.dma_semaphore, #tpu.memory_space<semaphore_mem>>) src(%arg11 : memref<16x128xf32, #tpu.memory_space<vmem>>) dst(%dma_wait3A_1944 : memref<16x128xf32, #tpu.memory_space<vmem_shared>>)
      tpu.yield
    }) : () -> ()
    %mul3A_860 = arith.constant 640 : i32
    %mul3A_861 = arith.muli %arg1, %mul3A_860 : i32
    %add3A_862 = arith.constant 32 : i32
    %add3A_863 = arith.addi %mul3A_861, %add3A_862 : i32
    "tpu.region"() ({
      %run_scoped3A = tpu.sem_alloc : memref<!tpu.dma_semaphore, #tpu.memory_space<semaphore_mem>>
      %dma_start3A_1937 = arith.constant 0 : i32
      %dma_start3A_1938 = tpu.memref_slice %arg12[%add3A_863, %dma_start3A_1937] : memref<10240x128xf32, #tpu.memory_space<vmem_shared>> -> memref<16x128xf32, #tpu.memory_space<vmem_shared>>
      %dma_start3A_1939 = arith.constant 0 : i32
      %dma_start3A_1940 = tpu.memref_slice %arg12[%add3A_863, %dma_start3A_1939] : memref<10240x128xf32, #tpu.memory_space<vmem_shared>> -> memref<16x128xf32, #tpu.memory_space<vmem_shared>>
      tpu.enqueue_dma source(%arg11 : memref<16x128xf32, #tpu.memory_space<vmem>>) target(%dma_start3A_1940 : memref<16x128xf32, #tpu.memory_space<vmem_shared>>) target_semaphore(%run_scoped3A : memref<!tpu.dma_semaphore, #tpu.memory_space<semaphore_mem>>)
      %dma_wait3A_1941 = arith.constant 0 : i32
      %dma_wait3A_1942 = tpu.memref_slice %arg12[%add3A_863, %dma_wait3A_1941] : memref<10240x128xf32, #tpu.memory_space<vmem_shared>> -> memref<16x128xf32, #tpu.memory_space<vmem_shared>>
      %dma_wait3A_1943 = arith.constant 0 : i32
      %dma_wait3A_1944 = tpu.memref_slice %arg12[%add3A_863, %dma_wait3A_1943] : memref<10240x128xf32, #tpu.memory_space<vmem_shared>> -> memref<16x128xf32, #tpu.memory_space<vmem_shared>>
      tpu.wait_dma2 semaphore(%run_scoped3A : memref<!tpu.dma_semaphore, #tpu.memory_space<semaphore_mem>>) src(%arg11 : memref<16x128xf32, #tpu.memory_space<vmem>>) dst(%dma_wait3A_1944 : memref<16x128xf32, #tpu.memory_space<vmem_shared>>)
      tpu.yield
    }) : () -> ()
    %mul3A_864 = arith.constant 640 : i32
    %mul3A_865 = arith.muli %arg1, %mul3A_864 : i32
    %add3A_866 = arith.constant 48 : i32
    %add3A_867 = arith.addi %mul3A_865, %add3A_866 : i32
    "tpu.region"() ({
      %run_scoped3A = tpu.sem_alloc : memref<!tpu.dma_semaphore, #tpu.memory_space<semaphore_mem>>
      %dma_start3A_1937 = arith.constant 0 : i32
      %dma_start3A_1938 = tpu.memref_slice %arg12[%add3A_867, %dma_start3A_1937] : memref<10240x128xf32, #tpu.memory_space<vmem_shared>> -> memref<16x128xf32, #tpu.memory_space<vmem_shared>>
      %dma_start3A_1939 = arith.constant 0 : i32
      %dma_start3A_1940 = tpu.memref_slice %arg12[%add3A_867, %dma_start3A_1939] : memref<10240x128xf32, #tpu.memory_space<vmem_shared>> -> memref<16x128xf32, #tpu.memory_space<vmem_shared>>
      tpu.enqueue_dma source(%arg11 : memref<16x128xf32, #tpu.memory_space<vmem>>) target(%dma_start3A_1940 : memref<16x128xf32, #tpu.memory_space<vmem_shared>>) target_semaphore(%run_scoped3A : memref<!tpu.dma_semaphore, #tpu.memory_space<semaphore_mem>>)
      %dma_wait3A_1941 = arith.constant 0 : i32
      %dma_wait3A_1942 = tpu.memref_slice %arg12[%add3A_867, %dma_wait3A_1941] : memref<10240x128xf32, #tpu.memory_space<vmem_shared>> -> memref<16x128xf32, #tpu.memory_space<vmem_shared>>
      %dma_wait3A_1943 = arith.constant 0 : i32
      %dma_wait3A_1944 = tpu.memref_slice %arg12[%add3A_867, %dma_wait3A_1943] : memref<10240x128xf32, #tpu.memory_space<vmem_shared>> -> memref<16x128xf32, #tpu.memory_space<vmem_shared>>
      tpu.wait_dma2 semaphore(%run_scoped3A : memref<!tpu.dma_semaphore, #tpu.memory_space<semaphore_mem>>) src(%arg11 : memref<16x128xf32, #tpu.memory_space<vmem>>) dst(%dma_wait3A_1944 : memref<16x128xf32, #tpu.memory_space<vmem_shared>>)
      tpu.yield
    }) : () -> ()
    %mul3A_868 = arith.constant 640 : i32
    %mul3A_869 = arith.muli %arg1, %mul3A_868 : i32
    %add3A_870 = arith.constant 64 : i32
    %add3A_871 = arith.addi %mul3A_869, %add3A_870 : i32
    "tpu.region"() ({
      %run_scoped3A = tpu.sem_alloc : memref<!tpu.dma_semaphore, #tpu.memory_space<semaphore_mem>>
      %dma_start3A_1937 = arith.constant 0 : i32
      %dma_start3A_1938 = tpu.memref_slice %arg12[%add3A_871, %dma_start3A_1937] : memref<10240x128xf32, #tpu.memory_space<vmem_shared>> -> memref<16x128xf32, #tpu.memory_space<vmem_shared>>
      %dma_start3A_1939 = arith.constant 0 : i32
      %dma_start3A_1940 = tpu.memref_slice %arg12[%add3A_871, %dma_start3A_1939] : memref<10240x128xf32, #tpu.memory_space<vmem_shared>> -> memref<16x128xf32, #tpu.memory_space<vmem_shared>>
      tpu.enqueue_dma source(%arg11 : memref<16x128xf32, #tpu.memory_space<vmem>>) target(%dma_start3A_1940 : memref<16x128xf32, #tpu.memory_space<vmem_shared>>) target_semaphore(%run_scoped3A : memref<!tpu.dma_semaphore, #tpu.memory_space<semaphore_mem>>)
      %dma_wait3A_1941 = arith.constant 0 : i32
      %dma_wait3A_1942 = tpu.memref_slice %arg12[%add3A_871, %dma_wait3A_1941] : memref<10240x128xf32, #tpu.memory_space<vmem_shared>> -> memref<16x128xf32, #tpu.memory_space<vmem_shared>>
      %dma_wait3A_1943 = arith.constant 0 : i32
      %dma_wait3A_1944 = tpu.memref_slice %arg12[%add3A_871, %dma_wait3A_1943] : memref<10240x128xf32, #tpu.memory_space<vmem_shared>> -> memref<16x128xf32, #tpu.memory_space<vmem_shared>>
      tpu.wait_dma2 semaphore(%run_scoped3A : memref<!tpu.dma_semaphore, #tpu.memory_space<semaphore_mem>>) src(%arg11 : memref<16x128xf32, #tpu.memory_space<vmem>>) dst(%dma_wait3A_1944 : memref<16x128xf32, #tpu.memory_space<vmem_shared>>)
      tpu.yield
    }) : () -> ()
    %mul3A_872 = arith.constant 640 : i32
    %mul3A_873 = arith.muli %arg1, %mul3A_872 : i32
    %add3A_874 = arith.constant 80 : i32
    %add3A_875 = arith.addi %mul3A_873, %add3A_874 : i32
    "tpu.region"() ({
      %run_scoped3A = tpu.sem_alloc : memref<!tpu.dma_semaphore, #tpu.memory_space<semaphore_mem>>
      %dma_start3A_1937 = arith.constant 0 : i32
      %dma_start3A_1938 = tpu.memref_slice %arg12[%add3A_875, %dma_start3A_1937] : memref<10240x128xf32, #tpu.memory_space<vmem_shared>> -> memref<16x128xf32, #tpu.memory_space<vmem_shared>>
      %dma_start3A_1939 = arith.constant 0 : i32
      %dma_start3A_1940 = tpu.memref_slice %arg12[%add3A_875, %dma_start3A_1939] : memref<10240x128xf32, #tpu.memory_space<vmem_shared>> -> memref<16x128xf32, #tpu.memory_space<vmem_shared>>
      tpu.enqueue_dma source(%arg11 : memref<16x128xf32, #tpu.memory_space<vmem>>) target(%dma_start3A_1940 : memref<16x128xf32, #tpu.memory_space<vmem_shared>>) target_semaphore(%run_scoped3A : memref<!tpu.dma_semaphore, #tpu.memory_space<semaphore_mem>>)
      %dma_wait3A_1941 = arith.constant 0 : i32
      %dma_wait3A_1942 = tpu.memref_slice %arg12[%add3A_875, %dma_wait3A_1941] : memref<10240x128xf32, #tpu.memory_space<vmem_shared>> -> memref<16x128xf32, #tpu.memory_space<vmem_shared>>
      %dma_wait3A_1943 = arith.constant 0 : i32
      %dma_wait3A_1944 = tpu.memref_slice %arg12[%add3A_875, %dma_wait3A_1943] : memref<10240x128xf32, #tpu.memory_space<vmem_shared>> -> memref<16x128xf32, #tpu.memory_space<vmem_shared>>
      tpu.wait_dma2 semaphore(%run_scoped3A : memref<!tpu.dma_semaphore, #tpu.memory_space<semaphore_mem>>) src(%arg11 : memref<16x128xf32, #tpu.memory_space<vmem>>) dst(%dma_wait3A_1944 : memref<16x128xf32, #tpu.memory_space<vmem_shared>>)
      tpu.yield
    }) : () -> ()
    %mul3A_876 = arith.constant 640 : i32
    %mul3A_877 = arith.muli %arg1, %mul3A_876 : i32
    %add3A_878 = arith.constant 96 : i32
    %add3A_879 = arith.addi %mul3A_877, %add3A_878 : i32
    "tpu.region"() ({
      %run_scoped3A = tpu.sem_alloc : memref<!tpu.dma_semaphore, #tpu.memory_space<semaphore_mem>>
      %dma_start3A_1937 = arith.constant 0 : i32
      %dma_start3A_1938 = tpu.memref_slice %arg12[%add3A_879, %dma_start3A_1937] : memref<10240x128xf32, #tpu.memory_space<vmem_shared>> -> memref<16x128xf32, #tpu.memory_space<vmem_shared>>
      %dma_start3A_1939 = arith.constant 0 : i32
      %dma_start3A_1940 = tpu.memref_slice %arg12[%add3A_879, %dma_start3A_1939] : memref<10240x128xf32, #tpu.memory_space<vmem_shared>> -> memref<16x128xf32, #tpu.memory_space<vmem_shared>>
      tpu.enqueue_dma source(%arg11 : memref<16x128xf32, #tpu.memory_space<vmem>>) target(%dma_start3A_1940 : memref<16x128xf32, #tpu.memory_space<vmem_shared>>) target_semaphore(%run_scoped3A : memref<!tpu.dma_semaphore, #tpu.memory_space<semaphore_mem>>)
      %dma_wait3A_1941 = arith.constant 0 : i32
      %dma_wait3A_1942 = tpu.memref_slice %arg12[%add3A_879, %dma_wait3A_1941] : memref<10240x128xf32, #tpu.memory_space<vmem_shared>> -> memref<16x128xf32, #tpu.memory_space<vmem_shared>>
      %dma_wait3A_1943 = arith.constant 0 : i32
      %dma_wait3A_1944 = tpu.memref_slice %arg12[%add3A_879, %dma_wait3A_1943] : memref<10240x128xf32, #tpu.memory_space<vmem_shared>> -> memref<16x128xf32, #tpu.memory_space<vmem_shared>>
      tpu.wait_dma2 semaphore(%run_scoped3A : memref<!tpu.dma_semaphore, #tpu.memory_space<semaphore_mem>>) src(%arg11 : memref<16x128xf32, #tpu.memory_space<vmem>>) dst(%dma_wait3A_1944 : memref<16x128xf32, #tpu.memory_space<vmem_shared>>)
      tpu.yield
    }) : () -> ()
    %mul3A_880 = arith.constant 640 : i32
    %mul3A_881 = arith.muli %arg1, %mul3A_880 : i32
    %add3A_882 = arith.constant 112 : i32
    %add3A_883 = arith.addi %mul3A_881, %add3A_882 : i32
    "tpu.region"() ({
      %run_scoped3A = tpu.sem_alloc : memref<!tpu.dma_semaphore, #tpu.memory_space<semaphore_mem>>
      %dma_start3A_1937 = arith.constant 0 : i32
      %dma_start3A_1938 = tpu.memref_slice %arg12[%add3A_883, %dma_start3A_1937] : memref<10240x128xf32, #tpu.memory_space<vmem_shared>> -> memref<16x128xf32, #tpu.memory_space<vmem_shared>>
      %dma_start3A_1939 = arith.constant 0 : i32
      %dma_start3A_1940 = tpu.memref_slice %arg12[%add3A_883, %dma_start3A_1939] : memref<10240x128xf32, #tpu.memory_space<vmem_shared>> -> memref<16x128xf32, #tpu.memory_space<vmem_shared>>
      tpu.enqueue_dma source(%arg11 : memref<16x128xf32, #tpu.memory_space<vmem>>) target(%dma_start3A_1940 : memref<16x128xf32, #tpu.memory_space<vmem_shared>>) target_semaphore(%run_scoped3A : memref<!tpu.dma_semaphore, #tpu.memory_space<semaphore_mem>>)
      %dma_wait3A_1941 = arith.constant 0 : i32
      %dma_wait3A_1942 = tpu.memref_slice %arg12[%add3A_883, %dma_wait3A_1941] : memref<10240x128xf32, #tpu.memory_space<vmem_shared>> -> memref<16x128xf32, #tpu.memory_space<vmem_shared>>
      %dma_wait3A_1943 = arith.constant 0 : i32
      %dma_wait3A_1944 = tpu.memref_slice %arg12[%add3A_883, %dma_wait3A_1943] : memref<10240x128xf32, #tpu.memory_space<vmem_shared>> -> memref<16x128xf32, #tpu.memory_space<vmem_shared>>
      tpu.wait_dma2 semaphore(%run_scoped3A : memref<!tpu.dma_semaphore, #tpu.memory_space<semaphore_mem>>) src(%arg11 : memref<16x128xf32, #tpu.memory_space<vmem>>) dst(%dma_wait3A_1944 : memref<16x128xf32, #tpu.memory_space<vmem_shared>>)
      tpu.yield
    }) : () -> ()
    %mul3A_884 = arith.constant 640 : i32
    %mul3A_885 = arith.muli %arg1, %mul3A_884 : i32
    %add3A_886 = arith.constant 128 : i32
    %add3A_887 = arith.addi %mul3A_885, %add3A_886 : i32
    "tpu.region"() ({
      %run_scoped3A = tpu.sem_alloc : memref<!tpu.dma_semaphore, #tpu.memory_space<semaphore_mem>>
      %dma_start3A_1937 = arith.constant 0 : i32
      %dma_start3A_1938 = tpu.memref_slice %arg12[%add3A_887, %dma_start3A_1937] : memref<10240x128xf32, #tpu.memory_space<vmem_shared>> -> memref<16x128xf32, #tpu.memory_space<vmem_shared>>
      %dma_start3A_1939 = arith.constant 0 : i32
      %dma_start3A_1940 = tpu.memref_slice %arg12[%add3A_887, %dma_start3A_1939] : memref<10240x128xf32, #tpu.memory_space<vmem_shared>> -> memref<16x128xf32, #tpu.memory_space<vmem_shared>>
      tpu.enqueue_dma source(%arg11 : memref<16x128xf32, #tpu.memory_space<vmem>>) target(%dma_start3A_1940 : memref<16x128xf32, #tpu.memory_space<vmem_shared>>) target_semaphore(%run_scoped3A : memref<!tpu.dma_semaphore, #tpu.memory_space<semaphore_mem>>)
      %dma_wait3A_1941 = arith.constant 0 : i32
      %dma_wait3A_1942 = tpu.memref_slice %arg12[%add3A_887, %dma_wait3A_1941] : memref<10240x128xf32, #tpu.memory_space<vmem_shared>> -> memref<16x128xf32, #tpu.memory_space<vmem_shared>>
      %dma_wait3A_1943 = arith.constant 0 : i32
      %dma_wait3A_1944 = tpu.memref_slice %arg12[%add3A_887, %dma_wait3A_1943] : memref<10240x128xf32, #tpu.memory_space<vmem_shared>> -> memref<16x128xf32, #tpu.memory_space<vmem_shared>>
      tpu.wait_dma2 semaphore(%run_scoped3A : memref<!tpu.dma_semaphore, #tpu.memory_space<semaphore_mem>>) src(%arg11 : memref<16x128xf32, #tpu.memory_space<vmem>>) dst(%dma_wait3A_1944 : memref<16x128xf32, #tpu.memory_space<vmem_shared>>)
      tpu.yield
    }) : () -> ()
    %mul3A_888 = arith.constant 640 : i32
    %mul3A_889 = arith.muli %arg1, %mul3A_888 : i32
    %add3A_890 = arith.constant 144 : i32
    %add3A_891 = arith.addi %mul3A_889, %add3A_890 : i32
    "tpu.region"() ({
      %run_scoped3A = tpu.sem_alloc : memref<!tpu.dma_semaphore, #tpu.memory_space<semaphore_mem>>
      %dma_start3A_1937 = arith.constant 0 : i32
      %dma_start3A_1938 = tpu.memref_slice %arg12[%add3A_891, %dma_start3A_1937] : memref<10240x128xf32, #tpu.memory_space<vmem_shared>> -> memref<16x128xf32, #tpu.memory_space<vmem_shared>>
      %dma_start3A_1939 = arith.constant 0 : i32
      %dma_start3A_1940 = tpu.memref_slice %arg12[%add3A_891, %dma_start3A_1939] : memref<10240x128xf32, #tpu.memory_space<vmem_shared>> -> memref<16x128xf32, #tpu.memory_space<vmem_shared>>
      tpu.enqueue_dma source(%arg11 : memref<16x128xf32, #tpu.memory_space<vmem>>) target(%dma_start3A_1940 : memref<16x128xf32, #tpu.memory_space<vmem_shared>>) target_semaphore(%run_scoped3A : memref<!tpu.dma_semaphore, #tpu.memory_space<semaphore_mem>>)
      %dma_wait3A_1941 = arith.constant 0 : i32
      %dma_wait3A_1942 = tpu.memref_slice %arg12[%add3A_891, %dma_wait3A_1941] : memref<10240x128xf32, #tpu.memory_space<vmem_shared>> -> memref<16x128xf32, #tpu.memory_space<vmem_shared>>
      %dma_wait3A_1943 = arith.constant 0 : i32
      %dma_wait3A_1944 = tpu.memref_slice %arg12[%add3A_891, %dma_wait3A_1943] : memref<10240x128xf32, #tpu.memory_space<vmem_shared>> -> memref<16x128xf32, #tpu.memory_space<vmem_shared>>
      tpu.wait_dma2 semaphore(%run_scoped3A : memref<!tpu.dma_semaphore, #tpu.memory_space<semaphore_mem>>) src(%arg11 : memref<16x128xf32, #tpu.memory_space<vmem>>) dst(%dma_wait3A_1944 : memref<16x128xf32, #tpu.memory_space<vmem_shared>>)
      tpu.yield
    }) : () -> ()
    %mul3A_892 = arith.constant 640 : i32
    %mul3A_893 = arith.muli %arg1, %mul3A_892 : i32
    %add3A_894 = arith.constant 160 : i32
    %add3A_895 = arith.addi %mul3A_893, %add3A_894 : i32
    "tpu.region"() ({
      %run_scoped3A = tpu.sem_alloc : memref<!tpu.dma_semaphore, #tpu.memory_space<semaphore_mem>>
      %dma_start3A_1937 = arith.constant 0 : i32
      %dma_start3A_1938 = tpu.memref_slice %arg12[%add3A_895, %dma_start3A_1937] : memref<10240x128xf32, #tpu.memory_space<vmem_shared>> -> memref<16x128xf32, #tpu.memory_space<vmem_shared>>
      %dma_start3A_1939 = arith.constant 0 : i32
      %dma_start3A_1940 = tpu.memref_slice %arg12[%add3A_895, %dma_start3A_1939] : memref<10240x128xf32, #tpu.memory_space<vmem_shared>> -> memref<16x128xf32, #tpu.memory_space<vmem_shared>>
      tpu.enqueue_dma source(%arg11 : memref<16x128xf32, #tpu.memory_space<vmem>>) target(%dma_start3A_1940 : memref<16x128xf32, #tpu.memory_space<vmem_shared>>) target_semaphore(%run_scoped3A : memref<!tpu.dma_semaphore, #tpu.memory_space<semaphore_mem>>)
      %dma_wait3A_1941 = arith.constant 0 : i32
      %dma_wait3A_1942 = tpu.memref_slice %arg12[%add3A_895, %dma_wait3A_1941] : memref<10240x128xf32, #tpu.memory_space<vmem_shared>> -> memref<16x128xf32, #tpu.memory_space<vmem_shared>>
      %dma_wait3A_1943 = arith.constant 0 : i32
      %dma_wait3A_1944 = tpu.memref_slice %arg12[%add3A_895, %dma_wait3A_1943] : memref<10240x128xf32, #tpu.memory_space<vmem_shared>> -> memref<16x128xf32, #tpu.memory_space<vmem_shared>>
      tpu.wait_dma2 semaphore(%run_scoped3A : memref<!tpu.dma_semaphore, #tpu.memory_space<semaphore_mem>>) src(%arg11 : memref<16x128xf32, #tpu.memory_space<vmem>>) dst(%dma_wait3A_1944 : memref<16x128xf32, #tpu.memory_space<vmem_shared>>)
      tpu.yield
    }) : () -> ()
    %mul3A_896 = arith.constant 640 : i32
    %mul3A_897 = arith.muli %arg1, %mul3A_896 : i32
    %add3A_898 = arith.constant 176 : i32
    %add3A_899 = arith.addi %mul3A_897, %add3A_898 : i32
    "tpu.region"() ({
      %run_scoped3A = tpu.sem_alloc : memref<!tpu.dma_semaphore, #tpu.memory_space<semaphore_mem>>
      %dma_start3A_1937 = arith.constant 0 : i32
      %dma_start3A_1938 = tpu.memref_slice %arg12[%add3A_899, %dma_start3A_1937] : memref<10240x128xf32, #tpu.memory_space<vmem_shared>> -> memref<16x128xf32, #tpu.memory_space<vmem_shared>>
      %dma_start3A_1939 = arith.constant 0 : i32
      %dma_start3A_1940 = tpu.memref_slice %arg12[%add3A_899, %dma_start3A_1939] : memref<10240x128xf32, #tpu.memory_space<vmem_shared>> -> memref<16x128xf32, #tpu.memory_space<vmem_shared>>
      tpu.enqueue_dma source(%arg11 : memref<16x128xf32, #tpu.memory_space<vmem>>) target(%dma_start3A_1940 : memref<16x128xf32, #tpu.memory_space<vmem_shared>>) target_semaphore(%run_scoped3A : memref<!tpu.dma_semaphore, #tpu.memory_space<semaphore_mem>>)
      %dma_wait3A_1941 = arith.constant 0 : i32
      %dma_wait3A_1942 = tpu.memref_slice %arg12[%add3A_899, %dma_wait3A_1941] : memref<10240x128xf32, #tpu.memory_space<vmem_shared>> -> memref<16x128xf32, #tpu.memory_space<vmem_shared>>
      %dma_wait3A_1943 = arith.constant 0 : i32
      %dma_wait3A_1944 = tpu.memref_slice %arg12[%add3A_899, %dma_wait3A_1943] : memref<10240x128xf32, #tpu.memory_space<vmem_shared>> -> memref<16x128xf32, #tpu.memory_space<vmem_shared>>
      tpu.wait_dma2 semaphore(%run_scoped3A : memref<!tpu.dma_semaphore, #tpu.memory_space<semaphore_mem>>) src(%arg11 : memref<16x128xf32, #tpu.memory_space<vmem>>) dst(%dma_wait3A_1944 : memref<16x128xf32, #tpu.memory_space<vmem_shared>>)
      tpu.yield
    }) : () -> ()
    %mul3A_900 = arith.constant 640 : i32
    %mul3A_901 = arith.muli %arg1, %mul3A_900 : i32
    %add3A_902 = arith.constant 192 : i32
    %add3A_903 = arith.addi %mul3A_901, %add3A_902 : i32
    "tpu.region"() ({
      %run_scoped3A = tpu.sem_alloc : memref<!tpu.dma_semaphore, #tpu.memory_space<semaphore_mem>>
      %dma_start3A_1937 = arith.constant 0 : i32
      %dma_start3A_1938 = tpu.memref_slice %arg12[%add3A_903, %dma_start3A_1937] : memref<10240x128xf32, #tpu.memory_space<vmem_shared>> -> memref<16x128xf32, #tpu.memory_space<vmem_shared>>
      %dma_start3A_1939 = arith.constant 0 : i32
      %dma_start3A_1940 = tpu.memref_slice %arg12[%add3A_903, %dma_start3A_1939] : memref<10240x128xf32, #tpu.memory_space<vmem_shared>> -> memref<16x128xf32, #tpu.memory_space<vmem_shared>>
      tpu.enqueue_dma source(%arg11 : memref<16x128xf32, #tpu.memory_space<vmem>>) target(%dma_start3A_1940 : memref<16x128xf32, #tpu.memory_space<vmem_shared>>) target_semaphore(%run_scoped3A : memref<!tpu.dma_semaphore, #tpu.memory_space<semaphore_mem>>)
      %dma_wait3A_1941 = arith.constant 0 : i32
      %dma_wait3A_1942 = tpu.memref_slice %arg12[%add3A_903, %dma_wait3A_1941] : memref<10240x128xf32, #tpu.memory_space<vmem_shared>> -> memref<16x128xf32, #tpu.memory_space<vmem_shared>>
      %dma_wait3A_1943 = arith.constant 0 : i32
      %dma_wait3A_1944 = tpu.memref_slice %arg12[%add3A_903, %dma_wait3A_1943] : memref<10240x128xf32, #tpu.memory_space<vmem_shared>> -> memref<16x128xf32, #tpu.memory_space<vmem_shared>>
      tpu.wait_dma2 semaphore(%run_scoped3A : memref<!tpu.dma_semaphore, #tpu.memory_space<semaphore_mem>>) src(%arg11 : memref<16x128xf32, #tpu.memory_space<vmem>>) dst(%dma_wait3A_1944 : memref<16x128xf32, #tpu.memory_space<vmem_shared>>)
      tpu.yield
    }) : () -> ()
    %mul3A_904 = arith.constant 640 : i32
    %mul3A_905 = arith.muli %arg1, %mul3A_904 : i32
    %add3A_906 = arith.constant 208 : i32
    %add3A_907 = arith.addi %mul3A_905, %add3A_906 : i32
    "tpu.region"() ({
      %run_scoped3A = tpu.sem_alloc : memref<!tpu.dma_semaphore, #tpu.memory_space<semaphore_mem>>
      %dma_start3A_1937 = arith.constant 0 : i32
      %dma_start3A_1938 = tpu.memref_slice %arg12[%add3A_907, %dma_start3A_1937] : memref<10240x128xf32, #tpu.memory_space<vmem_shared>> -> memref<16x128xf32, #tpu.memory_space<vmem_shared>>
      %dma_start3A_1939 = arith.constant 0 : i32
      %dma_start3A_1940 = tpu.memref_slice %arg12[%add3A_907, %dma_start3A_1939] : memref<10240x128xf32, #tpu.memory_space<vmem_shared>> -> memref<16x128xf32, #tpu.memory_space<vmem_shared>>
      tpu.enqueue_dma source(%arg11 : memref<16x128xf32, #tpu.memory_space<vmem>>) target(%dma_start3A_1940 : memref<16x128xf32, #tpu.memory_space<vmem_shared>>) target_semaphore(%run_scoped3A : memref<!tpu.dma_semaphore, #tpu.memory_space<semaphore_mem>>)
      %dma_wait3A_1941 = arith.constant 0 : i32
      %dma_wait3A_1942 = tpu.memref_slice %arg12[%add3A_907, %dma_wait3A_1941] : memref<10240x128xf32, #tpu.memory_space<vmem_shared>> -> memref<16x128xf32, #tpu.memory_space<vmem_shared>>
      %dma_wait3A_1943 = arith.constant 0 : i32
      %dma_wait3A_1944 = tpu.memref_slice %arg12[%add3A_907, %dma_wait3A_1943] : memref<10240x128xf32, #tpu.memory_space<vmem_shared>> -> memref<16x128xf32, #tpu.memory_space<vmem_shared>>
      tpu.wait_dma2 semaphore(%run_scoped3A : memref<!tpu.dma_semaphore, #tpu.memory_space<semaphore_mem>>) src(%arg11 : memref<16x128xf32, #tpu.memory_space<vmem>>) dst(%dma_wait3A_1944 : memref<16x128xf32, #tpu.memory_space<vmem_shared>>)
      tpu.yield
    }) : () -> ()
    %mul3A_908 = arith.constant 640 : i32
    %mul3A_909 = arith.muli %arg1, %mul3A_908 : i32
    %add3A_910 = arith.constant 224 : i32
    %add3A_911 = arith.addi %mul3A_909, %add3A_910 : i32
    "tpu.region"() ({
      %run_scoped3A = tpu.sem_alloc : memref<!tpu.dma_semaphore, #tpu.memory_space<semaphore_mem>>
      %dma_start3A_1937 = arith.constant 0 : i32
      %dma_start3A_1938 = tpu.memref_slice %arg12[%add3A_911, %dma_start3A_1937] : memref<10240x128xf32, #tpu.memory_space<vmem_shared>> -> memref<16x128xf32, #tpu.memory_space<vmem_shared>>
      %dma_start3A_1939 = arith.constant 0 : i32
      %dma_start3A_1940 = tpu.memref_slice %arg12[%add3A_911, %dma_start3A_1939] : memref<10240x128xf32, #tpu.memory_space<vmem_shared>> -> memref<16x128xf32, #tpu.memory_space<vmem_shared>>
      tpu.enqueue_dma source(%arg11 : memref<16x128xf32, #tpu.memory_space<vmem>>) target(%dma_start3A_1940 : memref<16x128xf32, #tpu.memory_space<vmem_shared>>) target_semaphore(%run_scoped3A : memref<!tpu.dma_semaphore, #tpu.memory_space<semaphore_mem>>)
      %dma_wait3A_1941 = arith.constant 0 : i32
      %dma_wait3A_1942 = tpu.memref_slice %arg12[%add3A_911, %dma_wait3A_1941] : memref<10240x128xf32, #tpu.memory_space<vmem_shared>> -> memref<16x128xf32, #tpu.memory_space<vmem_shared>>
      %dma_wait3A_1943 = arith.constant 0 : i32
      %dma_wait3A_1944 = tpu.memref_slice %arg12[%add3A_911, %dma_wait3A_1943] : memref<10240x128xf32, #tpu.memory_space<vmem_shared>> -> memref<16x128xf32, #tpu.memory_space<vmem_shared>>
      tpu.wait_dma2 semaphore(%run_scoped3A : memref<!tpu.dma_semaphore, #tpu.memory_space<semaphore_mem>>) src(%arg11 : memref<16x128xf32, #tpu.memory_space<vmem>>) dst(%dma_wait3A_1944 : memref<16x128xf32, #tpu.memory_space<vmem_shared>>)
      tpu.yield
    }) : () -> ()
    %mul3A_912 = arith.constant 640 : i32
    %mul3A_913 = arith.muli %arg1, %mul3A_912 : i32
    %add3A_914 = arith.constant 240 : i32
    %add3A_915 = arith.addi %mul3A_913, %add3A_914 : i32
    "tpu.region"() ({
      %run_scoped3A = tpu.sem_alloc : memref<!tpu.dma_semaphore, #tpu.memory_space<semaphore_mem>>
      %dma_start3A_1937 = arith.constant 0 : i32
      %dma_start3A_1938 = tpu.memref_slice %arg12[%add3A_915, %dma_start3A_1937] : memref<10240x128xf32, #tpu.memory_space<vmem_shared>> -> memref<16x128xf32, #tpu.memory_space<vmem_shared>>
      %dma_start3A_1939 = arith.constant 0 : i32
      %dma_start3A_1940 = tpu.memref_slice %arg12[%add3A_915, %dma_start3A_1939] : memref<10240x128xf32, #tpu.memory_space<vmem_shared>> -> memref<16x128xf32, #tpu.memory_space<vmem_shared>>
      tpu.enqueue_dma source(%arg11 : memref<16x128xf32, #tpu.memory_space<vmem>>) target(%dma_start3A_1940 : memref<16x128xf32, #tpu.memory_space<vmem_shared>>) target_semaphore(%run_scoped3A : memref<!tpu.dma_semaphore, #tpu.memory_space<semaphore_mem>>)
      %dma_wait3A_1941 = arith.constant 0 : i32
      %dma_wait3A_1942 = tpu.memref_slice %arg12[%add3A_915, %dma_wait3A_1941] : memref<10240x128xf32, #tpu.memory_space<vmem_shared>> -> memref<16x128xf32, #tpu.memory_space<vmem_shared>>
      %dma_wait3A_1943 = arith.constant 0 : i32
      %dma_wait3A_1944 = tpu.memref_slice %arg12[%add3A_915, %dma_wait3A_1943] : memref<10240x128xf32, #tpu.memory_space<vmem_shared>> -> memref<16x128xf32, #tpu.memory_space<vmem_shared>>
      tpu.wait_dma2 semaphore(%run_scoped3A : memref<!tpu.dma_semaphore, #tpu.memory_space<semaphore_mem>>) src(%arg11 : memref<16x128xf32, #tpu.memory_space<vmem>>) dst(%dma_wait3A_1944 : memref<16x128xf32, #tpu.memory_space<vmem_shared>>)
      tpu.yield
    }) : () -> ()
    %mul3A_916 = arith.constant 640 : i32
    %mul3A_917 = arith.muli %arg1, %mul3A_916 : i32
    %add3A_918 = arith.constant 256 : i32
    %add3A_919 = arith.addi %mul3A_917, %add3A_918 : i32
    "tpu.region"() ({
      %run_scoped3A = tpu.sem_alloc : memref<!tpu.dma_semaphore, #tpu.memory_space<semaphore_mem>>
      %dma_start3A_1937 = arith.constant 0 : i32
      %dma_start3A_1938 = tpu.memref_slice %arg12[%add3A_919, %dma_start3A_1937] : memref<10240x128xf32, #tpu.memory_space<vmem_shared>> -> memref<16x128xf32, #tpu.memory_space<vmem_shared>>
      %dma_start3A_1939 = arith.constant 0 : i32
      %dma_start3A_1940 = tpu.memref_slice %arg12[%add3A_919, %dma_start3A_1939] : memref<10240x128xf32, #tpu.memory_space<vmem_shared>> -> memref<16x128xf32, #tpu.memory_space<vmem_shared>>
      tpu.enqueue_dma source(%arg11 : memref<16x128xf32, #tpu.memory_space<vmem>>) target(%dma_start3A_1940 : memref<16x128xf32, #tpu.memory_space<vmem_shared>>) target_semaphore(%run_scoped3A : memref<!tpu.dma_semaphore, #tpu.memory_space<semaphore_mem>>)
      %dma_wait3A_1941 = arith.constant 0 : i32
      %dma_wait3A_1942 = tpu.memref_slice %arg12[%add3A_919, %dma_wait3A_1941] : memref<10240x128xf32, #tpu.memory_space<vmem_shared>> -> memref<16x128xf32, #tpu.memory_space<vmem_shared>>
      %dma_wait3A_1943 = arith.constant 0 : i32
      %dma_wait3A_1944 = tpu.memref_slice %arg12[%add3A_919, %dma_wait3A_1943] : memref<10240x128xf32, #tpu.memory_space<vmem_shared>> -> memref<16x128xf32, #tpu.memory_space<vmem_shared>>
      tpu.wait_dma2 semaphore(%run_scoped3A : memref<!tpu.dma_semaphore, #tpu.memory_space<semaphore_mem>>) src(%arg11 : memref<16x128xf32, #tpu.memory_space<vmem>>) dst(%dma_wait3A_1944 : memref<16x128xf32, #tpu.memory_space<vmem_shared>>)
      tpu.yield
    }) : () -> ()
    %mul3A_920 = arith.constant 640 : i32
    %mul3A_921 = arith.muli %arg1, %mul3A_920 : i32
    %add3A_922 = arith.constant 272 : i32
    %add3A_923 = arith.addi %mul3A_921, %add3A_922 : i32
    "tpu.region"() ({
      %run_scoped3A = tpu.sem_alloc : memref<!tpu.dma_semaphore, #tpu.memory_space<semaphore_mem>>
      %dma_start3A_1937 = arith.constant 0 : i32
      %dma_start3A_1938 = tpu.memref_slice %arg12[%add3A_923, %dma_start3A_1937] : memref<10240x128xf32, #tpu.memory_space<vmem_shared>> -> memref<16x128xf32, #tpu.memory_space<vmem_shared>>
      %dma_start3A_1939 = arith.constant 0 : i32
      %dma_start3A_1940 = tpu.memref_slice %arg12[%add3A_923, %dma_start3A_1939] : memref<10240x128xf32, #tpu.memory_space<vmem_shared>> -> memref<16x128xf32, #tpu.memory_space<vmem_shared>>
      tpu.enqueue_dma source(%arg11 : memref<16x128xf32, #tpu.memory_space<vmem>>) target(%dma_start3A_1940 : memref<16x128xf32, #tpu.memory_space<vmem_shared>>) target_semaphore(%run_scoped3A : memref<!tpu.dma_semaphore, #tpu.memory_space<semaphore_mem>>)
      %dma_wait3A_1941 = arith.constant 0 : i32
      %dma_wait3A_1942 = tpu.memref_slice %arg12[%add3A_923, %dma_wait3A_1941] : memref<10240x128xf32, #tpu.memory_space<vmem_shared>> -> memref<16x128xf32, #tpu.memory_space<vmem_shared>>
      %dma_wait3A_1943 = arith.constant 0 : i32
      %dma_wait3A_1944 = tpu.memref_slice %arg12[%add3A_923, %dma_wait3A_1943] : memref<10240x128xf32, #tpu.memory_space<vmem_shared>> -> memref<16x128xf32, #tpu.memory_space<vmem_shared>>
      tpu.wait_dma2 semaphore(%run_scoped3A : memref<!tpu.dma_semaphore, #tpu.memory_space<semaphore_mem>>) src(%arg11 : memref<16x128xf32, #tpu.memory_space<vmem>>) dst(%dma_wait3A_1944 : memref<16x128xf32, #tpu.memory_space<vmem_shared>>)
      tpu.yield
    }) : () -> ()
    %mul3A_924 = arith.constant 640 : i32
    %mul3A_925 = arith.muli %arg1, %mul3A_924 : i32
    %add3A_926 = arith.constant 288 : i32
    %add3A_927 = arith.addi %mul3A_925, %add3A_926 : i32
    "tpu.region"() ({
      %run_scoped3A = tpu.sem_alloc : memref<!tpu.dma_semaphore, #tpu.memory_space<semaphore_mem>>
      %dma_start3A_1937 = arith.constant 0 : i32
      %dma_start3A_1938 = tpu.memref_slice %arg12[%add3A_927, %dma_start3A_1937] : memref<10240x128xf32, #tpu.memory_space<vmem_shared>> -> memref<16x128xf32, #tpu.memory_space<vmem_shared>>
      %dma_start3A_1939 = arith.constant 0 : i32
      %dma_start3A_1940 = tpu.memref_slice %arg12[%add3A_927, %dma_start3A_1939] : memref<10240x128xf32, #tpu.memory_space<vmem_shared>> -> memref<16x128xf32, #tpu.memory_space<vmem_shared>>
      tpu.enqueue_dma source(%arg11 : memref<16x128xf32, #tpu.memory_space<vmem>>) target(%dma_start3A_1940 : memref<16x128xf32, #tpu.memory_space<vmem_shared>>) target_semaphore(%run_scoped3A : memref<!tpu.dma_semaphore, #tpu.memory_space<semaphore_mem>>)
      %dma_wait3A_1941 = arith.constant 0 : i32
      %dma_wait3A_1942 = tpu.memref_slice %arg12[%add3A_927, %dma_wait3A_1941] : memref<10240x128xf32, #tpu.memory_space<vmem_shared>> -> memref<16x128xf32, #tpu.memory_space<vmem_shared>>
      %dma_wait3A_1943 = arith.constant 0 : i32
      %dma_wait3A_1944 = tpu.memref_slice %arg12[%add3A_927, %dma_wait3A_1943] : memref<10240x128xf32, #tpu.memory_space<vmem_shared>> -> memref<16x128xf32, #tpu.memory_space<vmem_shared>>
      tpu.wait_dma2 semaphore(%run_scoped3A : memref<!tpu.dma_semaphore, #tpu.memory_space<semaphore_mem>>) src(%arg11 : memref<16x128xf32, #tpu.memory_space<vmem>>) dst(%dma_wait3A_1944 : memref<16x128xf32, #tpu.memory_space<vmem_shared>>)
      tpu.yield
    }) : () -> ()
    %mul3A_928 = arith.constant 640 : i32
    %mul3A_929 = arith.muli %arg1, %mul3A_928 : i32
    %add3A_930 = arith.constant 304 : i32
    %add3A_931 = arith.addi %mul3A_929, %add3A_930 : i32
    "tpu.region"() ({
      %run_scoped3A = tpu.sem_alloc : memref<!tpu.dma_semaphore, #tpu.memory_space<semaphore_mem>>
      %dma_start3A_1937 = arith.constant 0 : i32
      %dma_start3A_1938 = tpu.memref_slice %arg12[%add3A_931, %dma_start3A_1937] : memref<10240x128xf32, #tpu.memory_space<vmem_shared>> -> memref<16x128xf32, #tpu.memory_space<vmem_shared>>
      %dma_start3A_1939 = arith.constant 0 : i32
      %dma_start3A_1940 = tpu.memref_slice %arg12[%add3A_931, %dma_start3A_1939] : memref<10240x128xf32, #tpu.memory_space<vmem_shared>> -> memref<16x128xf32, #tpu.memory_space<vmem_shared>>
      tpu.enqueue_dma source(%arg11 : memref<16x128xf32, #tpu.memory_space<vmem>>) target(%dma_start3A_1940 : memref<16x128xf32, #tpu.memory_space<vmem_shared>>) target_semaphore(%run_scoped3A : memref<!tpu.dma_semaphore, #tpu.memory_space<semaphore_mem>>)
      %dma_wait3A_1941 = arith.constant 0 : i32
      %dma_wait3A_1942 = tpu.memref_slice %arg12[%add3A_931, %dma_wait3A_1941] : memref<10240x128xf32, #tpu.memory_space<vmem_shared>> -> memref<16x128xf32, #tpu.memory_space<vmem_shared>>
      %dma_wait3A_1943 = arith.constant 0 : i32
      %dma_wait3A_1944 = tpu.memref_slice %arg12[%add3A_931, %dma_wait3A_1943] : memref<10240x128xf32, #tpu.memory_space<vmem_shared>> -> memref<16x128xf32, #tpu.memory_space<vmem_shared>>
      tpu.wait_dma2 semaphore(%run_scoped3A : memref<!tpu.dma_semaphore, #tpu.memory_space<semaphore_mem>>) src(%arg11 : memref<16x128xf32, #tpu.memory_space<vmem>>) dst(%dma_wait3A_1944 : memref<16x128xf32, #tpu.memory_space<vmem_shared>>)
      tpu.yield
    }) : () -> ()
    %mul3A_932 = arith.constant 640 : i32
    %mul3A_933 = arith.muli %arg1, %mul3A_932 : i32
    %add3A_934 = arith.constant 320 : i32
    %add3A_935 = arith.addi %mul3A_933, %add3A_934 : i32
    "tpu.region"() ({
      %run_scoped3A = tpu.sem_alloc : memref<!tpu.dma_semaphore, #tpu.memory_space<semaphore_mem>>
      %dma_start3A_1937 = arith.constant 0 : i32
      %dma_start3A_1938 = tpu.memref_slice %arg12[%add3A_935, %dma_start3A_1937] : memref<10240x128xf32, #tpu.memory_space<vmem_shared>> -> memref<16x128xf32, #tpu.memory_space<vmem_shared>>
      %dma_start3A_1939 = arith.constant 0 : i32
      %dma_start3A_1940 = tpu.memref_slice %arg12[%add3A_935, %dma_start3A_1939] : memref<10240x128xf32, #tpu.memory_space<vmem_shared>> -> memref<16x128xf32, #tpu.memory_space<vmem_shared>>
      tpu.enqueue_dma source(%arg11 : memref<16x128xf32, #tpu.memory_space<vmem>>) target(%dma_start3A_1940 : memref<16x128xf32, #tpu.memory_space<vmem_shared>>) target_semaphore(%run_scoped3A : memref<!tpu.dma_semaphore, #tpu.memory_space<semaphore_mem>>)
      %dma_wait3A_1941 = arith.constant 0 : i32
      %dma_wait3A_1942 = tpu.memref_slice %arg12[%add3A_935, %dma_wait3A_1941] : memref<10240x128xf32, #tpu.memory_space<vmem_shared>> -> memref<16x128xf32, #tpu.memory_space<vmem_shared>>
      %dma_wait3A_1943 = arith.constant 0 : i32
      %dma_wait3A_1944 = tpu.memref_slice %arg12[%add3A_935, %dma_wait3A_1943] : memref<10240x128xf32, #tpu.memory_space<vmem_shared>> -> memref<16x128xf32, #tpu.memory_space<vmem_shared>>
      tpu.wait_dma2 semaphore(%run_scoped3A : memref<!tpu.dma_semaphore, #tpu.memory_space<semaphore_mem>>) src(%arg11 : memref<16x128xf32, #tpu.memory_space<vmem>>) dst(%dma_wait3A_1944 : memref<16x128xf32, #tpu.memory_space<vmem_shared>>)
      tpu.yield
    }) : () -> ()
    %mul3A_936 = arith.constant 640 : i32
    %mul3A_937 = arith.muli %arg1, %mul3A_936 : i32
    %add3A_938 = arith.constant 336 : i32
    %add3A_939 = arith.addi %mul3A_937, %add3A_938 : i32
    "tpu.region"() ({
      %run_scoped3A = tpu.sem_alloc : memref<!tpu.dma_semaphore, #tpu.memory_space<semaphore_mem>>
      %dma_start3A_1937 = arith.constant 0 : i32
      %dma_start3A_1938 = tpu.memref_slice %arg12[%add3A_939, %dma_start3A_1937] : memref<10240x128xf32, #tpu.memory_space<vmem_shared>> -> memref<16x128xf32, #tpu.memory_space<vmem_shared>>
      %dma_start3A_1939 = arith.constant 0 : i32
      %dma_start3A_1940 = tpu.memref_slice %arg12[%add3A_939, %dma_start3A_1939] : memref<10240x128xf32, #tpu.memory_space<vmem_shared>> -> memref<16x128xf32, #tpu.memory_space<vmem_shared>>
      tpu.enqueue_dma source(%arg11 : memref<16x128xf32, #tpu.memory_space<vmem>>) target(%dma_start3A_1940 : memref<16x128xf32, #tpu.memory_space<vmem_shared>>) target_semaphore(%run_scoped3A : memref<!tpu.dma_semaphore, #tpu.memory_space<semaphore_mem>>)
      %dma_wait3A_1941 = arith.constant 0 : i32
      %dma_wait3A_1942 = tpu.memref_slice %arg12[%add3A_939, %dma_wait3A_1941] : memref<10240x128xf32, #tpu.memory_space<vmem_shared>> -> memref<16x128xf32, #tpu.memory_space<vmem_shared>>
      %dma_wait3A_1943 = arith.constant 0 : i32
      %dma_wait3A_1944 = tpu.memref_slice %arg12[%add3A_939, %dma_wait3A_1943] : memref<10240x128xf32, #tpu.memory_space<vmem_shared>> -> memref<16x128xf32, #tpu.memory_space<vmem_shared>>
      tpu.wait_dma2 semaphore(%run_scoped3A : memref<!tpu.dma_semaphore, #tpu.memory_space<semaphore_mem>>) src(%arg11 : memref<16x128xf32, #tpu.memory_space<vmem>>) dst(%dma_wait3A_1944 : memref<16x128xf32, #tpu.memory_space<vmem_shared>>)
      tpu.yield
    }) : () -> ()
    %mul3A_940 = arith.constant 640 : i32
    %mul3A_941 = arith.muli %arg1, %mul3A_940 : i32
    %add3A_942 = arith.constant 352 : i32
    %add3A_943 = arith.addi %mul3A_941, %add3A_942 : i32
    "tpu.region"() ({
      %run_scoped3A = tpu.sem_alloc : memref<!tpu.dma_semaphore, #tpu.memory_space<semaphore_mem>>
      %dma_start3A_1937 = arith.constant 0 : i32
      %dma_start3A_1938 = tpu.memref_slice %arg12[%add3A_943, %dma_start3A_1937] : memref<10240x128xf32, #tpu.memory_space<vmem_shared>> -> memref<16x128xf32, #tpu.memory_space<vmem_shared>>
      %dma_start3A_1939 = arith.constant 0 : i32
      %dma_start3A_1940 = tpu.memref_slice %arg12[%add3A_943, %dma_start3A_1939] : memref<10240x128xf32, #tpu.memory_space<vmem_shared>> -> memref<16x128xf32, #tpu.memory_space<vmem_shared>>
      tpu.enqueue_dma source(%arg11 : memref<16x128xf32, #tpu.memory_space<vmem>>) target(%dma_start3A_1940 : memref<16x128xf32, #tpu.memory_space<vmem_shared>>) target_semaphore(%run_scoped3A : memref<!tpu.dma_semaphore, #tpu.memory_space<semaphore_mem>>)
      %dma_wait3A_1941 = arith.constant 0 : i32
      %dma_wait3A_1942 = tpu.memref_slice %arg12[%add3A_943, %dma_wait3A_1941] : memref<10240x128xf32, #tpu.memory_space<vmem_shared>> -> memref<16x128xf32, #tpu.memory_space<vmem_shared>>
      %dma_wait3A_1943 = arith.constant 0 : i32
      %dma_wait3A_1944 = tpu.memref_slice %arg12[%add3A_943, %dma_wait3A_1943] : memref<10240x128xf32, #tpu.memory_space<vmem_shared>> -> memref<16x128xf32, #tpu.memory_space<vmem_shared>>
      tpu.wait_dma2 semaphore(%run_scoped3A : memref<!tpu.dma_semaphore, #tpu.memory_space<semaphore_mem>>) src(%arg11 : memref<16x128xf32, #tpu.memory_space<vmem>>) dst(%dma_wait3A_1944 : memref<16x128xf32, #tpu.memory_space<vmem_shared>>)
      tpu.yield
    }) : () -> ()
    %mul3A_944 = arith.constant 640 : i32
    %mul3A_945 = arith.muli %arg1, %mul3A_944 : i32
    %add3A_946 = arith.constant 368 : i32
    %add3A_947 = arith.addi %mul3A_945, %add3A_946 : i32
    "tpu.region"() ({
      %run_scoped3A = tpu.sem_alloc : memref<!tpu.dma_semaphore, #tpu.memory_space<semaphore_mem>>
      %dma_start3A_1937 = arith.constant 0 : i32
      %dma_start3A_1938 = tpu.memref_slice %arg12[%add3A_947, %dma_start3A_1937] : memref<10240x128xf32, #tpu.memory_space<vmem_shared>> -> memref<16x128xf32, #tpu.memory_space<vmem_shared>>
      %dma_start3A_1939 = arith.constant 0 : i32
      %dma_start3A_1940 = tpu.memref_slice %arg12[%add3A_947, %dma_start3A_1939] : memref<10240x128xf32, #tpu.memory_space<vmem_shared>> -> memref<16x128xf32, #tpu.memory_space<vmem_shared>>
      tpu.enqueue_dma source(%arg11 : memref<16x128xf32, #tpu.memory_space<vmem>>) target(%dma_start3A_1940 : memref<16x128xf32, #tpu.memory_space<vmem_shared>>) target_semaphore(%run_scoped3A : memref<!tpu.dma_semaphore, #tpu.memory_space<semaphore_mem>>)
      %dma_wait3A_1941 = arith.constant 0 : i32
      %dma_wait3A_1942 = tpu.memref_slice %arg12[%add3A_947, %dma_wait3A_1941] : memref<10240x128xf32, #tpu.memory_space<vmem_shared>> -> memref<16x128xf32, #tpu.memory_space<vmem_shared>>
      %dma_wait3A_1943 = arith.constant 0 : i32
      %dma_wait3A_1944 = tpu.memref_slice %arg12[%add3A_947, %dma_wait3A_1943] : memref<10240x128xf32, #tpu.memory_space<vmem_shared>> -> memref<16x128xf32, #tpu.memory_space<vmem_shared>>
      tpu.wait_dma2 semaphore(%run_scoped3A : memref<!tpu.dma_semaphore, #tpu.memory_space<semaphore_mem>>) src(%arg11 : memref<16x128xf32, #tpu.memory_space<vmem>>) dst(%dma_wait3A_1944 : memref<16x128xf32, #tpu.memory_space<vmem_shared>>)
      tpu.yield
    }) : () -> ()
    %mul3A_948 = arith.constant 640 : i32
    %mul3A_949 = arith.muli %arg1, %mul3A_948 : i32
    %add3A_950 = arith.constant 384 : i32
    %add3A_951 = arith.addi %mul3A_949, %add3A_950 : i32
    "tpu.region"() ({
      %run_scoped3A = tpu.sem_alloc : memref<!tpu.dma_semaphore, #tpu.memory_space<semaphore_mem>>
      %dma_start3A_1937 = arith.constant 0 : i32
      %dma_start3A_1938 = tpu.memref_slice %arg12[%add3A_951, %dma_start3A_1937] : memref<10240x128xf32, #tpu.memory_space<vmem_shared>> -> memref<16x128xf32, #tpu.memory_space<vmem_shared>>
      %dma_start3A_1939 = arith.constant 0 : i32
      %dma_start3A_1940 = tpu.memref_slice %arg12[%add3A_951, %dma_start3A_1939] : memref<10240x128xf32, #tpu.memory_space<vmem_shared>> -> memref<16x128xf32, #tpu.memory_space<vmem_shared>>
      tpu.enqueue_dma source(%arg11 : memref<16x128xf32, #tpu.memory_space<vmem>>) target(%dma_start3A_1940 : memref<16x128xf32, #tpu.memory_space<vmem_shared>>) target_semaphore(%run_scoped3A : memref<!tpu.dma_semaphore, #tpu.memory_space<semaphore_mem>>)
      %dma_wait3A_1941 = arith.constant 0 : i32
      %dma_wait3A_1942 = tpu.memref_slice %arg12[%add3A_951, %dma_wait3A_1941] : memref<10240x128xf32, #tpu.memory_space<vmem_shared>> -> memref<16x128xf32, #tpu.memory_space<vmem_shared>>
      %dma_wait3A_1943 = arith.constant 0 : i32
      %dma_wait3A_1944 = tpu.memref_slice %arg12[%add3A_951, %dma_wait3A_1943] : memref<10240x128xf32, #tpu.memory_space<vmem_shared>> -> memref<16x128xf32, #tpu.memory_space<vmem_shared>>
      tpu.wait_dma2 semaphore(%run_scoped3A : memref<!tpu.dma_semaphore, #tpu.memory_space<semaphore_mem>>) src(%arg11 : memref<16x128xf32, #tpu.memory_space<vmem>>) dst(%dma_wait3A_1944 : memref<16x128xf32, #tpu.memory_space<vmem_shared>>)
      tpu.yield
    }) : () -> ()
    %mul3A_952 = arith.constant 640 : i32
    %mul3A_953 = arith.muli %arg1, %mul3A_952 : i32
    %add3A_954 = arith.constant 400 : i32
    %add3A_955 = arith.addi %mul3A_953, %add3A_954 : i32
    "tpu.region"() ({
      %run_scoped3A = tpu.sem_alloc : memref<!tpu.dma_semaphore, #tpu.memory_space<semaphore_mem>>
      %dma_start3A_1937 = arith.constant 0 : i32
      %dma_start3A_1938 = tpu.memref_slice %arg12[%add3A_955, %dma_start3A_1937] : memref<10240x128xf32, #tpu.memory_space<vmem_shared>> -> memref<16x128xf32, #tpu.memory_space<vmem_shared>>
      %dma_start3A_1939 = arith.constant 0 : i32
      %dma_start3A_1940 = tpu.memref_slice %arg12[%add3A_955, %dma_start3A_1939] : memref<10240x128xf32, #tpu.memory_space<vmem_shared>> -> memref<16x128xf32, #tpu.memory_space<vmem_shared>>
      tpu.enqueue_dma source(%arg11 : memref<16x128xf32, #tpu.memory_space<vmem>>) target(%dma_start3A_1940 : memref<16x128xf32, #tpu.memory_space<vmem_shared>>) target_semaphore(%run_scoped3A : memref<!tpu.dma_semaphore, #tpu.memory_space<semaphore_mem>>)
      %dma_wait3A_1941 = arith.constant 0 : i32
      %dma_wait3A_1942 = tpu.memref_slice %arg12[%add3A_955, %dma_wait3A_1941] : memref<10240x128xf32, #tpu.memory_space<vmem_shared>> -> memref<16x128xf32, #tpu.memory_space<vmem_shared>>
      %dma_wait3A_1943 = arith.constant 0 : i32
      %dma_wait3A_1944 = tpu.memref_slice %arg12[%add3A_955, %dma_wait3A_1943] : memref<10240x128xf32, #tpu.memory_space<vmem_shared>> -> memref<16x128xf32, #tpu.memory_space<vmem_shared>>
      tpu.wait_dma2 semaphore(%run_scoped3A : memref<!tpu.dma_semaphore, #tpu.memory_space<semaphore_mem>>) src(%arg11 : memref<16x128xf32, #tpu.memory_space<vmem>>) dst(%dma_wait3A_1944 : memref<16x128xf32, #tpu.memory_space<vmem_shared>>)
      tpu.yield
    }) : () -> ()
    %mul3A_956 = arith.constant 640 : i32
    %mul3A_957 = arith.muli %arg1, %mul3A_956 : i32
    %add3A_958 = arith.constant 416 : i32
    %add3A_959 = arith.addi %mul3A_957, %add3A_958 : i32
    "tpu.region"() ({
      %run_scoped3A = tpu.sem_alloc : memref<!tpu.dma_semaphore, #tpu.memory_space<semaphore_mem>>
      %dma_start3A_1937 = arith.constant 0 : i32
      %dma_start3A_1938 = tpu.memref_slice %arg12[%add3A_959, %dma_start3A_1937] : memref<10240x128xf32, #tpu.memory_space<vmem_shared>> -> memref<16x128xf32, #tpu.memory_space<vmem_shared>>
      %dma_start3A_1939 = arith.constant 0 : i32
      %dma_start3A_1940 = tpu.memref_slice %arg12[%add3A_959, %dma_start3A_1939] : memref<10240x128xf32, #tpu.memory_space<vmem_shared>> -> memref<16x128xf32, #tpu.memory_space<vmem_shared>>
      tpu.enqueue_dma source(%arg11 : memref<16x128xf32, #tpu.memory_space<vmem>>) target(%dma_start3A_1940 : memref<16x128xf32, #tpu.memory_space<vmem_shared>>) target_semaphore(%run_scoped3A : memref<!tpu.dma_semaphore, #tpu.memory_space<semaphore_mem>>)
      %dma_wait3A_1941 = arith.constant 0 : i32
      %dma_wait3A_1942 = tpu.memref_slice %arg12[%add3A_959, %dma_wait3A_1941] : memref<10240x128xf32, #tpu.memory_space<vmem_shared>> -> memref<16x128xf32, #tpu.memory_space<vmem_shared>>
      %dma_wait3A_1943 = arith.constant 0 : i32
      %dma_wait3A_1944 = tpu.memref_slice %arg12[%add3A_959, %dma_wait3A_1943] : memref<10240x128xf32, #tpu.memory_space<vmem_shared>> -> memref<16x128xf32, #tpu.memory_space<vmem_shared>>
      tpu.wait_dma2 semaphore(%run_scoped3A : memref<!tpu.dma_semaphore, #tpu.memory_space<semaphore_mem>>) src(%arg11 : memref<16x128xf32, #tpu.memory_space<vmem>>) dst(%dma_wait3A_1944 : memref<16x128xf32, #tpu.memory_space<vmem_shared>>)
      tpu.yield
    }) : () -> ()
    %mul3A_960 = arith.constant 640 : i32
    %mul3A_961 = arith.muli %arg1, %mul3A_960 : i32
    %add3A_962 = arith.constant 432 : i32
    %add3A_963 = arith.addi %mul3A_961, %add3A_962 : i32
    "tpu.region"() ({
      %run_scoped3A = tpu.sem_alloc : memref<!tpu.dma_semaphore, #tpu.memory_space<semaphore_mem>>
      %dma_start3A_1937 = arith.constant 0 : i32
      %dma_start3A_1938 = tpu.memref_slice %arg12[%add3A_963, %dma_start3A_1937] : memref<10240x128xf32, #tpu.memory_space<vmem_shared>> -> memref<16x128xf32, #tpu.memory_space<vmem_shared>>
      %dma_start3A_1939 = arith.constant 0 : i32
      %dma_start3A_1940 = tpu.memref_slice %arg12[%add3A_963, %dma_start3A_1939] : memref<10240x128xf32, #tpu.memory_space<vmem_shared>> -> memref<16x128xf32, #tpu.memory_space<vmem_shared>>
      tpu.enqueue_dma source(%arg11 : memref<16x128xf32, #tpu.memory_space<vmem>>) target(%dma_start3A_1940 : memref<16x128xf32, #tpu.memory_space<vmem_shared>>) target_semaphore(%run_scoped3A : memref<!tpu.dma_semaphore, #tpu.memory_space<semaphore_mem>>)
      %dma_wait3A_1941 = arith.constant 0 : i32
      %dma_wait3A_1942 = tpu.memref_slice %arg12[%add3A_963, %dma_wait3A_1941] : memref<10240x128xf32, #tpu.memory_space<vmem_shared>> -> memref<16x128xf32, #tpu.memory_space<vmem_shared>>
      %dma_wait3A_1943 = arith.constant 0 : i32
      %dma_wait3A_1944 = tpu.memref_slice %arg12[%add3A_963, %dma_wait3A_1943] : memref<10240x128xf32, #tpu.memory_space<vmem_shared>> -> memref<16x128xf32, #tpu.memory_space<vmem_shared>>
      tpu.wait_dma2 semaphore(%run_scoped3A : memref<!tpu.dma_semaphore, #tpu.memory_space<semaphore_mem>>) src(%arg11 : memref<16x128xf32, #tpu.memory_space<vmem>>) dst(%dma_wait3A_1944 : memref<16x128xf32, #tpu.memory_space<vmem_shared>>)
      tpu.yield
    }) : () -> ()
    %mul3A_964 = arith.constant 640 : i32
    %mul3A_965 = arith.muli %arg1, %mul3A_964 : i32
    %add3A_966 = arith.constant 448 : i32
    %add3A_967 = arith.addi %mul3A_965, %add3A_966 : i32
    "tpu.region"() ({
      %run_scoped3A = tpu.sem_alloc : memref<!tpu.dma_semaphore, #tpu.memory_space<semaphore_mem>>
      %dma_start3A_1937 = arith.constant 0 : i32
      %dma_start3A_1938 = tpu.memref_slice %arg12[%add3A_967, %dma_start3A_1937] : memref<10240x128xf32, #tpu.memory_space<vmem_shared>> -> memref<16x128xf32, #tpu.memory_space<vmem_shared>>
      %dma_start3A_1939 = arith.constant 0 : i32
      %dma_start3A_1940 = tpu.memref_slice %arg12[%add3A_967, %dma_start3A_1939] : memref<10240x128xf32, #tpu.memory_space<vmem_shared>> -> memref<16x128xf32, #tpu.memory_space<vmem_shared>>
      tpu.enqueue_dma source(%arg11 : memref<16x128xf32, #tpu.memory_space<vmem>>) target(%dma_start3A_1940 : memref<16x128xf32, #tpu.memory_space<vmem_shared>>) target_semaphore(%run_scoped3A : memref<!tpu.dma_semaphore, #tpu.memory_space<semaphore_mem>>)
      %dma_wait3A_1941 = arith.constant 0 : i32
      %dma_wait3A_1942 = tpu.memref_slice %arg12[%add3A_967, %dma_wait3A_1941] : memref<10240x128xf32, #tpu.memory_space<vmem_shared>> -> memref<16x128xf32, #tpu.memory_space<vmem_shared>>
      %dma_wait3A_1943 = arith.constant 0 : i32
      %dma_wait3A_1944 = tpu.memref_slice %arg12[%add3A_967, %dma_wait3A_1943] : memref<10240x128xf32, #tpu.memory_space<vmem_shared>> -> memref<16x128xf32, #tpu.memory_space<vmem_shared>>
      tpu.wait_dma2 semaphore(%run_scoped3A : memref<!tpu.dma_semaphore, #tpu.memory_space<semaphore_mem>>) src(%arg11 : memref<16x128xf32, #tpu.memory_space<vmem>>) dst(%dma_wait3A_1944 : memref<16x128xf32, #tpu.memory_space<vmem_shared>>)
      tpu.yield
    }) : () -> ()
    %mul3A_968 = arith.constant 640 : i32
    %mul3A_969 = arith.muli %arg1, %mul3A_968 : i32
    %add3A_970 = arith.constant 464 : i32
    %add3A_971 = arith.addi %mul3A_969, %add3A_970 : i32
    "tpu.region"() ({
      %run_scoped3A = tpu.sem_alloc : memref<!tpu.dma_semaphore, #tpu.memory_space<semaphore_mem>>
      %dma_start3A_1937 = arith.constant 0 : i32
      %dma_start3A_1938 = tpu.memref_slice %arg12[%add3A_971, %dma_start3A_1937] : memref<10240x128xf32, #tpu.memory_space<vmem_shared>> -> memref<16x128xf32, #tpu.memory_space<vmem_shared>>
      %dma_start3A_1939 = arith.constant 0 : i32
      %dma_start3A_1940 = tpu.memref_slice %arg12[%add3A_971, %dma_start3A_1939] : memref<10240x128xf32, #tpu.memory_space<vmem_shared>> -> memref<16x128xf32, #tpu.memory_space<vmem_shared>>
      tpu.enqueue_dma source(%arg11 : memref<16x128xf32, #tpu.memory_space<vmem>>) target(%dma_start3A_1940 : memref<16x128xf32, #tpu.memory_space<vmem_shared>>) target_semaphore(%run_scoped3A : memref<!tpu.dma_semaphore, #tpu.memory_space<semaphore_mem>>)
      %dma_wait3A_1941 = arith.constant 0 : i32
      %dma_wait3A_1942 = tpu.memref_slice %arg12[%add3A_971, %dma_wait3A_1941] : memref<10240x128xf32, #tpu.memory_space<vmem_shared>> -> memref<16x128xf32, #tpu.memory_space<vmem_shared>>
      %dma_wait3A_1943 = arith.constant 0 : i32
      %dma_wait3A_1944 = tpu.memref_slice %arg12[%add3A_971, %dma_wait3A_1943] : memref<10240x128xf32, #tpu.memory_space<vmem_shared>> -> memref<16x128xf32, #tpu.memory_space<vmem_shared>>
      tpu.wait_dma2 semaphore(%run_scoped3A : memref<!tpu.dma_semaphore, #tpu.memory_space<semaphore_mem>>) src(%arg11 : memref<16x128xf32, #tpu.memory_space<vmem>>) dst(%dma_wait3A_1944 : memref<16x128xf32, #tpu.memory_space<vmem_shared>>)
      tpu.yield
    }) : () -> ()
    %mul3A_972 = arith.constant 640 : i32
    %mul3A_973 = arith.muli %arg1, %mul3A_972 : i32
    %add3A_974 = arith.constant 480 : i32
    %add3A_975 = arith.addi %mul3A_973, %add3A_974 : i32
    "tpu.region"() ({
      %run_scoped3A = tpu.sem_alloc : memref<!tpu.dma_semaphore, #tpu.memory_space<semaphore_mem>>
      %dma_start3A_1937 = arith.constant 0 : i32
      %dma_start3A_1938 = tpu.memref_slice %arg12[%add3A_975, %dma_start3A_1937] : memref<10240x128xf32, #tpu.memory_space<vmem_shared>> -> memref<16x128xf32, #tpu.memory_space<vmem_shared>>
      %dma_start3A_1939 = arith.constant 0 : i32
      %dma_start3A_1940 = tpu.memref_slice %arg12[%add3A_975, %dma_start3A_1939] : memref<10240x128xf32, #tpu.memory_space<vmem_shared>> -> memref<16x128xf32, #tpu.memory_space<vmem_shared>>
      tpu.enqueue_dma source(%arg11 : memref<16x128xf32, #tpu.memory_space<vmem>>) target(%dma_start3A_1940 : memref<16x128xf32, #tpu.memory_space<vmem_shared>>) target_semaphore(%run_scoped3A : memref<!tpu.dma_semaphore, #tpu.memory_space<semaphore_mem>>)
      %dma_wait3A_1941 = arith.constant 0 : i32
      %dma_wait3A_1942 = tpu.memref_slice %arg12[%add3A_975, %dma_wait3A_1941] : memref<10240x128xf32, #tpu.memory_space<vmem_shared>> -> memref<16x128xf32, #tpu.memory_space<vmem_shared>>
      %dma_wait3A_1943 = arith.constant 0 : i32
      %dma_wait3A_1944 = tpu.memref_slice %arg12[%add3A_975, %dma_wait3A_1943] : memref<10240x128xf32, #tpu.memory_space<vmem_shared>> -> memref<16x128xf32, #tpu.memory_space<vmem_shared>>
      tpu.wait_dma2 semaphore(%run_scoped3A : memref<!tpu.dma_semaphore, #tpu.memory_space<semaphore_mem>>) src(%arg11 : memref<16x128xf32, #tpu.memory_space<vmem>>) dst(%dma_wait3A_1944 : memref<16x128xf32, #tpu.memory_space<vmem_shared>>)
      tpu.yield
    }) : () -> ()
    %mul3A_976 = arith.constant 640 : i32
    %mul3A_977 = arith.muli %arg1, %mul3A_976 : i32
    %add3A_978 = arith.constant 496 : i32
    %add3A_979 = arith.addi %mul3A_977, %add3A_978 : i32
    "tpu.region"() ({
      %run_scoped3A = tpu.sem_alloc : memref<!tpu.dma_semaphore, #tpu.memory_space<semaphore_mem>>
      %dma_start3A_1937 = arith.constant 0 : i32
      %dma_start3A_1938 = tpu.memref_slice %arg12[%add3A_979, %dma_start3A_1937] : memref<10240x128xf32, #tpu.memory_space<vmem_shared>> -> memref<16x128xf32, #tpu.memory_space<vmem_shared>>
      %dma_start3A_1939 = arith.constant 0 : i32
      %dma_start3A_1940 = tpu.memref_slice %arg12[%add3A_979, %dma_start3A_1939] : memref<10240x128xf32, #tpu.memory_space<vmem_shared>> -> memref<16x128xf32, #tpu.memory_space<vmem_shared>>
      tpu.enqueue_dma source(%arg11 : memref<16x128xf32, #tpu.memory_space<vmem>>) target(%dma_start3A_1940 : memref<16x128xf32, #tpu.memory_space<vmem_shared>>) target_semaphore(%run_scoped3A : memref<!tpu.dma_semaphore, #tpu.memory_space<semaphore_mem>>)
      %dma_wait3A_1941 = arith.constant 0 : i32
      %dma_wait3A_1942 = tpu.memref_slice %arg12[%add3A_979, %dma_wait3A_1941] : memref<10240x128xf32, #tpu.memory_space<vmem_shared>> -> memref<16x128xf32, #tpu.memory_space<vmem_shared>>
      %dma_wait3A_1943 = arith.constant 0 : i32
      %dma_wait3A_1944 = tpu.memref_slice %arg12[%add3A_979, %dma_wait3A_1943] : memref<10240x128xf32, #tpu.memory_space<vmem_shared>> -> memref<16x128xf32, #tpu.memory_space<vmem_shared>>
      tpu.wait_dma2 semaphore(%run_scoped3A : memref<!tpu.dma_semaphore, #tpu.memory_space<semaphore_mem>>) src(%arg11 : memref<16x128xf32, #tpu.memory_space<vmem>>) dst(%dma_wait3A_1944 : memref<16x128xf32, #tpu.memory_space<vmem_shared>>)
      tpu.yield
    }) : () -> ()
    %mul3A_980 = arith.constant 640 : i32
    %mul3A_981 = arith.muli %arg1, %mul3A_980 : i32
    %add3A_982 = arith.constant 512 : i32
    %add3A_983 = arith.addi %mul3A_981, %add3A_982 : i32
    "tpu.region"() ({
      %run_scoped3A = tpu.sem_alloc : memref<!tpu.dma_semaphore, #tpu.memory_space<semaphore_mem>>
      %dma_start3A_1937 = arith.constant 0 : i32
      %dma_start3A_1938 = tpu.memref_slice %arg12[%add3A_983, %dma_start3A_1937] : memref<10240x128xf32, #tpu.memory_space<vmem_shared>> -> memref<16x128xf32, #tpu.memory_space<vmem_shared>>
      %dma_start3A_1939 = arith.constant 0 : i32
      %dma_start3A_1940 = tpu.memref_slice %arg12[%add3A_983, %dma_start3A_1939] : memref<10240x128xf32, #tpu.memory_space<vmem_shared>> -> memref<16x128xf32, #tpu.memory_space<vmem_shared>>
      tpu.enqueue_dma source(%arg11 : memref<16x128xf32, #tpu.memory_space<vmem>>) target(%dma_start3A_1940 : memref<16x128xf32, #tpu.memory_space<vmem_shared>>) target_semaphore(%run_scoped3A : memref<!tpu.dma_semaphore, #tpu.memory_space<semaphore_mem>>)
      %dma_wait3A_1941 = arith.constant 0 : i32
      %dma_wait3A_1942 = tpu.memref_slice %arg12[%add3A_983, %dma_wait3A_1941] : memref<10240x128xf32, #tpu.memory_space<vmem_shared>> -> memref<16x128xf32, #tpu.memory_space<vmem_shared>>
      %dma_wait3A_1943 = arith.constant 0 : i32
      %dma_wait3A_1944 = tpu.memref_slice %arg12[%add3A_983, %dma_wait3A_1943] : memref<10240x128xf32, #tpu.memory_space<vmem_shared>> -> memref<16x128xf32, #tpu.memory_space<vmem_shared>>
      tpu.wait_dma2 semaphore(%run_scoped3A : memref<!tpu.dma_semaphore, #tpu.memory_space<semaphore_mem>>) src(%arg11 : memref<16x128xf32, #tpu.memory_space<vmem>>) dst(%dma_wait3A_1944 : memref<16x128xf32, #tpu.memory_space<vmem_shared>>)
      tpu.yield
    }) : () -> ()
    %mul3A_984 = arith.constant 640 : i32
    %mul3A_985 = arith.muli %arg1, %mul3A_984 : i32
    %add3A_986 = arith.constant 528 : i32
    %add3A_987 = arith.addi %mul3A_985, %add3A_986 : i32
    "tpu.region"() ({
      %run_scoped3A = tpu.sem_alloc : memref<!tpu.dma_semaphore, #tpu.memory_space<semaphore_mem>>
      %dma_start3A_1937 = arith.constant 0 : i32
      %dma_start3A_1938 = tpu.memref_slice %arg12[%add3A_987, %dma_start3A_1937] : memref<10240x128xf32, #tpu.memory_space<vmem_shared>> -> memref<16x128xf32, #tpu.memory_space<vmem_shared>>
      %dma_start3A_1939 = arith.constant 0 : i32
      %dma_start3A_1940 = tpu.memref_slice %arg12[%add3A_987, %dma_start3A_1939] : memref<10240x128xf32, #tpu.memory_space<vmem_shared>> -> memref<16x128xf32, #tpu.memory_space<vmem_shared>>
      tpu.enqueue_dma source(%arg11 : memref<16x128xf32, #tpu.memory_space<vmem>>) target(%dma_start3A_1940 : memref<16x128xf32, #tpu.memory_space<vmem_shared>>) target_semaphore(%run_scoped3A : memref<!tpu.dma_semaphore, #tpu.memory_space<semaphore_mem>>)
      %dma_wait3A_1941 = arith.constant 0 : i32
      %dma_wait3A_1942 = tpu.memref_slice %arg12[%add3A_987, %dma_wait3A_1941] : memref<10240x128xf32, #tpu.memory_space<vmem_shared>> -> memref<16x128xf32, #tpu.memory_space<vmem_shared>>
      %dma_wait3A_1943 = arith.constant 0 : i32
      %dma_wait3A_1944 = tpu.memref_slice %arg12[%add3A_987, %dma_wait3A_1943] : memref<10240x128xf32, #tpu.memory_space<vmem_shared>> -> memref<16x128xf32, #tpu.memory_space<vmem_shared>>
      tpu.wait_dma2 semaphore(%run_scoped3A : memref<!tpu.dma_semaphore, #tpu.memory_space<semaphore_mem>>) src(%arg11 : memref<16x128xf32, #tpu.memory_space<vmem>>) dst(%dma_wait3A_1944 : memref<16x128xf32, #tpu.memory_space<vmem_shared>>)
      tpu.yield
    }) : () -> ()
    %mul3A_988 = arith.constant 640 : i32
    %mul3A_989 = arith.muli %arg1, %mul3A_988 : i32
    %add3A_990 = arith.constant 544 : i32
    %add3A_991 = arith.addi %mul3A_989, %add3A_990 : i32
    "tpu.region"() ({
      %run_scoped3A = tpu.sem_alloc : memref<!tpu.dma_semaphore, #tpu.memory_space<semaphore_mem>>
      %dma_start3A_1937 = arith.constant 0 : i32
      %dma_start3A_1938 = tpu.memref_slice %arg12[%add3A_991, %dma_start3A_1937] : memref<10240x128xf32, #tpu.memory_space<vmem_shared>> -> memref<16x128xf32, #tpu.memory_space<vmem_shared>>
      %dma_start3A_1939 = arith.constant 0 : i32
      %dma_start3A_1940 = tpu.memref_slice %arg12[%add3A_991, %dma_start3A_1939] : memref<10240x128xf32, #tpu.memory_space<vmem_shared>> -> memref<16x128xf32, #tpu.memory_space<vmem_shared>>
      tpu.enqueue_dma source(%arg11 : memref<16x128xf32, #tpu.memory_space<vmem>>) target(%dma_start3A_1940 : memref<16x128xf32, #tpu.memory_space<vmem_shared>>) target_semaphore(%run_scoped3A : memref<!tpu.dma_semaphore, #tpu.memory_space<semaphore_mem>>)
      %dma_wait3A_1941 = arith.constant 0 : i32
      %dma_wait3A_1942 = tpu.memref_slice %arg12[%add3A_991, %dma_wait3A_1941] : memref<10240x128xf32, #tpu.memory_space<vmem_shared>> -> memref<16x128xf32, #tpu.memory_space<vmem_shared>>
      %dma_wait3A_1943 = arith.constant 0 : i32
      %dma_wait3A_1944 = tpu.memref_slice %arg12[%add3A_991, %dma_wait3A_1943] : memref<10240x128xf32, #tpu.memory_space<vmem_shared>> -> memref<16x128xf32, #tpu.memory_space<vmem_shared>>
      tpu.wait_dma2 semaphore(%run_scoped3A : memref<!tpu.dma_semaphore, #tpu.memory_space<semaphore_mem>>) src(%arg11 : memref<16x128xf32, #tpu.memory_space<vmem>>) dst(%dma_wait3A_1944 : memref<16x128xf32, #tpu.memory_space<vmem_shared>>)
      tpu.yield
    }) : () -> ()
    %mul3A_992 = arith.constant 640 : i32
    %mul3A_993 = arith.muli %arg1, %mul3A_992 : i32
    %add3A_994 = arith.constant 560 : i32
    %add3A_995 = arith.addi %mul3A_993, %add3A_994 : i32
    "tpu.region"() ({
      %run_scoped3A = tpu.sem_alloc : memref<!tpu.dma_semaphore, #tpu.memory_space<semaphore_mem>>
      %dma_start3A_1937 = arith.constant 0 : i32
      %dma_start3A_1938 = tpu.memref_slice %arg12[%add3A_995, %dma_start3A_1937] : memref<10240x128xf32, #tpu.memory_space<vmem_shared>> -> memref<16x128xf32, #tpu.memory_space<vmem_shared>>
      %dma_start3A_1939 = arith.constant 0 : i32
      %dma_start3A_1940 = tpu.memref_slice %arg12[%add3A_995, %dma_start3A_1939] : memref<10240x128xf32, #tpu.memory_space<vmem_shared>> -> memref<16x128xf32, #tpu.memory_space<vmem_shared>>
      tpu.enqueue_dma source(%arg11 : memref<16x128xf32, #tpu.memory_space<vmem>>) target(%dma_start3A_1940 : memref<16x128xf32, #tpu.memory_space<vmem_shared>>) target_semaphore(%run_scoped3A : memref<!tpu.dma_semaphore, #tpu.memory_space<semaphore_mem>>)
      %dma_wait3A_1941 = arith.constant 0 : i32
      %dma_wait3A_1942 = tpu.memref_slice %arg12[%add3A_995, %dma_wait3A_1941] : memref<10240x128xf32, #tpu.memory_space<vmem_shared>> -> memref<16x128xf32, #tpu.memory_space<vmem_shared>>
      %dma_wait3A_1943 = arith.constant 0 : i32
      %dma_wait3A_1944 = tpu.memref_slice %arg12[%add3A_995, %dma_wait3A_1943] : memref<10240x128xf32, #tpu.memory_space<vmem_shared>> -> memref<16x128xf32, #tpu.memory_space<vmem_shared>>
      tpu.wait_dma2 semaphore(%run_scoped3A : memref<!tpu.dma_semaphore, #tpu.memory_space<semaphore_mem>>) src(%arg11 : memref<16x128xf32, #tpu.memory_space<vmem>>) dst(%dma_wait3A_1944 : memref<16x128xf32, #tpu.memory_space<vmem_shared>>)
      tpu.yield
    }) : () -> ()
    %mul3A_996 = arith.constant 640 : i32
    %mul3A_997 = arith.muli %arg1, %mul3A_996 : i32
    %add3A_998 = arith.constant 576 : i32
    %add3A_999 = arith.addi %mul3A_997, %add3A_998 : i32
    "tpu.region"() ({
      %run_scoped3A = tpu.sem_alloc : memref<!tpu.dma_semaphore, #tpu.memory_space<semaphore_mem>>
      %dma_start3A_1937 = arith.constant 0 : i32
      %dma_start3A_1938 = tpu.memref_slice %arg12[%add3A_999, %dma_start3A_1937] : memref<10240x128xf32, #tpu.memory_space<vmem_shared>> -> memref<16x128xf32, #tpu.memory_space<vmem_shared>>
      %dma_start3A_1939 = arith.constant 0 : i32
      %dma_start3A_1940 = tpu.memref_slice %arg12[%add3A_999, %dma_start3A_1939] : memref<10240x128xf32, #tpu.memory_space<vmem_shared>> -> memref<16x128xf32, #tpu.memory_space<vmem_shared>>
      tpu.enqueue_dma source(%arg11 : memref<16x128xf32, #tpu.memory_space<vmem>>) target(%dma_start3A_1940 : memref<16x128xf32, #tpu.memory_space<vmem_shared>>) target_semaphore(%run_scoped3A : memref<!tpu.dma_semaphore, #tpu.memory_space<semaphore_mem>>)
      %dma_wait3A_1941 = arith.constant 0 : i32
      %dma_wait3A_1942 = tpu.memref_slice %arg12[%add3A_999, %dma_wait3A_1941] : memref<10240x128xf32, #tpu.memory_space<vmem_shared>> -> memref<16x128xf32, #tpu.memory_space<vmem_shared>>
      %dma_wait3A_1943 = arith.constant 0 : i32
      %dma_wait3A_1944 = tpu.memref_slice %arg12[%add3A_999, %dma_wait3A_1943] : memref<10240x128xf32, #tpu.memory_space<vmem_shared>> -> memref<16x128xf32, #tpu.memory_space<vmem_shared>>
      tpu.wait_dma2 semaphore(%run_scoped3A : memref<!tpu.dma_semaphore, #tpu.memory_space<semaphore_mem>>) src(%arg11 : memref<16x128xf32, #tpu.memory_space<vmem>>) dst(%dma_wait3A_1944 : memref<16x128xf32, #tpu.memory_space<vmem_shared>>)
      tpu.yield
    }) : () -> ()
    %mul3A_1000 = arith.constant 640 : i32
    %mul3A_1001 = arith.muli %arg1, %mul3A_1000 : i32
    %add3A_1002 = arith.constant 592 : i32
    %add3A_1003 = arith.addi %mul3A_1001, %add3A_1002 : i32
    "tpu.region"() ({
      %run_scoped3A = tpu.sem_alloc : memref<!tpu.dma_semaphore, #tpu.memory_space<semaphore_mem>>
      %dma_start3A_1937 = arith.constant 0 : i32
      %dma_start3A_1938 = tpu.memref_slice %arg12[%add3A_1003, %dma_start3A_1937] : memref<10240x128xf32, #tpu.memory_space<vmem_shared>> -> memref<16x128xf32, #tpu.memory_space<vmem_shared>>
      %dma_start3A_1939 = arith.constant 0 : i32
      %dma_start3A_1940 = tpu.memref_slice %arg12[%add3A_1003, %dma_start3A_1939] : memref<10240x128xf32, #tpu.memory_space<vmem_shared>> -> memref<16x128xf32, #tpu.memory_space<vmem_shared>>
      tpu.enqueue_dma source(%arg11 : memref<16x128xf32, #tpu.memory_space<vmem>>) target(%dma_start3A_1940 : memref<16x128xf32, #tpu.memory_space<vmem_shared>>) target_semaphore(%run_scoped3A : memref<!tpu.dma_semaphore, #tpu.memory_space<semaphore_mem>>)
      %dma_wait3A_1941 = arith.constant 0 : i32
      %dma_wait3A_1942 = tpu.memref_slice %arg12[%add3A_1003, %dma_wait3A_1941] : memref<10240x128xf32, #tpu.memory_space<vmem_shared>> -> memref<16x128xf32, #tpu.memory_space<vmem_shared>>
      %dma_wait3A_1943 = arith.constant 0 : i32
      %dma_wait3A_1944 = tpu.memref_slice %arg12[%add3A_1003, %dma_wait3A_1943] : memref<10240x128xf32, #tpu.memory_space<vmem_shared>> -> memref<16x128xf32, #tpu.memory_space<vmem_shared>>
      tpu.wait_dma2 semaphore(%run_scoped3A : memref<!tpu.dma_semaphore, #tpu.memory_space<semaphore_mem>>) src(%arg11 : memref<16x128xf32, #tpu.memory_space<vmem>>) dst(%dma_wait3A_1944 : memref<16x128xf32, #tpu.memory_space<vmem_shared>>)
      tpu.yield
    }) : () -> ()
    %mul3A_1004 = arith.constant 640 : i32
    %mul3A_1005 = arith.muli %arg1, %mul3A_1004 : i32
    %add3A_1006 = arith.constant 608 : i32
    %add3A_1007 = arith.addi %mul3A_1005, %add3A_1006 : i32
    "tpu.region"() ({
      %run_scoped3A = tpu.sem_alloc : memref<!tpu.dma_semaphore, #tpu.memory_space<semaphore_mem>>
      %dma_start3A_1937 = arith.constant 0 : i32
      %dma_start3A_1938 = tpu.memref_slice %arg12[%add3A_1007, %dma_start3A_1937] : memref<10240x128xf32, #tpu.memory_space<vmem_shared>> -> memref<16x128xf32, #tpu.memory_space<vmem_shared>>
      %dma_start3A_1939 = arith.constant 0 : i32
      %dma_start3A_1940 = tpu.memref_slice %arg12[%add3A_1007, %dma_start3A_1939] : memref<10240x128xf32, #tpu.memory_space<vmem_shared>> -> memref<16x128xf32, #tpu.memory_space<vmem_shared>>
      tpu.enqueue_dma source(%arg11 : memref<16x128xf32, #tpu.memory_space<vmem>>) target(%dma_start3A_1940 : memref<16x128xf32, #tpu.memory_space<vmem_shared>>) target_semaphore(%run_scoped3A : memref<!tpu.dma_semaphore, #tpu.memory_space<semaphore_mem>>)
      %dma_wait3A_1941 = arith.constant 0 : i32
      %dma_wait3A_1942 = tpu.memref_slice %arg12[%add3A_1007, %dma_wait3A_1941] : memref<10240x128xf32, #tpu.memory_space<vmem_shared>> -> memref<16x128xf32, #tpu.memory_space<vmem_shared>>
      %dma_wait3A_1943 = arith.constant 0 : i32
      %dma_wait3A_1944 = tpu.memref_slice %arg12[%add3A_1007, %dma_wait3A_1943] : memref<10240x128xf32, #tpu.memory_space<vmem_shared>> -> memref<16x128xf32, #tpu.memory_space<vmem_shared>>
      tpu.wait_dma2 semaphore(%run_scoped3A : memref<!tpu.dma_semaphore, #tpu.memory_space<semaphore_mem>>) src(%arg11 : memref<16x128xf32, #tpu.memory_space<vmem>>) dst(%dma_wait3A_1944 : memref<16x128xf32, #tpu.memory_space<vmem_shared>>)
      tpu.yield
    }) : () -> ()
    %mul3A_1008 = arith.constant 640 : i32
    %mul3A_1009 = arith.muli %arg1, %mul3A_1008 : i32
    %add3A_1010 = arith.constant 624 : i32
    %add3A_1011 = arith.addi %mul3A_1009, %add3A_1010 : i32
    "tpu.region"() ({
      %run_scoped3A = tpu.sem_alloc : memref<!tpu.dma_semaphore, #tpu.memory_space<semaphore_mem>>
      %dma_start3A_1937 = arith.constant 0 : i32
      %dma_start3A_1938 = tpu.memref_slice %arg12[%add3A_1011, %dma_start3A_1937] : memref<10240x128xf32, #tpu.memory_space<vmem_shared>> -> memref<16x128xf32, #tpu.memory_space<vmem_shared>>
      %dma_start3A_1939 = arith.constant 0 : i32
      %dma_start3A_1940 = tpu.memref_slice %arg12[%add3A_1011, %dma_start3A_1939] : memref<10240x128xf32, #tpu.memory_space<vmem_shared>> -> memref<16x128xf32, #tpu.memory_space<vmem_shared>>
      tpu.enqueue_dma source(%arg11 : memref<16x128xf32, #tpu.memory_space<vmem>>) target(%dma_start3A_1940 : memref<16x128xf32, #tpu.memory_space<vmem_shared>>) target_semaphore(%run_scoped3A : memref<!tpu.dma_semaphore, #tpu.memory_space<semaphore_mem>>)
      %dma_wait3A_1941 = arith.constant 0 : i32
      %dma_wait3A_1942 = tpu.memref_slice %arg12[%add3A_1011, %dma_wait3A_1941] : memref<10240x128xf32, #tpu.memory_space<vmem_shared>> -> memref<16x128xf32, #tpu.memory_space<vmem_shared>>
      %dma_wait3A_1943 = arith.constant 0 : i32
      %dma_wait3A_1944 = tpu.memref_slice %arg12[%add3A_1011, %dma_wait3A_1943] : memref<10240x128xf32, #tpu.memory_space<vmem_shared>> -> memref<16x128xf32, #tpu.memory_space<vmem_shared>>
      tpu.wait_dma2 semaphore(%run_scoped3A : memref<!tpu.dma_semaphore, #tpu.memory_space<semaphore_mem>>) src(%arg11 : memref<16x128xf32, #tpu.memory_space<vmem>>) dst(%dma_wait3A_1944 : memref<16x128xf32, #tpu.memory_space<vmem_shared>>)
      tpu.yield
    }) : () -> ()
    %barrier3A = arith.constant 0 : index
    tpu.barrier barrier_id(%barrier3A)
    %dma_wait3A = arith.constant 0 : i32
    %dma_wait3A_1012 = arith.constant 0 : i32
    %dma_wait3A_1013 = arith.constant 0 : i32
    %dma_wait3A_1014 = tpu.memref_slice %arg6[%dma_wait3A_1012, %dma_wait3A_1013] : memref<3x80xi32, #tpu.memory_space<vmem>> -> memref<1x80xi32, #tpu.memory_space<vmem>>
    %dma_wait3A_1015 = tpu.memref_squeeze %dma_wait3A_1014 : memref<1x80xi32, #tpu.memory_space<vmem>> -> memref<80xi32, #tpu.memory_space<vmem>>
    %dma_wait3A_1016 = arith.constant 0 : i32
    %dma_wait3A_1017 = tpu.memref_slice %arg2[%add3A, %dma_wait3A, %dma_wait3A_1016] : memref<32x125x80xi32, #tpu.memory_space<hbm>> -> memref<1x1x80xi32, #tpu.memory_space<hbm>>
    %dma_wait3A_1018 = tpu.memref_squeeze %dma_wait3A_1017 : memref<1x1x80xi32, #tpu.memory_space<hbm>> -> memref<80xi32, #tpu.memory_space<hbm>>
    %dma_wait3A_1019 = arith.constant 0 : i32
    %dma_wait3A_1020 = tpu.memref_slice %arg6[%dma_wait3A_1012, %dma_wait3A_1019] : memref<3x80xi32, #tpu.memory_space<vmem>> -> memref<1x80xi32, #tpu.memory_space<vmem>>
    %dma_wait3A_1021 = tpu.memref_squeeze %dma_wait3A_1020 : memref<1x80xi32, #tpu.memory_space<vmem>> -> memref<80xi32, #tpu.memory_space<vmem>>
    %dma_wait3A_1022 = arith.constant 0 : i32
    %dma_wait3A_1023 = tpu.memref_slice %arg2[%add3A, %dma_wait3A, %dma_wait3A_1022] : memref<32x125x80xi32, #tpu.memory_space<hbm>> -> memref<1x1x80xi32, #tpu.memory_space<hbm>>
    %dma_wait3A_1024 = tpu.memref_squeeze %dma_wait3A_1023 : memref<1x1x80xi32, #tpu.memory_space<hbm>> -> memref<80xi32, #tpu.memory_space<hbm>>
    tpu.wait_dma2 semaphore(%arg13 : memref<!tpu.dma_semaphore, #tpu.memory_space<semaphore_mem>>) src(%dma_wait3A_1024 : memref<80xi32, #tpu.memory_space<hbm>>) dst(%dma_wait3A_1021 : memref<80xi32, #tpu.memory_space<vmem>>)
    %dma_wait3A_1025 = arith.constant 0 : i32
    %dma_wait3A_1026 = arith.constant 0 : i32
    %dma_wait3A_1027 = arith.constant 0 : i32
    %dma_wait3A_1028 = tpu.memref_slice %arg7[%dma_wait3A_1026, %dma_wait3A_1027] : memref<3x80xf32, #tpu.memory_space<vmem>> -> memref<1x80xf32, #tpu.memory_space<vmem>>
    %dma_wait3A_1029 = tpu.memref_squeeze %dma_wait3A_1028 : memref<1x80xf32, #tpu.memory_space<vmem>> -> memref<80xf32, #tpu.memory_space<vmem>>
    %dma_wait3A_1030 = arith.constant 0 : i32
    %dma_wait3A_1031 = tpu.memref_slice %arg3[%add3A, %dma_wait3A_1025, %dma_wait3A_1030] : memref<32x125x80xf32, #tpu.memory_space<hbm>> -> memref<1x1x80xf32, #tpu.memory_space<hbm>>
    %dma_wait3A_1032 = tpu.memref_squeeze %dma_wait3A_1031 : memref<1x1x80xf32, #tpu.memory_space<hbm>> -> memref<80xf32, #tpu.memory_space<hbm>>
    %dma_wait3A_1033 = arith.constant 0 : i32
    %dma_wait3A_1034 = tpu.memref_slice %arg7[%dma_wait3A_1026, %dma_wait3A_1033] : memref<3x80xf32, #tpu.memory_space<vmem>> -> memref<1x80xf32, #tpu.memory_space<vmem>>
    %dma_wait3A_1035 = tpu.memref_squeeze %dma_wait3A_1034 : memref<1x80xf32, #tpu.memory_space<vmem>> -> memref<80xf32, #tpu.memory_space<vmem>>
    %dma_wait3A_1036 = arith.constant 0 : i32
    %dma_wait3A_1037 = tpu.memref_slice %arg3[%add3A, %dma_wait3A_1025, %dma_wait3A_1036] : memref<32x125x80xf32, #tpu.memory_space<hbm>> -> memref<1x1x80xf32, #tpu.memory_space<hbm>>
    %dma_wait3A_1038 = tpu.memref_squeeze %dma_wait3A_1037 : memref<1x1x80xf32, #tpu.memory_space<hbm>> -> memref<80xf32, #tpu.memory_space<hbm>>
    tpu.wait_dma2 semaphore(%arg13 : memref<!tpu.dma_semaphore, #tpu.memory_space<semaphore_mem>>) src(%dma_wait3A_1038 : memref<80xf32, #tpu.memory_space<hbm>>) dst(%dma_wait3A_1035 : memref<80xf32, #tpu.memory_space<vmem>>)
    %get3A = arith.constant 0 : i32
    %get3A_1039 = arith.index_cast %get3A : i32 to index
    %get3A_1040 = arith.constant 0 : index
    %get3A_1041 = tpu.vector_load %arg6[%get3A_1039, %get3A_1040] {strides = array<i32>} : memref<3x80xi32, #tpu.memory_space<vmem>>, vector<1x16xi32>,
    %get3A_1042 = vector.shape_cast %get3A_1041 : vector<1x16xi32> to vector<16xi32>
    %and3A = arith.constant 16383 : i32
    %and3A_1043 = vector.broadcast %and3A : i32 to vector<16xi32>
    %and3A_1044 = arith.andi %get3A_1042, %and3A_1043 : vector<16xi32>
    %swap3A_1045 = arith.constant 0 : i32
    %swap3A_1046 = arith.index_cast %swap3A_1045 : i32 to index
    %swap3A_1047 = arith.constant 0 : index
    %swap3A_1048 = tpu.vector_load %arg8[%swap3A_1046, %swap3A_1047] {strides = array<i32>} : memref<3x80xi32, #tpu.memory_space<vmem>>, vector<1x16xi32>,
    %swap3A_1049 = vector.shape_cast %swap3A_1048 : vector<1x16xi32> to vector<16xi32>
    %swap3A_1050 = vector.shape_cast %and3A_1044 : vector<16xi32> to vector<1x16xi32>
    tpu.vector_store %arg8[%swap3A_1046, %swap3A_1047], %swap3A_1050 {strides = array<i32>} : memref<3x80xi32, #tpu.memory_space<vmem>>, vector<1x16xi32>,
    %shift_right_logical3A = arith.constant 14 : i32
    %shift_right_logical3A_1051 = vector.broadcast %shift_right_logical3A : i32 to vector<16xi32>
    %shift_right_logical3A_1052 = arith.shrui %get3A_1042, %shift_right_logical3A_1051 : vector<16xi32>
    %swap3A_1053 = arith.constant 0 : i32
    %swap3A_1054 = arith.index_cast %swap3A_1053 : i32 to index
    %swap3A_1055 = arith.constant 0 : index
    %swap3A_1056 = tpu.vector_load %arg9[%swap3A_1054, %swap3A_1055] {strides = array<i32>} : memref<3x80xi32, #tpu.memory_space<vmem>>, vector<1x16xi32>,
    %swap3A_1057 = vector.shape_cast %swap3A_1056 : vector<1x16xi32> to vector<16xi32>
    %swap3A_1058 = vector.shape_cast %shift_right_logical3A_1052 : vector<16xi32> to vector<1x16xi32>
    tpu.vector_store %arg9[%swap3A_1054, %swap3A_1055], %swap3A_1058 {strides = array<i32>} : memref<3x80xi32, #tpu.memory_space<vmem>>, vector<1x16xi32>,
    %get3A_1059 = arith.constant 0 : i32
    %get3A_1060 = arith.index_cast %get3A_1059 : i32 to index
    %get3A_1061 = arith.constant 16 : index
    %get3A_1062 = tpu.vector_load %arg6[%get3A_1060, %get3A_1061] {strides = array<i32>} : memref<3x80xi32, #tpu.memory_space<vmem>>, vector<1x16xi32>,
    %get3A_1063 = vector.shape_cast %get3A_1062 : vector<1x16xi32> to vector<16xi32>
    %and3A_1064 = arith.constant 16383 : i32
    %and3A_1065 = vector.broadcast %and3A_1064 : i32 to vector<16xi32>
    %and3A_1066 = arith.andi %get3A_1063, %and3A_1065 : vector<16xi32>
    %swap3A_1067 = arith.constant 0 : i32
    %swap3A_1068 = arith.index_cast %swap3A_1067 : i32 to index
    %swap3A_1069 = arith.constant 16 : index
    %swap3A_1070 = tpu.vector_load %arg8[%swap3A_1068, %swap3A_1069] {strides = array<i32>} : memref<3x80xi32, #tpu.memory_space<vmem>>, vector<1x16xi32>,
    %swap3A_1071 = vector.shape_cast %swap3A_1070 : vector<1x16xi32> to vector<16xi32>
    %swap3A_1072 = vector.shape_cast %and3A_1066 : vector<16xi32> to vector<1x16xi32>
    tpu.vector_store %arg8[%swap3A_1068, %swap3A_1069], %swap3A_1072 {strides = array<i32>} : memref<3x80xi32, #tpu.memory_space<vmem>>, vector<1x16xi32>,
    %shift_right_logical3A_1073 = arith.constant 14 : i32
    %shift_right_logical3A_1074 = vector.broadcast %shift_right_logical3A_1073 : i32 to vector<16xi32>
    %shift_right_logical3A_1075 = arith.shrui %get3A_1063, %shift_right_logical3A_1074 : vector<16xi32>
    %swap3A_1076 = arith.constant 0 : i32
    %swap3A_1077 = arith.index_cast %swap3A_1076 : i32 to index
    %swap3A_1078 = arith.constant 16 : index
    %swap3A_1079 = tpu.vector_load %arg9[%swap3A_1077, %swap3A_1078] {strides = array<i32>} : memref<3x80xi32, #tpu.memory_space<vmem>>, vector<1x16xi32>,
    %swap3A_1080 = vector.shape_cast %swap3A_1079 : vector<1x16xi32> to vector<16xi32>
    %swap3A_1081 = vector.shape_cast %shift_right_logical3A_1075 : vector<16xi32> to vector<1x16xi32>
    tpu.vector_store %arg9[%swap3A_1077, %swap3A_1078], %swap3A_1081 {strides = array<i32>} : memref<3x80xi32, #tpu.memory_space<vmem>>, vector<1x16xi32>,
    %get3A_1082 = arith.constant 0 : i32
    %get3A_1083 = arith.index_cast %get3A_1082 : i32 to index
    %get3A_1084 = arith.constant 32 : index
    %get3A_1085 = tpu.vector_load %arg6[%get3A_1083, %get3A_1084] {strides = array<i32>} : memref<3x80xi32, #tpu.memory_space<vmem>>, vector<1x16xi32>,
    %get3A_1086 = vector.shape_cast %get3A_1085 : vector<1x16xi32> to vector<16xi32>
    %and3A_1087 = arith.constant 16383 : i32
    %and3A_1088 = vector.broadcast %and3A_1087 : i32 to vector<16xi32>
    %and3A_1089 = arith.andi %get3A_1086, %and3A_1088 : vector<16xi32>
    %swap3A_1090 = arith.constant 0 : i32
    %swap3A_1091 = arith.index_cast %swap3A_1090 : i32 to index
    %swap3A_1092 = arith.constant 32 : index
    %swap3A_1093 = tpu.vector_load %arg8[%swap3A_1091, %swap3A_1092] {strides = array<i32>} : memref<3x80xi32, #tpu.memory_space<vmem>>, vector<1x16xi32>,
    %swap3A_1094 = vector.shape_cast %swap3A_1093 : vector<1x16xi32> to vector<16xi32>
    %swap3A_1095 = vector.shape_cast %and3A_1089 : vector<16xi32> to vector<1x16xi32>
    tpu.vector_store %arg8[%swap3A_1091, %swap3A_1092], %swap3A_1095 {strides = array<i32>} : memref<3x80xi32, #tpu.memory_space<vmem>>, vector<1x16xi32>,
    %shift_right_logical3A_1096 = arith.constant 14 : i32
    %shift_right_logical3A_1097 = vector.broadcast %shift_right_logical3A_1096 : i32 to vector<16xi32>
    %shift_right_logical3A_1098 = arith.shrui %get3A_1086, %shift_right_logical3A_1097 : vector<16xi32>
    %swap3A_1099 = arith.constant 0 : i32
    %swap3A_1100 = arith.index_cast %swap3A_1099 : i32 to index
    %swap3A_1101 = arith.constant 32 : index
    %swap3A_1102 = tpu.vector_load %arg9[%swap3A_1100, %swap3A_1101] {strides = array<i32>} : memref<3x80xi32, #tpu.memory_space<vmem>>, vector<1x16xi32>,
    %swap3A_1103 = vector.shape_cast %swap3A_1102 : vector<1x16xi32> to vector<16xi32>
    %swap3A_1104 = vector.shape_cast %shift_right_logical3A_1098 : vector<16xi32> to vector<1x16xi32>
    tpu.vector_store %arg9[%swap3A_1100, %swap3A_1101], %swap3A_1104 {strides = array<i32>} : memref<3x80xi32, #tpu.memory_space<vmem>>, vector<1x16xi32>,
    %get3A_1105 = arith.constant 0 : i32
    %get3A_1106 = arith.index_cast %get3A_1105 : i32 to index
    %get3A_1107 = arith.constant 48 : index
    %get3A_1108 = tpu.vector_load %arg6[%get3A_1106, %get3A_1107] {strides = array<i32>} : memref<3x80xi32, #tpu.memory_space<vmem>>, vector<1x16xi32>,
    %get3A_1109 = vector.shape_cast %get3A_1108 : vector<1x16xi32> to vector<16xi32>
    %and3A_1110 = arith.constant 16383 : i32
    %and3A_1111 = vector.broadcast %and3A_1110 : i32 to vector<16xi32>
    %and3A_1112 = arith.andi %get3A_1109, %and3A_1111 : vector<16xi32>
    %swap3A_1113 = arith.constant 0 : i32
    %swap3A_1114 = arith.index_cast %swap3A_1113 : i32 to index
    %swap3A_1115 = arith.constant 48 : index
    %swap3A_1116 = tpu.vector_load %arg8[%swap3A_1114, %swap3A_1115] {strides = array<i32>} : memref<3x80xi32, #tpu.memory_space<vmem>>, vector<1x16xi32>,
    %swap3A_1117 = vector.shape_cast %swap3A_1116 : vector<1x16xi32> to vector<16xi32>
    %swap3A_1118 = vector.shape_cast %and3A_1112 : vector<16xi32> to vector<1x16xi32>
    tpu.vector_store %arg8[%swap3A_1114, %swap3A_1115], %swap3A_1118 {strides = array<i32>} : memref<3x80xi32, #tpu.memory_space<vmem>>, vector<1x16xi32>,
    %shift_right_logical3A_1119 = arith.constant 14 : i32
    %shift_right_logical3A_1120 = vector.broadcast %shift_right_logical3A_1119 : i32 to vector<16xi32>
    %shift_right_logical3A_1121 = arith.shrui %get3A_1109, %shift_right_logical3A_1120 : vector<16xi32>
    %swap3A_1122 = arith.constant 0 : i32
    %swap3A_1123 = arith.index_cast %swap3A_1122 : i32 to index
    %swap3A_1124 = arith.constant 48 : index
    %swap3A_1125 = tpu.vector_load %arg9[%swap3A_1123, %swap3A_1124] {strides = array<i32>} : memref<3x80xi32, #tpu.memory_space<vmem>>, vector<1x16xi32>,
    %swap3A_1126 = vector.shape_cast %swap3A_1125 : vector<1x16xi32> to vector<16xi32>
    %swap3A_1127 = vector.shape_cast %shift_right_logical3A_1121 : vector<16xi32> to vector<1x16xi32>
    tpu.vector_store %arg9[%swap3A_1123, %swap3A_1124], %swap3A_1127 {strides = array<i32>} : memref<3x80xi32, #tpu.memory_space<vmem>>, vector<1x16xi32>,
    %get3A_1128 = arith.constant 0 : i32
    %get3A_1129 = arith.index_cast %get3A_1128 : i32 to index
    %get3A_1130 = arith.constant 64 : index
    %get3A_1131 = tpu.vector_load %arg6[%get3A_1129, %get3A_1130] {strides = array<i32>} : memref<3x80xi32, #tpu.memory_space<vmem>>, vector<1x16xi32>,
    %get3A_1132 = vector.shape_cast %get3A_1131 : vector<1x16xi32> to vector<16xi32>
    %and3A_1133 = arith.constant 16383 : i32
    %and3A_1134 = vector.broadcast %and3A_1133 : i32 to vector<16xi32>
    %and3A_1135 = arith.andi %get3A_1132, %and3A_1134 : vector<16xi32>
    %swap3A_1136 = arith.constant 0 : i32
    %swap3A_1137 = arith.index_cast %swap3A_1136 : i32 to index
    %swap3A_1138 = arith.constant 64 : index
    %swap3A_1139 = tpu.vector_load %arg8[%swap3A_1137, %swap3A_1138] {strides = array<i32>} : memref<3x80xi32, #tpu.memory_space<vmem>>, vector<1x16xi32>,
    %swap3A_1140 = vector.shape_cast %swap3A_1139 : vector<1x16xi32> to vector<16xi32>
    %swap3A_1141 = vector.shape_cast %and3A_1135 : vector<16xi32> to vector<1x16xi32>
    tpu.vector_store %arg8[%swap3A_1137, %swap3A_1138], %swap3A_1141 {strides = array<i32>} : memref<3x80xi32, #tpu.memory_space<vmem>>, vector<1x16xi32>,
    %shift_right_logical3A_1142 = arith.constant 14 : i32
    %shift_right_logical3A_1143 = vector.broadcast %shift_right_logical3A_1142 : i32 to vector<16xi32>
    %shift_right_logical3A_1144 = arith.shrui %get3A_1132, %shift_right_logical3A_1143 : vector<16xi32>
    %swap3A_1145 = arith.constant 0 : i32
    %swap3A_1146 = arith.index_cast %swap3A_1145 : i32 to index
    %swap3A_1147 = arith.constant 64 : index
    %swap3A_1148 = tpu.vector_load %arg9[%swap3A_1146, %swap3A_1147] {strides = array<i32>} : memref<3x80xi32, #tpu.memory_space<vmem>>, vector<1x16xi32>,
    %swap3A_1149 = vector.shape_cast %swap3A_1148 : vector<1x16xi32> to vector<16xi32>
    %swap3A_1150 = vector.shape_cast %shift_right_logical3A_1144 : vector<16xi32> to vector<1x16xi32>
    tpu.vector_store %arg9[%swap3A_1146, %swap3A_1147], %swap3A_1150 {strides = array<i32>} : memref<3x80xi32, #tpu.memory_space<vmem>>, vector<1x16xi32>,
    %dma_start3A_1151 = arith.constant 0 : i32
    %dma_start3A_1152 = arith.constant 0 : i32
    %dma_start3A_1153 = arith.constant 0 : i32
    %dma_start3A_1154 = arith.constant 0 : i32
    %dma_start3A_1155 = tpu.memref_slice %arg10[%dma_start3A_1152, %dma_start3A_1153, %dma_start3A_1154] : memref<3x80x128xf32, #tpu.memory_space<vmem>> -> memref<1x80x128xf32, #tpu.memory_space<vmem>>
    %dma_start3A_1156 = tpu.memref_squeeze %dma_start3A_1155 : memref<1x80x128xf32, #tpu.memory_space<vmem>> -> memref<80x128xf32, #tpu.memory_space<vmem>>
    %dma_start3A_1157 = arith.constant 0 : i32
    %dma_start3A_1158 = tpu.memref_slice %arg8[%dma_start3A_1151, %dma_start3A_1157] : memref<3x80xi32, #tpu.memory_space<vmem>> -> memref<1x80xi32, #tpu.memory_space<vmem>>
    %dma_start3A_1159 = tpu.memref_squeeze %dma_start3A_1158 : memref<1x80xi32, #tpu.memory_space<vmem>> -> memref<80xi32, #tpu.memory_space<vmem>>
    %dma_start3A_1160 = arith.constant 0 : i32
    %dma_start3A_1161 = arith.constant 0 : i32
    %dma_start3A_1162 = tpu.memref_slice %arg4[%dma_start3A_1160, %dma_start3A_1161] : memref<10000x128xf32, #tpu.memory_space<hbm>> -> memref<10000x128xf32, #tpu.memory_space<hbm>>
    tpu.enqueue_indirect_dma source(%dma_start3A_1162 : memref<10000x128xf32, #tpu.memory_space<hbm>>) target(%dma_start3A_1156 : memref<80x128xf32, #tpu.memory_space<vmem>>) offsets(%dma_start3A_1159 : memref<80xi32, #tpu.memory_space<vmem>>) semaphore(%arg16 : memref<!tpu.dma_semaphore, #tpu.memory_space<semaphore_mem>>)
    %dma_wait3A_1163 = arith.constant 1 : i32
    %dma_wait3A_1164 = arith.constant 1 : i32
    %dma_wait3A_1165 = arith.constant 0 : i32
    %dma_wait3A_1166 = tpu.memref_slice %arg6[%dma_wait3A_1164, %dma_wait3A_1165] : memref<3x80xi32, #tpu.memory_space<vmem>> -> memref<1x80xi32, #tpu.memory_space<vmem>>
    %dma_wait3A_1167 = tpu.memref_squeeze %dma_wait3A_1166 : memref<1x80xi32, #tpu.memory_space<vmem>> -> memref<80xi32, #tpu.memory_space<vmem>>
    %dma_wait3A_1168 = arith.constant 0 : i32
    %dma_wait3A_1169 = tpu.memref_slice %arg2[%add3A, %dma_wait3A_1163, %dma_wait3A_1168] : memref<32x125x80xi32, #tpu.memory_space<hbm>> -> memref<1x1x80xi32, #tpu.memory_space<hbm>>
    %dma_wait3A_1170 = tpu.memref_squeeze %dma_wait3A_1169 : memref<1x1x80xi32, #tpu.memory_space<hbm>> -> memref<80xi32, #tpu.memory_space<hbm>>
    %dma_wait3A_1171 = arith.constant 0 : i32
    %dma_wait3A_1172 = tpu.memref_slice %arg6[%dma_wait3A_1164, %dma_wait3A_1171] : memref<3x80xi32, #tpu.memory_space<vmem>> -> memref<1x80xi32, #tpu.memory_space<vmem>>
    %dma_wait3A_1173 = tpu.memref_squeeze %dma_wait3A_1172 : memref<1x80xi32, #tpu.memory_space<vmem>> -> memref<80xi32, #tpu.memory_space<vmem>>
    %dma_wait3A_1174 = arith.constant 0 : i32
    %dma_wait3A_1175 = tpu.memref_slice %arg2[%add3A, %dma_wait3A_1163, %dma_wait3A_1174] : memref<32x125x80xi32, #tpu.memory_space<hbm>> -> memref<1x1x80xi32, #tpu.memory_space<hbm>>
    %dma_wait3A_1176 = tpu.memref_squeeze %dma_wait3A_1175 : memref<1x1x80xi32, #tpu.memory_space<hbm>> -> memref<80xi32, #tpu.memory_space<hbm>>
    tpu.wait_dma2 semaphore(%arg14 : memref<!tpu.dma_semaphore, #tpu.memory_space<semaphore_mem>>) src(%dma_wait3A_1176 : memref<80xi32, #tpu.memory_space<hbm>>) dst(%dma_wait3A_1173 : memref<80xi32, #tpu.memory_space<vmem>>)
    %dma_wait3A_1177 = arith.constant 1 : i32
    %dma_wait3A_1178 = arith.constant 1 : i32
    %dma_wait3A_1179 = arith.constant 0 : i32
    %dma_wait3A_1180 = tpu.memref_slice %arg7[%dma_wait3A_1178, %dma_wait3A_1179] : memref<3x80xf32, #tpu.memory_space<vmem>> -> memref<1x80xf32, #tpu.memory_space<vmem>>
    %dma_wait3A_1181 = tpu.memref_squeeze %dma_wait3A_1180 : memref<1x80xf32, #tpu.memory_space<vmem>> -> memref<80xf32, #tpu.memory_space<vmem>>
    %dma_wait3A_1182 = arith.constant 0 : i32
    %dma_wait3A_1183 = tpu.memref_slice %arg3[%add3A, %dma_wait3A_1177, %dma_wait3A_1182] : memref<32x125x80xf32, #tpu.memory_space<hbm>> -> memref<1x1x80xf32, #tpu.memory_space<hbm>>
    %dma_wait3A_1184 = tpu.memref_squeeze %dma_wait3A_1183 : memref<1x1x80xf32, #tpu.memory_space<hbm>> -> memref<80xf32, #tpu.memory_space<hbm>>
    %dma_wait3A_1185 = arith.constant 0 : i32
    %dma_wait3A_1186 = tpu.memref_slice %arg7[%dma_wait3A_1178, %dma_wait3A_1185] : memref<3x80xf32, #tpu.memory_space<vmem>> -> memref<1x80xf32, #tpu.memory_space<vmem>>
    %dma_wait3A_1187 = tpu.memref_squeeze %dma_wait3A_1186 : memref<1x80xf32, #tpu.memory_space<vmem>> -> memref<80xf32, #tpu.memory_space<vmem>>
    %dma_wait3A_1188 = arith.constant 0 : i32
    %dma_wait3A_1189 = tpu.memref_slice %arg3[%add3A, %dma_wait3A_1177, %dma_wait3A_1188] : memref<32x125x80xf32, #tpu.memory_space<hbm>> -> memref<1x1x80xf32, #tpu.memory_space<hbm>>
    %dma_wait3A_1190 = tpu.memref_squeeze %dma_wait3A_1189 : memref<1x1x80xf32, #tpu.memory_space<hbm>> -> memref<80xf32, #tpu.memory_space<hbm>>
    tpu.wait_dma2 semaphore(%arg14 : memref<!tpu.dma_semaphore, #tpu.memory_space<semaphore_mem>>) src(%dma_wait3A_1190 : memref<80xf32, #tpu.memory_space<hbm>>) dst(%dma_wait3A_1187 : memref<80xf32, #tpu.memory_space<vmem>>)
    %get3A_1191 = arith.constant 1 : i32
    %get3A_1192 = arith.index_cast %get3A_1191 : i32 to index
    %get3A_1193 = arith.constant 0 : index
    %get3A_1194 = tpu.vector_load %arg6[%get3A_1192, %get3A_1193] {strides = array<i32>} : memref<3x80xi32, #tpu.memory_space<vmem>>, vector<1x16xi32>,
    %get3A_1195 = vector.shape_cast %get3A_1194 : vector<1x16xi32> to vector<16xi32>
    %and3A_1196 = arith.constant 16383 : i32
    %and3A_1197 = vector.broadcast %and3A_1196 : i32 to vector<16xi32>
    %and3A_1198 = arith.andi %get3A_1195, %and3A_1197 : vector<16xi32>
    %swap3A_1199 = arith.constant 1 : i32
    %swap3A_1200 = arith.index_cast %swap3A_1199 : i32 to index
    %swap3A_1201 = arith.constant 0 : index
    %swap3A_1202 = tpu.vector_load %arg8[%swap3A_1200, %swap3A_1201] {strides = array<i32>} : memref<3x80xi32, #tpu.memory_space<vmem>>, vector<1x16xi32>,
    %swap3A_1203 = vector.shape_cast %swap3A_1202 : vector<1x16xi32> to vector<16xi32>
    %swap3A_1204 = vector.shape_cast %and3A_1198 : vector<16xi32> to vector<1x16xi32>
    tpu.vector_store %arg8[%swap3A_1200, %swap3A_1201], %swap3A_1204 {strides = array<i32>} : memref<3x80xi32, #tpu.memory_space<vmem>>, vector<1x16xi32>,
    %shift_right_logical3A_1205 = arith.constant 14 : i32
    %shift_right_logical3A_1206 = vector.broadcast %shift_right_logical3A_1205 : i32 to vector<16xi32>
    %shift_right_logical3A_1207 = arith.shrui %get3A_1195, %shift_right_logical3A_1206 : vector<16xi32>
    %swap3A_1208 = arith.constant 1 : i32
    %swap3A_1209 = arith.index_cast %swap3A_1208 : i32 to index
    %swap3A_1210 = arith.constant 0 : index
    %swap3A_1211 = tpu.vector_load %arg9[%swap3A_1209, %swap3A_1210] {strides = array<i32>} : memref<3x80xi32, #tpu.memory_space<vmem>>, vector<1x16xi32>,
    %swap3A_1212 = vector.shape_cast %swap3A_1211 : vector<1x16xi32> to vector<16xi32>
    %swap3A_1213 = vector.shape_cast %shift_right_logical3A_1207 : vector<16xi32> to vector<1x16xi32>
    tpu.vector_store %arg9[%swap3A_1209, %swap3A_1210], %swap3A_1213 {strides = array<i32>} : memref<3x80xi32, #tpu.memory_space<vmem>>, vector<1x16xi32>,
    %get3A_1214 = arith.constant 1 : i32
    %get3A_1215 = arith.index_cast %get3A_1214 : i32 to index
    %get3A_1216 = arith.constant 16 : index
    %get3A_1217 = tpu.vector_load %arg6[%get3A_1215, %get3A_1216] {strides = array<i32>} : memref<3x80xi32, #tpu.memory_space<vmem>>, vector<1x16xi32>,
    %get3A_1218 = vector.shape_cast %get3A_1217 : vector<1x16xi32> to vector<16xi32>
    %and3A_1219 = arith.constant 16383 : i32
    %and3A_1220 = vector.broadcast %and3A_1219 : i32 to vector<16xi32>
    %and3A_1221 = arith.andi %get3A_1218, %and3A_1220 : vector<16xi32>
    %swap3A_1222 = arith.constant 1 : i32
    %swap3A_1223 = arith.index_cast %swap3A_1222 : i32 to index
    %swap3A_1224 = arith.constant 16 : index
    %swap3A_1225 = tpu.vector_load %arg8[%swap3A_1223, %swap3A_1224] {strides = array<i32>} : memref<3x80xi32, #tpu.memory_space<vmem>>, vector<1x16xi32>,
    %swap3A_1226 = vector.shape_cast %swap3A_1225 : vector<1x16xi32> to vector<16xi32>
    %swap3A_1227 = vector.shape_cast %and3A_1221 : vector<16xi32> to vector<1x16xi32>
    tpu.vector_store %arg8[%swap3A_1223, %swap3A_1224], %swap3A_1227 {strides = array<i32>} : memref<3x80xi32, #tpu.memory_space<vmem>>, vector<1x16xi32>,
    %shift_right_logical3A_1228 = arith.constant 14 : i32
    %shift_right_logical3A_1229 = vector.broadcast %shift_right_logical3A_1228 : i32 to vector<16xi32>
    %shift_right_logical3A_1230 = arith.shrui %get3A_1218, %shift_right_logical3A_1229 : vector<16xi32>
    %swap3A_1231 = arith.constant 1 : i32
    %swap3A_1232 = arith.index_cast %swap3A_1231 : i32 to index
    %swap3A_1233 = arith.constant 16 : index
    %swap3A_1234 = tpu.vector_load %arg9[%swap3A_1232, %swap3A_1233] {strides = array<i32>} : memref<3x80xi32, #tpu.memory_space<vmem>>, vector<1x16xi32>,
    %swap3A_1235 = vector.shape_cast %swap3A_1234 : vector<1x16xi32> to vector<16xi32>
    %swap3A_1236 = vector.shape_cast %shift_right_logical3A_1230 : vector<16xi32> to vector<1x16xi32>
    tpu.vector_store %arg9[%swap3A_1232, %swap3A_1233], %swap3A_1236 {strides = array<i32>} : memref<3x80xi32, #tpu.memory_space<vmem>>, vector<1x16xi32>,
    %get3A_1237 = arith.constant 1 : i32
    %get3A_1238 = arith.index_cast %get3A_1237 : i32 to index
    %get3A_1239 = arith.constant 32 : index
    %get3A_1240 = tpu.vector_load %arg6[%get3A_1238, %get3A_1239] {strides = array<i32>} : memref<3x80xi32, #tpu.memory_space<vmem>>, vector<1x16xi32>,
    %get3A_1241 = vector.shape_cast %get3A_1240 : vector<1x16xi32> to vector<16xi32>
    %and3A_1242 = arith.constant 16383 : i32
    %and3A_1243 = vector.broadcast %and3A_1242 : i32 to vector<16xi32>
    %and3A_1244 = arith.andi %get3A_1241, %and3A_1243 : vector<16xi32>
    %swap3A_1245 = arith.constant 1 : i32
    %swap3A_1246 = arith.index_cast %swap3A_1245 : i32 to index
    %swap3A_1247 = arith.constant 32 : index
    %swap3A_1248 = tpu.vector_load %arg8[%swap3A_1246, %swap3A_1247] {strides = array<i32>} : memref<3x80xi32, #tpu.memory_space<vmem>>, vector<1x16xi32>,
    %swap3A_1249 = vector.shape_cast %swap3A_1248 : vector<1x16xi32> to vector<16xi32>
    %swap3A_1250 = vector.shape_cast %and3A_1244 : vector<16xi32> to vector<1x16xi32>
    tpu.vector_store %arg8[%swap3A_1246, %swap3A_1247], %swap3A_1250 {strides = array<i32>} : memref<3x80xi32, #tpu.memory_space<vmem>>, vector<1x16xi32>,
    %shift_right_logical3A_1251 = arith.constant 14 : i32
    %shift_right_logical3A_1252 = vector.broadcast %shift_right_logical3A_1251 : i32 to vector<16xi32>
    %shift_right_logical3A_1253 = arith.shrui %get3A_1241, %shift_right_logical3A_1252 : vector<16xi32>
    %swap3A_1254 = arith.constant 1 : i32
    %swap3A_1255 = arith.index_cast %swap3A_1254 : i32 to index
    %swap3A_1256 = arith.constant 32 : index
    %swap3A_1257 = tpu.vector_load %arg9[%swap3A_1255, %swap3A_1256] {strides = array<i32>} : memref<3x80xi32, #tpu.memory_space<vmem>>, vector<1x16xi32>,
    %swap3A_1258 = vector.shape_cast %swap3A_1257 : vector<1x16xi32> to vector<16xi32>
    %swap3A_1259 = vector.shape_cast %shift_right_logical3A_1253 : vector<16xi32> to vector<1x16xi32>
    tpu.vector_store %arg9[%swap3A_1255, %swap3A_1256], %swap3A_1259 {strides = array<i32>} : memref<3x80xi32, #tpu.memory_space<vmem>>, vector<1x16xi32>,
    %get3A_1260 = arith.constant 1 : i32
    %get3A_1261 = arith.index_cast %get3A_1260 : i32 to index
    %get3A_1262 = arith.constant 48 : index
    %get3A_1263 = tpu.vector_load %arg6[%get3A_1261, %get3A_1262] {strides = array<i32>} : memref<3x80xi32, #tpu.memory_space<vmem>>, vector<1x16xi32>,
    %get3A_1264 = vector.shape_cast %get3A_1263 : vector<1x16xi32> to vector<16xi32>
    %and3A_1265 = arith.constant 16383 : i32
    %and3A_1266 = vector.broadcast %and3A_1265 : i32 to vector<16xi32>
    %and3A_1267 = arith.andi %get3A_1264, %and3A_1266 : vector<16xi32>
    %swap3A_1268 = arith.constant 1 : i32
    %swap3A_1269 = arith.index_cast %swap3A_1268 : i32 to index
    %swap3A_1270 = arith.constant 48 : index
    %swap3A_1271 = tpu.vector_load %arg8[%swap3A_1269, %swap3A_1270] {strides = array<i32>} : memref<3x80xi32, #tpu.memory_space<vmem>>, vector<1x16xi32>,
    %swap3A_1272 = vector.shape_cast %swap3A_1271 : vector<1x16xi32> to vector<16xi32>
    %swap3A_1273 = vector.shape_cast %and3A_1267 : vector<16xi32> to vector<1x16xi32>
    tpu.vector_store %arg8[%swap3A_1269, %swap3A_1270], %swap3A_1273 {strides = array<i32>} : memref<3x80xi32, #tpu.memory_space<vmem>>, vector<1x16xi32>,
    %shift_right_logical3A_1274 = arith.constant 14 : i32
    %shift_right_logical3A_1275 = vector.broadcast %shift_right_logical3A_1274 : i32 to vector<16xi32>
    %shift_right_logical3A_1276 = arith.shrui %get3A_1264, %shift_right_logical3A_1275 : vector<16xi32>
    %swap3A_1277 = arith.constant 1 : i32
    %swap3A_1278 = arith.index_cast %swap3A_1277 : i32 to index
    %swap3A_1279 = arith.constant 48 : index
    %swap3A_1280 = tpu.vector_load %arg9[%swap3A_1278, %swap3A_1279] {strides = array<i32>} : memref<3x80xi32, #tpu.memory_space<vmem>>, vector<1x16xi32>,
    %swap3A_1281 = vector.shape_cast %swap3A_1280 : vector<1x16xi32> to vector<16xi32>
    %swap3A_1282 = vector.shape_cast %shift_right_logical3A_1276 : vector<16xi32> to vector<1x16xi32>
    tpu.vector_store %arg9[%swap3A_1278, %swap3A_1279], %swap3A_1282 {strides = array<i32>} : memref<3x80xi32, #tpu.memory_space<vmem>>, vector<1x16xi32>,
    %get3A_1283 = arith.constant 1 : i32
    %get3A_1284 = arith.index_cast %get3A_1283 : i32 to index
    %get3A_1285 = arith.constant 64 : index
    %get3A_1286 = tpu.vector_load %arg6[%get3A_1284, %get3A_1285] {strides = array<i32>} : memref<3x80xi32, #tpu.memory_space<vmem>>, vector<1x16xi32>,
    %get3A_1287 = vector.shape_cast %get3A_1286 : vector<1x16xi32> to vector<16xi32>
    %and3A_1288 = arith.constant 16383 : i32
    %and3A_1289 = vector.broadcast %and3A_1288 : i32 to vector<16xi32>
    %and3A_1290 = arith.andi %get3A_1287, %and3A_1289 : vector<16xi32>
    %swap3A_1291 = arith.constant 1 : i32
    %swap3A_1292 = arith.index_cast %swap3A_1291 : i32 to index
    %swap3A_1293 = arith.constant 64 : index
    %swap3A_1294 = tpu.vector_load %arg8[%swap3A_1292, %swap3A_1293] {strides = array<i32>} : memref<3x80xi32, #tpu.memory_space<vmem>>, vector<1x16xi32>,
    %swap3A_1295 = vector.shape_cast %swap3A_1294 : vector<1x16xi32> to vector<16xi32>
    %swap3A_1296 = vector.shape_cast %and3A_1290 : vector<16xi32> to vector<1x16xi32>
    tpu.vector_store %arg8[%swap3A_1292, %swap3A_1293], %swap3A_1296 {strides = array<i32>} : memref<3x80xi32, #tpu.memory_space<vmem>>, vector<1x16xi32>,
    %shift_right_logical3A_1297 = arith.constant 14 : i32
    %shift_right_logical3A_1298 = vector.broadcast %shift_right_logical3A_1297 : i32 to vector<16xi32>
    %shift_right_logical3A_1299 = arith.shrui %get3A_1287, %shift_right_logical3A_1298 : vector<16xi32>
    %swap3A_1300 = arith.constant 1 : i32
    %swap3A_1301 = arith.index_cast %swap3A_1300 : i32 to index
    %swap3A_1302 = arith.constant 64 : index
    %swap3A_1303 = tpu.vector_load %arg9[%swap3A_1301, %swap3A_1302] {strides = array<i32>} : memref<3x80xi32, #tpu.memory_space<vmem>>, vector<1x16xi32>,
    %swap3A_1304 = vector.shape_cast %swap3A_1303 : vector<1x16xi32> to vector<16xi32>
    %swap3A_1305 = vector.shape_cast %shift_right_logical3A_1299 : vector<16xi32> to vector<1x16xi32>
    tpu.vector_store %arg9[%swap3A_1301, %swap3A_1302], %swap3A_1305 {strides = array<i32>} : memref<3x80xi32, #tpu.memory_space<vmem>>, vector<1x16xi32>,
    %dma_start3A_1306 = arith.constant 1 : i32
    %dma_start3A_1307 = arith.constant 1 : i32
    %dma_start3A_1308 = arith.constant 0 : i32
    %dma_start3A_1309 = arith.constant 0 : i32
    %dma_start3A_1310 = tpu.memref_slice %arg10[%dma_start3A_1307, %dma_start3A_1308, %dma_start3A_1309] : memref<3x80x128xf32, #tpu.memory_space<vmem>> -> memref<1x80x128xf32, #tpu.memory_space<vmem>>
    %dma_start3A_1311 = tpu.memref_squeeze %dma_start3A_1310 : memref<1x80x128xf32, #tpu.memory_space<vmem>> -> memref<80x128xf32, #tpu.memory_space<vmem>>
    %dma_start3A_1312 = arith.constant 0 : i32
    %dma_start3A_1313 = tpu.memref_slice %arg8[%dma_start3A_1306, %dma_start3A_1312] : memref<3x80xi32, #tpu.memory_space<vmem>> -> memref<1x80xi32, #tpu.memory_space<vmem>>
    %dma_start3A_1314 = tpu.memref_squeeze %dma_start3A_1313 : memref<1x80xi32, #tpu.memory_space<vmem>> -> memref<80xi32, #tpu.memory_space<vmem>>
    %dma_start3A_1315 = arith.constant 0 : i32
    %dma_start3A_1316 = arith.constant 0 : i32
    %dma_start3A_1317 = tpu.memref_slice %arg4[%dma_start3A_1315, %dma_start3A_1316] : memref<10000x128xf32, #tpu.memory_space<hbm>> -> memref<10000x128xf32, #tpu.memory_space<hbm>>
    tpu.enqueue_indirect_dma source(%dma_start3A_1317 : memref<10000x128xf32, #tpu.memory_space<hbm>>) target(%dma_start3A_1311 : memref<80x128xf32, #tpu.memory_space<vmem>>) offsets(%dma_start3A_1314 : memref<80xi32, #tpu.memory_space<vmem>>) semaphore(%arg17 : memref<!tpu.dma_semaphore, #tpu.memory_space<semaphore_mem>>)
    %dma_wait3A_1318 = arith.constant 0 : i32
    %dma_wait3A_1319 = arith.constant 0 : i32
    %dma_wait3A_1320 = arith.constant 0 : i32
    %dma_wait3A_1321 = arith.constant 0 : i32
    %dma_wait3A_1322 = tpu.memref_slice %arg10[%dma_wait3A_1319, %dma_wait3A_1320, %dma_wait3A_1321] : memref<3x80x128xf32, #tpu.memory_space<vmem>> -> memref<1x80x128xf32, #tpu.memory_space<vmem>>
    %dma_wait3A_1323 = tpu.memref_squeeze %dma_wait3A_1322 : memref<1x80x128xf32, #tpu.memory_space<vmem>> -> memref<80x128xf32, #tpu.memory_space<vmem>>
    %dma_wait3A_1324 = arith.constant 0 : i32
    %dma_wait3A_1325 = tpu.memref_slice %arg8[%dma_wait3A_1318, %dma_wait3A_1324] : memref<3x80xi32, #tpu.memory_space<vmem>> -> memref<1x80xi32, #tpu.memory_space<vmem>>
    %dma_wait3A_1326 = tpu.memref_squeeze %dma_wait3A_1325 : memref<1x80xi32, #tpu.memory_space<vmem>> -> memref<80xi32, #tpu.memory_space<vmem>>
    %dma_wait3A_1327 = arith.constant 0 : i32
    %dma_wait3A_1328 = arith.constant 0 : i32
    %dma_wait3A_1329 = tpu.memref_slice %arg4[%dma_wait3A_1327, %dma_wait3A_1328] : memref<10000x128xf32, #tpu.memory_space<hbm>> -> memref<10000x128xf32, #tpu.memory_space<hbm>>
    tpu.wait_indirect_dma semaphore(%arg16 : memref<!tpu.dma_semaphore, #tpu.memory_space<semaphore_mem>>) src(%dma_wait3A_1329 : memref<10000x128xf32, #tpu.memory_space<hbm>>) dst(%dma_wait3A_1323 : memref<80x128xf32, #tpu.memory_space<vmem>>)
    %dma_start3A_1330 = arith.constant 3 : i32
    %dma_start3A_1331 = arith.constant 0 : i32
    %dma_start3A_1332 = arith.constant 0 : i32
    %dma_start3A_1333 = tpu.memref_slice %arg6[%dma_start3A_1331, %dma_start3A_1332] : memref<3x80xi32, #tpu.memory_space<vmem>> -> memref<1x80xi32, #tpu.memory_space<vmem>>
    %dma_start3A_1334 = tpu.memref_squeeze %dma_start3A_1333 : memref<1x80xi32, #tpu.memory_space<vmem>> -> memref<80xi32, #tpu.memory_space<vmem>>
    %dma_start3A_1335 = arith.constant 0 : i32
    %dma_start3A_1336 = tpu.memref_slice %arg2[%add3A, %dma_start3A_1330, %dma_start3A_1335] : memref<32x125x80xi32, #tpu.memory_space<hbm>> -> memref<1x1x80xi32, #tpu.memory_space<hbm>>
    %dma_start3A_1337 = tpu.memref_squeeze %dma_start3A_1336 : memref<1x1x80xi32, #tpu.memory_space<hbm>> -> memref<80xi32, #tpu.memory_space<hbm>>
    %dma_start3A_1338 = arith.constant 0 : i32
    %dma_start3A_1339 = tpu.memref_slice %arg6[%dma_start3A_1331, %dma_start3A_1338] : memref<3x80xi32, #tpu.memory_space<vmem>> -> memref<1x80xi32, #tpu.memory_space<vmem>>
    %dma_start3A_1340 = tpu.memref_squeeze %dma_start3A_1339 : memref<1x80xi32, #tpu.memory_space<vmem>> -> memref<80xi32, #tpu.memory_space<vmem>>
    %dma_start3A_1341 = arith.constant 0 : i32
    %dma_start3A_1342 = tpu.memref_slice %arg2[%add3A, %dma_start3A_1330, %dma_start3A_1341] : memref<32x125x80xi32, #tpu.memory_space<hbm>> -> memref<1x1x80xi32, #tpu.memory_space<hbm>>
    %dma_start3A_1343 = tpu.memref_squeeze %dma_start3A_1342 : memref<1x1x80xi32, #tpu.memory_space<hbm>> -> memref<80xi32, #tpu.memory_space<hbm>>
    tpu.enqueue_dma source(%dma_start3A_1343 : memref<80xi32, #tpu.memory_space<hbm>>) target(%dma_start3A_1340 : memref<80xi32, #tpu.memory_space<vmem>>) target_semaphore(%arg13 : memref<!tpu.dma_semaphore, #tpu.memory_space<semaphore_mem>>)
    %dma_start3A_1344 = arith.constant 3 : i32
    %dma_start3A_1345 = arith.constant 0 : i32
    %dma_start3A_1346 = arith.constant 0 : i32
    %dma_start3A_1347 = tpu.memref_slice %arg7[%dma_start3A_1345, %dma_start3A_1346] : memref<3x80xf32, #tpu.memory_space<vmem>> -> memref<1x80xf32, #tpu.memory_space<vmem>>
    %dma_start3A_1348 = tpu.memref_squeeze %dma_start3A_1347 : memref<1x80xf32, #tpu.memory_space<vmem>> -> memref<80xf32, #tpu.memory_space<vmem>>
    %dma_start3A_1349 = arith.constant 0 : i32
    %dma_start3A_1350 = tpu.memref_slice %arg3[%add3A, %dma_start3A_1344, %dma_start3A_1349] : memref<32x125x80xf32, #tpu.memory_space<hbm>> -> memref<1x1x80xf32, #tpu.memory_space<hbm>>
    %dma_start3A_1351 = tpu.memref_squeeze %dma_start3A_1350 : memref<1x1x80xf32, #tpu.memory_space<hbm>> -> memref<80xf32, #tpu.memory_space<hbm>>
    %dma_start3A_1352 = arith.constant 0 : i32
    %dma_start3A_1353 = tpu.memref_slice %arg7[%dma_start3A_1345, %dma_start3A_1352] : memref<3x80xf32, #tpu.memory_space<vmem>> -> memref<1x80xf32, #tpu.memory_space<vmem>>
    %dma_start3A_1354 = tpu.memref_squeeze %dma_start3A_1353 : memref<1x80xf32, #tpu.memory_space<vmem>> -> memref<80xf32, #tpu.memory_space<vmem>>
    %dma_start3A_1355 = arith.constant 0 : i32
    %dma_start3A_1356 = tpu.memref_slice %arg3[%add3A, %dma_start3A_1344, %dma_start3A_1355] : memref<32x125x80xf32, #tpu.memory_space<hbm>> -> memref<1x1x80xf32, #tpu.memory_space<hbm>>
    %dma_start3A_1357 = tpu.memref_squeeze %dma_start3A_1356 : memref<1x1x80xf32, #tpu.memory_space<hbm>> -> memref<80xf32, #tpu.memory_space<hbm>>
    tpu.enqueue_dma source(%dma_start3A_1357 : memref<80xf32, #tpu.memory_space<hbm>>) target(%dma_start3A_1354 : memref<80xf32, #tpu.memory_space<vmem>>) target_semaphore(%arg13 : memref<!tpu.dma_semaphore, #tpu.memory_space<semaphore_mem>>)
    %dma_wait3A_1358 = arith.constant 2 : i32
    %dma_wait3A_1359 = arith.constant 2 : i32
    %dma_wait3A_1360 = arith.constant 0 : i32
    %dma_wait3A_1361 = tpu.memref_slice %arg6[%dma_wait3A_1359, %dma_wait3A_1360] : memref<3x80xi32, #tpu.memory_space<vmem>> -> memref<1x80xi32, #tpu.memory_space<vmem>>
    %dma_wait3A_1362 = tpu.memref_squeeze %dma_wait3A_1361 : memref<1x80xi32, #tpu.memory_space<vmem>> -> memref<80xi32, #tpu.memory_space<vmem>>
    %dma_wait3A_1363 = arith.constant 0 : i32
    %dma_wait3A_1364 = tpu.memref_slice %arg2[%add3A, %dma_wait3A_1358, %dma_wait3A_1363] : memref<32x125x80xi32, #tpu.memory_space<hbm>> -> memref<1x1x80xi32, #tpu.memory_space<hbm>>
    %dma_wait3A_1365 = tpu.memref_squeeze %dma_wait3A_1364 : memref<1x1x80xi32, #tpu.memory_space<hbm>> -> memref<80xi32, #tpu.memory_space<hbm>>
    %dma_wait3A_1366 = arith.constant 0 : i32
    %dma_wait3A_1367 = tpu.memref_slice %arg6[%dma_wait3A_1359, %dma_wait3A_1366] : memref<3x80xi32, #tpu.memory_space<vmem>> -> memref<1x80xi32, #tpu.memory_space<vmem>>
    %dma_wait3A_1368 = tpu.memref_squeeze %dma_wait3A_1367 : memref<1x80xi32, #tpu.memory_space<vmem>> -> memref<80xi32, #tpu.memory_space<vmem>>
    %dma_wait3A_1369 = arith.constant 0 : i32
    %dma_wait3A_1370 = tpu.memref_slice %arg2[%add3A, %dma_wait3A_1358, %dma_wait3A_1369] : memref<32x125x80xi32, #tpu.memory_space<hbm>> -> memref<1x1x80xi32, #tpu.memory_space<hbm>>
    %dma_wait3A_1371 = tpu.memref_squeeze %dma_wait3A_1370 : memref<1x1x80xi32, #tpu.memory_space<hbm>> -> memref<80xi32, #tpu.memory_space<hbm>>
    tpu.wait_dma2 semaphore(%arg15 : memref<!tpu.dma_semaphore, #tpu.memory_space<semaphore_mem>>) src(%dma_wait3A_1371 : memref<80xi32, #tpu.memory_space<hbm>>) dst(%dma_wait3A_1368 : memref<80xi32, #tpu.memory_space<vmem>>)
    %dma_wait3A_1372 = arith.constant 2 : i32
    %dma_wait3A_1373 = arith.constant 2 : i32
    %dma_wait3A_1374 = arith.constant 0 : i32
    %dma_wait3A_1375 = tpu.memref_slice %arg7[%dma_wait3A_1373, %dma_wait3A_1374] : memref<3x80xf32, #tpu.memory_space<vmem>> -> memref<1x80xf32, #tpu.memory_space<vmem>>
    %dma_wait3A_1376 = tpu.memref_squeeze %dma_wait3A_1375 : memref<1x80xf32, #tpu.memory_space<vmem>> -> memref<80xf32, #tpu.memory_space<vmem>>
    %dma_wait3A_1377 = arith.constant 0 : i32
    %dma_wait3A_1378 = tpu.memref_slice %arg3[%add3A, %dma_wait3A_1372, %dma_wait3A_1377] : memref<32x125x80xf32, #tpu.memory_space<hbm>> -> memref<1x1x80xf32, #tpu.memory_space<hbm>>
    %dma_wait3A_1379 = tpu.memref_squeeze %dma_wait3A_1378 : memref<1x1x80xf32, #tpu.memory_space<hbm>> -> memref<80xf32, #tpu.memory_space<hbm>>
    %dma_wait3A_1380 = arith.constant 0 : i32
    %dma_wait3A_1381 = tpu.memref_slice %arg7[%dma_wait3A_1373, %dma_wait3A_1380] : memref<3x80xf32, #tpu.memory_space<vmem>> -> memref<1x80xf32, #tpu.memory_space<vmem>>
    %dma_wait3A_1382 = tpu.memref_squeeze %dma_wait3A_1381 : memref<1x80xf32, #tpu.memory_space<vmem>> -> memref<80xf32, #tpu.memory_space<vmem>>
    %dma_wait3A_1383 = arith.constant 0 : i32
    %dma_wait3A_1384 = tpu.memref_slice %arg3[%add3A, %dma_wait3A_1372, %dma_wait3A_1383] : memref<32x125x80xf32, #tpu.memory_space<hbm>> -> memref<1x1x80xf32, #tpu.memory_space<hbm>>
    %dma_wait3A_1385 = tpu.memref_squeeze %dma_wait3A_1384 : memref<1x1x80xf32, #tpu.memory_space<hbm>> -> memref<80xf32, #tpu.memory_space<hbm>>
    tpu.wait_dma2 semaphore(%arg15 : memref<!tpu.dma_semaphore, #tpu.memory_space<semaphore_mem>>) src(%dma_wait3A_1385 : memref<80xf32, #tpu.memory_space<hbm>>) dst(%dma_wait3A_1382 : memref<80xf32, #tpu.memory_space<vmem>>)
    %get3A_1386 = arith.constant 2 : i32
    %get3A_1387 = arith.index_cast %get3A_1386 : i32 to index
    %get3A_1388 = arith.constant 0 : index
    %get3A_1389 = tpu.vector_load %arg6[%get3A_1387, %get3A_1388] {strides = array<i32>} : memref<3x80xi32, #tpu.memory_space<vmem>>, vector<1x16xi32>,
    %get3A_1390 = vector.shape_cast %get3A_1389 : vector<1x16xi32> to vector<16xi32>
    %and3A_1391 = arith.constant 16383 : i32
    %and3A_1392 = vector.broadcast %and3A_1391 : i32 to vector<16xi32>
    %and3A_1393 = arith.andi %get3A_1390, %and3A_1392 : vector<16xi32>
    %swap3A_1394 = arith.constant 2 : i32
    %swap3A_1395 = arith.index_cast %swap3A_1394 : i32 to index
    %swap3A_1396 = arith.constant 0 : index
    %swap3A_1397 = tpu.vector_load %arg8[%swap3A_1395, %swap3A_1396] {strides = array<i32>} : memref<3x80xi32, #tpu.memory_space<vmem>>, vector<1x16xi32>,
    %swap3A_1398 = vector.shape_cast %swap3A_1397 : vector<1x16xi32> to vector<16xi32>
    %swap3A_1399 = vector.shape_cast %and3A_1393 : vector<16xi32> to vector<1x16xi32>
    tpu.vector_store %arg8[%swap3A_1395, %swap3A_1396], %swap3A_1399 {strides = array<i32>} : memref<3x80xi32, #tpu.memory_space<vmem>>, vector<1x16xi32>,
    %shift_right_logical3A_1400 = arith.constant 14 : i32
    %shift_right_logical3A_1401 = vector.broadcast %shift_right_logical3A_1400 : i32 to vector<16xi32>
    %shift_right_logical3A_1402 = arith.shrui %get3A_1390, %shift_right_logical3A_1401 : vector<16xi32>
    %swap3A_1403 = arith.constant 2 : i32
    %swap3A_1404 = arith.index_cast %swap3A_1403 : i32 to index
    %swap3A_1405 = arith.constant 0 : index
    %swap3A_1406 = tpu.vector_load %arg9[%swap3A_1404, %swap3A_1405] {strides = array<i32>} : memref<3x80xi32, #tpu.memory_space<vmem>>, vector<1x16xi32>,
    %swap3A_1407 = vector.shape_cast %swap3A_1406 : vector<1x16xi32> to vector<16xi32>
    %swap3A_1408 = vector.shape_cast %shift_right_logical3A_1402 : vector<16xi32> to vector<1x16xi32>
    tpu.vector_store %arg9[%swap3A_1404, %swap3A_1405], %swap3A_1408 {strides = array<i32>} : memref<3x80xi32, #tpu.memory_space<vmem>>, vector<1x16xi32>,
    %get3A_1409 = arith.constant 2 : i32
    %get3A_1410 = arith.index_cast %get3A_1409 : i32 to index
    %get3A_1411 = arith.constant 16 : index
    %get3A_1412 = tpu.vector_load %arg6[%get3A_1410, %get3A_1411] {strides = array<i32>} : memref<3x80xi32, #tpu.memory_space<vmem>>, vector<1x16xi32>,
    %get3A_1413 = vector.shape_cast %get3A_1412 : vector<1x16xi32> to vector<16xi32>
    %and3A_1414 = arith.constant 16383 : i32
    %and3A_1415 = vector.broadcast %and3A_1414 : i32 to vector<16xi32>
    %and3A_1416 = arith.andi %get3A_1413, %and3A_1415 : vector<16xi32>
    %swap3A_1417 = arith.constant 2 : i32
    %swap3A_1418 = arith.index_cast %swap3A_1417 : i32 to index
    %swap3A_1419 = arith.constant 16 : index
    %swap3A_1420 = tpu.vector_load %arg8[%swap3A_1418, %swap3A_1419] {strides = array<i32>} : memref<3x80xi32, #tpu.memory_space<vmem>>, vector<1x16xi32>,
    %swap3A_1421 = vector.shape_cast %swap3A_1420 : vector<1x16xi32> to vector<16xi32>
    %swap3A_1422 = vector.shape_cast %and3A_1416 : vector<16xi32> to vector<1x16xi32>
    tpu.vector_store %arg8[%swap3A_1418, %swap3A_1419], %swap3A_1422 {strides = array<i32>} : memref<3x80xi32, #tpu.memory_space<vmem>>, vector<1x16xi32>,
    %shift_right_logical3A_1423 = arith.constant 14 : i32
    %shift_right_logical3A_1424 = vector.broadcast %shift_right_logical3A_1423 : i32 to vector<16xi32>
    %shift_right_logical3A_1425 = arith.shrui %get3A_1413, %shift_right_logical3A_1424 : vector<16xi32>
    %swap3A_1426 = arith.constant 2 : i32
    %swap3A_1427 = arith.index_cast %swap3A_1426 : i32 to index
    %swap3A_1428 = arith.constant 16 : index
    %swap3A_1429 = tpu.vector_load %arg9[%swap3A_1427, %swap3A_1428] {strides = array<i32>} : memref<3x80xi32, #tpu.memory_space<vmem>>, vector<1x16xi32>,
    %swap3A_1430 = vector.shape_cast %swap3A_1429 : vector<1x16xi32> to vector<16xi32>
    %swap3A_1431 = vector.shape_cast %shift_right_logical3A_1425 : vector<16xi32> to vector<1x16xi32>
    tpu.vector_store %arg9[%swap3A_1427, %swap3A_1428], %swap3A_1431 {strides = array<i32>} : memref<3x80xi32, #tpu.memory_space<vmem>>, vector<1x16xi32>,
    %get3A_1432 = arith.constant 2 : i32
    %get3A_1433 = arith.index_cast %get3A_1432 : i32 to index
    %get3A_1434 = arith.constant 32 : index
    %get3A_1435 = tpu.vector_load %arg6[%get3A_1433, %get3A_1434] {strides = array<i32>} : memref<3x80xi32, #tpu.memory_space<vmem>>, vector<1x16xi32>,
    %get3A_1436 = vector.shape_cast %get3A_1435 : vector<1x16xi32> to vector<16xi32>
    %and3A_1437 = arith.constant 16383 : i32
    %and3A_1438 = vector.broadcast %and3A_1437 : i32 to vector<16xi32>
    %and3A_1439 = arith.andi %get3A_1436, %and3A_1438 : vector<16xi32>
    %swap3A_1440 = arith.constant 2 : i32
    %swap3A_1441 = arith.index_cast %swap3A_1440 : i32 to index
    %swap3A_1442 = arith.constant 32 : index
    %swap3A_1443 = tpu.vector_load %arg8[%swap3A_1441, %swap3A_1442] {strides = array<i32>} : memref<3x80xi32, #tpu.memory_space<vmem>>, vector<1x16xi32>,
    %swap3A_1444 = vector.shape_cast %swap3A_1443 : vector<1x16xi32> to vector<16xi32>
    %swap3A_1445 = vector.shape_cast %and3A_1439 : vector<16xi32> to vector<1x16xi32>
    tpu.vector_store %arg8[%swap3A_1441, %swap3A_1442], %swap3A_1445 {strides = array<i32>} : memref<3x80xi32, #tpu.memory_space<vmem>>, vector<1x16xi32>,
    %shift_right_logical3A_1446 = arith.constant 14 : i32
    %shift_right_logical3A_1447 = vector.broadcast %shift_right_logical3A_1446 : i32 to vector<16xi32>
    %shift_right_logical3A_1448 = arith.shrui %get3A_1436, %shift_right_logical3A_1447 : vector<16xi32>
    %swap3A_1449 = arith.constant 2 : i32
    %swap3A_1450 = arith.index_cast %swap3A_1449 : i32 to index
    %swap3A_1451 = arith.constant 32 : index
    %swap3A_1452 = tpu.vector_load %arg9[%swap3A_1450, %swap3A_1451] {strides = array<i32>} : memref<3x80xi32, #tpu.memory_space<vmem>>, vector<1x16xi32>,
    %swap3A_1453 = vector.shape_cast %swap3A_1452 : vector<1x16xi32> to vector<16xi32>
    %swap3A_1454 = vector.shape_cast %shift_right_logical3A_1448 : vector<16xi32> to vector<1x16xi32>
    tpu.vector_store %arg9[%swap3A_1450, %swap3A_1451], %swap3A_1454 {strides = array<i32>} : memref<3x80xi32, #tpu.memory_space<vmem>>, vector<1x16xi32>,
    %get3A_1455 = arith.constant 2 : i32
    %get3A_1456 = arith.index_cast %get3A_1455 : i32 to index
    %get3A_1457 = arith.constant 48 : index
    %get3A_1458 = tpu.vector_load %arg6[%get3A_1456, %get3A_1457] {strides = array<i32>} : memref<3x80xi32, #tpu.memory_space<vmem>>, vector<1x16xi32>,
    %get3A_1459 = vector.shape_cast %get3A_1458 : vector<1x16xi32> to vector<16xi32>
    %and3A_1460 = arith.constant 16383 : i32
    %and3A_1461 = vector.broadcast %and3A_1460 : i32 to vector<16xi32>
    %and3A_1462 = arith.andi %get3A_1459, %and3A_1461 : vector<16xi32>
    %swap3A_1463 = arith.constant 2 : i32
    %swap3A_1464 = arith.index_cast %swap3A_1463 : i32 to index
    %swap3A_1465 = arith.constant 48 : index
    %swap3A_1466 = tpu.vector_load %arg8[%swap3A_1464, %swap3A_1465] {strides = array<i32>} : memref<3x80xi32, #tpu.memory_space<vmem>>, vector<1x16xi32>,
    %swap3A_1467 = vector.shape_cast %swap3A_1466 : vector<1x16xi32> to vector<16xi32>
    %swap3A_1468 = vector.shape_cast %and3A_1462 : vector<16xi32> to vector<1x16xi32>
    tpu.vector_store %arg8[%swap3A_1464, %swap3A_1465], %swap3A_1468 {strides = array<i32>} : memref<3x80xi32, #tpu.memory_space<vmem>>, vector<1x16xi32>,
    %shift_right_logical3A_1469 = arith.constant 14 : i32
    %shift_right_logical3A_1470 = vector.broadcast %shift_right_logical3A_1469 : i32 to vector<16xi32>
    %shift_right_logical3A_1471 = arith.shrui %get3A_1459, %shift_right_logical3A_1470 : vector<16xi32>
    %swap3A_1472 = arith.constant 2 : i32
    %swap3A_1473 = arith.index_cast %swap3A_1472 : i32 to index
    %swap3A_1474 = arith.constant 48 : index
    %swap3A_1475 = tpu.vector_load %arg9[%swap3A_1473, %swap3A_1474] {strides = array<i32>} : memref<3x80xi32, #tpu.memory_space<vmem>>, vector<1x16xi32>,
    %swap3A_1476 = vector.shape_cast %swap3A_1475 : vector<1x16xi32> to vector<16xi32>
    %swap3A_1477 = vector.shape_cast %shift_right_logical3A_1471 : vector<16xi32> to vector<1x16xi32>
    tpu.vector_store %arg9[%swap3A_1473, %swap3A_1474], %swap3A_1477 {strides = array<i32>} : memref<3x80xi32, #tpu.memory_space<vmem>>, vector<1x16xi32>,
    %get3A_1478 = arith.constant 2 : i32
    %get3A_1479 = arith.index_cast %get3A_1478 : i32 to index
    %get3A_1480 = arith.constant 64 : index
    %get3A_1481 = tpu.vector_load %arg6[%get3A_1479, %get3A_1480] {strides = array<i32>} : memref<3x80xi32, #tpu.memory_space<vmem>>, vector<1x16xi32>,
    %get3A_1482 = vector.shape_cast %get3A_1481 : vector<1x16xi32> to vector<16xi32>
    %and3A_1483 = arith.constant 16383 : i32
    %and3A_1484 = vector.broadcast %and3A_1483 : i32 to vector<16xi32>
    %and3A_1485 = arith.andi %get3A_1482, %and3A_1484 : vector<16xi32>
    %swap3A_1486 = arith.constant 2 : i32
    %swap3A_1487 = arith.index_cast %swap3A_1486 : i32 to index
    %swap3A_1488 = arith.constant 64 : index
    %swap3A_1489 = tpu.vector_load %arg8[%swap3A_1487, %swap3A_1488] {strides = array<i32>} : memref<3x80xi32, #tpu.memory_space<vmem>>, vector<1x16xi32>,
    %swap3A_1490 = vector.shape_cast %swap3A_1489 : vector<1x16xi32> to vector<16xi32>
    %swap3A_1491 = vector.shape_cast %and3A_1485 : vector<16xi32> to vector<1x16xi32>
    tpu.vector_store %arg8[%swap3A_1487, %swap3A_1488], %swap3A_1491 {strides = array<i32>} : memref<3x80xi32, #tpu.memory_space<vmem>>, vector<1x16xi32>,
    %shift_right_logical3A_1492 = arith.constant 14 : i32
    %shift_right_logical3A_1493 = vector.broadcast %shift_right_logical3A_1492 : i32 to vector<16xi32>
    %shift_right_logical3A_1494 = arith.shrui %get3A_1482, %shift_right_logical3A_1493 : vector<16xi32>
    %swap3A_1495 = arith.constant 2 : i32
    %swap3A_1496 = arith.index_cast %swap3A_1495 : i32 to index
    %swap3A_1497 = arith.constant 64 : index
    %swap3A_1498 = tpu.vector_load %arg9[%swap3A_1496, %swap3A_1497] {strides = array<i32>} : memref<3x80xi32, #tpu.memory_space<vmem>>, vector<1x16xi32>,
    %swap3A_1499 = vector.shape_cast %swap3A_1498 : vector<1x16xi32> to vector<16xi32>
    %swap3A_1500 = vector.shape_cast %shift_right_logical3A_1494 : vector<16xi32> to vector<1x16xi32>
    tpu.vector_store %arg9[%swap3A_1496, %swap3A_1497], %swap3A_1500 {strides = array<i32>} : memref<3x80xi32, #tpu.memory_space<vmem>>, vector<1x16xi32>,
    %dma_start3A_1501 = arith.constant 2 : i32
    %dma_start3A_1502 = arith.constant 2 : i32
    %dma_start3A_1503 = arith.constant 0 : i32
    %dma_start3A_1504 = arith.constant 0 : i32
    %dma_start3A_1505 = tpu.memref_slice %arg10[%dma_start3A_1502, %dma_start3A_1503, %dma_start3A_1504] : memref<3x80x128xf32, #tpu.memory_space<vmem>> -> memref<1x80x128xf32, #tpu.memory_space<vmem>>
    %dma_start3A_1506 = tpu.memref_squeeze %dma_start3A_1505 : memref<1x80x128xf32, #tpu.memory_space<vmem>> -> memref<80x128xf32, #tpu.memory_space<vmem>>
    %dma_start3A_1507 = arith.constant 0 : i32
    %dma_start3A_1508 = tpu.memref_slice %arg8[%dma_start3A_1501, %dma_start3A_1507] : memref<3x80xi32, #tpu.memory_space<vmem>> -> memref<1x80xi32, #tpu.memory_space<vmem>>
    %dma_start3A_1509 = tpu.memref_squeeze %dma_start3A_1508 : memref<1x80xi32, #tpu.memory_space<vmem>> -> memref<80xi32, #tpu.memory_space<vmem>>
    %dma_start3A_1510 = arith.constant 0 : i32
    %dma_start3A_1511 = arith.constant 0 : i32
    %dma_start3A_1512 = tpu.memref_slice %arg4[%dma_start3A_1510, %dma_start3A_1511] : memref<10000x128xf32, #tpu.memory_space<hbm>> -> memref<10000x128xf32, #tpu.memory_space<hbm>>
    tpu.enqueue_indirect_dma source(%dma_start3A_1512 : memref<10000x128xf32, #tpu.memory_space<hbm>>) target(%dma_start3A_1506 : memref<80x128xf32, #tpu.memory_space<vmem>>) offsets(%dma_start3A_1509 : memref<80xi32, #tpu.memory_space<vmem>>) semaphore(%arg18 : memref<!tpu.dma_semaphore, #tpu.memory_space<semaphore_mem>>)
    %dma_wait3A_1513 = arith.constant 1 : i32
    %dma_wait3A_1514 = arith.constant 1 : i32
    %dma_wait3A_1515 = arith.constant 0 : i32
    %dma_wait3A_1516 = arith.constant 0 : i32
    %dma_wait3A_1517 = tpu.memref_slice %arg10[%dma_wait3A_1514, %dma_wait3A_1515, %dma_wait3A_1516] : memref<3x80x128xf32, #tpu.memory_space<vmem>> -> memref<1x80x128xf32, #tpu.memory_space<vmem>>
    %dma_wait3A_1518 = tpu.memref_squeeze %dma_wait3A_1517 : memref<1x80x128xf32, #tpu.memory_space<vmem>> -> memref<80x128xf32, #tpu.memory_space<vmem>>
    %dma_wait3A_1519 = arith.constant 0 : i32
    %dma_wait3A_1520 = tpu.memref_slice %arg8[%dma_wait3A_1513, %dma_wait3A_1519] : memref<3x80xi32, #tpu.memory_space<vmem>> -> memref<1x80xi32, #tpu.memory_space<vmem>>
    %dma_wait3A_1521 = tpu.memref_squeeze %dma_wait3A_1520 : memref<1x80xi32, #tpu.memory_space<vmem>> -> memref<80xi32, #tpu.memory_space<vmem>>
    %dma_wait3A_1522 = arith.constant 0 : i32
    %dma_wait3A_1523 = arith.constant 0 : i32
    %dma_wait3A_1524 = tpu.memref_slice %arg4[%dma_wait3A_1522, %dma_wait3A_1523] : memref<10000x128xf32, #tpu.memory_space<hbm>> -> memref<10000x128xf32, #tpu.memory_space<hbm>>
    tpu.wait_indirect_dma semaphore(%arg17 : memref<!tpu.dma_semaphore, #tpu.memory_space<semaphore_mem>>) src(%dma_wait3A_1524 : memref<10000x128xf32, #tpu.memory_space<hbm>>) dst(%dma_wait3A_1518 : memref<80x128xf32, #tpu.memory_space<vmem>>)
    %dma_start3A_1525 = arith.constant 4 : i32
    %dma_start3A_1526 = arith.constant 1 : i32
    %dma_start3A_1527 = arith.constant 0 : i32
    %dma_start3A_1528 = tpu.memref_slice %arg6[%dma_start3A_1526, %dma_start3A_1527] : memref<3x80xi32, #tpu.memory_space<vmem>> -> memref<1x80xi32, #tpu.memory_space<vmem>>
    %dma_start3A_1529 = tpu.memref_squeeze %dma_start3A_1528 : memref<1x80xi32, #tpu.memory_space<vmem>> -> memref<80xi32, #tpu.memory_space<vmem>>
    %dma_start3A_1530 = arith.constant 0 : i32
    %dma_start3A_1531 = tpu.memref_slice %arg2[%add3A, %dma_start3A_1525, %dma_start3A_1530] : memref<32x125x80xi32, #tpu.memory_space<hbm>> -> memref<1x1x80xi32, #tpu.memory_space<hbm>>
    %dma_start3A_1532 = tpu.memref_squeeze %dma_start3A_1531 : memref<1x1x80xi32, #tpu.memory_space<hbm>> -> memref<80xi32, #tpu.memory_space<hbm>>
    %dma_start3A_1533 = arith.constant 0 : i32
    %dma_start3A_1534 = tpu.memref_slice %arg6[%dma_start3A_1526, %dma_start3A_1533] : memref<3x80xi32, #tpu.memory_space<vmem>> -> memref<1x80xi32, #tpu.memory_space<vmem>>
    %dma_start3A_1535 = tpu.memref_squeeze %dma_start3A_1534 : memref<1x80xi32, #tpu.memory_space<vmem>> -> memref<80xi32, #tpu.memory_space<vmem>>
    %dma_start3A_1536 = arith.constant 0 : i32
    %dma_start3A_1537 = tpu.memref_slice %arg2[%add3A, %dma_start3A_1525, %dma_start3A_1536] : memref<32x125x80xi32, #tpu.memory_space<hbm>> -> memref<1x1x80xi32, #tpu.memory_space<hbm>>
    %dma_start3A_1538 = tpu.memref_squeeze %dma_start3A_1537 : memref<1x1x80xi32, #tpu.memory_space<hbm>> -> memref<80xi32, #tpu.memory_space<hbm>>
    tpu.enqueue_dma source(%dma_start3A_1538 : memref<80xi32, #tpu.memory_space<hbm>>) target(%dma_start3A_1535 : memref<80xi32, #tpu.memory_space<vmem>>) target_semaphore(%arg14 : memref<!tpu.dma_semaphore, #tpu.memory_space<semaphore_mem>>)
    %dma_start3A_1539 = arith.constant 4 : i32
    %dma_start3A_1540 = arith.constant 1 : i32
    %dma_start3A_1541 = arith.constant 0 : i32
    %dma_start3A_1542 = tpu.memref_slice %arg7[%dma_start3A_1540, %dma_start3A_1541] : memref<3x80xf32, #tpu.memory_space<vmem>> -> memref<1x80xf32, #tpu.memory_space<vmem>>
    %dma_start3A_1543 = tpu.memref_squeeze %dma_start3A_1542 : memref<1x80xf32, #tpu.memory_space<vmem>> -> memref<80xf32, #tpu.memory_space<vmem>>
    %dma_start3A_1544 = arith.constant 0 : i32
    %dma_start3A_1545 = tpu.memref_slice %arg3[%add3A, %dma_start3A_1539, %dma_start3A_1544] : memref<32x125x80xf32, #tpu.memory_space<hbm>> -> memref<1x1x80xf32, #tpu.memory_space<hbm>>
    %dma_start3A_1546 = tpu.memref_squeeze %dma_start3A_1545 : memref<1x1x80xf32, #tpu.memory_space<hbm>> -> memref<80xf32, #tpu.memory_space<hbm>>
    %dma_start3A_1547 = arith.constant 0 : i32
    %dma_start3A_1548 = tpu.memref_slice %arg7[%dma_start3A_1540, %dma_start3A_1547] : memref<3x80xf32, #tpu.memory_space<vmem>> -> memref<1x80xf32, #tpu.memory_space<vmem>>
    %dma_start3A_1549 = tpu.memref_squeeze %dma_start3A_1548 : memref<1x80xf32, #tpu.memory_space<vmem>> -> memref<80xf32, #tpu.memory_space<vmem>>
    %dma_start3A_1550 = arith.constant 0 : i32
    %dma_start3A_1551 = tpu.memref_slice %arg3[%add3A, %dma_start3A_1539, %dma_start3A_1550] : memref<32x125x80xf32, #tpu.memory_space<hbm>> -> memref<1x1x80xf32, #tpu.memory_space<hbm>>
    %dma_start3A_1552 = tpu.memref_squeeze %dma_start3A_1551 : memref<1x1x80xf32, #tpu.memory_space<hbm>> -> memref<80xf32, #tpu.memory_space<hbm>>
    tpu.enqueue_dma source(%dma_start3A_1552 : memref<80xf32, #tpu.memory_space<hbm>>) target(%dma_start3A_1549 : memref<80xf32, #tpu.memory_space<vmem>>) target_semaphore(%arg14 : memref<!tpu.dma_semaphore, #tpu.memory_space<semaphore_mem>>)
    %dma_wait3A_1553 = arith.constant 3 : i32
    %dma_wait3A_1554 = arith.constant 0 : i32
    %dma_wait3A_1555 = arith.constant 0 : i32
    %dma_wait3A_1556 = tpu.memref_slice %arg6[%dma_wait3A_1554, %dma_wait3A_1555] : memref<3x80xi32, #tpu.memory_space<vmem>> -> memref<1x80xi32, #tpu.memory_space<vmem>>
    %dma_wait3A_1557 = tpu.memref_squeeze %dma_wait3A_1556 : memref<1x80xi32, #tpu.memory_space<vmem>> -> memref<80xi32, #tpu.memory_space<vmem>>
    %dma_wait3A_1558 = arith.constant 0 : i32
    %dma_wait3A_1559 = tpu.memref_slice %arg2[%add3A, %dma_wait3A_1553, %dma_wait3A_1558] : memref<32x125x80xi32, #tpu.memory_space<hbm>> -> memref<1x1x80xi32, #tpu.memory_space<hbm>>
    %dma_wait3A_1560 = tpu.memref_squeeze %dma_wait3A_1559 : memref<1x1x80xi32, #tpu.memory_space<hbm>> -> memref<80xi32, #tpu.memory_space<hbm>>
    %dma_wait3A_1561 = arith.constant 0 : i32
    %dma_wait3A_1562 = tpu.memref_slice %arg6[%dma_wait3A_1554, %dma_wait3A_1561] : memref<3x80xi32, #tpu.memory_space<vmem>> -> memref<1x80xi32, #tpu.memory_space<vmem>>
    %dma_wait3A_1563 = tpu.memref_squeeze %dma_wait3A_1562 : memref<1x80xi32, #tpu.memory_space<vmem>> -> memref<80xi32, #tpu.memory_space<vmem>>
    %dma_wait3A_1564 = arith.constant 0 : i32
    %dma_wait3A_1565 = tpu.memref_slice %arg2[%add3A, %dma_wait3A_1553, %dma_wait3A_1564] : memref<32x125x80xi32, #tpu.memory_space<hbm>> -> memref<1x1x80xi32, #tpu.memory_space<hbm>>
    %dma_wait3A_1566 = tpu.memref_squeeze %dma_wait3A_1565 : memref<1x1x80xi32, #tpu.memory_space<hbm>> -> memref<80xi32, #tpu.memory_space<hbm>>
    tpu.wait_dma2 semaphore(%arg13 : memref<!tpu.dma_semaphore, #tpu.memory_space<semaphore_mem>>) src(%dma_wait3A_1566 : memref<80xi32, #tpu.memory_space<hbm>>) dst(%dma_wait3A_1563 : memref<80xi32, #tpu.memory_space<vmem>>)
    %dma_wait3A_1567 = arith.constant 3 : i32
    %dma_wait3A_1568 = arith.constant 0 : i32
    %dma_wait3A_1569 = arith.constant 0 : i32
    %dma_wait3A_1570 = tpu.memref_slice %arg7[%dma_wait3A_1568, %dma_wait3A_1569] : memref<3x80xf32, #tpu.memory_space<vmem>> -> memref<1x80xf32, #tpu.memory_space<vmem>>
    %dma_wait3A_1571 = tpu.memref_squeeze %dma_wait3A_1570 : memref<1x80xf32, #tpu.memory_space<vmem>> -> memref<80xf32, #tpu.memory_space<vmem>>
    %dma_wait3A_1572 = arith.constant 0 : i32
    %dma_wait3A_1573 = tpu.memref_slice %arg3[%add3A, %dma_wait3A_1567, %dma_wait3A_1572] : memref<32x125x80xf32, #tpu.memory_space<hbm>> -> memref<1x1x80xf32, #tpu.memory_space<hbm>>
    %dma_wait3A_1574 = tpu.memref_squeeze %dma_wait3A_1573 : memref<1x1x80xf32, #tpu.memory_space<hbm>> -> memref<80xf32, #tpu.memory_space<hbm>>
    %dma_wait3A_1575 = arith.constant 0 : i32
    %dma_wait3A_1576 = tpu.memref_slice %arg7[%dma_wait3A_1568, %dma_wait3A_1575] : memref<3x80xf32, #tpu.memory_space<vmem>> -> memref<1x80xf32, #tpu.memory_space<vmem>>
    %dma_wait3A_1577 = tpu.memref_squeeze %dma_wait3A_1576 : memref<1x80xf32, #tpu.memory_space<vmem>> -> memref<80xf32, #tpu.memory_space<vmem>>
    %dma_wait3A_1578 = arith.constant 0 : i32
    %dma_wait3A_1579 = tpu.memref_slice %arg3[%add3A, %dma_wait3A_1567, %dma_wait3A_1578] : memref<32x125x80xf32, #tpu.memory_space<hbm>> -> memref<1x1x80xf32, #tpu.memory_space<hbm>>
    %dma_wait3A_1580 = tpu.memref_squeeze %dma_wait3A_1579 : memref<1x1x80xf32, #tpu.memory_space<hbm>> -> memref<80xf32, #tpu.memory_space<hbm>>
    tpu.wait_dma2 semaphore(%arg13 : memref<!tpu.dma_semaphore, #tpu.memory_space<semaphore_mem>>) src(%dma_wait3A_1580 : memref<80xf32, #tpu.memory_space<hbm>>) dst(%dma_wait3A_1577 : memref<80xf32, #tpu.memory_space<vmem>>)
    %get3A_1581 = arith.constant 0 : i32
    %get3A_1582 = arith.index_cast %get3A_1581 : i32 to index
    %get3A_1583 = arith.constant 0 : index
    %get3A_1584 = tpu.vector_load %arg6[%get3A_1582, %get3A_1583] {strides = array<i32>} : memref<3x80xi32, #tpu.memory_space<vmem>>, vector<1x16xi32>,
    %get3A_1585 = vector.shape_cast %get3A_1584 : vector<1x16xi32> to vector<16xi32>
    %and3A_1586 = arith.constant 16383 : i32
    %and3A_1587 = vector.broadcast %and3A_1586 : i32 to vector<16xi32>
    %and3A_1588 = arith.andi %get3A_1585, %and3A_1587 : vector<16xi32>
    %swap3A_1589 = arith.constant 0 : i32
    %swap3A_1590 = arith.index_cast %swap3A_1589 : i32 to index
    %swap3A_1591 = arith.constant 0 : index
    %swap3A_1592 = tpu.vector_load %arg8[%swap3A_1590, %swap3A_1591] {strides = array<i32>} : memref<3x80xi32, #tpu.memory_space<vmem>>, vector<1x16xi32>,
    %swap3A_1593 = vector.shape_cast %swap3A_1592 : vector<1x16xi32> to vector<16xi32>
    %swap3A_1594 = vector.shape_cast %and3A_1588 : vector<16xi32> to vector<1x16xi32>
    tpu.vector_store %arg8[%swap3A_1590, %swap3A_1591], %swap3A_1594 {strides = array<i32>} : memref<3x80xi32, #tpu.memory_space<vmem>>, vector<1x16xi32>,
    %shift_right_logical3A_1595 = arith.constant 14 : i32
    %shift_right_logical3A_1596 = vector.broadcast %shift_right_logical3A_1595 : i32 to vector<16xi32>
    %shift_right_logical3A_1597 = arith.shrui %get3A_1585, %shift_right_logical3A_1596 : vector<16xi32>
    %swap3A_1598 = arith.constant 0 : i32
    %swap3A_1599 = arith.index_cast %swap3A_1598 : i32 to index
    %swap3A_1600 = arith.constant 0 : index
    %swap3A_1601 = tpu.vector_load %arg9[%swap3A_1599, %swap3A_1600] {strides = array<i32>} : memref<3x80xi32, #tpu.memory_space<vmem>>, vector<1x16xi32>,
    %swap3A_1602 = vector.shape_cast %swap3A_1601 : vector<1x16xi32> to vector<16xi32>
    %swap3A_1603 = vector.shape_cast %shift_right_logical3A_1597 : vector<16xi32> to vector<1x16xi32>
    tpu.vector_store %arg9[%swap3A_1599, %swap3A_1600], %swap3A_1603 {strides = array<i32>} : memref<3x80xi32, #tpu.memory_space<vmem>>, vector<1x16xi32>,
    %get3A_1604 = arith.constant 0 : i32
    %get3A_1605 = arith.index_cast %get3A_1604 : i32 to index
    %get3A_1606 = arith.constant 16 : index
    %get3A_1607 = tpu.vector_load %arg6[%get3A_1605, %get3A_1606] {strides = array<i32>} : memref<3x80xi32, #tpu.memory_space<vmem>>, vector<1x16xi32>,
    %get3A_1608 = vector.shape_cast %get3A_1607 : vector<1x16xi32> to vector<16xi32>
    %and3A_1609 = arith.constant 16383 : i32
    %and3A_1610 = vector.broadcast %and3A_1609 : i32 to vector<16xi32>
    %and3A_1611 = arith.andi %get3A_1608, %and3A_1610 : vector<16xi32>
    %swap3A_1612 = arith.constant 0 : i32
    %swap3A_1613 = arith.index_cast %swap3A_1612 : i32 to index
    %swap3A_1614 = arith.constant 16 : index
    %swap3A_1615 = tpu.vector_load %arg8[%swap3A_1613, %swap3A_1614] {strides = array<i32>} : memref<3x80xi32, #tpu.memory_space<vmem>>, vector<1x16xi32>,
    %swap3A_1616 = vector.shape_cast %swap3A_1615 : vector<1x16xi32> to vector<16xi32>
    %swap3A_1617 = vector.shape_cast %and3A_1611 : vector<16xi32> to vector<1x16xi32>
    tpu.vector_store %arg8[%swap3A_1613, %swap3A_1614], %swap3A_1617 {strides = array<i32>} : memref<3x80xi32, #tpu.memory_space<vmem>>, vector<1x16xi32>,
    %shift_right_logical3A_1618 = arith.constant 14 : i32
    %shift_right_logical3A_1619 = vector.broadcast %shift_right_logical3A_1618 : i32 to vector<16xi32>
    %shift_right_logical3A_1620 = arith.shrui %get3A_1608, %shift_right_logical3A_1619 : vector<16xi32>
    %swap3A_1621 = arith.constant 0 : i32
    %swap3A_1622 = arith.index_cast %swap3A_1621 : i32 to index
    %swap3A_1623 = arith.constant 16 : index
    %swap3A_1624 = tpu.vector_load %arg9[%swap3A_1622, %swap3A_1623] {strides = array<i32>} : memref<3x80xi32, #tpu.memory_space<vmem>>, vector<1x16xi32>,
    %swap3A_1625 = vector.shape_cast %swap3A_1624 : vector<1x16xi32> to vector<16xi32>
    %swap3A_1626 = vector.shape_cast %shift_right_logical3A_1620 : vector<16xi32> to vector<1x16xi32>
    tpu.vector_store %arg9[%swap3A_1622, %swap3A_1623], %swap3A_1626 {strides = array<i32>} : memref<3x80xi32, #tpu.memory_space<vmem>>, vector<1x16xi32>,
    %get3A_1627 = arith.constant 0 : i32
    %get3A_1628 = arith.index_cast %get3A_1627 : i32 to index
    %get3A_1629 = arith.constant 32 : index
    %get3A_1630 = tpu.vector_load %arg6[%get3A_1628, %get3A_1629] {strides = array<i32>} : memref<3x80xi32, #tpu.memory_space<vmem>>, vector<1x16xi32>,
    %get3A_1631 = vector.shape_cast %get3A_1630 : vector<1x16xi32> to vector<16xi32>
    %and3A_1632 = arith.constant 16383 : i32
    %and3A_1633 = vector.broadcast %and3A_1632 : i32 to vector<16xi32>
    %and3A_1634 = arith.andi %get3A_1631, %and3A_1633 : vector<16xi32>
    %swap3A_1635 = arith.constant 0 : i32
    %swap3A_1636 = arith.index_cast %swap3A_1635 : i32 to index
    %swap3A_1637 = arith.constant 32 : index
    %swap3A_1638 = tpu.vector_load %arg8[%swap3A_1636, %swap3A_1637] {strides = array<i32>} : memref<3x80xi32, #tpu.memory_space<vmem>>, vector<1x16xi32>,
    %swap3A_1639 = vector.shape_cast %swap3A_1638 : vector<1x16xi32> to vector<16xi32>
    %swap3A_1640 = vector.shape_cast %and3A_1634 : vector<16xi32> to vector<1x16xi32>
    tpu.vector_store %arg8[%swap3A_1636, %swap3A_1637], %swap3A_1640 {strides = array<i32>} : memref<3x80xi32, #tpu.memory_space<vmem>>, vector<1x16xi32>,
    %shift_right_logical3A_1641 = arith.constant 14 : i32
    %shift_right_logical3A_1642 = vector.broadcast %shift_right_logical3A_1641 : i32 to vector<16xi32>
    %shift_right_logical3A_1643 = arith.shrui %get3A_1631, %shift_right_logical3A_1642 : vector<16xi32>
    %swap3A_1644 = arith.constant 0 : i32
    %swap3A_1645 = arith.index_cast %swap3A_1644 : i32 to index
    %swap3A_1646 = arith.constant 32 : index
    %swap3A_1647 = tpu.vector_load %arg9[%swap3A_1645, %swap3A_1646] {strides = array<i32>} : memref<3x80xi32, #tpu.memory_space<vmem>>, vector<1x16xi32>,
    %swap3A_1648 = vector.shape_cast %swap3A_1647 : vector<1x16xi32> to vector<16xi32>
    %swap3A_1649 = vector.shape_cast %shift_right_logical3A_1643 : vector<16xi32> to vector<1x16xi32>
    tpu.vector_store %arg9[%swap3A_1645, %swap3A_1646], %swap3A_1649 {strides = array<i32>} : memref<3x80xi32, #tpu.memory_space<vmem>>, vector<1x16xi32>,
    %get3A_1650 = arith.constant 0 : i32
    %get3A_1651 = arith.index_cast %get3A_1650 : i32 to index
    %get3A_1652 = arith.constant 48 : index
    %get3A_1653 = tpu.vector_load %arg6[%get3A_1651, %get3A_1652] {strides = array<i32>} : memref<3x80xi32, #tpu.memory_space<vmem>>, vector<1x16xi32>,
    %get3A_1654 = vector.shape_cast %get3A_1653 : vector<1x16xi32> to vector<16xi32>
    %and3A_1655 = arith.constant 16383 : i32
    %and3A_1656 = vector.broadcast %and3A_1655 : i32 to vector<16xi32>
    %and3A_1657 = arith.andi %get3A_1654, %and3A_1656 : vector<16xi32>
    %swap3A_1658 = arith.constant 0 : i32
    %swap3A_1659 = arith.index_cast %swap3A_1658 : i32 to index
    %swap3A_1660 = arith.constant 48 : index
    %swap3A_1661 = tpu.vector_load %arg8[%swap3A_1659, %swap3A_1660] {strides = array<i32>} : memref<3x80xi32, #tpu.memory_space<vmem>>, vector<1x16xi32>,
    %swap3A_1662 = vector.shape_cast %swap3A_1661 : vector<1x16xi32> to vector<16xi32>
    %swap3A_1663 = vector.shape_cast %and3A_1657 : vector<16xi32> to vector<1x16xi32>
    tpu.vector_store %arg8[%swap3A_1659, %swap3A_1660], %swap3A_1663 {strides = array<i32>} : memref<3x80xi32, #tpu.memory_space<vmem>>, vector<1x16xi32>,
    %shift_right_logical3A_1664 = arith.constant 14 : i32
    %shift_right_logical3A_1665 = vector.broadcast %shift_right_logical3A_1664 : i32 to vector<16xi32>
    %shift_right_logical3A_1666 = arith.shrui %get3A_1654, %shift_right_logical3A_1665 : vector<16xi32>
    %swap3A_1667 = arith.constant 0 : i32
    %swap3A_1668 = arith.index_cast %swap3A_1667 : i32 to index
    %swap3A_1669 = arith.constant 48 : index
    %swap3A_1670 = tpu.vector_load %arg9[%swap3A_1668, %swap3A_1669] {strides = array<i32>} : memref<3x80xi32, #tpu.memory_space<vmem>>, vector<1x16xi32>,
    %swap3A_1671 = vector.shape_cast %swap3A_1670 : vector<1x16xi32> to vector<16xi32>
    %swap3A_1672 = vector.shape_cast %shift_right_logical3A_1666 : vector<16xi32> to vector<1x16xi32>
    tpu.vector_store %arg9[%swap3A_1668, %swap3A_1669], %swap3A_1672 {strides = array<i32>} : memref<3x80xi32, #tpu.memory_space<vmem>>, vector<1x16xi32>,
    %get3A_1673 = arith.constant 0 : i32
    %get3A_1674 = arith.index_cast %get3A_1673 : i32 to index
    %get3A_1675 = arith.constant 64 : index
    %get3A_1676 = tpu.vector_load %arg6[%get3A_1674, %get3A_1675] {strides = array<i32>} : memref<3x80xi32, #tpu.memory_space<vmem>>, vector<1x16xi32>,
    %get3A_1677 = vector.shape_cast %get3A_1676 : vector<1x16xi32> to vector<16xi32>
    %and3A_1678 = arith.constant 16383 : i32
    %and3A_1679 = vector.broadcast %and3A_1678 : i32 to vector<16xi32>
    %and3A_1680 = arith.andi %get3A_1677, %and3A_1679 : vector<16xi32>
    %swap3A_1681 = arith.constant 0 : i32
    %swap3A_1682 = arith.index_cast %swap3A_1681 : i32 to index
    %swap3A_1683 = arith.constant 64 : index
    %swap3A_1684 = tpu.vector_load %arg8[%swap3A_1682, %swap3A_1683] {strides = array<i32>} : memref<3x80xi32, #tpu.memory_space<vmem>>, vector<1x16xi32>,
    %swap3A_1685 = vector.shape_cast %swap3A_1684 : vector<1x16xi32> to vector<16xi32>
    %swap3A_1686 = vector.shape_cast %and3A_1680 : vector<16xi32> to vector<1x16xi32>
    tpu.vector_store %arg8[%swap3A_1682, %swap3A_1683], %swap3A_1686 {strides = array<i32>} : memref<3x80xi32, #tpu.memory_space<vmem>>, vector<1x16xi32>,
    %shift_right_logical3A_1687 = arith.constant 14 : i32
    %shift_right_logical3A_1688 = vector.broadcast %shift_right_logical3A_1687 : i32 to vector<16xi32>
    %shift_right_logical3A_1689 = arith.shrui %get3A_1677, %shift_right_logical3A_1688 : vector<16xi32>
    %swap3A_1690 = arith.constant 0 : i32
    %swap3A_1691 = arith.index_cast %swap3A_1690 : i32 to index
    %swap3A_1692 = arith.constant 64 : index
    %swap3A_1693 = tpu.vector_load %arg9[%swap3A_1691, %swap3A_1692] {strides = array<i32>} : memref<3x80xi32, #tpu.memory_space<vmem>>, vector<1x16xi32>,
    %swap3A_1694 = vector.shape_cast %swap3A_1693 : vector<1x16xi32> to vector<16xi32>
    %swap3A_1695 = vector.shape_cast %shift_right_logical3A_1689 : vector<16xi32> to vector<1x16xi32>
    tpu.vector_store %arg9[%swap3A_1691, %swap3A_1692], %swap3A_1695 {strides = array<i32>} : memref<3x80xi32, #tpu.memory_space<vmem>>, vector<1x16xi32>,
    %dma_start3A_1696 = arith.constant 0 : i32
    %dma_start3A_1697 = arith.constant 0 : i32
    %dma_start3A_1698 = arith.constant 0 : i32
    %dma_start3A_1699 = arith.constant 0 : i32
    %dma_start3A_1700 = tpu.memref_slice %arg10[%dma_start3A_1697, %dma_start3A_1698, %dma_start3A_1699] : memref<3x80x128xf32, #tpu.memory_space<vmem>> -> memref<1x80x128xf32, #tpu.memory_space<vmem>>
    %dma_start3A_1701 = tpu.memref_squeeze %dma_start3A_1700 : memref<1x80x128xf32, #tpu.memory_space<vmem>> -> memref<80x128xf32, #tpu.memory_space<vmem>>
    %dma_start3A_1702 = arith.constant 0 : i32
    %dma_start3A_1703 = tpu.memref_slice %arg8[%dma_start3A_1696, %dma_start3A_1702] : memref<3x80xi32, #tpu.memory_space<vmem>> -> memref<1x80xi32, #tpu.memory_space<vmem>>
    %dma_start3A_1704 = tpu.memref_squeeze %dma_start3A_1703 : memref<1x80xi32, #tpu.memory_space<vmem>> -> memref<80xi32, #tpu.memory_space<vmem>>
    %dma_start3A_1705 = arith.constant 0 : i32
    %dma_start3A_1706 = arith.constant 0 : i32
    %dma_start3A_1707 = tpu.memref_slice %arg4[%dma_start3A_1705, %dma_start3A_1706] : memref<10000x128xf32, #tpu.memory_space<hbm>> -> memref<10000x128xf32, #tpu.memory_space<hbm>>
    tpu.enqueue_indirect_dma source(%dma_start3A_1707 : memref<10000x128xf32, #tpu.memory_space<hbm>>) target(%dma_start3A_1701 : memref<80x128xf32, #tpu.memory_space<vmem>>) offsets(%dma_start3A_1704 : memref<80xi32, #tpu.memory_space<vmem>>) semaphore(%arg16 : memref<!tpu.dma_semaphore, #tpu.memory_space<semaphore_mem>>)
    %dma_wait3A_1708 = arith.constant 2 : i32
    %dma_wait3A_1709 = arith.constant 2 : i32
    %dma_wait3A_1710 = arith.constant 0 : i32
    %dma_wait3A_1711 = arith.constant 0 : i32
    %dma_wait3A_1712 = tpu.memref_slice %arg10[%dma_wait3A_1709, %dma_wait3A_1710, %dma_wait3A_1711] : memref<3x80x128xf32, #tpu.memory_space<vmem>> -> memref<1x80x128xf32, #tpu.memory_space<vmem>>
    %dma_wait3A_1713 = tpu.memref_squeeze %dma_wait3A_1712 : memref<1x80x128xf32, #tpu.memory_space<vmem>> -> memref<80x128xf32, #tpu.memory_space<vmem>>
    %dma_wait3A_1714 = arith.constant 0 : i32
    %dma_wait3A_1715 = tpu.memref_slice %arg8[%dma_wait3A_1708, %dma_wait3A_1714] : memref<3x80xi32, #tpu.memory_space<vmem>> -> memref<1x80xi32, #tpu.memory_space<vmem>>
    %dma_wait3A_1716 = tpu.memref_squeeze %dma_wait3A_1715 : memref<1x80xi32, #tpu.memory_space<vmem>> -> memref<80xi32, #tpu.memory_space<vmem>>
    %dma_wait3A_1717 = arith.constant 0 : i32
    %dma_wait3A_1718 = arith.constant 0 : i32
    %dma_wait3A_1719 = tpu.memref_slice %arg4[%dma_wait3A_1717, %dma_wait3A_1718] : memref<10000x128xf32, #tpu.memory_space<hbm>> -> memref<10000x128xf32, #tpu.memory_space<hbm>>
    tpu.wait_indirect_dma semaphore(%arg18 : memref<!tpu.dma_semaphore, #tpu.memory_space<semaphore_mem>>) src(%dma_wait3A_1719 : memref<10000x128xf32, #tpu.memory_space<hbm>>) dst(%dma_wait3A_1713 : memref<80x128xf32, #tpu.memory_space<vmem>>)
    %dma_start3A_1720 = arith.constant 5 : i32
    %dma_start3A_1721 = arith.constant 2 : i32
    %dma_start3A_1722 = arith.constant 0 : i32
    %dma_start3A_1723 = tpu.memref_slice %arg6[%dma_start3A_1721, %dma_start3A_1722] : memref<3x80xi32, #tpu.memory_space<vmem>> -> memref<1x80xi32, #tpu.memory_space<vmem>>
    %dma_start3A_1724 = tpu.memref_squeeze %dma_start3A_1723 : memref<1x80xi32, #tpu.memory_space<vmem>> -> memref<80xi32, #tpu.memory_space<vmem>>
    %dma_start3A_1725 = arith.constant 0 : i32
    %dma_start3A_1726 = tpu.memref_slice %arg2[%add3A, %dma_start3A_1720, %dma_start3A_1725] : memref<32x125x80xi32, #tpu.memory_space<hbm>> -> memref<1x1x80xi32, #tpu.memory_space<hbm>>
    %dma_start3A_1727 = tpu.memref_squeeze %dma_start3A_1726 : memref<1x1x80xi32, #tpu.memory_space<hbm>> -> memref<80xi32, #tpu.memory_space<hbm>>
    %dma_start3A_1728 = arith.constant 0 : i32
    %dma_start3A_1729 = tpu.memref_slice %arg6[%dma_start3A_1721, %dma_start3A_1728] : memref<3x80xi32, #tpu.memory_space<vmem>> -> memref<1x80xi32, #tpu.memory_space<vmem>>
    %dma_start3A_1730 = tpu.memref_squeeze %dma_start3A_1729 : memref<1x80xi32, #tpu.memory_space<vmem>> -> memref<80xi32, #tpu.memory_space<vmem>>
    %dma_start3A_1731 = arith.constant 0 : i32
    %dma_start3A_1732 = tpu.memref_slice %arg2[%add3A, %dma_start3A_1720, %dma_start3A_1731] : memref<32x125x80xi32, #tpu.memory_space<hbm>> -> memref<1x1x80xi32, #tpu.memory_space<hbm>>
    %dma_start3A_1733 = tpu.memref_squeeze %dma_start3A_1732 : memref<1x1x80xi32, #tpu.memory_space<hbm>> -> memref<80xi32, #tpu.memory_space<hbm>>
    tpu.enqueue_dma source(%dma_start3A_1733 : memref<80xi32, #tpu.memory_space<hbm>>) target(%dma_start3A_1730 : memref<80xi32, #tpu.memory_space<vmem>>) target_semaphore(%arg15 : memref<!tpu.dma_semaphore, #tpu.memory_space<semaphore_mem>>)
    %dma_start3A_1734 = arith.constant 5 : i32
    %dma_start3A_1735 = arith.constant 2 : i32
    %dma_start3A_1736 = arith.constant 0 : i32
    %dma_start3A_1737 = tpu.memref_slice %arg7[%dma_start3A_1735, %dma_start3A_1736] : memref<3x80xf32, #tpu.memory_space<vmem>> -> memref<1x80xf32, #tpu.memory_space<vmem>>
    %dma_start3A_1738 = tpu.memref_squeeze %dma_start3A_1737 : memref<1x80xf32, #tpu.memory_space<vmem>> -> memref<80xf32, #tpu.memory_space<vmem>>
    %dma_start3A_1739 = arith.constant 0 : i32
    %dma_start3A_1740 = tpu.memref_slice %arg3[%add3A, %dma_start3A_1734, %dma_start3A_1739] : memref<32x125x80xf32, #tpu.memory_space<hbm>> -> memref<1x1x80xf32, #tpu.memory_space<hbm>>
    %dma_start3A_1741 = tpu.memref_squeeze %dma_start3A_1740 : memref<1x1x80xf32, #tpu.memory_space<hbm>> -> memref<80xf32, #tpu.memory_space<hbm>>
    %dma_start3A_1742 = arith.constant 0 : i32
    %dma_start3A_1743 = tpu.memref_slice %arg7[%dma_start3A_1735, %dma_start3A_1742] : memref<3x80xf32, #tpu.memory_space<vmem>> -> memref<1x80xf32, #tpu.memory_space<vmem>>
    %dma_start3A_1744 = tpu.memref_squeeze %dma_start3A_1743 : memref<1x80xf32, #tpu.memory_space<vmem>> -> memref<80xf32, #tpu.memory_space<vmem>>
    %dma_start3A_1745 = arith.constant 0 : i32
    %dma_start3A_1746 = tpu.memref_slice %arg3[%add3A, %dma_start3A_1734, %dma_start3A_1745] : memref<32x125x80xf32, #tpu.memory_space<hbm>> -> memref<1x1x80xf32, #tpu.memory_space<hbm>>
    %dma_start3A_1747 = tpu.memref_squeeze %dma_start3A_1746 : memref<1x1x80xf32, #tpu.memory_space<hbm>> -> memref<80xf32, #tpu.memory_space<hbm>>
    tpu.enqueue_dma source(%dma_start3A_1747 : memref<80xf32, #tpu.memory_space<hbm>>) target(%dma_start3A_1744 : memref<80xf32, #tpu.memory_space<vmem>>) target_semaphore(%arg15 : memref<!tpu.dma_semaphore, #tpu.memory_space<semaphore_mem>>)
    %dma_wait3A_1748 = arith.constant 4 : i32
    %dma_wait3A_1749 = arith.constant 1 : i32
    %dma_wait3A_1750 = arith.constant 0 : i32
    %dma_wait3A_1751 = tpu.memref_slice %arg6[%dma_wait3A_1749, %dma_wait3A_1750] : memref<3x80xi32, #tpu.memory_space<vmem>> -> memref<1x80xi32, #tpu.memory_space<vmem>>
    %dma_wait3A_1752 = tpu.memref_squeeze %dma_wait3A_1751 : memref<1x80xi32, #tpu.memory_space<vmem>> -> memref<80xi32, #tpu.memory_space<vmem>>
    %dma_wait3A_1753 = arith.constant 0 : i32
    %dma_wait3A_1754 = tpu.memref_slice %arg2[%add3A, %dma_wait3A_1748, %dma_wait3A_1753] : memref<32x125x80xi32, #tpu.memory_space<hbm>> -> memref<1x1x80xi32, #tpu.memory_space<hbm>>
    %dma_wait3A_1755 = tpu.memref_squeeze %dma_wait3A_1754 : memref<1x1x80xi32, #tpu.memory_space<hbm>> -> memref<80xi32, #tpu.memory_space<hbm>>
    %dma_wait3A_1756 = arith.constant 0 : i32
    %dma_wait3A_1757 = tpu.memref_slice %arg6[%dma_wait3A_1749, %dma_wait3A_1756] : memref<3x80xi32, #tpu.memory_space<vmem>> -> memref<1x80xi32, #tpu.memory_space<vmem>>
    %dma_wait3A_1758 = tpu.memref_squeeze %dma_wait3A_1757 : memref<1x80xi32, #tpu.memory_space<vmem>> -> memref<80xi32, #tpu.memory_space<vmem>>
    %dma_wait3A_1759 = arith.constant 0 : i32
    %dma_wait3A_1760 = tpu.memref_slice %arg2[%add3A, %dma_wait3A_1748, %dma_wait3A_1759] : memref<32x125x80xi32, #tpu.memory_space<hbm>> -> memref<1x1x80xi32, #tpu.memory_space<hbm>>
    %dma_wait3A_1761 = tpu.memref_squeeze %dma_wait3A_1760 : memref<1x1x80xi32, #tpu.memory_space<hbm>> -> memref<80xi32, #tpu.memory_space<hbm>>
    tpu.wait_dma2 semaphore(%arg14 : memref<!tpu.dma_semaphore, #tpu.memory_space<semaphore_mem>>) src(%dma_wait3A_1761 : memref<80xi32, #tpu.memory_space<hbm>>) dst(%dma_wait3A_1758 : memref<80xi32, #tpu.memory_space<vmem>>)
    %dma_wait3A_1762 = arith.constant 4 : i32
    %dma_wait3A_1763 = arith.constant 1 : i32
    %dma_wait3A_1764 = arith.constant 0 : i32
    %dma_wait3A_1765 = tpu.memref_slice %arg7[%dma_wait3A_1763, %dma_wait3A_1764] : memref<3x80xf32, #tpu.memory_space<vmem>> -> memref<1x80xf32, #tpu.memory_space<vmem>>
    %dma_wait3A_1766 = tpu.memref_squeeze %dma_wait3A_1765 : memref<1x80xf32, #tpu.memory_space<vmem>> -> memref<80xf32, #tpu.memory_space<vmem>>
    %dma_wait3A_1767 = arith.constant 0 : i32
    %dma_wait3A_1768 = tpu.memref_slice %arg3[%add3A, %dma_wait3A_1762, %dma_wait3A_1767] : memref<32x125x80xf32, #tpu.memory_space<hbm>> -> memref<1x1x80xf32, #tpu.memory_space<hbm>>
    %dma_wait3A_1769 = tpu.memref_squeeze %dma_wait3A_1768 : memref<1x1x80xf32, #tpu.memory_space<hbm>> -> memref<80xf32, #tpu.memory_space<hbm>>
    %dma_wait3A_1770 = arith.constant 0 : i32
    %dma_wait3A_1771 = tpu.memref_slice %arg7[%dma_wait3A_1763, %dma_wait3A_1770] : memref<3x80xf32, #tpu.memory_space<vmem>> -> memref<1x80xf32, #tpu.memory_space<vmem>>
    %dma_wait3A_1772 = tpu.memref_squeeze %dma_wait3A_1771 : memref<1x80xf32, #tpu.memory_space<vmem>> -> memref<80xf32, #tpu.memory_space<vmem>>
    %dma_wait3A_1773 = arith.constant 0 : i32
    %dma_wait3A_1774 = tpu.memref_slice %arg3[%add3A, %dma_wait3A_1762, %dma_wait3A_1773] : memref<32x125x80xf32, #tpu.memory_space<hbm>> -> memref<1x1x80xf32, #tpu.memory_space<hbm>>
    %dma_wait3A_1775 = tpu.memref_squeeze %dma_wait3A_1774 : memref<1x1x80xf32, #tpu.memory_space<hbm>> -> memref<80xf32, #tpu.memory_space<hbm>>
    tpu.wait_dma2 semaphore(%arg14 : memref<!tpu.dma_semaphore, #tpu.memory_space<semaphore_mem>>) src(%dma_wait3A_1775 : memref<80xf32, #tpu.memory_space<hbm>>) dst(%dma_wait3A_1772 : memref<80xf32, #tpu.memory_space<vmem>>)
    %get3A_1776 = arith.constant 1 : i32
    %get3A_1777 = arith.index_cast %get3A_1776 : i32 to index
    %get3A_1778 = arith.constant 0 : index
    %get3A_1779 = tpu.vector_load %arg6[%get3A_1777, %get3A_1778] {strides = array<i32>} : memref<3x80xi32, #tpu.memory_space<vmem>>, vector<1x16xi32>,
    %get3A_1780 = vector.shape_cast %get3A_1779 : vector<1x16xi32> to vector<16xi32>
    %and3A_1781 = arith.constant 16383 : i32
    %and3A_1782 = vector.broadcast %and3A_1781 : i32 to vector<16xi32>
    %and3A_1783 = arith.andi %get3A_1780, %and3A_1782 : vector<16xi32>
    %swap3A_1784 = arith.constant 1 : i32
    %swap3A_1785 = arith.index_cast %swap3A_1784 : i32 to index
    %swap3A_1786 = arith.constant 0 : index
    %swap3A_1787 = tpu.vector_load %arg8[%swap3A_1785, %swap3A_1786] {strides = array<i32>} : memref<3x80xi32, #tpu.memory_space<vmem>>, vector<1x16xi32>,
    %swap3A_1788 = vector.shape_cast %swap3A_1787 : vector<1x16xi32> to vector<16xi32>
    %swap3A_1789 = vector.shape_cast %and3A_1783 : vector<16xi32> to vector<1x16xi32>
    tpu.vector_store %arg8[%swap3A_1785, %swap3A_1786], %swap3A_1789 {strides = array<i32>} : memref<3x80xi32, #tpu.memory_space<vmem>>, vector<1x16xi32>,
    %shift_right_logical3A_1790 = arith.constant 14 : i32
    %shift_right_logical3A_1791 = vector.broadcast %shift_right_logical3A_1790 : i32 to vector<16xi32>
    %shift_right_logical3A_1792 = arith.shrui %get3A_1780, %shift_right_logical3A_1791 : vector<16xi32>
    %swap3A_1793 = arith.constant 1 : i32
    %swap3A_1794 = arith.index_cast %swap3A_1793 : i32 to index
    %swap3A_1795 = arith.constant 0 : index
    %swap3A_1796 = tpu.vector_load %arg9[%swap3A_1794, %swap3A_1795] {strides = array<i32>} : memref<3x80xi32, #tpu.memory_space<vmem>>, vector<1x16xi32>,
    %swap3A_1797 = vector.shape_cast %swap3A_1796 : vector<1x16xi32> to vector<16xi32>
    %swap3A_1798 = vector.shape_cast %shift_right_logical3A_1792 : vector<16xi32> to vector<1x16xi32>
    tpu.vector_store %arg9[%swap3A_1794, %swap3A_1795], %swap3A_1798 {strides = array<i32>} : memref<3x80xi32, #tpu.memory_space<vmem>>, vector<1x16xi32>,
    %get3A_1799 = arith.constant 1 : i32
    %get3A_1800 = arith.index_cast %get3A_1799 : i32 to index
    %get3A_1801 = arith.constant 16 : index
    %get3A_1802 = tpu.vector_load %arg6[%get3A_1800, %get3A_1801] {strides = array<i32>} : memref<3x80xi32, #tpu.memory_space<vmem>>, vector<1x16xi32>,
    %get3A_1803 = vector.shape_cast %get3A_1802 : vector<1x16xi32> to vector<16xi32>
    %and3A_1804 = arith.constant 16383 : i32
    %and3A_1805 = vector.broadcast %and3A_1804 : i32 to vector<16xi32>
    %and3A_1806 = arith.andi %get3A_1803, %and3A_1805 : vector<16xi32>
    %swap3A_1807 = arith.constant 1 : i32
    %swap3A_1808 = arith.index_cast %swap3A_1807 : i32 to index
    %swap3A_1809 = arith.constant 16 : index
    %swap3A_1810 = tpu.vector_load %arg8[%swap3A_1808, %swap3A_1809] {strides = array<i32>} : memref<3x80xi32, #tpu.memory_space<vmem>>, vector<1x16xi32>,
    %swap3A_1811 = vector.shape_cast %swap3A_1810 : vector<1x16xi32> to vector<16xi32>
    %swap3A_1812 = vector.shape_cast %and3A_1806 : vector<16xi32> to vector<1x16xi32>
    tpu.vector_store %arg8[%swap3A_1808, %swap3A_1809], %swap3A_1812 {strides = array<i32>} : memref<3x80xi32, #tpu.memory_space<vmem>>, vector<1x16xi32>,
    %shift_right_logical3A_1813 = arith.constant 14 : i32
    %shift_right_logical3A_1814 = vector.broadcast %shift_right_logical3A_1813 : i32 to vector<16xi32>
    %shift_right_logical3A_1815 = arith.shrui %get3A_1803, %shift_right_logical3A_1814 : vector<16xi32>
    %swap3A_1816 = arith.constant 1 : i32
    %swap3A_1817 = arith.index_cast %swap3A_1816 : i32 to index
    %swap3A_1818 = arith.constant 16 : index
    %swap3A_1819 = tpu.vector_load %arg9[%swap3A_1817, %swap3A_1818] {strides = array<i32>} : memref<3x80xi32, #tpu.memory_space<vmem>>, vector<1x16xi32>,
    %swap3A_1820 = vector.shape_cast %swap3A_1819 : vector<1x16xi32> to vector<16xi32>
    %swap3A_1821 = vector.shape_cast %shift_right_logical3A_1815 : vector<16xi32> to vector<1x16xi32>
    tpu.vector_store %arg9[%swap3A_1817, %swap3A_1818], %swap3A_1821 {strides = array<i32>} : memref<3x80xi32, #tpu.memory_space<vmem>>, vector<1x16xi32>,
    %get3A_1822 = arith.constant 1 : i32
    %get3A_1823 = arith.index_cast %get3A_1822 : i32 to index
    %get3A_1824 = arith.constant 32 : index
    %get3A_1825 = tpu.vector_load %arg6[%get3A_1823, %get3A_1824] {strides = array<i32>} : memref<3x80xi32, #tpu.memory_space<vmem>>, vector<1x16xi32>,
    %get3A_1826 = vector.shape_cast %get3A_1825 : vector<1x16xi32> to vector<16xi32>
    %and3A_1827 = arith.constant 16383 : i32
    %and3A_1828 = vector.broadcast %and3A_1827 : i32 to vector<16xi32>
    %and3A_1829 = arith.andi %get3A_1826, %and3A_1828 : vector<16xi32>
    %swap3A_1830 = arith.constant 1 : i32
    %swap3A_1831 = arith.index_cast %swap3A_1830 : i32 to index
    %swap3A_1832 = arith.constant 32 : index
    %swap3A_1833 = tpu.vector_load %arg8[%swap3A_1831, %swap3A_1832] {strides = array<i32>} : memref<3x80xi32, #tpu.memory_space<vmem>>, vector<1x16xi32>,
    %swap3A_1834 = vector.shape_cast %swap3A_1833 : vector<1x16xi32> to vector<16xi32>
    %swap3A_1835 = vector.shape_cast %and3A_1829 : vector<16xi32> to vector<1x16xi32>
    tpu.vector_store %arg8[%swap3A_1831, %swap3A_1832], %swap3A_1835 {strides = array<i32>} : memref<3x80xi32, #tpu.memory_space<vmem>>, vector<1x16xi32>,
    %shift_right_logical3A_1836 = arith.constant 14 : i32
    %shift_right_logical3A_1837 = vector.broadcast %shift_right_logical3A_1836 : i32 to vector<16xi32>
    %shift_right_logical3A_1838 = arith.shrui %get3A_1826, %shift_right_logical3A_1837 : vector<16xi32>
    %swap3A_1839 = arith.constant 1 : i32
    %swap3A_1840 = arith.index_cast %swap3A_1839 : i32 to index
    %swap3A_1841 = arith.constant 32 : index
    %swap3A_1842 = tpu.vector_load %arg9[%swap3A_1840, %swap3A_1841] {strides = array<i32>} : memref<3x80xi32, #tpu.memory_space<vmem>>, vector<1x16xi32>,
    %swap3A_1843 = vector.shape_cast %swap3A_1842 : vector<1x16xi32> to vector<16xi32>
    %swap3A_1844 = vector.shape_cast %shift_right_logical3A_1838 : vector<16xi32> to vector<1x16xi32>
    tpu.vector_store %arg9[%swap3A_1840, %swap3A_1841], %swap3A_1844 {strides = array<i32>} : memref<3x80xi32, #tpu.memory_space<vmem>>, vector<1x16xi32>,
    %get3A_1845 = arith.constant 1 : i32
    %get3A_1846 = arith.index_cast %get3A_1845 : i32 to index
    %get3A_1847 = arith.constant 48 : index
    %get3A_1848 = tpu.vector_load %arg6[%get3A_1846, %get3A_1847] {strides = array<i32>} : memref<3x80xi32, #tpu.memory_space<vmem>>, vector<1x16xi32>,
    %get3A_1849 = vector.shape_cast %get3A_1848 : vector<1x16xi32> to vector<16xi32>
    %and3A_1850 = arith.constant 16383 : i32
    %and3A_1851 = vector.broadcast %and3A_1850 : i32 to vector<16xi32>
    %and3A_1852 = arith.andi %get3A_1849, %and3A_1851 : vector<16xi32>
    %swap3A_1853 = arith.constant 1 : i32
    %swap3A_1854 = arith.index_cast %swap3A_1853 : i32 to index
    %swap3A_1855 = arith.constant 48 : index
    %swap3A_1856 = tpu.vector_load %arg8[%swap3A_1854, %swap3A_1855] {strides = array<i32>} : memref<3x80xi32, #tpu.memory_space<vmem>>, vector<1x16xi32>,
    %swap3A_1857 = vector.shape_cast %swap3A_1856 : vector<1x16xi32> to vector<16xi32>
    %swap3A_1858 = vector.shape_cast %and3A_1852 : vector<16xi32> to vector<1x16xi32>
    tpu.vector_store %arg8[%swap3A_1854, %swap3A_1855], %swap3A_1858 {strides = array<i32>} : memref<3x80xi32, #tpu.memory_space<vmem>>, vector<1x16xi32>,
    %shift_right_logical3A_1859 = arith.constant 14 : i32
    %shift_right_logical3A_1860 = vector.broadcast %shift_right_logical3A_1859 : i32 to vector<16xi32>
    %shift_right_logical3A_1861 = arith.shrui %get3A_1849, %shift_right_logical3A_1860 : vector<16xi32>
    %swap3A_1862 = arith.constant 1 : i32
    %swap3A_1863 = arith.index_cast %swap3A_1862 : i32 to index
    %swap3A_1864 = arith.constant 48 : index
    %swap3A_1865 = tpu.vector_load %arg9[%swap3A_1863, %swap3A_1864] {strides = array<i32>} : memref<3x80xi32, #tpu.memory_space<vmem>>, vector<1x16xi32>,
    %swap3A_1866 = vector.shape_cast %swap3A_1865 : vector<1x16xi32> to vector<16xi32>
    %swap3A_1867 = vector.shape_cast %shift_right_logical3A_1861 : vector<16xi32> to vector<1x16xi32>
    tpu.vector_store %arg9[%swap3A_1863, %swap3A_1864], %swap3A_1867 {strides = array<i32>} : memref<3x80xi32, #tpu.memory_space<vmem>>, vector<1x16xi32>,
    %get3A_1868 = arith.constant 1 : i32
    %get3A_1869 = arith.index_cast %get3A_1868 : i32 to index
    %get3A_1870 = arith.constant 64 : index
    %get3A_1871 = tpu.vector_load %arg6[%get3A_1869, %get3A_1870] {strides = array<i32>} : memref<3x80xi32, #tpu.memory_space<vmem>>, vector<1x16xi32>,
    %get3A_1872 = vector.shape_cast %get3A_1871 : vector<1x16xi32> to vector<16xi32>
    %and3A_1873 = arith.constant 16383 : i32
    %and3A_1874 = vector.broadcast %and3A_1873 : i32 to vector<16xi32>
    %and3A_1875 = arith.andi %get3A_1872, %and3A_1874 : vector<16xi32>
    %swap3A_1876 = arith.constant 1 : i32
    %swap3A_1877 = arith.index_cast %swap3A_1876 : i32 to index
    %swap3A_1878 = arith.constant 64 : index
    %swap3A_1879 = tpu.vector_load %arg8[%swap3A_1877, %swap3A_1878] {strides = array<i32>} : memref<3x80xi32, #tpu.memory_space<vmem>>, vector<1x16xi32>,
    %swap3A_1880 = vector.shape_cast %swap3A_1879 : vector<1x16xi32> to vector<16xi32>
    %swap3A_1881 = vector.shape_cast %and3A_1875 : vector<16xi32> to vector<1x16xi32>
    tpu.vector_store %arg8[%swap3A_1877, %swap3A_1878], %swap3A_1881 {strides = array<i32>} : memref<3x80xi32, #tpu.memory_space<vmem>>, vector<1x16xi32>,
    %shift_right_logical3A_1882 = arith.constant 14 : i32
    %shift_right_logical3A_1883 = vector.broadcast %shift_right_logical3A_1882 : i32 to vector<16xi32>
    %shift_right_logical3A_1884 = arith.shrui %get3A_1872, %shift_right_logical3A_1883 : vector<16xi32>
    %swap3A_1885 = arith.constant 1 : i32
    %swap3A_1886 = arith.index_cast %swap3A_1885 : i32 to index
    %swap3A_1887 = arith.constant 64 : index
    %swap3A_1888 = tpu.vector_load %arg9[%swap3A_1886, %swap3A_1887] {strides = array<i32>} : memref<3x80xi32, #tpu.memory_space<vmem>>, vector<1x16xi32>,
    %swap3A_1889 = vector.shape_cast %swap3A_1888 : vector<1x16xi32> to vector<16xi32>
    %swap3A_1890 = vector.shape_cast %shift_right_logical3A_1884 : vector<16xi32> to vector<1x16xi32>
    tpu.vector_store %arg9[%swap3A_1886, %swap3A_1887], %swap3A_1890 {strides = array<i32>} : memref<3x80xi32, #tpu.memory_space<vmem>>, vector<1x16xi32>,
    %dma_start3A_1891 = arith.constant 1 : i32
    %dma_start3A_1892 = arith.constant 1 : i32
    %dma_start3A_1893 = arith.constant 0 : i32
    %dma_start3A_1894 = arith.constant 0 : i32
    %dma_start3A_1895 = tpu.memref_slice %arg10[%dma_start3A_1892, %dma_start3A_1893, %dma_start3A_1894] : memref<3x80x128xf32, #tpu.memory_space<vmem>> -> memref<1x80x128xf32, #tpu.memory_space<vmem>>
    %dma_start3A_1896 = tpu.memref_squeeze %dma_start3A_1895 : memref<1x80x128xf32, #tpu.memory_space<vmem>> -> memref<80x128xf32, #tpu.memory_space<vmem>>
    %dma_start3A_1897 = arith.constant 0 : i32
    %dma_start3A_1898 = tpu.memref_slice %arg8[%dma_start3A_1891, %dma_start3A_1897] : memref<3x80xi32, #tpu.memory_space<vmem>> -> memref<1x80xi32, #tpu.memory_space<vmem>>
    %dma_start3A_1899 = tpu.memref_squeeze %dma_start3A_1898 : memref<1x80xi32, #tpu.memory_space<vmem>> -> memref<80xi32, #tpu.memory_space<vmem>>
    %dma_start3A_1900 = arith.constant 0 : i32
    %dma_start3A_1901 = arith.constant 0 : i32
    %dma_start3A_1902 = tpu.memref_slice %arg4[%dma_start3A_1900, %dma_start3A_1901] : memref<10000x128xf32, #tpu.memory_space<hbm>> -> memref<10000x128xf32, #tpu.memory_space<hbm>>
    tpu.enqueue_indirect_dma source(%dma_start3A_1902 : memref<10000x128xf32, #tpu.memory_space<hbm>>) target(%dma_start3A_1896 : memref<80x128xf32, #tpu.memory_space<vmem>>) offsets(%dma_start3A_1899 : memref<80xi32, #tpu.memory_space<vmem>>) semaphore(%arg17 : memref<!tpu.dma_semaphore, #tpu.memory_space<semaphore_mem>>)
    %scan3A = arith.constant 0 : i32
    %scan3A_1903 = arith.constant 1 : i32
    %scan3A_1904 = arith.constant 40 : i32
    %scan3A_1905 = arith.addi %scan3A_1903, %scan3A_1904 : i32
    %scan3A_1906 = arith.constant 1 : i32
    scf.for %scan3A_1937 = %scan3A_1903 to %scan3A_1905 step %scan3A_1906  : i32 {
      %mul3A_1938 = arith.constant 3 : i32
      %mul3A_1939 = arith.muli %mul3A_1938, %scan3A_1937 : i32
      %dma_wait3A_1940 = arith.constant 0 : i32
      %dma_wait3A_1941 = arith.constant 0 : i32
      %dma_wait3A_1942 = arith.constant 0 : i32
      %dma_wait3A_1943 = arith.constant 0 : i32
      %dma_wait3A_1944 = tpu.memref_slice %arg10[%dma_wait3A_1941, %dma_wait3A_1942, %dma_wait3A_1943] : memref<3x80x128xf32, #tpu.memory_space<vmem>> -> memref<1x80x128xf32, #tpu.memory_space<vmem>>
      %dma_wait3A_1945 = tpu.memref_squeeze %dma_wait3A_1944 : memref<1x80x128xf32, #tpu.memory_space<vmem>> -> memref<80x128xf32, #tpu.memory_space<vmem>>
      %dma_wait3A_1946 = arith.constant 0 : i32
      %dma_wait3A_1947 = tpu.memref_slice %arg8[%dma_wait3A_1940, %dma_wait3A_1946] : memref<3x80xi32, #tpu.memory_space<vmem>> -> memref<1x80xi32, #tpu.memory_space<vmem>>
      %dma_wait3A_1948 = tpu.memref_squeeze %dma_wait3A_1947 : memref<1x80xi32, #tpu.memory_space<vmem>> -> memref<80xi32, #tpu.memory_space<vmem>>
      %dma_wait3A_1949 = arith.constant 0 : i32
      %dma_wait3A_1950 = arith.constant 0 : i32
      %dma_wait3A_1951 = tpu.memref_slice %arg4[%dma_wait3A_1949, %dma_wait3A_1950] : memref<10000x128xf32, #tpu.memory_space<hbm>> -> memref<10000x128xf32, #tpu.memory_space<hbm>>
      tpu.wait_indirect_dma semaphore(%arg16 : memref<!tpu.dma_semaphore, #tpu.memory_space<semaphore_mem>>) src(%dma_wait3A_1951 : memref<10000x128xf32, #tpu.memory_space<hbm>>) dst(%dma_wait3A_1945 : memref<80x128xf32, #tpu.memory_space<vmem>>)
      %add3A_1952 = arith.constant 3 : i32
      %add3A_1953 = arith.addi %mul3A_1939, %add3A_1952 : i32
      %lt3A = arith.constant 125 : i32
      %lt3A_1954 = arith.cmpi slt, %add3A_1953, %lt3A : i32
      %convert_element_type3A = arith.extui %lt3A_1954 : i1 to i32
      %cond3A = arith.constant 0 : i32
      %cond3A_1955 = arith.cmpi ne, %convert_element_type3A, %cond3A : i32
      scf.if %cond3A_1955 {
        %add3A_2463 = arith.constant 3 : i32
        %add3A_2464 = arith.addi %mul3A_1939, %add3A_2463 : i32
        %dma_start3A_2465 = arith.constant 0 : i32
        %dma_start3A_2466 = arith.constant 0 : i32
        %dma_start3A_2467 = tpu.memref_slice %arg6[%dma_start3A_2465, %dma_start3A_2466] : memref<3x80xi32, #tpu.memory_space<vmem>> -> memref<1x80xi32, #tpu.memory_space<vmem>>
        %dma_start3A_2468 = tpu.memref_squeeze %dma_start3A_2467 : memref<1x80xi32, #tpu.memory_space<vmem>> -> memref<80xi32, #tpu.memory_space<vmem>>
        %dma_start3A_2469 = arith.constant 0 : i32
        %dma_start3A_2470 = tpu.memref_slice %arg2[%add3A, %add3A_2464, %dma_start3A_2469] : memref<32x125x80xi32, #tpu.memory_space<hbm>> -> memref<1x1x80xi32, #tpu.memory_space<hbm>>
        %dma_start3A_2471 = tpu.memref_squeeze %dma_start3A_2470 : memref<1x1x80xi32, #tpu.memory_space<hbm>> -> memref<80xi32, #tpu.memory_space<hbm>>
        %dma_start3A_2472 = arith.constant 0 : i32
        %dma_start3A_2473 = tpu.memref_slice %arg6[%dma_start3A_2465, %dma_start3A_2472] : memref<3x80xi32, #tpu.memory_space<vmem>> -> memref<1x80xi32, #tpu.memory_space<vmem>>
        %dma_start3A_2474 = tpu.memref_squeeze %dma_start3A_2473 : memref<1x80xi32, #tpu.memory_space<vmem>> -> memref<80xi32, #tpu.memory_space<vmem>>
        %dma_start3A_2475 = arith.constant 0 : i32
        %dma_start3A_2476 = tpu.memref_slice %arg2[%add3A, %add3A_2464, %dma_start3A_2475] : memref<32x125x80xi32, #tpu.memory_space<hbm>> -> memref<1x1x80xi32, #tpu.memory_space<hbm>>
        %dma_start3A_2477 = tpu.memref_squeeze %dma_start3A_2476 : memref<1x1x80xi32, #tpu.memory_space<hbm>> -> memref<80xi32, #tpu.memory_space<hbm>>
        tpu.enqueue_dma source(%dma_start3A_2477 : memref<80xi32, #tpu.memory_space<hbm>>) target(%dma_start3A_2474 : memref<80xi32, #tpu.memory_space<vmem>>) target_semaphore(%arg13 : memref<!tpu.dma_semaphore, #tpu.memory_space<semaphore_mem>>)
        %dma_start3A_2478 = arith.constant 0 : i32
        %dma_start3A_2479 = arith.constant 0 : i32
        %dma_start3A_2480 = tpu.memref_slice %arg7[%dma_start3A_2478, %dma_start3A_2479] : memref<3x80xf32, #tpu.memory_space<vmem>> -> memref<1x80xf32, #tpu.memory_space<vmem>>
        %dma_start3A_2481 = tpu.memref_squeeze %dma_start3A_2480 : memref<1x80xf32, #tpu.memory_space<vmem>> -> memref<80xf32, #tpu.memory_space<vmem>>
        %dma_start3A_2482 = arith.constant 0 : i32
        %dma_start3A_2483 = tpu.memref_slice %arg3[%add3A, %add3A_2464, %dma_start3A_2482] : memref<32x125x80xf32, #tpu.memory_space<hbm>> -> memref<1x1x80xf32, #tpu.memory_space<hbm>>
        %dma_start3A_2484 = tpu.memref_squeeze %dma_start3A_2483 : memref<1x1x80xf32, #tpu.memory_space<hbm>> -> memref<80xf32, #tpu.memory_space<hbm>>
        %dma_start3A_2485 = arith.constant 0 : i32
        %dma_start3A_2486 = tpu.memref_slice %arg7[%dma_start3A_2478, %dma_start3A_2485] : memref<3x80xf32, #tpu.memory_space<vmem>> -> memref<1x80xf32, #tpu.memory_space<vmem>>
        %dma_start3A_2487 = tpu.memref_squeeze %dma_start3A_2486 : memref<1x80xf32, #tpu.memory_space<vmem>> -> memref<80xf32, #tpu.memory_space<vmem>>
        %dma_start3A_2488 = arith.constant 0 : i32
        %dma_start3A_2489 = tpu.memref_slice %arg3[%add3A, %add3A_2464, %dma_start3A_2488] : memref<32x125x80xf32, #tpu.memory_space<hbm>> -> memref<1x1x80xf32, #tpu.memory_space<hbm>>
        %dma_start3A_2490 = tpu.memref_squeeze %dma_start3A_2489 : memref<1x1x80xf32, #tpu.memory_space<hbm>> -> memref<80xf32, #tpu.memory_space<hbm>>
        tpu.enqueue_dma source(%dma_start3A_2490 : memref<80xf32, #tpu.memory_space<hbm>>) target(%dma_start3A_2487 : memref<80xf32, #tpu.memory_space<vmem>>) target_semaphore(%arg13 : memref<!tpu.dma_semaphore, #tpu.memory_space<semaphore_mem>>)
      } else {
      }
      %add3A_1956 = arith.constant 2 : i32
      %add3A_1957 = arith.addi %mul3A_1939, %add3A_1956 : i32
      %dma_wait3A_1958 = arith.constant 2 : i32
      %dma_wait3A_1959 = arith.constant 0 : i32
      %dma_wait3A_1960 = tpu.memref_slice %arg6[%dma_wait3A_1958, %dma_wait3A_1959] : memref<3x80xi32, #tpu.memory_space<vmem>> -> memref<1x80xi32, #tpu.memory_space<vmem>>
      %dma_wait3A_1961 = tpu.memref_squeeze %dma_wait3A_1960 : memref<1x80xi32, #tpu.memory_space<vmem>> -> memref<80xi32, #tpu.memory_space<vmem>>
      %dma_wait3A_1962 = arith.constant 0 : i32
      %dma_wait3A_1963 = tpu.memref_slice %arg2[%add3A, %add3A_1957, %dma_wait3A_1962] : memref<32x125x80xi32, #tpu.memory_space<hbm>> -> memref<1x1x80xi32, #tpu.memory_space<hbm>>
      %dma_wait3A_1964 = tpu.memref_squeeze %dma_wait3A_1963 : memref<1x1x80xi32, #tpu.memory_space<hbm>> -> memref<80xi32, #tpu.memory_space<hbm>>
      %dma_wait3A_1965 = arith.constant 0 : i32
      %dma_wait3A_1966 = tpu.memref_slice %arg6[%dma_wait3A_1958, %dma_wait3A_1965] : memref<3x80xi32, #tpu.memory_space<vmem>> -> memref<1x80xi32, #tpu.memory_space<vmem>>
      %dma_wait3A_1967 = tpu.memref_squeeze %dma_wait3A_1966 : memref<1x80xi32, #tpu.memory_space<vmem>> -> memref<80xi32, #tpu.memory_space<vmem>>
      %dma_wait3A_1968 = arith.constant 0 : i32
      %dma_wait3A_1969 = tpu.memref_slice %arg2[%add3A, %add3A_1957, %dma_wait3A_1968] : memref<32x125x80xi32, #tpu.memory_space<hbm>> -> memref<1x1x80xi32, #tpu.memory_space<hbm>>
      %dma_wait3A_1970 = tpu.memref_squeeze %dma_wait3A_1969 : memref<1x1x80xi32, #tpu.memory_space<hbm>> -> memref<80xi32, #tpu.memory_space<hbm>>
      tpu.wait_dma2 semaphore(%arg15 : memref<!tpu.dma_semaphore, #tpu.memory_space<semaphore_mem>>) src(%dma_wait3A_1970 : memref<80xi32, #tpu.memory_space<hbm>>) dst(%dma_wait3A_1967 : memref<80xi32, #tpu.memory_space<vmem>>)
      %dma_wait3A_1971 = arith.constant 2 : i32
      %dma_wait3A_1972 = arith.constant 0 : i32
      %dma_wait3A_1973 = tpu.memref_slice %arg7[%dma_wait3A_1971, %dma_wait3A_1972] : memref<3x80xf32, #tpu.memory_space<vmem>> -> memref<1x80xf32, #tpu.memory_space<vmem>>
      %dma_wait3A_1974 = tpu.memref_squeeze %dma_wait3A_1973 : memref<1x80xf32, #tpu.memory_space<vmem>> -> memref<80xf32, #tpu.memory_space<vmem>>
      %dma_wait3A_1975 = arith.constant 0 : i32
      %dma_wait3A_1976 = tpu.memref_slice %arg3[%add3A, %add3A_1957, %dma_wait3A_1975] : memref<32x125x80xf32, #tpu.memory_space<hbm>> -> memref<1x1x80xf32, #tpu.memory_space<hbm>>
      %dma_wait3A_1977 = tpu.memref_squeeze %dma_wait3A_1976 : memref<1x1x80xf32, #tpu.memory_space<hbm>> -> memref<80xf32, #tpu.memory_space<hbm>>
      %dma_wait3A_1978 = arith.constant 0 : i32
      %dma_wait3A_1979 = tpu.memref_slice %arg7[%dma_wait3A_1971, %dma_wait3A_1978] : memref<3x80xf32, #tpu.memory_space<vmem>> -> memref<1x80xf32, #tpu.memory_space<vmem>>
      %dma_wait3A_1980 = tpu.memref_squeeze %dma_wait3A_1979 : memref<1x80xf32, #tpu.memory_space<vmem>> -> memref<80xf32, #tpu.memory_space<vmem>>
      %dma_wait3A_1981 = arith.constant 0 : i32
      %dma_wait3A_1982 = tpu.memref_slice %arg3[%add3A, %add3A_1957, %dma_wait3A_1981] : memref<32x125x80xf32, #tpu.memory_space<hbm>> -> memref<1x1x80xf32, #tpu.memory_space<hbm>>
      %dma_wait3A_1983 = tpu.memref_squeeze %dma_wait3A_1982 : memref<1x1x80xf32, #tpu.memory_space<hbm>> -> memref<80xf32, #tpu.memory_space<hbm>>
      tpu.wait_dma2 semaphore(%arg15 : memref<!tpu.dma_semaphore, #tpu.memory_space<semaphore_mem>>) src(%dma_wait3A_1983 : memref<80xf32, #tpu.memory_space<hbm>>) dst(%dma_wait3A_1980 : memref<80xf32, #tpu.memory_space<vmem>>)
      %get3A_1984 = arith.constant 2 : i32
      %get3A_1985 = arith.index_cast %get3A_1984 : i32 to index
      %get3A_1986 = arith.constant 0 : index
      %get3A_1987 = tpu.vector_load %arg6[%get3A_1985, %get3A_1986] {strides = array<i32>} : memref<3x80xi32, #tpu.memory_space<vmem>>, vector<1x16xi32>,
      %get3A_1988 = vector.shape_cast %get3A_1987 : vector<1x16xi32> to vector<16xi32>
      %and3A_1989 = arith.constant 16383 : i32
      %and3A_1990 = vector.broadcast %and3A_1989 : i32 to vector<16xi32>
      %and3A_1991 = arith.andi %get3A_1988, %and3A_1990 : vector<16xi32>
      %swap3A_1992 = arith.constant 2 : i32
      %swap3A_1993 = arith.index_cast %swap3A_1992 : i32 to index
      %swap3A_1994 = arith.constant 0 : index
      %swap3A_1995 = tpu.vector_load %arg8[%swap3A_1993, %swap3A_1994] {strides = array<i32>} : memref<3x80xi32, #tpu.memory_space<vmem>>, vector<1x16xi32>,
      %swap3A_1996 = vector.shape_cast %swap3A_1995 : vector<1x16xi32> to vector<16xi32>
      %swap3A_1997 = vector.shape_cast %and3A_1991 : vector<16xi32> to vector<1x16xi32>
      tpu.vector_store %arg8[%swap3A_1993, %swap3A_1994], %swap3A_1997 {strides = array<i32>} : memref<3x80xi32, #tpu.memory_space<vmem>>, vector<1x16xi32>,
      %shift_right_logical3A_1998 = arith.constant 14 : i32
      %shift_right_logical3A_1999 = vector.broadcast %shift_right_logical3A_1998 : i32 to vector<16xi32>
      %shift_right_logical3A_2000 = arith.shrui %get3A_1988, %shift_right_logical3A_1999 : vector<16xi32>
      %swap3A_2001 = arith.constant 2 : i32
      %swap3A_2002 = arith.index_cast %swap3A_2001 : i32 to index
      %swap3A_2003 = arith.constant 0 : index
      %swap3A_2004 = tpu.vector_load %arg9[%swap3A_2002, %swap3A_2003] {strides = array<i32>} : memref<3x80xi32, #tpu.memory_space<vmem>>, vector<1x16xi32>,
      %swap3A_2005 = vector.shape_cast %swap3A_2004 : vector<1x16xi32> to vector<16xi32>
      %swap3A_2006 = vector.shape_cast %shift_right_logical3A_2000 : vector<16xi32> to vector<1x16xi32>
      tpu.vector_store %arg9[%swap3A_2002, %swap3A_2003], %swap3A_2006 {strides = array<i32>} : memref<3x80xi32, #tpu.memory_space<vmem>>, vector<1x16xi32>,
      %get3A_2007 = arith.constant 2 : i32
      %get3A_2008 = arith.index_cast %get3A_2007 : i32 to index
      %get3A_2009 = arith.constant 16 : index
      %get3A_2010 = tpu.vector_load %arg6[%get3A_2008, %get3A_2009] {strides = array<i32>} : memref<3x80xi32, #tpu.memory_space<vmem>>, vector<1x16xi32>,
      %get3A_2011 = vector.shape_cast %get3A_2010 : vector<1x16xi32> to vector<16xi32>
      %and3A_2012 = arith.constant 16383 : i32
      %and3A_2013 = vector.broadcast %and3A_2012 : i32 to vector<16xi32>
      %and3A_2014 = arith.andi %get3A_2011, %and3A_2013 : vector<16xi32>
      %swap3A_2015 = arith.constant 2 : i32
      %swap3A_2016 = arith.index_cast %swap3A_2015 : i32 to index
      %swap3A_2017 = arith.constant 16 : index
      %swap3A_2018 = tpu.vector_load %arg8[%swap3A_2016, %swap3A_2017] {strides = array<i32>} : memref<3x80xi32, #tpu.memory_space<vmem>>, vector<1x16xi32>,
      %swap3A_2019 = vector.shape_cast %swap3A_2018 : vector<1x16xi32> to vector<16xi32>
      %swap3A_2020 = vector.shape_cast %and3A_2014 : vector<16xi32> to vector<1x16xi32>
      tpu.vector_store %arg8[%swap3A_2016, %swap3A_2017], %swap3A_2020 {strides = array<i32>} : memref<3x80xi32, #tpu.memory_space<vmem>>, vector<1x16xi32>,
      %shift_right_logical3A_2021 = arith.constant 14 : i32
      %shift_right_logical3A_2022 = vector.broadcast %shift_right_logical3A_2021 : i32 to vector<16xi32>
      %shift_right_logical3A_2023 = arith.shrui %get3A_2011, %shift_right_logical3A_2022 : vector<16xi32>
      %swap3A_2024 = arith.constant 2 : i32
      %swap3A_2025 = arith.index_cast %swap3A_2024 : i32 to index
      %swap3A_2026 = arith.constant 16 : index
      %swap3A_2027 = tpu.vector_load %arg9[%swap3A_2025, %swap3A_2026] {strides = array<i32>} : memref<3x80xi32, #tpu.memory_space<vmem>>, vector<1x16xi32>,
      %swap3A_2028 = vector.shape_cast %swap3A_2027 : vector<1x16xi32> to vector<16xi32>
      %swap3A_2029 = vector.shape_cast %shift_right_logical3A_2023 : vector<16xi32> to vector<1x16xi32>
      tpu.vector_store %arg9[%swap3A_2025, %swap3A_2026], %swap3A_2029 {strides = array<i32>} : memref<3x80xi32, #tpu.memory_space<vmem>>, vector<1x16xi32>,
      %get3A_2030 = arith.constant 2 : i32
      %get3A_2031 = arith.index_cast %get3A_2030 : i32 to index
      %get3A_2032 = arith.constant 32 : index
      %get3A_2033 = tpu.vector_load %arg6[%get3A_2031, %get3A_2032] {strides = array<i32>} : memref<3x80xi32, #tpu.memory_space<vmem>>, vector<1x16xi32>,
      %get3A_2034 = vector.shape_cast %get3A_2033 : vector<1x16xi32> to vector<16xi32>
      %and3A_2035 = arith.constant 16383 : i32
      %and3A_2036 = vector.broadcast %and3A_2035 : i32 to vector<16xi32>
      %and3A_2037 = arith.andi %get3A_2034, %and3A_2036 : vector<16xi32>
      %swap3A_2038 = arith.constant 2 : i32
      %swap3A_2039 = arith.index_cast %swap3A_2038 : i32 to index
      %swap3A_2040 = arith.constant 32 : index
      %swap3A_2041 = tpu.vector_load %arg8[%swap3A_2039, %swap3A_2040] {strides = array<i32>} : memref<3x80xi32, #tpu.memory_space<vmem>>, vector<1x16xi32>,
      %swap3A_2042 = vector.shape_cast %swap3A_2041 : vector<1x16xi32> to vector<16xi32>
      %swap3A_2043 = vector.shape_cast %and3A_2037 : vector<16xi32> to vector<1x16xi32>
      tpu.vector_store %arg8[%swap3A_2039, %swap3A_2040], %swap3A_2043 {strides = array<i32>} : memref<3x80xi32, #tpu.memory_space<vmem>>, vector<1x16xi32>,
      %shift_right_logical3A_2044 = arith.constant 14 : i32
      %shift_right_logical3A_2045 = vector.broadcast %shift_right_logical3A_2044 : i32 to vector<16xi32>
      %shift_right_logical3A_2046 = arith.shrui %get3A_2034, %shift_right_logical3A_2045 : vector<16xi32>
      %swap3A_2047 = arith.constant 2 : i32
      %swap3A_2048 = arith.index_cast %swap3A_2047 : i32 to index
      %swap3A_2049 = arith.constant 32 : index
      %swap3A_2050 = tpu.vector_load %arg9[%swap3A_2048, %swap3A_2049] {strides = array<i32>} : memref<3x80xi32, #tpu.memory_space<vmem>>, vector<1x16xi32>,
      %swap3A_2051 = vector.shape_cast %swap3A_2050 : vector<1x16xi32> to vector<16xi32>
      %swap3A_2052 = vector.shape_cast %shift_right_logical3A_2046 : vector<16xi32> to vector<1x16xi32>
      tpu.vector_store %arg9[%swap3A_2048, %swap3A_2049], %swap3A_2052 {strides = array<i32>} : memref<3x80xi32, #tpu.memory_space<vmem>>, vector<1x16xi32>,
      %get3A_2053 = arith.constant 2 : i32
      %get3A_2054 = arith.index_cast %get3A_2053 : i32 to index
      %get3A_2055 = arith.constant 48 : index
      %get3A_2056 = tpu.vector_load %arg6[%get3A_2054, %get3A_2055] {strides = array<i32>} : memref<3x80xi32, #tpu.memory_space<vmem>>, vector<1x16xi32>,
      %get3A_2057 = vector.shape_cast %get3A_2056 : vector<1x16xi32> to vector<16xi32>
      %and3A_2058 = arith.constant 16383 : i32
      %and3A_2059 = vector.broadcast %and3A_2058 : i32 to vector<16xi32>
      %and3A_2060 = arith.andi %get3A_2057, %and3A_2059 : vector<16xi32>
      %swap3A_2061 = arith.constant 2 : i32
      %swap3A_2062 = arith.index_cast %swap3A_2061 : i32 to index
      %swap3A_2063 = arith.constant 48 : index
      %swap3A_2064 = tpu.vector_load %arg8[%swap3A_2062, %swap3A_2063] {strides = array<i32>} : memref<3x80xi32, #tpu.memory_space<vmem>>, vector<1x16xi32>,
      %swap3A_2065 = vector.shape_cast %swap3A_2064 : vector<1x16xi32> to vector<16xi32>
      %swap3A_2066 = vector.shape_cast %and3A_2060 : vector<16xi32> to vector<1x16xi32>
      tpu.vector_store %arg8[%swap3A_2062, %swap3A_2063], %swap3A_2066 {strides = array<i32>} : memref<3x80xi32, #tpu.memory_space<vmem>>, vector<1x16xi32>,
      %shift_right_logical3A_2067 = arith.constant 14 : i32
      %shift_right_logical3A_2068 = vector.broadcast %shift_right_logical3A_2067 : i32 to vector<16xi32>
      %shift_right_logical3A_2069 = arith.shrui %get3A_2057, %shift_right_logical3A_2068 : vector<16xi32>
      %swap3A_2070 = arith.constant 2 : i32
      %swap3A_2071 = arith.index_cast %swap3A_2070 : i32 to index
      %swap3A_2072 = arith.constant 48 : index
      %swap3A_2073 = tpu.vector_load %arg9[%swap3A_2071, %swap3A_2072] {strides = array<i32>} : memref<3x80xi32, #tpu.memory_space<vmem>>, vector<1x16xi32>,
      %swap3A_2074 = vector.shape_cast %swap3A_2073 : vector<1x16xi32> to vector<16xi32>
      %swap3A_2075 = vector.shape_cast %shift_right_logical3A_2069 : vector<16xi32> to vector<1x16xi32>
      tpu.vector_store %arg9[%swap3A_2071, %swap3A_2072], %swap3A_2075 {strides = array<i32>} : memref<3x80xi32, #tpu.memory_space<vmem>>, vector<1x16xi32>,
      %get3A_2076 = arith.constant 2 : i32
      %get3A_2077 = arith.index_cast %get3A_2076 : i32 to index
      %get3A_2078 = arith.constant 64 : index
      %get3A_2079 = tpu.vector_load %arg6[%get3A_2077, %get3A_2078] {strides = array<i32>} : memref<3x80xi32, #tpu.memory_space<vmem>>, vector<1x16xi32>,
      %get3A_2080 = vector.shape_cast %get3A_2079 : vector<1x16xi32> to vector<16xi32>
      %and3A_2081 = arith.constant 16383 : i32
      %and3A_2082 = vector.broadcast %and3A_2081 : i32 to vector<16xi32>
      %and3A_2083 = arith.andi %get3A_2080, %and3A_2082 : vector<16xi32>
      %swap3A_2084 = arith.constant 2 : i32
      %swap3A_2085 = arith.index_cast %swap3A_2084 : i32 to index
      %swap3A_2086 = arith.constant 64 : index
      %swap3A_2087 = tpu.vector_load %arg8[%swap3A_2085, %swap3A_2086] {strides = array<i32>} : memref<3x80xi32, #tpu.memory_space<vmem>>, vector<1x16xi32>,
      %swap3A_2088 = vector.shape_cast %swap3A_2087 : vector<1x16xi32> to vector<16xi32>
      %swap3A_2089 = vector.shape_cast %and3A_2083 : vector<16xi32> to vector<1x16xi32>
      tpu.vector_store %arg8[%swap3A_2085, %swap3A_2086], %swap3A_2089 {strides = array<i32>} : memref<3x80xi32, #tpu.memory_space<vmem>>, vector<1x16xi32>,
      %shift_right_logical3A_2090 = arith.constant 14 : i32
      %shift_right_logical3A_2091 = vector.broadcast %shift_right_logical3A_2090 : i32 to vector<16xi32>
      %shift_right_logical3A_2092 = arith.shrui %get3A_2080, %shift_right_logical3A_2091 : vector<16xi32>
      %swap3A_2093 = arith.constant 2 : i32
      %swap3A_2094 = arith.index_cast %swap3A_2093 : i32 to index
      %swap3A_2095 = arith.constant 64 : index
      %swap3A_2096 = tpu.vector_load %arg9[%swap3A_2094, %swap3A_2095] {strides = array<i32>} : memref<3x80xi32, #tpu.memory_space<vmem>>, vector<1x16xi32>,
      %swap3A_2097 = vector.shape_cast %swap3A_2096 : vector<1x16xi32> to vector<16xi32>
      %swap3A_2098 = vector.shape_cast %shift_right_logical3A_2092 : vector<16xi32> to vector<1x16xi32>
      tpu.vector_store %arg9[%swap3A_2094, %swap3A_2095], %swap3A_2098 {strides = array<i32>} : memref<3x80xi32, #tpu.memory_space<vmem>>, vector<1x16xi32>,
      %dma_start3A_2099 = arith.constant 2 : i32
      %dma_start3A_2100 = arith.constant 2 : i32
      %dma_start3A_2101 = arith.constant 0 : i32
      %dma_start3A_2102 = arith.constant 0 : i32
      %dma_start3A_2103 = tpu.memref_slice %arg10[%dma_start3A_2100, %dma_start3A_2101, %dma_start3A_2102] : memref<3x80x128xf32, #tpu.memory_space<vmem>> -> memref<1x80x128xf32, #tpu.memory_space<vmem>>
      %dma_start3A_2104 = tpu.memref_squeeze %dma_start3A_2103 : memref<1x80x128xf32, #tpu.memory_space<vmem>> -> memref<80x128xf32, #tpu.memory_space<vmem>>
      %dma_start3A_2105 = arith.constant 0 : i32
      %dma_start3A_2106 = tpu.memref_slice %arg8[%dma_start3A_2099, %dma_start3A_2105] : memref<3x80xi32, #tpu.memory_space<vmem>> -> memref<1x80xi32, #tpu.memory_space<vmem>>
      %dma_start3A_2107 = tpu.memref_squeeze %dma_start3A_2106 : memref<1x80xi32, #tpu.memory_space<vmem>> -> memref<80xi32, #tpu.memory_space<vmem>>
      %dma_start3A_2108 = arith.constant 0 : i32
      %dma_start3A_2109 = arith.constant 0 : i32
      %dma_start3A_2110 = tpu.memref_slice %arg4[%dma_start3A_2108, %dma_start3A_2109] : memref<10000x128xf32, #tpu.memory_space<hbm>> -> memref<10000x128xf32, #tpu.memory_space<hbm>>
      tpu.enqueue_indirect_dma source(%dma_start3A_2110 : memref<10000x128xf32, #tpu.memory_space<hbm>>) target(%dma_start3A_2104 : memref<80x128xf32, #tpu.memory_space<vmem>>) offsets(%dma_start3A_2107 : memref<80xi32, #tpu.memory_space<vmem>>) semaphore(%arg18 : memref<!tpu.dma_semaphore, #tpu.memory_space<semaphore_mem>>)
      %add3A_2111 = arith.constant 1 : i32
      %add3A_2112 = arith.addi %mul3A_1939, %add3A_2111 : i32
      %dma_wait3A_2113 = arith.constant 1 : i32
      %dma_wait3A_2114 = arith.constant 1 : i32
      %dma_wait3A_2115 = arith.constant 0 : i32
      %dma_wait3A_2116 = arith.constant 0 : i32
      %dma_wait3A_2117 = tpu.memref_slice %arg10[%dma_wait3A_2114, %dma_wait3A_2115, %dma_wait3A_2116] : memref<3x80x128xf32, #tpu.memory_space<vmem>> -> memref<1x80x128xf32, #tpu.memory_space<vmem>>
      %dma_wait3A_2118 = tpu.memref_squeeze %dma_wait3A_2117 : memref<1x80x128xf32, #tpu.memory_space<vmem>> -> memref<80x128xf32, #tpu.memory_space<vmem>>
      %dma_wait3A_2119 = arith.constant 0 : i32
      %dma_wait3A_2120 = tpu.memref_slice %arg8[%dma_wait3A_2113, %dma_wait3A_2119] : memref<3x80xi32, #tpu.memory_space<vmem>> -> memref<1x80xi32, #tpu.memory_space<vmem>>
      %dma_wait3A_2121 = tpu.memref_squeeze %dma_wait3A_2120 : memref<1x80xi32, #tpu.memory_space<vmem>> -> memref<80xi32, #tpu.memory_space<vmem>>
      %dma_wait3A_2122 = arith.constant 0 : i32
      %dma_wait3A_2123 = arith.constant 0 : i32
      %dma_wait3A_2124 = tpu.memref_slice %arg4[%dma_wait3A_2122, %dma_wait3A_2123] : memref<10000x128xf32, #tpu.memory_space<hbm>> -> memref<10000x128xf32, #tpu.memory_space<hbm>>
      tpu.wait_indirect_dma semaphore(%arg17 : memref<!tpu.dma_semaphore, #tpu.memory_space<semaphore_mem>>) src(%dma_wait3A_2124 : memref<10000x128xf32, #tpu.memory_space<hbm>>) dst(%dma_wait3A_2118 : memref<80x128xf32, #tpu.memory_space<vmem>>)
      %add3A_2125 = arith.constant 3 : i32
      %add3A_2126 = arith.addi %add3A_2112, %add3A_2125 : i32
      %lt3A_2127 = arith.constant 125 : i32
      %lt3A_2128 = arith.cmpi slt, %add3A_2126, %lt3A_2127 : i32
      %convert_element_type3A_2129 = arith.extui %lt3A_2128 : i1 to i32
      %cond3A_2130 = arith.constant 0 : i32
      %cond3A_2131 = arith.cmpi ne, %convert_element_type3A_2129, %cond3A_2130 : i32
      scf.if %cond3A_2131 {
        %add3A_2463 = arith.constant 3 : i32
        %add3A_2464 = arith.addi %add3A_2112, %add3A_2463 : i32
        %dma_start3A_2465 = arith.constant 1 : i32
        %dma_start3A_2466 = arith.constant 0 : i32
        %dma_start3A_2467 = tpu.memref_slice %arg6[%dma_start3A_2465, %dma_start3A_2466] : memref<3x80xi32, #tpu.memory_space<vmem>> -> memref<1x80xi32, #tpu.memory_space<vmem>>
        %dma_start3A_2468 = tpu.memref_squeeze %dma_start3A_2467 : memref<1x80xi32, #tpu.memory_space<vmem>> -> memref<80xi32, #tpu.memory_space<vmem>>
        %dma_start3A_2469 = arith.constant 0 : i32
        %dma_start3A_2470 = tpu.memref_slice %arg2[%add3A, %add3A_2464, %dma_start3A_2469] : memref<32x125x80xi32, #tpu.memory_space<hbm>> -> memref<1x1x80xi32, #tpu.memory_space<hbm>>
        %dma_start3A_2471 = tpu.memref_squeeze %dma_start3A_2470 : memref<1x1x80xi32, #tpu.memory_space<hbm>> -> memref<80xi32, #tpu.memory_space<hbm>>
        %dma_start3A_2472 = arith.constant 0 : i32
        %dma_start3A_2473 = tpu.memref_slice %arg6[%dma_start3A_2465, %dma_start3A_2472] : memref<3x80xi32, #tpu.memory_space<vmem>> -> memref<1x80xi32, #tpu.memory_space<vmem>>
        %dma_start3A_2474 = tpu.memref_squeeze %dma_start3A_2473 : memref<1x80xi32, #tpu.memory_space<vmem>> -> memref<80xi32, #tpu.memory_space<vmem>>
        %dma_start3A_2475 = arith.constant 0 : i32
        %dma_start3A_2476 = tpu.memref_slice %arg2[%add3A, %add3A_2464, %dma_start3A_2475] : memref<32x125x80xi32, #tpu.memory_space<hbm>> -> memref<1x1x80xi32, #tpu.memory_space<hbm>>
        %dma_start3A_2477 = tpu.memref_squeeze %dma_start3A_2476 : memref<1x1x80xi32, #tpu.memory_space<hbm>> -> memref<80xi32, #tpu.memory_space<hbm>>
        tpu.enqueue_dma source(%dma_start3A_2477 : memref<80xi32, #tpu.memory_space<hbm>>) target(%dma_start3A_2474 : memref<80xi32, #tpu.memory_space<vmem>>) target_semaphore(%arg14 : memref<!tpu.dma_semaphore, #tpu.memory_space<semaphore_mem>>)
        %dma_start3A_2478 = arith.constant 1 : i32
        %dma_start3A_2479 = arith.constant 0 : i32
        %dma_start3A_2480 = tpu.memref_slice %arg7[%dma_start3A_2478, %dma_start3A_2479] : memref<3x80xf32, #tpu.memory_space<vmem>> -> memref<1x80xf32, #tpu.memory_space<vmem>>
        %dma_start3A_2481 = tpu.memref_squeeze %dma_start3A_2480 : memref<1x80xf32, #tpu.memory_space<vmem>> -> memref<80xf32, #tpu.memory_space<vmem>>
        %dma_start3A_2482 = arith.constant 0 : i32
        %dma_start3A_2483 = tpu.memref_slice %arg3[%add3A, %add3A_2464, %dma_start3A_2482] : memref<32x125x80xf32, #tpu.memory_space<hbm>> -> memref<1x1x80xf32, #tpu.memory_space<hbm>>
        %dma_start3A_2484 = tpu.memref_squeeze %dma_start3A_2483 : memref<1x1x80xf32, #tpu.memory_space<hbm>> -> memref<80xf32, #tpu.memory_space<hbm>>
        %dma_start3A_2485 = arith.constant 0 : i32
        %dma_start3A_2486 = tpu.memref_slice %arg7[%dma_start3A_2478, %dma_start3A_2485] : memref<3x80xf32, #tpu.memory_space<vmem>> -> memref<1x80xf32, #tpu.memory_space<vmem>>
        %dma_start3A_2487 = tpu.memref_squeeze %dma_start3A_2486 : memref<1x80xf32, #tpu.memory_space<vmem>> -> memref<80xf32, #tpu.memory_space<vmem>>
        %dma_start3A_2488 = arith.constant 0 : i32
        %dma_start3A_2489 = tpu.memref_slice %arg3[%add3A, %add3A_2464, %dma_start3A_2488] : memref<32x125x80xf32, #tpu.memory_space<hbm>> -> memref<1x1x80xf32, #tpu.memory_space<hbm>>
        %dma_start3A_2490 = tpu.memref_squeeze %dma_start3A_2489 : memref<1x1x80xf32, #tpu.memory_space<hbm>> -> memref<80xf32, #tpu.memory_space<hbm>>
        tpu.enqueue_dma source(%dma_start3A_2490 : memref<80xf32, #tpu.memory_space<hbm>>) target(%dma_start3A_2487 : memref<80xf32, #tpu.memory_space<vmem>>) target_semaphore(%arg14 : memref<!tpu.dma_semaphore, #tpu.memory_space<semaphore_mem>>)
      } else {
      }
      %add3A_2132 = arith.constant 2 : i32
      %add3A_2133 = arith.addi %add3A_2112, %add3A_2132 : i32
      %dma_wait3A_2134 = arith.constant 0 : i32
      %dma_wait3A_2135 = arith.constant 0 : i32
      %dma_wait3A_2136 = tpu.memref_slice %arg6[%dma_wait3A_2134, %dma_wait3A_2135] : memref<3x80xi32, #tpu.memory_space<vmem>> -> memref<1x80xi32, #tpu.memory_space<vmem>>
      %dma_wait3A_2137 = tpu.memref_squeeze %dma_wait3A_2136 : memref<1x80xi32, #tpu.memory_space<vmem>> -> memref<80xi32, #tpu.memory_space<vmem>>
      %dma_wait3A_2138 = arith.constant 0 : i32
      %dma_wait3A_2139 = tpu.memref_slice %arg2[%add3A, %add3A_2133, %dma_wait3A_2138] : memref<32x125x80xi32, #tpu.memory_space<hbm>> -> memref<1x1x80xi32, #tpu.memory_space<hbm>>
      %dma_wait3A_2140 = tpu.memref_squeeze %dma_wait3A_2139 : memref<1x1x80xi32, #tpu.memory_space<hbm>> -> memref<80xi32, #tpu.memory_space<hbm>>
      %dma_wait3A_2141 = arith.constant 0 : i32
      %dma_wait3A_2142 = tpu.memref_slice %arg6[%dma_wait3A_2134, %dma_wait3A_2141] : memref<3x80xi32, #tpu.memory_space<vmem>> -> memref<1x80xi32, #tpu.memory_space<vmem>>
      %dma_wait3A_2143 = tpu.memref_squeeze %dma_wait3A_2142 : memref<1x80xi32, #tpu.memory_space<vmem>> -> memref<80xi32, #tpu.memory_space<vmem>>
      %dma_wait3A_2144 = arith.constant 0 : i32
      %dma_wait3A_2145 = tpu.memref_slice %arg2[%add3A, %add3A_2133, %dma_wait3A_2144] : memref<32x125x80xi32, #tpu.memory_space<hbm>> -> memref<1x1x80xi32, #tpu.memory_space<hbm>>
      %dma_wait3A_2146 = tpu.memref_squeeze %dma_wait3A_2145 : memref<1x1x80xi32, #tpu.memory_space<hbm>> -> memref<80xi32, #tpu.memory_space<hbm>>
      tpu.wait_dma2 semaphore(%arg13 : memref<!tpu.dma_semaphore, #tpu.memory_space<semaphore_mem>>) src(%dma_wait3A_2146 : memref<80xi32, #tpu.memory_space<hbm>>) dst(%dma_wait3A_2143 : memref<80xi32, #tpu.memory_space<vmem>>)
      %dma_wait3A_2147 = arith.constant 0 : i32
      %dma_wait3A_2148 = arith.constant 0 : i32
      %dma_wait3A_2149 = tpu.memref_slice %arg7[%dma_wait3A_2147, %dma_wait3A_2148] : memref<3x80xf32, #tpu.memory_space<vmem>> -> memref<1x80xf32, #tpu.memory_space<vmem>>
      %dma_wait3A_2150 = tpu.memref_squeeze %dma_wait3A_2149 : memref<1x80xf32, #tpu.memory_space<vmem>> -> memref<80xf32, #tpu.memory_space<vmem>>
      %dma_wait3A_2151 = arith.constant 0 : i32
      %dma_wait3A_2152 = tpu.memref_slice %arg3[%add3A, %add3A_2133, %dma_wait3A_2151] : memref<32x125x80xf32, #tpu.memory_space<hbm>> -> memref<1x1x80xf32, #tpu.memory_space<hbm>>
      %dma_wait3A_2153 = tpu.memref_squeeze %dma_wait3A_2152 : memref<1x1x80xf32, #tpu.memory_space<hbm>> -> memref<80xf32, #tpu.memory_space<hbm>>
      %dma_wait3A_2154 = arith.constant 0 : i32
      %dma_wait3A_2155 = tpu.memref_slice %arg7[%dma_wait3A_2147, %dma_wait3A_2154] : memref<3x80xf32, #tpu.memory_space<vmem>> -> memref<1x80xf32, #tpu.memory_space<vmem>>
      %dma_wait3A_2156 = tpu.memref_squeeze %dma_wait3A_2155 : memref<1x80xf32, #tpu.memory_space<vmem>> -> memref<80xf32, #tpu.memory_space<vmem>>
      %dma_wait3A_2157 = arith.constant 0 : i32
      %dma_wait3A_2158 = tpu.memref_slice %arg3[%add3A, %add3A_2133, %dma_wait3A_2157] : memref<32x125x80xf32, #tpu.memory_space<hbm>> -> memref<1x1x80xf32, #tpu.memory_space<hbm>>
      %dma_wait3A_2159 = tpu.memref_squeeze %dma_wait3A_2158 : memref<1x1x80xf32, #tpu.memory_space<hbm>> -> memref<80xf32, #tpu.memory_space<hbm>>
      tpu.wait_dma2 semaphore(%arg13 : memref<!tpu.dma_semaphore, #tpu.memory_space<semaphore_mem>>) src(%dma_wait3A_2159 : memref<80xf32, #tpu.memory_space<hbm>>) dst(%dma_wait3A_2156 : memref<80xf32, #tpu.memory_space<vmem>>)
      %get3A_2160 = arith.constant 0 : i32
      %get3A_2161 = arith.index_cast %get3A_2160 : i32 to index
      %get3A_2162 = arith.constant 0 : index
      %get3A_2163 = tpu.vector_load %arg6[%get3A_2161, %get3A_2162] {strides = array<i32>} : memref<3x80xi32, #tpu.memory_space<vmem>>, vector<1x16xi32>,
      %get3A_2164 = vector.shape_cast %get3A_2163 : vector<1x16xi32> to vector<16xi32>
      %and3A_2165 = arith.constant 16383 : i32
      %and3A_2166 = vector.broadcast %and3A_2165 : i32 to vector<16xi32>
      %and3A_2167 = arith.andi %get3A_2164, %and3A_2166 : vector<16xi32>
      %swap3A_2168 = arith.constant 0 : i32
      %swap3A_2169 = arith.index_cast %swap3A_2168 : i32 to index
      %swap3A_2170 = arith.constant 0 : index
      %swap3A_2171 = tpu.vector_load %arg8[%swap3A_2169, %swap3A_2170] {strides = array<i32>} : memref<3x80xi32, #tpu.memory_space<vmem>>, vector<1x16xi32>,
      %swap3A_2172 = vector.shape_cast %swap3A_2171 : vector<1x16xi32> to vector<16xi32>
      %swap3A_2173 = vector.shape_cast %and3A_2167 : vector<16xi32> to vector<1x16xi32>
      tpu.vector_store %arg8[%swap3A_2169, %swap3A_2170], %swap3A_2173 {strides = array<i32>} : memref<3x80xi32, #tpu.memory_space<vmem>>, vector<1x16xi32>,
      %shift_right_logical3A_2174 = arith.constant 14 : i32
      %shift_right_logical3A_2175 = vector.broadcast %shift_right_logical3A_2174 : i32 to vector<16xi32>
      %shift_right_logical3A_2176 = arith.shrui %get3A_2164, %shift_right_logical3A_2175 : vector<16xi32>
      %swap3A_2177 = arith.constant 0 : i32
      %swap3A_2178 = arith.index_cast %swap3A_2177 : i32 to index
      %swap3A_2179 = arith.constant 0 : index
      %swap3A_2180 = tpu.vector_load %arg9[%swap3A_2178, %swap3A_2179] {strides = array<i32>} : memref<3x80xi32, #tpu.memory_space<vmem>>, vector<1x16xi32>,
      %swap3A_2181 = vector.shape_cast %swap3A_2180 : vector<1x16xi32> to vector<16xi32>
      %swap3A_2182 = vector.shape_cast %shift_right_logical3A_2176 : vector<16xi32> to vector<1x16xi32>
      tpu.vector_store %arg9[%swap3A_2178, %swap3A_2179], %swap3A_2182 {strides = array<i32>} : memref<3x80xi32, #tpu.memory_space<vmem>>, vector<1x16xi32>,
      %get3A_2183 = arith.constant 0 : i32
      %get3A_2184 = arith.index_cast %get3A_2183 : i32 to index
      %get3A_2185 = arith.constant 16 : index
      %get3A_2186 = tpu.vector_load %arg6[%get3A_2184, %get3A_2185] {strides = array<i32>} : memref<3x80xi32, #tpu.memory_space<vmem>>, vector<1x16xi32>,
      %get3A_2187 = vector.shape_cast %get3A_2186 : vector<1x16xi32> to vector<16xi32>
      %and3A_2188 = arith.constant 16383 : i32
      %and3A_2189 = vector.broadcast %and3A_2188 : i32 to vector<16xi32>
      %and3A_2190 = arith.andi %get3A_2187, %and3A_2189 : vector<16xi32>
      %swap3A_2191 = arith.constant 0 : i32
      %swap3A_2192 = arith.index_cast %swap3A_2191 : i32 to index
      %swap3A_2193 = arith.constant 16 : index
      %swap3A_2194 = tpu.vector_load %arg8[%swap3A_2192, %swap3A_2193] {strides = array<i32>} : memref<3x80xi32, #tpu.memory_space<vmem>>, vector<1x16xi32>,
      %swap3A_2195 = vector.shape_cast %swap3A_2194 : vector<1x16xi32> to vector<16xi32>
      %swap3A_2196 = vector.shape_cast %and3A_2190 : vector<16xi32> to vector<1x16xi32>
      tpu.vector_store %arg8[%swap3A_2192, %swap3A_2193], %swap3A_2196 {strides = array<i32>} : memref<3x80xi32, #tpu.memory_space<vmem>>, vector<1x16xi32>,
      %shift_right_logical3A_2197 = arith.constant 14 : i32
      %shift_right_logical3A_2198 = vector.broadcast %shift_right_logical3A_2197 : i32 to vector<16xi32>
      %shift_right_logical3A_2199 = arith.shrui %get3A_2187, %shift_right_logical3A_2198 : vector<16xi32>
      %swap3A_2200 = arith.constant 0 : i32
      %swap3A_2201 = arith.index_cast %swap3A_2200 : i32 to index
      %swap3A_2202 = arith.constant 16 : index
      %swap3A_2203 = tpu.vector_load %arg9[%swap3A_2201, %swap3A_2202] {strides = array<i32>} : memref<3x80xi32, #tpu.memory_space<vmem>>, vector<1x16xi32>,
      %swap3A_2204 = vector.shape_cast %swap3A_2203 : vector<1x16xi32> to vector<16xi32>
      %swap3A_2205 = vector.shape_cast %shift_right_logical3A_2199 : vector<16xi32> to vector<1x16xi32>
      tpu.vector_store %arg9[%swap3A_2201, %swap3A_2202], %swap3A_2205 {strides = array<i32>} : memref<3x80xi32, #tpu.memory_space<vmem>>, vector<1x16xi32>,
      %get3A_2206 = arith.constant 0 : i32
      %get3A_2207 = arith.index_cast %get3A_2206 : i32 to index
      %get3A_2208 = arith.constant 32 : index
      %get3A_2209 = tpu.vector_load %arg6[%get3A_2207, %get3A_2208] {strides = array<i32>} : memref<3x80xi32, #tpu.memory_space<vmem>>, vector<1x16xi32>,
      %get3A_2210 = vector.shape_cast %get3A_2209 : vector<1x16xi32> to vector<16xi32>
      %and3A_2211 = arith.constant 16383 : i32
      %and3A_2212 = vector.broadcast %and3A_2211 : i32 to vector<16xi32>
      %and3A_2213 = arith.andi %get3A_2210, %and3A_2212 : vector<16xi32>
      %swap3A_2214 = arith.constant 0 : i32
      %swap3A_2215 = arith.index_cast %swap3A_2214 : i32 to index
      %swap3A_2216 = arith.constant 32 : index
      %swap3A_2217 = tpu.vector_load %arg8[%swap3A_2215, %swap3A_2216] {strides = array<i32>} : memref<3x80xi32, #tpu.memory_space<vmem>>, vector<1x16xi32>,
      %swap3A_2218 = vector.shape_cast %swap3A_2217 : vector<1x16xi32> to vector<16xi32>
      %swap3A_2219 = vector.shape_cast %and3A_2213 : vector<16xi32> to vector<1x16xi32>
      tpu.vector_store %arg8[%swap3A_2215, %swap3A_2216], %swap3A_2219 {strides = array<i32>} : memref<3x80xi32, #tpu.memory_space<vmem>>, vector<1x16xi32>,
      %shift_right_logical3A_2220 = arith.constant 14 : i32
      %shift_right_logical3A_2221 = vector.broadcast %shift_right_logical3A_2220 : i32 to vector<16xi32>
      %shift_right_logical3A_2222 = arith.shrui %get3A_2210, %shift_right_logical3A_2221 : vector<16xi32>
      %swap3A_2223 = arith.constant 0 : i32
      %swap3A_2224 = arith.index_cast %swap3A_2223 : i32 to index
      %swap3A_2225 = arith.constant 32 : index
      %swap3A_2226 = tpu.vector_load %arg9[%swap3A_2224, %swap3A_2225] {strides = array<i32>} : memref<3x80xi32, #tpu.memory_space<vmem>>, vector<1x16xi32>,
      %swap3A_2227 = vector.shape_cast %swap3A_2226 : vector<1x16xi32> to vector<16xi32>
      %swap3A_2228 = vector.shape_cast %shift_right_logical3A_2222 : vector<16xi32> to vector<1x16xi32>
      tpu.vector_store %arg9[%swap3A_2224, %swap3A_2225], %swap3A_2228 {strides = array<i32>} : memref<3x80xi32, #tpu.memory_space<vmem>>, vector<1x16xi32>,
      %get3A_2229 = arith.constant 0 : i32
      %get3A_2230 = arith.index_cast %get3A_2229 : i32 to index
      %get3A_2231 = arith.constant 48 : index
      %get3A_2232 = tpu.vector_load %arg6[%get3A_2230, %get3A_2231] {strides = array<i32>} : memref<3x80xi32, #tpu.memory_space<vmem>>, vector<1x16xi32>,
      %get3A_2233 = vector.shape_cast %get3A_2232 : vector<1x16xi32> to vector<16xi32>
      %and3A_2234 = arith.constant 16383 : i32
      %and3A_2235 = vector.broadcast %and3A_2234 : i32 to vector<16xi32>
      %and3A_2236 = arith.andi %get3A_2233, %and3A_2235 : vector<16xi32>
      %swap3A_2237 = arith.constant 0 : i32
      %swap3A_2238 = arith.index_cast %swap3A_2237 : i32 to index
      %swap3A_2239 = arith.constant 48 : index
      %swap3A_2240 = tpu.vector_load %arg8[%swap3A_2238, %swap3A_2239] {strides = array<i32>} : memref<3x80xi32, #tpu.memory_space<vmem>>, vector<1x16xi32>,
      %swap3A_2241 = vector.shape_cast %swap3A_2240 : vector<1x16xi32> to vector<16xi32>
      %swap3A_2242 = vector.shape_cast %and3A_2236 : vector<16xi32> to vector<1x16xi32>
      tpu.vector_store %arg8[%swap3A_2238, %swap3A_2239], %swap3A_2242 {strides = array<i32>} : memref<3x80xi32, #tpu.memory_space<vmem>>, vector<1x16xi32>,
      %shift_right_logical3A_2243 = arith.constant 14 : i32
      %shift_right_logical3A_2244 = vector.broadcast %shift_right_logical3A_2243 : i32 to vector<16xi32>
      %shift_right_logical3A_2245 = arith.shrui %get3A_2233, %shift_right_logical3A_2244 : vector<16xi32>
      %swap3A_2246 = arith.constant 0 : i32
      %swap3A_2247 = arith.index_cast %swap3A_2246 : i32 to index
      %swap3A_2248 = arith.constant 48 : index
      %swap3A_2249 = tpu.vector_load %arg9[%swap3A_2247, %swap3A_2248] {strides = array<i32>} : memref<3x80xi32, #tpu.memory_space<vmem>>, vector<1x16xi32>,
      %swap3A_2250 = vector.shape_cast %swap3A_2249 : vector<1x16xi32> to vector<16xi32>
      %swap3A_2251 = vector.shape_cast %shift_right_logical3A_2245 : vector<16xi32> to vector<1x16xi32>
      tpu.vector_store %arg9[%swap3A_2247, %swap3A_2248], %swap3A_2251 {strides = array<i32>} : memref<3x80xi32, #tpu.memory_space<vmem>>, vector<1x16xi32>,
      %get3A_2252 = arith.constant 0 : i32
      %get3A_2253 = arith.index_cast %get3A_2252 : i32 to index
      %get3A_2254 = arith.constant 64 : index
      %get3A_2255 = tpu.vector_load %arg6[%get3A_2253, %get3A_2254] {strides = array<i32>} : memref<3x80xi32, #tpu.memory_space<vmem>>, vector<1x16xi32>,
      %get3A_2256 = vector.shape_cast %get3A_2255 : vector<1x16xi32> to vector<16xi32>
      %and3A_2257 = arith.constant 16383 : i32
      %and3A_2258 = vector.broadcast %and3A_2257 : i32 to vector<16xi32>
      %and3A_2259 = arith.andi %get3A_2256, %and3A_2258 : vector<16xi32>
      %swap3A_2260 = arith.constant 0 : i32
      %swap3A_2261 = arith.index_cast %swap3A_2260 : i32 to index
      %swap3A_2262 = arith.constant 64 : index
      %swap3A_2263 = tpu.vector_load %arg8[%swap3A_2261, %swap3A_2262] {strides = array<i32>} : memref<3x80xi32, #tpu.memory_space<vmem>>, vector<1x16xi32>,
      %swap3A_2264 = vector.shape_cast %swap3A_2263 : vector<1x16xi32> to vector<16xi32>
      %swap3A_2265 = vector.shape_cast %and3A_2259 : vector<16xi32> to vector<1x16xi32>
      tpu.vector_store %arg8[%swap3A_2261, %swap3A_2262], %swap3A_2265 {strides = array<i32>} : memref<3x80xi32, #tpu.memory_space<vmem>>, vector<1x16xi32>,
      %shift_right_logical3A_2266 = arith.constant 14 : i32
      %shift_right_logical3A_2267 = vector.broadcast %shift_right_logical3A_2266 : i32 to vector<16xi32>
      %shift_right_logical3A_2268 = arith.shrui %get3A_2256, %shift_right_logical3A_2267 : vector<16xi32>
      %swap3A_2269 = arith.constant 0 : i32
      %swap3A_2270 = arith.index_cast %swap3A_2269 : i32 to index
      %swap3A_2271 = arith.constant 64 : index
      %swap3A_2272 = tpu.vector_load %arg9[%swap3A_2270, %swap3A_2271] {strides = array<i32>} : memref<3x80xi32, #tpu.memory_space<vmem>>, vector<1x16xi32>,
      %swap3A_2273 = vector.shape_cast %swap3A_2272 : vector<1x16xi32> to vector<16xi32>
      %swap3A_2274 = vector.shape_cast %shift_right_logical3A_2268 : vector<16xi32> to vector<1x16xi32>
      tpu.vector_store %arg9[%swap3A_2270, %swap3A_2271], %swap3A_2274 {strides = array<i32>} : memref<3x80xi32, #tpu.memory_space<vmem>>, vector<1x16xi32>,
      %dma_start3A_2275 = arith.constant 0 : i32
      %dma_start3A_2276 = arith.constant 0 : i32
      %dma_start3A_2277 = arith.constant 0 : i32
      %dma_start3A_2278 = arith.constant 0 : i32
      %dma_start3A_2279 = tpu.memref_slice %arg10[%dma_start3A_2276, %dma_start3A_2277, %dma_start3A_2278] : memref<3x80x128xf32, #tpu.memory_space<vmem>> -> memref<1x80x128xf32, #tpu.memory_space<vmem>>
      %dma_start3A_2280 = tpu.memref_squeeze %dma_start3A_2279 : memref<1x80x128xf32, #tpu.memory_space<vmem>> -> memref<80x128xf32, #tpu.memory_space<vmem>>
      %dma_start3A_2281 = arith.constant 0 : i32
      %dma_start3A_2282 = tpu.memref_slice %arg8[%dma_start3A_2275, %dma_start3A_2281] : memref<3x80xi32, #tpu.memory_space<vmem>> -> memref<1x80xi32, #tpu.memory_space<vmem>>
      %dma_start3A_2283 = tpu.memref_squeeze %dma_start3A_2282 : memref<1x80xi32, #tpu.memory_space<vmem>> -> memref<80xi32, #tpu.memory_space<vmem>>
      %dma_start3A_2284 = arith.constant 0 : i32
      %dma_start3A_2285 = arith.constant 0 : i32
      %dma_start3A_2286 = tpu.memref_slice %arg4[%dma_start3A_2284, %dma_start3A_2285] : memref<10000x128xf32, #tpu.memory_space<hbm>> -> memref<10000x128xf32, #tpu.memory_space<hbm>>
      tpu.enqueue_indirect_dma source(%dma_start3A_2286 : memref<10000x128xf32, #tpu.memory_space<hbm>>) target(%dma_start3A_2280 : memref<80x128xf32, #tpu.memory_space<vmem>>) offsets(%dma_start3A_2283 : memref<80xi32, #tpu.memory_space<vmem>>) semaphore(%arg16 : memref<!tpu.dma_semaphore, #tpu.memory_space<semaphore_mem>>)
      %add3A_2287 = arith.constant 2 : i32
      %add3A_2288 = arith.addi %mul3A_1939, %add3A_2287 : i32
      %dma_wait3A_2289 = arith.constant 2 : i32
      %dma_wait3A_2290 = arith.constant 2 : i32
      %dma_wait3A_2291 = arith.constant 0 : i32
      %dma_wait3A_2292 = arith.constant 0 : i32
      %dma_wait3A_2293 = tpu.memref_slice %arg10[%dma_wait3A_2290, %dma_wait3A_2291, %dma_wait3A_2292] : memref<3x80x128xf32, #tpu.memory_space<vmem>> -> memref<1x80x128xf32, #tpu.memory_space<vmem>>
      %dma_wait3A_2294 = tpu.memref_squeeze %dma_wait3A_2293 : memref<1x80x128xf32, #tpu.memory_space<vmem>> -> memref<80x128xf32, #tpu.memory_space<vmem>>
      %dma_wait3A_2295 = arith.constant 0 : i32
      %dma_wait3A_2296 = tpu.memref_slice %arg8[%dma_wait3A_2289, %dma_wait3A_2295] : memref<3x80xi32, #tpu.memory_space<vmem>> -> memref<1x80xi32, #tpu.memory_space<vmem>>
      %dma_wait3A_2297 = tpu.memref_squeeze %dma_wait3A_2296 : memref<1x80xi32, #tpu.memory_space<vmem>> -> memref<80xi32, #tpu.memory_space<vmem>>
      %dma_wait3A_2298 = arith.constant 0 : i32
      %dma_wait3A_2299 = arith.constant 0 : i32
      %dma_wait3A_2300 = tpu.memref_slice %arg4[%dma_wait3A_2298, %dma_wait3A_2299] : memref<10000x128xf32, #tpu.memory_space<hbm>> -> memref<10000x128xf32, #tpu.memory_space<hbm>>
      tpu.wait_indirect_dma semaphore(%arg18 : memref<!tpu.dma_semaphore, #tpu.memory_space<semaphore_mem>>) src(%dma_wait3A_2300 : memref<10000x128xf32, #tpu.memory_space<hbm>>) dst(%dma_wait3A_2294 : memref<80x128xf32, #tpu.memory_space<vmem>>)
      %add3A_2301 = arith.constant 3 : i32
      %add3A_2302 = arith.addi %add3A_2288, %add3A_2301 : i32
      %lt3A_2303 = arith.constant 125 : i32
      %lt3A_2304 = arith.cmpi slt, %add3A_2302, %lt3A_2303 : i32
      %convert_element_type3A_2305 = arith.extui %lt3A_2304 : i1 to i32
      %cond3A_2306 = arith.constant 0 : i32
      %cond3A_2307 = arith.cmpi ne, %convert_element_type3A_2305, %cond3A_2306 : i32
      scf.if %cond3A_2307 {
        %add3A_2463 = arith.constant 3 : i32
        %add3A_2464 = arith.addi %add3A_2288, %add3A_2463 : i32
        %dma_start3A_2465 = arith.constant 2 : i32
        %dma_start3A_2466 = arith.constant 0 : i32
        %dma_start3A_2467 = tpu.memref_slice %arg6[%dma_start3A_2465, %dma_start3A_2466] : memref<3x80xi32, #tpu.memory_space<vmem>> -> memref<1x80xi32, #tpu.memory_space<vmem>>
        %dma_start3A_2468 = tpu.memref_squeeze %dma_start3A_2467 : memref<1x80xi32, #tpu.memory_space<vmem>> -> memref<80xi32, #tpu.memory_space<vmem>>
        %dma_start3A_2469 = arith.constant 0 : i32
        %dma_start3A_2470 = tpu.memref_slice %arg2[%add3A, %add3A_2464, %dma_start3A_2469] : memref<32x125x80xi32, #tpu.memory_space<hbm>> -> memref<1x1x80xi32, #tpu.memory_space<hbm>>
        %dma_start3A_2471 = tpu.memref_squeeze %dma_start3A_2470 : memref<1x1x80xi32, #tpu.memory_space<hbm>> -> memref<80xi32, #tpu.memory_space<hbm>>
        %dma_start3A_2472 = arith.constant 0 : i32
        %dma_start3A_2473 = tpu.memref_slice %arg6[%dma_start3A_2465, %dma_start3A_2472] : memref<3x80xi32, #tpu.memory_space<vmem>> -> memref<1x80xi32, #tpu.memory_space<vmem>>
        %dma_start3A_2474 = tpu.memref_squeeze %dma_start3A_2473 : memref<1x80xi32, #tpu.memory_space<vmem>> -> memref<80xi32, #tpu.memory_space<vmem>>
        %dma_start3A_2475 = arith.constant 0 : i32
        %dma_start3A_2476 = tpu.memref_slice %arg2[%add3A, %add3A_2464, %dma_start3A_2475] : memref<32x125x80xi32, #tpu.memory_space<hbm>> -> memref<1x1x80xi32, #tpu.memory_space<hbm>>
        %dma_start3A_2477 = tpu.memref_squeeze %dma_start3A_2476 : memref<1x1x80xi32, #tpu.memory_space<hbm>> -> memref<80xi32, #tpu.memory_space<hbm>>
        tpu.enqueue_dma source(%dma_start3A_2477 : memref<80xi32, #tpu.memory_space<hbm>>) target(%dma_start3A_2474 : memref<80xi32, #tpu.memory_space<vmem>>) target_semaphore(%arg15 : memref<!tpu.dma_semaphore, #tpu.memory_space<semaphore_mem>>)
        %dma_start3A_2478 = arith.constant 2 : i32
        %dma_start3A_2479 = arith.constant 0 : i32
        %dma_start3A_2480 = tpu.memref_slice %arg7[%dma_start3A_2478, %dma_start3A_2479] : memref<3x80xf32, #tpu.memory_space<vmem>> -> memref<1x80xf32, #tpu.memory_space<vmem>>
        %dma_start3A_2481 = tpu.memref_squeeze %dma_start3A_2480 : memref<1x80xf32, #tpu.memory_space<vmem>> -> memref<80xf32, #tpu.memory_space<vmem>>
        %dma_start3A_2482 = arith.constant 0 : i32
        %dma_start3A_2483 = tpu.memref_slice %arg3[%add3A, %add3A_2464, %dma_start3A_2482] : memref<32x125x80xf32, #tpu.memory_space<hbm>> -> memref<1x1x80xf32, #tpu.memory_space<hbm>>
        %dma_start3A_2484 = tpu.memref_squeeze %dma_start3A_2483 : memref<1x1x80xf32, #tpu.memory_space<hbm>> -> memref<80xf32, #tpu.memory_space<hbm>>
        %dma_start3A_2485 = arith.constant 0 : i32
        %dma_start3A_2486 = tpu.memref_slice %arg7[%dma_start3A_2478, %dma_start3A_2485] : memref<3x80xf32, #tpu.memory_space<vmem>> -> memref<1x80xf32, #tpu.memory_space<vmem>>
        %dma_start3A_2487 = tpu.memref_squeeze %dma_start3A_2486 : memref<1x80xf32, #tpu.memory_space<vmem>> -> memref<80xf32, #tpu.memory_space<vmem>>
        %dma_start3A_2488 = arith.constant 0 : i32
        %dma_start3A_2489 = tpu.memref_slice %arg3[%add3A, %add3A_2464, %dma_start3A_2488] : memref<32x125x80xf32, #tpu.memory_space<hbm>> -> memref<1x1x80xf32, #tpu.memory_space<hbm>>
        %dma_start3A_2490 = tpu.memref_squeeze %dma_start3A_2489 : memref<1x1x80xf32, #tpu.memory_space<hbm>> -> memref<80xf32, #tpu.memory_space<hbm>>
        tpu.enqueue_dma source(%dma_start3A_2490 : memref<80xf32, #tpu.memory_space<hbm>>) target(%dma_start3A_2487 : memref<80xf32, #tpu.memory_space<vmem>>) target_semaphore(%arg15 : memref<!tpu.dma_semaphore, #tpu.memory_space<semaphore_mem>>)
      } else {
      }
      %add3A_2308 = arith.constant 2 : i32
      %add3A_2309 = arith.addi %add3A_2288, %add3A_2308 : i32
      %dma_wait3A_2310 = arith.constant 1 : i32
      %dma_wait3A_2311 = arith.constant 0 : i32
      %dma_wait3A_2312 = tpu.memref_slice %arg6[%dma_wait3A_2310, %dma_wait3A_2311] : memref<3x80xi32, #tpu.memory_space<vmem>> -> memref<1x80xi32, #tpu.memory_space<vmem>>
      %dma_wait3A_2313 = tpu.memref_squeeze %dma_wait3A_2312 : memref<1x80xi32, #tpu.memory_space<vmem>> -> memref<80xi32, #tpu.memory_space<vmem>>
      %dma_wait3A_2314 = arith.constant 0 : i32
      %dma_wait3A_2315 = tpu.memref_slice %arg2[%add3A, %add3A_2309, %dma_wait3A_2314] : memref<32x125x80xi32, #tpu.memory_space<hbm>> -> memref<1x1x80xi32, #tpu.memory_space<hbm>>
      %dma_wait3A_2316 = tpu.memref_squeeze %dma_wait3A_2315 : memref<1x1x80xi32, #tpu.memory_space<hbm>> -> memref<80xi32, #tpu.memory_space<hbm>>
      %dma_wait3A_2317 = arith.constant 0 : i32
      %dma_wait3A_2318 = tpu.memref_slice %arg6[%dma_wait3A_2310, %dma_wait3A_2317] : memref<3x80xi32, #tpu.memory_space<vmem>> -> memref<1x80xi32, #tpu.memory_space<vmem>>
      %dma_wait3A_2319 = tpu.memref_squeeze %dma_wait3A_2318 : memref<1x80xi32, #tpu.memory_space<vmem>> -> memref<80xi32, #tpu.memory_space<vmem>>
      %dma_wait3A_2320 = arith.constant 0 : i32
      %dma_wait3A_2321 = tpu.memref_slice %arg2[%add3A, %add3A_2309, %dma_wait3A_2320] : memref<32x125x80xi32, #tpu.memory_space<hbm>> -> memref<1x1x80xi32, #tpu.memory_space<hbm>>
      %dma_wait3A_2322 = tpu.memref_squeeze %dma_wait3A_2321 : memref<1x1x80xi32, #tpu.memory_space<hbm>> -> memref<80xi32, #tpu.memory_space<hbm>>
      tpu.wait_dma2 semaphore(%arg14 : memref<!tpu.dma_semaphore, #tpu.memory_space<semaphore_mem>>) src(%dma_wait3A_2322 : memref<80xi32, #tpu.memory_space<hbm>>) dst(%dma_wait3A_2319 : memref<80xi32, #tpu.memory_space<vmem>>)
      %dma_wait3A_2323 = arith.constant 1 : i32
      %dma_wait3A_2324 = arith.constant 0 : i32
      %dma_wait3A_2325 = tpu.memref_slice %arg7[%dma_wait3A_2323, %dma_wait3A_2324] : memref<3x80xf32, #tpu.memory_space<vmem>> -> memref<1x80xf32, #tpu.memory_space<vmem>>
      %dma_wait3A_2326 = tpu.memref_squeeze %dma_wait3A_2325 : memref<1x80xf32, #tpu.memory_space<vmem>> -> memref<80xf32, #tpu.memory_space<vmem>>
      %dma_wait3A_2327 = arith.constant 0 : i32
      %dma_wait3A_2328 = tpu.memref_slice %arg3[%add3A, %add3A_2309, %dma_wait3A_2327] : memref<32x125x80xf32, #tpu.memory_space<hbm>> -> memref<1x1x80xf32, #tpu.memory_space<hbm>>
      %dma_wait3A_2329 = tpu.memref_squeeze %dma_wait3A_2328 : memref<1x1x80xf32, #tpu.memory_space<hbm>> -> memref<80xf32, #tpu.memory_space<hbm>>
      %dma_wait3A_2330 = arith.constant 0 : i32
      %dma_wait3A_2331 = tpu.memref_slice %arg7[%dma_wait3A_2323, %dma_wait3A_2330] : memref<3x80xf32, #tpu.memory_space<vmem>> -> memref<1x80xf32, #tpu.memory_space<vmem>>
      %dma_wait3A_2332 = tpu.memref_squeeze %dma_wait3A_2331 : memref<1x80xf32, #tpu.memory_space<vmem>> -> memref<80xf32, #tpu.memory_space<vmem>>
      %dma_wait3A_2333 = arith.constant 0 : i32
      %dma_wait3A_2334 = tpu.memref_slice %arg3[%add3A, %add3A_2309, %dma_wait3A_2333] : memref<32x125x80xf32, #tpu.memory_space<hbm>> -> memref<1x1x80xf32, #tpu.memory_space<hbm>>
      %dma_wait3A_2335 = tpu.memref_squeeze %dma_wait3A_2334 : memref<1x1x80xf32, #tpu.memory_space<hbm>> -> memref<80xf32, #tpu.memory_space<hbm>>
      tpu.wait_dma2 semaphore(%arg14 : memref<!tpu.dma_semaphore, #tpu.memory_space<semaphore_mem>>) src(%dma_wait3A_2335 : memref<80xf32, #tpu.memory_space<hbm>>) dst(%dma_wait3A_2332 : memref<80xf32, #tpu.memory_space<vmem>>)
      %get3A_2336 = arith.constant 1 : i32
      %get3A_2337 = arith.index_cast %get3A_2336 : i32 to index
      %get3A_2338 = arith.constant 0 : index
      %get3A_2339 = tpu.vector_load %arg6[%get3A_2337, %get3A_2338] {strides = array<i32>} : memref<3x80xi32, #tpu.memory_space<vmem>>, vector<1x16xi32>,
      %get3A_2340 = vector.shape_cast %get3A_2339 : vector<1x16xi32> to vector<16xi32>
      %and3A_2341 = arith.constant 16383 : i32
      %and3A_2342 = vector.broadcast %and3A_2341 : i32 to vector<16xi32>
      %and3A_2343 = arith.andi %get3A_2340, %and3A_2342 : vector<16xi32>
      %swap3A_2344 = arith.constant 1 : i32
      %swap3A_2345 = arith.index_cast %swap3A_2344 : i32 to index
      %swap3A_2346 = arith.constant 0 : index
      %swap3A_2347 = tpu.vector_load %arg8[%swap3A_2345, %swap3A_2346] {strides = array<i32>} : memref<3x80xi32, #tpu.memory_space<vmem>>, vector<1x16xi32>,
      %swap3A_2348 = vector.shape_cast %swap3A_2347 : vector<1x16xi32> to vector<16xi32>
      %swap3A_2349 = vector.shape_cast %and3A_2343 : vector<16xi32> to vector<1x16xi32>
      tpu.vector_store %arg8[%swap3A_2345, %swap3A_2346], %swap3A_2349 {strides = array<i32>} : memref<3x80xi32, #tpu.memory_space<vmem>>, vector<1x16xi32>,
      %shift_right_logical3A_2350 = arith.constant 14 : i32
      %shift_right_logical3A_2351 = vector.broadcast %shift_right_logical3A_2350 : i32 to vector<16xi32>
      %shift_right_logical3A_2352 = arith.shrui %get3A_2340, %shift_right_logical3A_2351 : vector<16xi32>
      %swap3A_2353 = arith.constant 1 : i32
      %swap3A_2354 = arith.index_cast %swap3A_2353 : i32 to index
      %swap3A_2355 = arith.constant 0 : index
      %swap3A_2356 = tpu.vector_load %arg9[%swap3A_2354, %swap3A_2355] {strides = array<i32>} : memref<3x80xi32, #tpu.memory_space<vmem>>, vector<1x16xi32>,
      %swap3A_2357 = vector.shape_cast %swap3A_2356 : vector<1x16xi32> to vector<16xi32>
      %swap3A_2358 = vector.shape_cast %shift_right_logical3A_2352 : vector<16xi32> to vector<1x16xi32>
      tpu.vector_store %arg9[%swap3A_2354, %swap3A_2355], %swap3A_2358 {strides = array<i32>} : memref<3x80xi32, #tpu.memory_space<vmem>>, vector<1x16xi32>,
      %get3A_2359 = arith.constant 1 : i32
      %get3A_2360 = arith.index_cast %get3A_2359 : i32 to index
      %get3A_2361 = arith.constant 16 : index
      %get3A_2362 = tpu.vector_load %arg6[%get3A_2360, %get3A_2361] {strides = array<i32>} : memref<3x80xi32, #tpu.memory_space<vmem>>, vector<1x16xi32>,
      %get3A_2363 = vector.shape_cast %get3A_2362 : vector<1x16xi32> to vector<16xi32>
      %and3A_2364 = arith.constant 16383 : i32
      %and3A_2365 = vector.broadcast %and3A_2364 : i32 to vector<16xi32>
      %and3A_2366 = arith.andi %get3A_2363, %and3A_2365 : vector<16xi32>
      %swap3A_2367 = arith.constant 1 : i32
      %swap3A_2368 = arith.index_cast %swap3A_2367 : i32 to index
      %swap3A_2369 = arith.constant 16 : index
      %swap3A_2370 = tpu.vector_load %arg8[%swap3A_2368, %swap3A_2369] {strides = array<i32>} : memref<3x80xi32, #tpu.memory_space<vmem>>, vector<1x16xi32>,
      %swap3A_2371 = vector.shape_cast %swap3A_2370 : vector<1x16xi32> to vector<16xi32>
      %swap3A_2372 = vector.shape_cast %and3A_2366 : vector<16xi32> to vector<1x16xi32>
      tpu.vector_store %arg8[%swap3A_2368, %swap3A_2369], %swap3A_2372 {strides = array<i32>} : memref<3x80xi32, #tpu.memory_space<vmem>>, vector<1x16xi32>,
      %shift_right_logical3A_2373 = arith.constant 14 : i32
      %shift_right_logical3A_2374 = vector.broadcast %shift_right_logical3A_2373 : i32 to vector<16xi32>
      %shift_right_logical3A_2375 = arith.shrui %get3A_2363, %shift_right_logical3A_2374 : vector<16xi32>
      %swap3A_2376 = arith.constant 1 : i32
      %swap3A_2377 = arith.index_cast %swap3A_2376 : i32 to index
      %swap3A_2378 = arith.constant 16 : index
      %swap3A_2379 = tpu.vector_load %arg9[%swap3A_2377, %swap3A_2378] {strides = array<i32>} : memref<3x80xi32, #tpu.memory_space<vmem>>, vector<1x16xi32>,
      %swap3A_2380 = vector.shape_cast %swap3A_2379 : vector<1x16xi32> to vector<16xi32>
      %swap3A_2381 = vector.shape_cast %shift_right_logical3A_2375 : vector<16xi32> to vector<1x16xi32>
      tpu.vector_store %arg9[%swap3A_2377, %swap3A_2378], %swap3A_2381 {strides = array<i32>} : memref<3x80xi32, #tpu.memory_space<vmem>>, vector<1x16xi32>,
      %get3A_2382 = arith.constant 1 : i32
      %get3A_2383 = arith.index_cast %get3A_2382 : i32 to index
      %get3A_2384 = arith.constant 32 : index
      %get3A_2385 = tpu.vector_load %arg6[%get3A_2383, %get3A_2384] {strides = array<i32>} : memref<3x80xi32, #tpu.memory_space<vmem>>, vector<1x16xi32>,
      %get3A_2386 = vector.shape_cast %get3A_2385 : vector<1x16xi32> to vector<16xi32>
      %and3A_2387 = arith.constant 16383 : i32
      %and3A_2388 = vector.broadcast %and3A_2387 : i32 to vector<16xi32>
      %and3A_2389 = arith.andi %get3A_2386, %and3A_2388 : vector<16xi32>
      %swap3A_2390 = arith.constant 1 : i32
      %swap3A_2391 = arith.index_cast %swap3A_2390 : i32 to index
      %swap3A_2392 = arith.constant 32 : index
      %swap3A_2393 = tpu.vector_load %arg8[%swap3A_2391, %swap3A_2392] {strides = array<i32>} : memref<3x80xi32, #tpu.memory_space<vmem>>, vector<1x16xi32>,
      %swap3A_2394 = vector.shape_cast %swap3A_2393 : vector<1x16xi32> to vector<16xi32>
      %swap3A_2395 = vector.shape_cast %and3A_2389 : vector<16xi32> to vector<1x16xi32>
      tpu.vector_store %arg8[%swap3A_2391, %swap3A_2392], %swap3A_2395 {strides = array<i32>} : memref<3x80xi32, #tpu.memory_space<vmem>>, vector<1x16xi32>,
      %shift_right_logical3A_2396 = arith.constant 14 : i32
      %shift_right_logical3A_2397 = vector.broadcast %shift_right_logical3A_2396 : i32 to vector<16xi32>
      %shift_right_logical3A_2398 = arith.shrui %get3A_2386, %shift_right_logical3A_2397 : vector<16xi32>
      %swap3A_2399 = arith.constant 1 : i32
      %swap3A_2400 = arith.index_cast %swap3A_2399 : i32 to index
      %swap3A_2401 = arith.constant 32 : index
      %swap3A_2402 = tpu.vector_load %arg9[%swap3A_2400, %swap3A_2401] {strides = array<i32>} : memref<3x80xi32, #tpu.memory_space<vmem>>, vector<1x16xi32>,
      %swap3A_2403 = vector.shape_cast %swap3A_2402 : vector<1x16xi32> to vector<16xi32>
      %swap3A_2404 = vector.shape_cast %shift_right_logical3A_2398 : vector<16xi32> to vector<1x16xi32>
      tpu.vector_store %arg9[%swap3A_2400, %swap3A_2401], %swap3A_2404 {strides = array<i32>} : memref<3x80xi32, #tpu.memory_space<vmem>>, vector<1x16xi32>,
      %get3A_2405 = arith.constant 1 : i32
      %get3A_2406 = arith.index_cast %get3A_2405 : i32 to index
      %get3A_2407 = arith.constant 48 : index
      %get3A_2408 = tpu.vector_load %arg6[%get3A_2406, %get3A_2407] {strides = array<i32>} : memref<3x80xi32, #tpu.memory_space<vmem>>, vector<1x16xi32>,
      %get3A_2409 = vector.shape_cast %get3A_2408 : vector<1x16xi32> to vector<16xi32>
      %and3A_2410 = arith.constant 16383 : i32
      %and3A_2411 = vector.broadcast %and3A_2410 : i32 to vector<16xi32>
      %and3A_2412 = arith.andi %get3A_2409, %and3A_2411 : vector<16xi32>
      %swap3A_2413 = arith.constant 1 : i32
      %swap3A_2414 = arith.index_cast %swap3A_2413 : i32 to index
      %swap3A_2415 = arith.constant 48 : index
      %swap3A_2416 = tpu.vector_load %arg8[%swap3A_2414, %swap3A_2415] {strides = array<i32>} : memref<3x80xi32, #tpu.memory_space<vmem>>, vector<1x16xi32>,
      %swap3A_2417 = vector.shape_cast %swap3A_2416 : vector<1x16xi32> to vector<16xi32>
      %swap3A_2418 = vector.shape_cast %and3A_2412 : vector<16xi32> to vector<1x16xi32>
      tpu.vector_store %arg8[%swap3A_2414, %swap3A_2415], %swap3A_2418 {strides = array<i32>} : memref<3x80xi32, #tpu.memory_space<vmem>>, vector<1x16xi32>,
      %shift_right_logical3A_2419 = arith.constant 14 : i32
      %shift_right_logical3A_2420 = vector.broadcast %shift_right_logical3A_2419 : i32 to vector<16xi32>
      %shift_right_logical3A_2421 = arith.shrui %get3A_2409, %shift_right_logical3A_2420 : vector<16xi32>
      %swap3A_2422 = arith.constant 1 : i32
      %swap3A_2423 = arith.index_cast %swap3A_2422 : i32 to index
      %swap3A_2424 = arith.constant 48 : index
      %swap3A_2425 = tpu.vector_load %arg9[%swap3A_2423, %swap3A_2424] {strides = array<i32>} : memref<3x80xi32, #tpu.memory_space<vmem>>, vector<1x16xi32>,
      %swap3A_2426 = vector.shape_cast %swap3A_2425 : vector<1x16xi32> to vector<16xi32>
      %swap3A_2427 = vector.shape_cast %shift_right_logical3A_2421 : vector<16xi32> to vector<1x16xi32>
      tpu.vector_store %arg9[%swap3A_2423, %swap3A_2424], %swap3A_2427 {strides = array<i32>} : memref<3x80xi32, #tpu.memory_space<vmem>>, vector<1x16xi32>,
      %get3A_2428 = arith.constant 1 : i32
      %get3A_2429 = arith.index_cast %get3A_2428 : i32 to index
      %get3A_2430 = arith.constant 64 : index
      %get3A_2431 = tpu.vector_load %arg6[%get3A_2429, %get3A_2430] {strides = array<i32>} : memref<3x80xi32, #tpu.memory_space<vmem>>, vector<1x16xi32>,
      %get3A_2432 = vector.shape_cast %get3A_2431 : vector<1x16xi32> to vector<16xi32>
      %and3A_2433 = arith.constant 16383 : i32
      %and3A_2434 = vector.broadcast %and3A_2433 : i32 to vector<16xi32>
      %and3A_2435 = arith.andi %get3A_2432, %and3A_2434 : vector<16xi32>
      %swap3A_2436 = arith.constant 1 : i32
      %swap3A_2437 = arith.index_cast %swap3A_2436 : i32 to index
      %swap3A_2438 = arith.constant 64 : index
      %swap3A_2439 = tpu.vector_load %arg8[%swap3A_2437, %swap3A_2438] {strides = array<i32>} : memref<3x80xi32, #tpu.memory_space<vmem>>, vector<1x16xi32>,
      %swap3A_2440 = vector.shape_cast %swap3A_2439 : vector<1x16xi32> to vector<16xi32>
      %swap3A_2441 = vector.shape_cast %and3A_2435 : vector<16xi32> to vector<1x16xi32>
      tpu.vector_store %arg8[%swap3A_2437, %swap3A_2438], %swap3A_2441 {strides = array<i32>} : memref<3x80xi32, #tpu.memory_space<vmem>>, vector<1x16xi32>,
      %shift_right_logical3A_2442 = arith.constant 14 : i32
      %shift_right_logical3A_2443 = vector.broadcast %shift_right_logical3A_2442 : i32 to vector<16xi32>
      %shift_right_logical3A_2444 = arith.shrui %get3A_2432, %shift_right_logical3A_2443 : vector<16xi32>
      %swap3A_2445 = arith.constant 1 : i32
      %swap3A_2446 = arith.index_cast %swap3A_2445 : i32 to index
      %swap3A_2447 = arith.constant 64 : index
      %swap3A_2448 = tpu.vector_load %arg9[%swap3A_2446, %swap3A_2447] {strides = array<i32>} : memref<3x80xi32, #tpu.memory_space<vmem>>, vector<1x16xi32>,
      %swap3A_2449 = vector.shape_cast %swap3A_2448 : vector<1x16xi32> to vector<16xi32>
      %swap3A_2450 = vector.shape_cast %shift_right_logical3A_2444 : vector<16xi32> to vector<1x16xi32>
      tpu.vector_store %arg9[%swap3A_2446, %swap3A_2447], %swap3A_2450 {strides = array<i32>} : memref<3x80xi32, #tpu.memory_space<vmem>>, vector<1x16xi32>,
      %dma_start3A_2451 = arith.constant 1 : i32
      %dma_start3A_2452 = arith.constant 1 : i32
      %dma_start3A_2453 = arith.constant 0 : i32
      %dma_start3A_2454 = arith.constant 0 : i32
      %dma_start3A_2455 = tpu.memref_slice %arg10[%dma_start3A_2452, %dma_start3A_2453, %dma_start3A_2454] : memref<3x80x128xf32, #tpu.memory_space<vmem>> -> memref<1x80x128xf32, #tpu.memory_space<vmem>>
      %dma_start3A_2456 = tpu.memref_squeeze %dma_start3A_2455 : memref<1x80x128xf32, #tpu.memory_space<vmem>> -> memref<80x128xf32, #tpu.memory_space<vmem>>
      %dma_start3A_2457 = arith.constant 0 : i32
      %dma_start3A_2458 = tpu.memref_slice %arg8[%dma_start3A_2451, %dma_start3A_2457] : memref<3x80xi32, #tpu.memory_space<vmem>> -> memref<1x80xi32, #tpu.memory_space<vmem>>
      %dma_start3A_2459 = tpu.memref_squeeze %dma_start3A_2458 : memref<1x80xi32, #tpu.memory_space<vmem>> -> memref<80xi32, #tpu.memory_space<vmem>>
      %dma_start3A_2460 = arith.constant 0 : i32
      %dma_start3A_2461 = arith.constant 0 : i32
      %dma_start3A_2462 = tpu.memref_slice %arg4[%dma_start3A_2460, %dma_start3A_2461] : memref<10000x128xf32, #tpu.memory_space<hbm>> -> memref<10000x128xf32, #tpu.memory_space<hbm>>
      tpu.enqueue_indirect_dma source(%dma_start3A_2462 : memref<10000x128xf32, #tpu.memory_space<hbm>>) target(%dma_start3A_2456 : memref<80x128xf32, #tpu.memory_space<vmem>>) offsets(%dma_start3A_2459 : memref<80xi32, #tpu.memory_space<vmem>>) semaphore(%arg17 : memref<!tpu.dma_semaphore, #tpu.memory_space<semaphore_mem>>)
    }
    %scan3A_1907 = arith.constant 40 : i32
    %dma_wait3A_1908 = arith.constant 0 : i32
    %dma_wait3A_1909 = arith.constant 0 : i32
    %dma_wait3A_1910 = arith.constant 0 : i32
    %dma_wait3A_1911 = arith.constant 0 : i32
    %dma_wait3A_1912 = tpu.memref_slice %arg10[%dma_wait3A_1909, %dma_wait3A_1910, %dma_wait3A_1911] : memref<3x80x128xf32, #tpu.memory_space<vmem>> -> memref<1x80x128xf32, #tpu.memory_space<vmem>>
    %dma_wait3A_1913 = tpu.memref_squeeze %dma_wait3A_1912 : memref<1x80x128xf32, #tpu.memory_space<vmem>> -> memref<80x128xf32, #tpu.memory_space<vmem>>
    %dma_wait3A_1914 = arith.constant 0 : i32
    %dma_wait3A_1915 = tpu.memref_slice %arg8[%dma_wait3A_1908, %dma_wait3A_1914] : memref<3x80xi32, #tpu.memory_space<vmem>> -> memref<1x80xi32, #tpu.memory_space<vmem>>
    %dma_wait3A_1916 = tpu.memref_squeeze %dma_wait3A_1915 : memref<1x80xi32, #tpu.memory_space<vmem>> -> memref<80xi32, #tpu.memory_space<vmem>>
    %dma_wait3A_1917 = arith.constant 0 : i32
    %dma_wait3A_1918 = arith.constant 0 : i32
    %dma_wait3A_1919 = tpu.memref_slice %arg4[%dma_wait3A_1917, %dma_wait3A_1918] : memref<10000x128xf32, #tpu.memory_space<hbm>> -> memref<10000x128xf32, #tpu.memory_space<hbm>>
    tpu.wait_indirect_dma semaphore(%arg16 : memref<!tpu.dma_semaphore, #tpu.memory_space<semaphore_mem>>) src(%dma_wait3A_1919 : memref<10000x128xf32, #tpu.memory_space<hbm>>) dst(%dma_wait3A_1913 : memref<80x128xf32, #tpu.memory_space<vmem>>)
    %dma_wait3A_1920 = arith.constant 1 : i32
    %dma_wait3A_1921 = arith.constant 1 : i32
    %dma_wait3A_1922 = arith.constant 0 : i32
    %dma_wait3A_1923 = arith.constant 0 : i32
    %dma_wait3A_1924 = tpu.memref_slice %arg10[%dma_wait3A_1921, %dma_wait3A_1922, %dma_wait3A_1923] : memref<3x80x128xf32, #tpu.memory_space<vmem>> -> memref<1x80x128xf32, #tpu.memory_space<vmem>>
    %dma_wait3A_1925 = tpu.memref_squeeze %dma_wait3A_1924 : memref<1x80x128xf32, #tpu.memory_space<vmem>> -> memref<80x128xf32, #tpu.memory_space<vmem>>
    %dma_wait3A_1926 = arith.constant 0 : i32
    %dma_wait3A_1927 = tpu.memref_slice %arg8[%dma_wait3A_1920, %dma_wait3A_1926] : memref<3x80xi32, #tpu.memory_space<vmem>> -> memref<1x80xi32, #tpu.memory_space<vmem>>
    %dma_wait3A_1928 = tpu.memref_squeeze %dma_wait3A_1927 : memref<1x80xi32, #tpu.memory_space<vmem>> -> memref<80xi32, #tpu.memory_space<vmem>>
    %dma_wait3A_1929 = arith.constant 0 : i32
    %dma_wait3A_1930 = arith.constant 0 : i32
    %dma_wait3A_1931 = tpu.memref_slice %arg4[%dma_wait3A_1929, %dma_wait3A_1930] : memref<10000x128xf32, #tpu.memory_space<hbm>> -> memref<10000x128xf32, #tpu.memory_space<hbm>>
    tpu.wait_indirect_dma semaphore(%arg17 : memref<!tpu.dma_semaphore, #tpu.memory_space<semaphore_mem>>) src(%dma_wait3A_1931 : memref<10000x128xf32, #tpu.memory_space<hbm>>) dst(%dma_wait3A_1925 : memref<80x128xf32, #tpu.memory_space<vmem>>)
    %barrier3A_1932 = arith.constant 0 : index
    tpu.barrier barrier_id(%barrier3A_1932)
    %mul3A_1933 = arith.constant 640 : i32
    %mul3A_1934 = arith.muli %arg1, %mul3A_1933 : i32
    %mul3A_1935 = arith.constant 640 : i32
    %mul3A_1936 = arith.muli %arg1, %mul3A_1935 : i32
    "tpu.region"() ({
      %run_scoped3A = tpu.sem_alloc : memref<!tpu.dma_semaphore, #tpu.memory_space<semaphore_mem>>
      %dma_start3A_1937 = arith.constant 0 : i32
      %dma_start3A_1938 = tpu.memref_slice %arg5[%arg0, %mul3A_1936, %dma_start3A_1937] : memref<2x10240x128xf32, #tpu.memory_space<hbm>> -> memref<1x640x128xf32, #tpu.memory_space<hbm>>
      %dma_start3A_1939 = tpu.memref_squeeze %dma_start3A_1938 : memref<1x640x128xf32, #tpu.memory_space<hbm>> -> memref<640x128xf32, #tpu.memory_space<hbm>>
      %dma_start3A_1940 = arith.constant 0 : i32
      %dma_start3A_1941 = tpu.memref_slice %arg12[%mul3A_1934, %dma_start3A_1940] : memref<10240x128xf32, #tpu.memory_space<vmem_shared>> -> memref<640x128xf32, #tpu.memory_space<vmem_shared>>
      tpu.enqueue_dma source(%dma_start3A_1941 : memref<640x128xf32, #tpu.memory_space<vmem_shared>>) target(%dma_start3A_1939 : memref<640x128xf32, #tpu.memory_space<hbm>>) target_semaphore(%run_scoped3A : memref<!tpu.dma_semaphore, #tpu.memory_space<semaphore_mem>>)
      %dma_wait3A_1942 = arith.constant 0 : i32
      %dma_wait3A_1943 = tpu.memref_slice %arg5[%arg0, %mul3A_1936, %dma_wait3A_1942] : memref<2x10240x128xf32, #tpu.memory_space<hbm>> -> memref<1x640x128xf32, #tpu.memory_space<hbm>>
      %dma_wait3A_1944 = tpu.memref_squeeze %dma_wait3A_1943 : memref<1x640x128xf32, #tpu.memory_space<hbm>> -> memref<640x128xf32, #tpu.memory_space<hbm>>
      %dma_wait3A_1945 = arith.constant 0 : i32
      %dma_wait3A_1946 = tpu.memref_slice %arg12[%mul3A_1934, %dma_wait3A_1945] : memref<10240x128xf32, #tpu.memory_space<vmem_shared>> -> memref<640x128xf32, #tpu.memory_space<vmem_shared>>
      tpu.wait_dma2 semaphore(%run_scoped3A : memref<!tpu.dma_semaphore, #tpu.memory_space<semaphore_mem>>) src(%dma_wait3A_1946 : memref<640x128xf32, #tpu.memory_space<vmem_shared>>) dst(%dma_wait3A_1944 : memref<640x128xf32, #tpu.memory_space<hbm>>)
      tpu.yield
    }) : () -> ()
    return
  }
}

module attributes {stable_mosaic.version = 14 : i64} {
  func.func @_tc_body(%arg0: i32, %arg1: memref<2x400x128xf32, #tpu.memory_space<vmem>>, %arg2: memref<128x128xf32, #tpu.memory_space<vmem>>, %arg3: memref<1x128xf32, #tpu.memory_space<vmem>>, %arg4: memref<400x128xf32, #tpu.memory_space<vmem>>) attributes {dimension_semantics = [#tpu.dimension_semantics<arbitrary>], iteration_bounds = array<i64: 25>, scalar_prefetch = 0 : i64, scratch_operands = 0 : i64, tpu.core_type = #tpu.core_type<tc>, window_params = [{transform_indices = @transform_0, window_bounds = array<i64: 2, 400, 128>}, {pipeline_mode = #tpu.pipeline_mode<synchronous>, transform_indices = @transform_1, window_bounds = array<i64: 128, 128>}, {pipeline_mode = #tpu.pipeline_mode<synchronous>, transform_indices = @transform_2, window_bounds = array<i64: 1, 128>}, {transform_indices = @transform_3, window_bounds = array<i64: 400, 128>}]} {
    %get3A = arith.constant 0 : index
    %get3A_0 = arith.constant 0 : index
    %get3A_1 = arith.constant 0 : index
    %get3A_2 = vector.load %arg1[%get3A, %get3A_0, %get3A_1] : memref<2x400x128xf32, #tpu.memory_space<vmem>>, vector<1x400x128xf32>
    %get3A_3 = vector.shape_cast %get3A_2 : vector<1x400x128xf32> to vector<400x128xf32>
    %get3A_4 = arith.constant 1 : index
    %get3A_5 = arith.constant 0 : index
    %get3A_6 = arith.constant 0 : index
    %get3A_7 = vector.load %arg1[%get3A_4, %get3A_5, %get3A_6] : memref<2x400x128xf32, #tpu.memory_space<vmem>>, vector<1x400x128xf32>
    %get3A_8 = vector.shape_cast %get3A_7 : vector<1x400x128xf32> to vector<400x128xf32>
    %add3A = arith.addf %get3A_3, %get3A_8 : vector<400x128xf32>
    %get3A_9 = arith.constant 0 : index
    %get3A_10 = arith.constant 0 : index
    %get3A_11 = vector.load %arg2[%get3A_9, %get3A_10] : memref<128x128xf32, #tpu.memory_space<vmem>>, vector<128x128xf32>
    %dot_general3A = arith.constant dense<0.000000e+00> : vector<400x128xf32>
    %dot_general3A_12 = tpu.matmul %add3A, %get3A_11, %dot_general3A {dimension_numbers = #tpu.dot_dimension_numbers<[1], [0], [0], [1], [0, 0, 1, 1], [], []>, transpose_lhs_hint = false} : vector<400x128xf32>, vector<128x128xf32>, vector<400x128xf32> -> vector<400x128xf32>
    %get3A_13 = arith.constant 0 : index
    %get3A_14 = arith.constant 0 : index
    %get3A_15 = vector.load %arg3[%get3A_13, %get3A_14] : memref<1x128xf32, #tpu.memory_space<vmem>>, vector<1x128xf32>
    %add3A_16 = vector.broadcast %get3A_15 : vector<1x128xf32> to vector<400x128xf32>
    %add3A_17 = arith.addf %dot_general3A_12, %add3A_16 : vector<400x128xf32>
    %max3A = arith.constant 0.000000e+00 : f32
    %max3A_18 = vector.broadcast %max3A : f32 to vector<400x128xf32>
    %max3A_19 = arith.maximumf %add3A_17, %max3A_18 : vector<400x128xf32>
    %swap3A = arith.constant 0 : index
    %swap3A_20 = arith.constant 0 : index
    %swap3A_21 = vector.load %arg4[%swap3A, %swap3A_20] : memref<400x128xf32, #tpu.memory_space<vmem>>, vector<400x128xf32>
    tpu.vector_store %arg4[%swap3A, %swap3A_20], %max3A_19 {strides = array<i32>} : memref<400x128xf32, #tpu.memory_space<vmem>>, vector<400x128xf32>,
    return
  }
  func.func @transform_0(%arg0: i32) -> (i32, i32, i32) {
    %c0_i32 = arith.constant 0 : i32
    %c0_i32_0 = arith.constant 0 : i32
    %c0_i32_1 = arith.constant 0 : i32
    return %c0_i32, %arg0, %c0_i32_0 : i32, i32, i32
  }
  func.func @transform_1(%arg0: i32) -> (i32, i32) {
    %c0_i32 = arith.constant 0 : i32
    %c0_i32_0 = arith.constant 0 : i32
    %c0_i32_1 = arith.constant 0 : i32
    return %c0_i32, %c0_i32_0 : i32, i32
  }
  func.func @transform_2(%arg0: i32) -> (i32, i32) {
    %c0_i32 = arith.constant 0 : i32
    %c0_i32_0 = arith.constant 0 : i32
    %c0_i32_1 = arith.constant 0 : i32
    return %c0_i32, %c0_i32_0 : i32, i32
  }
  func.func @transform_3(%arg0: i32) -> (i32, i32) {
    %c0_i32 = arith.constant 0 : i32
    %c0_i32_0 = arith.constant 0 : i32
    return %arg0, %c0_i32 : i32, i32
  }
}

</mosaic_0001>

<sc_bundles>
// kernel: kernel.4.cloned.1.call-start
scs
__scs_entry_jumppad:
0x0: {  	(pc) =	sbr.rel $0x88, $3  }
0x1: {  	(tag) =	ssettag $0x0;
	lr =	simm.s32 $0x1  }
0x2: {  	[smem:$0x3F9C] =	sst lr;
	_ =	strace $0xD0000000  }
0x3: {  	_ = 	snop  }
0x4: {  	_ = 	snop  }
0x5: {  	_ = 	snop  }
0x6: {  	_ = 	snop  }
0x7: {  	_ = 	snop  }
__scs_overlays_trampoline_lowered:
0x8: {  	[smem:$0x3FAB] =	sst s0  }
0x9: {  	[smem:$0x3FAC] =	sst s1  }
0xa: {  	[smem:$0x3FAD] =	sst s2  }
0xb: {  	[smem:$0x3FAE] =	sst s3  }
0xc: {  	[smem:$0x3FAF] =	sst s4  }
0xd: {  	[smem:$0x3FB0] =	sst s5  }
0xe: {  	[smem:$0x3FB1] =	sst s6  }
0xf: {  	[smem:$0x3FB2] =	sst s7  }
0x10: {  	[smem:$0x3FB3] =	sst s8  }
0x11: {  	[smem:$0x3FB4] =	sst s9;
	s0 =	simm.s32 @!p0 $0x0  }
0x12: {  	s1 =	sld [smem:$0x3F9A];
	s0 =	simm.s32 @p0 $0x1  }
0x13: {  	[smem:$0x3FB5] =	sst s0;
	s0 =	simm.s32 @!p1 $0x0  }
0x14: {  	s2 =	sld [smem:$0x3F99];
	s0 =	simm.s32 @p1 $0x1  }
0x15: {  	[smem:$0x3FB6] =	sst s0;
	s0 =	simm.s32 @!p2 $0x0  }
0x16: {  	s3 =	sld [smem:$0x3FDB];
	s0 =	simm.s32 @p2 $0x1  }
0x17: {  	s4 =	simm.s32 $0x1BF5;
	[smem:$0x3FB8] =	sst s0  }
0x18: {  	s0 =	sld [smem:$0x3F9B];
	_ =	swait.ge [sflag:s4], $0x0  }
0x19: {  	s7 =	sld [smem:$0x3F9C]  }
0x1a: {  	s8 =	sadd.s32 $0xFFFFE003, lr  }
0x1b: {  	s9 =	sadd.s32 $0xFFFFFEF7, lr;
	s5 =	simm.s32 $0xFFFFFFFF;
	p2 =	slt.u32 s8, $0xFFFFF086  }
0x1c: {  	p1 =	slt.u32 s9, $0xF7A;
	s5 =	simm.s32 @!p2 $0x0  }
0x1d: {  	s5 =	simm.s32 @p1 $0x1;
	p0 =	seq.s32 s7, s2  }
0x1e: {  	s7 =	smul.u32 @!p0 $0xF7A, s2;
	p2 =	seq.s32 @!p0 s5, $0x0  }
0x1f: {  	s9 =	smul.u32 $0xF7A, s1;
	s8 =	simm.s32 @!p0 $0x1BF5;
	p2 =	por !p2, p0  }
0x20: {  	[sflag:s8] =	ssyncset.s32 @!p0 $0xFFFFF086;
	s6 =	sadd.s32 @!p0 s3, s7;
	s7 =	simm.s32 @!p0 $0x108  }
0x21: {  	s3 =	sadd.s32 s3, s9;
	s6 =	sadd.s32 @!p0 $0x88, s6;
	s7 =	simm.s32 @p2 $0x1082  }
0x22: {  	[simem:s7], [sflag:s8] =	dma.local @!p0 [hbm:s6], $0xF7A  }
0x23: {  	s9 =	sor.u32 $0xD0000000, s2;
	s6 =	simm.s32 $0x108;
	_ =	swait.ge @!p0 [sflag:s8], $0x0  }
0x24: {  	s3 =	sadd.s32 $0x88, s3;
	s6 =	simm.s32 @!p1 $0x1082;
	[sflag:s4] =	ssyncset.s32 $0xFFFFF086  }
0x25: {  	[simem:s6], [sflag:s4] =	dma.local [hbm:s3], $0xF7A  }
0x26: {  	[smem:$0x3F9C] =	sst s1;
	(tag) =	ssettag s2;
	_ =	strace s9  }
0x27: {  	s1 =	sld [smem:$0x3FAC]  }
0x28: {  	s2 =	sld [smem:$0x3FAD]  }
0x29: {  	s4 =	sld [smem:$0x3FAF]  }
0x2a: {  	p0 =	seq.s32 s5, $0x0;
	s5 =	sld [smem:$0x3FB0]  }
0x2b: {  	s6 =	sld [smem:$0x3FB1]  }
0x2c: {  	s7 =	sld [smem:$0x3FB2]  }
0x2d: {  	s3 =	simm.s32 $0x108;
	s8 =	sld [smem:$0x3FB3]  }
0x2e: {  	s3 =	simm.s32 @!p0 $0x1082;
	s9 =	sld [smem:$0x3FB4]  }
0x2f: {  	lr =	sadd.s32 s0, s3;
	s0 =	sld [smem:$0x3FAB]  }
0x30: {  	s3 =	sld [smem:$0x3FAE]  }
0x31: {  	[smem:$0x3FB7] =	sst s10  }
0x32: {  	s10 =	sld [smem:$0x3FB5];
	_ =	sdelay $0x3  }
0x33: {  	p0 =	seq.s32 s10, $0x1;
	s10 =	sld [smem:$0x3FB7];
	_ =	sdelay $0x3  }
0x34: {  	[smem:$0x3FB7] =	sst s10  }
0x35: {  	s10 =	sld [smem:$0x3FB6];
	_ =	sdelay $0x3  }
0x36: {  	p1 =	seq.s32 s10, $0x1;
	s10 =	sld [smem:$0x3FB7];
	_ =	sdelay $0x3  }
0x37: {  	[smem:$0x3FB7] =	sst s10  }
0x38: {  	s10 =	sld [smem:$0x3FB8]  }
0x39: {  	_ = 	snop;
	(pc) =	sbr.ind lr, $3  }
0x3a: {  	_ = 	snop  }
0x3b: {  	_ = 	snop  }
0x3c: {  	p2 =	seq.s32 s10, $0x1;
	s10 =	sld [smem:$0x3FB7]  }
0x3d: {  	_ =	shalt  }
0x3e: {  	_ =	shalt  }
0x3f: {  	_ =	shalt  }
0x40: {  	_ =	shalt  }
0x41: {  	_ =	shalt  }
0x42: {  	_ =	shalt  }
0x43: {  	_ =	shalt  }
0x44: {  	_ =	shalt  }
0x45: {  	_ =	shalt  }
0x46: {  	_ =	shalt  }
0x47: {  	_ =	shalt  }
0x48: {  	_ =	shalt  }
0x49: {  	_ =	shalt  }
0x4a: {  	_ =	shalt  }
0x4b: {  	_ =	shalt  }
0x4c: {  	_ =	shalt  }
0x4d: {  	_ =	shalt  }
0x4e: {  	_ =	shalt  }
0x4f: {  	_ =	shalt  }
0x50: {  	_ =	shalt  }
0x51: {  	_ =	shalt  }
0x52: {  	_ =	shalt  }
0x53: {  	_ =	shalt  }
0x54: {  	_ =	shalt  }
0x55: {  	_ =	shalt  }
0x56: {  	_ =	shalt  }
0x57: {  	_ =	shalt  }
0x58: {  	_ =	shalt  }
0x59: {  	_ =	shalt  }
0x5a: {  	_ =	shalt  }
0x5b: {  	_ =	shalt  }
0x5c: {  	_ =	shalt  }
0x5d: {  	_ =	shalt  }
0x5e: {  	_ =	shalt  }
0x5f: {  	_ =	shalt  }
0x60: {  	_ =	shalt  }
0x61: {  	_ =	shalt  }
0x62: {  	_ =	shalt  }
0x63: {  	_ =	shalt  }
0x64: {  	_ =	shalt  }
0x65: {  	_ =	shalt  }
0x66: {  	_ =	shalt  }
0x67: {  	_ =	shalt  }
0x68: {  	_ =	shalt  }
0x69: {  	_ =	shalt  }
0x6a: {  	_ =	shalt  }
0x6b: {  	_ =	shalt  }
0x6c: {  	_ =	shalt  }
0x6d: {  	_ =	shalt  }
0x6e: {  	_ =	shalt  }
0x6f: {  	_ =	shalt  }
0x70: {  	_ =	shalt  }
0x71: {  	_ =	shalt  }
0x72: {  	_ =	shalt  }
0x73: {  	_ =	shalt  }
0x74: {  	_ =	shalt  }
0x75: {  	_ =	shalt  }
0x76: {  	_ =	shalt  }
0x77: {  	_ =	shalt  }
0x78: {  	_ =	shalt  }
0x79: {  	_ =	shalt  }
0x7a: {  	_ =	shalt  }
0x7b: {  	_ =	shalt  }
0x7c: {  	_ =	shalt  }
0x7d: {  	_ =	shalt  }
0x7e: {  	_ =	shalt  }
0x7f: {  	_ =	shalt  }
0x80: {  	_ =	shalt  }
0x81: {  	_ =	shalt  }
0x82: {  	_ =	shalt  }
0x83: {  	_ =	shalt  }
0x84: {  	_ =	shalt  }
0x85: {  	_ =	shalt  }
0x86: {  	_ =	shalt  }
0x87: {  	_ =	shalt  }
.Lfunc_end0:
.L_simem_size_0:
called_computation_lowered:
.L_overlay_start_0:
0x88: {  	s2 =	sld [smem:$0x3FD9]  }
0x89: {  	s3 =	sld [smem:$0x3FFE];
	_ =	sdelay $0x1  }
0x8a: {  	s1 =	srdreg.scid  }
0x8b: {  	s0 =	sand.u32 $0x1, s1  }
0x8c: {  	s17 =	sshll.u32 s0, $0xA;
	s2 =	sadd.s32 s3, s2  }
0x8d: {  	s2 =	sadd.s32 s2, s17  }
0x8e: {  	[smem:$0x3FC3] =	sst s2  }
0x8f: {  	_ = 	snop  }
0x90: {  	s2 =	sld [smem:$0x3FC7]  }
0x91: {  	s18 =	sld [smem:$0x3FD0];
	(tm) =	ssettm $0x1  }
0x92: {  	s4 =	sld [smem:$0x3FFB];
	_ =	sdelay $0x3  }
0x93: {  	_ =	strace s4  }
0x94: {  	s4 =	sld [smem:$0x3FFC];
	_ =	sdelay $0x3  }
0x95: {  	_ =	strace s4  }
0x96: {  	s4 =	sld [smem:$0x3FFD];
	_ =	sdelay $0x3  }
0x97: {  	_ =	strace s4  }
0x98: {  	_ =	strace $0x8FFFFFFF  }
0x99: {  	s19 =	sld [smem:$0x3FDB];
	_ =	sdelay $0x1  }
0x9a: {  	s5 =	simm.s32 $_scs_section_size  }
0x9b: {  	s6 =	simm.s32 $_size__tile_overlayer_lowered;
	s7 =	simm.s32 $_tile_overlayer_lowered  }
0x9c: {  	s22 =	simm.s32 $0x1BFF;
	s21 =	sshll.u32 s7, $0x1;
	s4 =	sadd.s32 s5, s19  }
0x9d: {  	s8 =	simm.s32 $0x0;
	s20 =	sshll.u32 s6, $0x1;
	s6 =	sadd.s32 s21, s4  }
0x9e: {  	[timem:s8], [sflag:s22] =	dma.local [hbm:s6], s20  }
0x9f: {  	_ =	swait.ge [sflag:s22], s20  }
0xa0: {  	s5 =	ssub.s32 $0x0, s20;
	[sflag:s22] =	ssyncset.done $0x0  }
0xa1: {  	[sflag:s22] =	ssyncadd.s32 s5;
	_ =	sdelay $0x1  }
0xa2: {  	s23 =	simm.s32 $0x1B8B  }
0xa3: {  	_ =	swait.ge [sflag:s23], $0x1  }
0xa4: {  	[sflag:s23] =	ssyncset.done $0x0  }
0xa5: {  	s25 =	simm.s32 $0x1B8E;
	s24 =	sld [smem:$0x3FFE];
	[sflag:s23] =	ssyncadd.s32 $0xFFFFFFFF  }
0xa6: {  	s26 =	simm.s32 $execute0_lowered;
	[smem:$0x3FD2] =	sst s25  }
0xa7: {  	s6 =	sshll.u32 s26, $0x1;
	_ =	strace $0x80000046;
	[dreg:$0x1] =	wrdreg $0xFFFFFFFF  }
0xa8: {  	s28 =	simm.s32 $_size_execute0_lowered;
	s4 =	sadd.s32 s4, s6;
	[dreg:$0x0] =	wrdreg $0x0  }
0xa9: {  	s6 =	sshll.u32 s28, $0x1;
	[dreg:$0x2] =	wrdreg s4  }
0xaa: {  	[dreg:$0x3] =	wrdreg s6  }
0xab: {  	[dreg:$0x4] =	wrdreg $0xC0  }
0xac: {  	_ =	task [dreg:s8], $0x5FFFF  }
0xad: {  	[dreg:$0x1] =	wrdreg $0xFFFFFFFF  }
0xae: {  	[dreg:$0x0] =	wrdreg $0x60  }
0xaf: {  	[dreg:$0x2] =	wrdreg s18  }
0xb0: {  	[dreg:$0x3] =	wrdreg s24  }
0xb1: {  	[dreg:$0x4] =	wrdreg s2  }
0xb2: {  	[dreg:$0x5] =	wrdreg $0x88000  }
0xb3: {  	[dreg:$0x6] =	wrdreg $0x9  }
0xb4: {  	_ =	task.clear_ibuf [dreg:s8], $0x7FFFF;
	_ =	strace $0x90000046  }
0xb5: {  	s29 =	simm.s32 $0x9;
	_ =	strace $0x80000048  }
0xb6: {  	_ =	swait.ge [sflag:s29], $0x1  }
0xb7: {  	[sflag:s29] =	ssyncadd.s32 $0xFFFFFFFF  }
0xb8: {  	_ =	strace $0x90000048  }
0xb9: {  	_ =	sfence  }
0xba: {  	s30 =	sld [smem:$0x0];
	_ =	sdelay $0x2  }
0xbb: {  	s31 =	sshll.u32 s1, $0xD;
	s1 =	sshrl.u32 s1, $0x2  }
0xbc: {  	s3 =	sand.u32 $0x4000, s31;
	s1 =	sadd.s32 s1, s30  }
0xbd: {  	s0 =	sor.u32 s3, s0;
	s1 =	sshll.u32 s1, $0x11  }
0xbe: {  	s0 =	sor.u32 s1, s0  }
0xbf: {  	s0 =	sadd.s32 $0x8F2B, s0  }
0xc0: {  	[sflag:s0] =	ssyncadd.remote.s32 $0x1  }
0xc1: {  	_ =	sfence.sel $0xFFFF  }
0xc2: {  	[dreg:$0x0] =	wrdreg $0xFFFFFFFF;
	(pc) =	sbr.abs _section_cstart, $3  }
0xc3: {  	[dreg:$0x1] =	wrdreg $0xFFFFFFFF  }
0xc4: {  	_ =	task.clear_ibuf [dreg:s8], $0x2FFFF;
	_ =	strace $0x9FFFFFFF  }
0xc5: {  	(tm) =	ssettm $0x7FFFFFFF  }
tec
execute0_lowered:
.L_overlay_start_1:
0x0: {  	(tag) =	ssettag $0x1  }
0x1: {  	s0 =	rddreg [dreg:$0x0]  }
0x2: {  	s1 =	rddreg [dreg:$0x1]  }
0x3: {  	s2 =	srdreg.scid;
	s11 =	stileid.u32  }
0x4: {  	s3 =	rddreg [dreg:$0x2];
	s2 =	sand.u32 $0x1, s2;
	s6 =	smul.u32 $0x14000, s11  }
0x5: {  	s7 =	rddreg [dreg:$0x3];
	s4 =	simm.s32 $0x0;
	s5 =	smul.u32 $0x140000, s2  }
0x6: {  	[smem:$0x7FF] =	sst s4;
	s9 =	sshll.u32 s11, $0xE;
	s13 =	smul.u32 $0x50000, s11  }
0x7: {  	_ =	strace $0x80000047;
	s8 =	ssub.s32 $0x2, s2;
	s6 =	sadd.s32 s6, s5  }
0x8: {  	s2 =	sshll.u32 s2, $0x12;
	s10 =	sshrl.u32 s8, $0x1;
	s6 =	sshrl.u32 s6, $0x3  }
0x9: {  	s5 =	sadd.s32 $0x800, s1;
	s1 =	sadd.s32 s6, s1;
	s6 =	sor.u32 s9, s2  }
0xa: {  	s2 =	ssub.s32 s8, s10;
	s9 =	sshrl.u32 s13, $0x2;
	s1 =	sadd.s32 $0x10800, s1  }
0xb: {  	s8 =	sshrl.u32 s6, $0x3;
	s13 =	smax.u32 s2, $0x1;
	[dreg:$0x15] =	wrdreg s1  }
0xc: {  	s14 =	sadd.s32 s0, s8;
	[dreg:$0x16] =	wrdreg s13  }
0xd: {  	s12 =	sadd.s32 s9, s7;
	s15 =	sadd.s32 s5, s8;
	[dreg:$0x5] =	wrdreg s14  }
0xe: {  	s21 =	sadd.s32 $0x800, s12;
	[dreg:$0x6] =	wrdreg s15  }
0xf: {  	s22 =	sadd.s32 $0x1000, s12;
	[dreg:$0xb] =	wrdreg s21  }
0x10: {  	s23 =	sadd.s32 $0x1800, s12;
	[dreg:$0xc] =	wrdreg s22  }
0x11: {  	s24 =	sadd.s32 $0x2000, s12;
	[dreg:$0xd] =	wrdreg s23  }
0x12: {  	s2 =	sadd.s32 $0x9800, s12;
	[dreg:$0xe] =	wrdreg s24  }
0x13: {  	s9 =	sadd.s32 $0xB000, s12;
	[smem:$0x7E9] =	sst s2  }
0x14: {  	s16 =	sor.u32 $0x10, s8;
	s13 =	sadd.s32 $0xC800, s12;
	[smem:$0x7EC] =	sst s9  }
0x15: {  	s17 =	sadd.s32 s0, s16;
	[smem:$0x7EF] =	sst s13  }
0x16: {  	s18 =	sor.u32 $0x20, s8;
	s10 =	sadd.s32 s5, s16;
	[dreg:$0x7] =	wrdreg s17  }
0x17: {  	s19 =	sadd.s32 s0, s18;
	[dreg:$0x8] =	wrdreg s10  }
0x18: {  	s25 =	sor.u32 $0x30, s8;
	s20 =	sadd.s32 s5, s18;
	[dreg:$0x9] =	wrdreg s19  }
0x19: {  	s26 =	sadd.s32 s0, s25;
	[dreg:$0xa] =	wrdreg s20  }
0x1a: {  	s11 =	sor.u32 $0x50, s8;
	s7 =	sadd.s32 s5, s25;
	[dreg:$0xf] =	wrdreg s26  }
0x1b: {  	s31 =	sor.u32 $0x40, s8;
	s8 =	sadd.s32 s0, s11;
	[dreg:$0x10] =	wrdreg s7  }
0x1c: {  	s14 =	sadd.s32 $0x2800, s12;
	[dreg:$0x13] =	wrdreg s8  }
0x1d: {  	s15 =	sadd.s32 $0x3000, s12;
	[dreg:$0x17] =	wrdreg s14  }
0x1e: {  	s16 =	sadd.s32 $0x3800, s12;
	[dreg:$0x18] =	wrdreg s15  }
0x1f: {  	s18 =	sadd.s32 $0x4800, s12;
	[dreg:$0x19] =	wrdreg s16  }
0x20: {  	s21 =	sadd.s32 $0x6000, s12;
	[dreg:$0x1b] =	wrdreg s18  }
0x21: {  	s22 =	sadd.s32 $0x6800, s12;
	[dreg:$0x1e] =	wrdreg s21  }
0x22: {  	s23 =	sadd.s32 $0x7000, s12;
	[dreg:$0x1f] =	wrdreg s22  }
0x23: {  	s24 =	sadd.s32 $0x7800, s12;
	[smem:$0x7E4] =	sst s23  }
0x24: {  	s25 =	sadd.s32 $0x8000, s12;
	[smem:$0x7E5] =	sst s24  }
0x25: {  	s10 =	sadd.s32 s0, s31;
	[smem:$0x7E6] =	sst s25  }
0x26: {  	s7 =	sadd.s32 s5, s31;
	[dreg:$0x11] =	wrdreg s10  }
0x27: {  	s17 =	sadd.s32 $0x4000, s12;
	[dreg:$0x12] =	wrdreg s7  }
0x28: {  	s19 =	sadd.s32 $0x5000, s12;
	[dreg:$0x1a] =	wrdreg s17  }
0x29: {  	s20 =	sadd.s32 $0x5800, s12;
	[dreg:$0x1c] =	wrdreg s19  }
0x2a: {  	s26 =	sadd.s32 $0x8800, s12;
	[dreg:$0x1d] =	wrdreg s20  }
0x2b: {  	s31 =	sadd.s32 $0x9000, s12;
	[smem:$0x7E7] =	sst s26  }
0x2c: {  	s8 =	sadd.s32 $0xA800, s12;
	[smem:$0x7E8] =	sst s31  }
0x2d: {  	s14 =	sadd.s32 $0xD000, s12;
	[smem:$0x7EB] =	sst s8  }
0x2e: {  	s15 =	sadd.s32 $0xD800, s12;
	[smem:$0x7F0] =	sst s14  }
0x2f: {  	s16 =	sadd.s32 $0xE000, s12;
	[smem:$0x7F1] =	sst s15  }
0x30: {  	s18 =	sadd.s32 $0xF000, s12;
	[smem:$0x7F2] =	sst s16  }
0x31: {  	s28 =	simm.s32 $0x6;
	s21 =	sadd.s32 $0x10800, s12;
	[smem:$0x7F4] =	sst s18  }
0x32: {  	s29 =	simm.s32 $0x400;
	s22 =	sadd.s32 $0x11000, s12;
	[smem:$0x7F7] =	sst s21  }
0x33: {  	s30 =	simm.s32 $0x0;
	s23 =	sadd.s32 $0x11800, s12;
	[smem:$0x7F8] =	sst s22  }
0x34: {  	s13 =	simm.s32 $0x280;
	s24 =	sadd.s32 $0x12000, s12;
	[smem:$0x7F9] =	sst s23  }
0x35: {  	s25 =	sadd.s32 $0x12800, s12;
	s7 =	sadd.s32 s5, s11;
	[smem:$0x7FA] =	sst s24  }
0x36: {  	s10 =	sadd.s32 $0xB800, s12;
	s11 =	sadd.s32 $0xC000, s12;
	[smem:$0x7FB] =	sst s25  }
0x37: {  	s17 =	sadd.s32 $0xE800, s12;
	s19 =	sadd.s32 $0xF800, s12;
	[dreg:$0x14] =	wrdreg s7  }
0x38: {  	s20 =	sadd.s32 $0x10000, s12;
	s26 =	sadd.s32 $0x13000, s12;
	[smem:$0x7ED] =	sst s10  }
0x39: {  	s31 =	sadd.s32 $0x13800, s12;
	s16 =	simm.s32 $0x8000;
	[smem:$0x7EE] =	sst s11  }
0x3a: {  	s18 =	simm.s32 $0x1;
	s21 =	simm.s32 $0x2;
	[smem:$0x7F3] =	sst s17  }
0x3b: {  	s22 =	simm.s32 $0x480;
	s23 =	simm.s32 $0x3000;
	[smem:$0x7F5] =	sst s19  }
0x3c: {  	s24 =	simm.s32 $0x4;
	s25 =	simm.s32 $0x3;
	[smem:$0x7F6] =	sst s20  }
0x3d: {  	s14 =	simm.s32 $0x500;
	s15 =	simm.s32 $0x5;
	[smem:$0x7FC] =	sst s26  }
0x3e: {  	s7 =	sadd.s32 $0xA000, s12;
	[smem:$0x7FD] =	sst s31;
	s10 =	simm.s32 $0x200  }
0x3f: {  	s11 =	simm.s32 $0x80;
	s17 =	simm.s32 $0x7;
	s19 =	simm.s32 $0x50  }
0x40: {  	v0 =	vimm.f32 $0.0e+00;
	s20 =	simm.s32 $0x800;
	s26 =	simm.s32 $0x5800;
	[smem:$0x7EA] =	sst s7  }
.LBB2_1:
0x41: {  	s1 =	rddreg [dreg:$0x5]  }
0x42: {  	[tilespmem:s4], [sflag:$0x1] =	stream.linear.gather [hbm4b:s1+s4], $0x80, $0x38;
	[tilespmem:$0x1C800] =	vst v63  }
0x43: {  	s9 =	rddreg [dreg:$0x6]  }
0x44: {  	[tilespmem:s10], [sflag:$0x1] =	stream.linear.gather [hbm4b:s9+s4], $0x80, $0x38;
	[tilespmem:$0x1C800] =	vst v63  }
0x45: {  	s2 =	rddreg [dreg:$0x7]  }
0x46: {  	[tilespmem:s11], [sflag:$0x2] =	stream.linear.gather [hbm4b:s2+s4], $0x80, $0x38;
	[tilespmem:$0x1C800] =	vst v63  }
0x47: {  	s7 =	rddreg [dreg:$0x8]  }
0x48: {  	[tilespmem:s13], [sflag:$0x2] =	stream.linear.gather [hbm4b:s7+s4], $0x80, $0x38;
	[tilespmem:$0x1C800] =	vst v63  }
0x49: {  	s8 =	rddreg [dreg:$0x9];
	s2 =	simm.s32 $0x100  }
0x4a: {  	[tilespmem:s2], [sflag:$0x3] =	stream.linear.gather [hbm4b:s8+s4], $0x80, $0x38;
	[tilespmem:$0x1C800] =	vst v63  }
0x4b: {  	s9 =	rddreg [dreg:$0xa];
	s7 =	simm.s32 $0x300  }
0x4c: {  	[tilespmem:s7], [sflag:$0x3] =	stream.linear.gather [hbm4b:s9+s4], $0x80, $0x38;
	[tilespmem:$0x1C800] =	vst v63  }
0x4d: {  	[tilespmem:$0x8000] =	vst v0  }
0x4e: {  	[tilespmem:$0x8010] =	vst v0  }
0x4f: {  	[tilespmem:$0x8020] =	vst v0  }
0x50: {  	[tilespmem:$0x8030] =	vst v0  }
0x51: {  	[tilespmem:$0x8040] =	vst v0  }
0x52: {  	[tilespmem:$0x8050] =	vst v0  }
0x53: {  	[tilespmem:$0x8060] =	vst v0  }
0x54: {  	[tilespmem:$0x8070] =	vst v0  }
0x55: {  	[tilespmem:$0x8080] =	vst v0  }
0x56: {  	[tilespmem:$0x8090] =	vst v0  }
0x57: {  	[tilespmem:$0x80A0] =	vst v0  }
0x58: {  	[tilespmem:$0x80B0] =	vst v0  }
0x59: {  	[tilespmem:$0x80C0] =	vst v0  }
0x5a: {  	[tilespmem:$0x80D0] =	vst v0  }
0x5b: {  	[tilespmem:$0x80E0] =	vst v0  }
0x5c: {  	[tilespmem:$0x80F0] =	vst v0  }
0x5d: {  	[tilespmem:$0x8100] =	vst v0  }
0x5e: {  	[tilespmem:$0x8110] =	vst v0  }
0x5f: {  	[tilespmem:$0x8120] =	vst v0  }
0x60: {  	[tilespmem:$0x8130] =	vst v0  }
0x61: {  	[tilespmem:$0x8140] =	vst v0  }
0x62: {  	[tilespmem:$0x8150] =	vst v0  }
0x63: {  	[tilespmem:$0x8160] =	vst v0  }
0x64: {  	[tilespmem:$0x8170] =	vst v0  }
0x65: {  	[tilespmem:$0x8180] =	vst v0  }
0x66: {  	[tilespmem:$0x8190] =	vst v0  }
0x67: {  	[tilespmem:$0x81A0] =	vst v0  }
0x68: {  	[tilespmem:$0x81B0] =	vst v0  }
0x69: {  	[tilespmem:$0x81C0] =	vst v0  }
0x6a: {  	[tilespmem:$0x81D0] =	vst v0  }
0x6b: {  	[tilespmem:$0x81E0] =	vst v0  }
0x6c: {  	[tilespmem:$0x81F0] =	vst v0  }
0x6d: {  	[tilespmem:$0x8200] =	vst v0  }
0x6e: {  	[tilespmem:$0x8210] =	vst v0  }
0x6f: {  	[tilespmem:$0x8220] =	vst v0  }
0x70: {  	[tilespmem:$0x8230] =	vst v0  }
0x71: {  	[tilespmem:$0x8240] =	vst v0  }
0x72: {  	[tilespmem:$0x8250] =	vst v0  }
0x73: {  	[tilespmem:$0x8260] =	vst v0  }
0x74: {  	[tilespmem:$0x8270] =	vst v0  }
0x75: {  	[tilespmem:$0x8280] =	vst v0  }
0x76: {  	[tilespmem:$0x8290] =	vst v0  }
0x77: {  	[tilespmem:$0x82A0] =	vst v0  }
0x78: {  	[tilespmem:$0x82B0] =	vst v0  }
0x79: {  	[tilespmem:$0x82C0] =	vst v0  }
0x7a: {  	[tilespmem:$0x82D0] =	vst v0  }
0x7b: {  	[tilespmem:$0x82E0] =	vst v0  }
0x7c: {  	[tilespmem:$0x82F0] =	vst v0  }
0x7d: {  	[tilespmem:$0x8300] =	vst v0  }
0x7e: {  	[tilespmem:$0x8310] =	vst v0  }
0x7f: {  	[tilespmem:$0x8320] =	vst v0  }
0x80: {  	[tilespmem:$0x8330] =	vst v0  }
0x81: {  	[tilespmem:$0x8340] =	vst v0  }
0x82: {  	[tilespmem:$0x8350] =	vst v0  }
0x83: {  	[tilespmem:$0x8360] =	vst v0  }
0x84: {  	[tilespmem:$0x8370] =	vst v0  }
0x85: {  	[tilespmem:$0x8380] =	vst v0  }
0x86: {  	[tilespmem:$0x8390] =	vst v0  }
0x87: {  	[tilespmem:$0x83A0] =	vst v0  }
0x88: {  	[tilespmem:$0x83B0] =	vst v0  }
0x89: {  	[tilespmem:$0x83C0] =	vst v0  }
0x8a: {  	[tilespmem:$0x83D0] =	vst v0  }
0x8b: {  	[tilespmem:$0x83E0] =	vst v0  }
0x8c: {  	[tilespmem:$0x83F0] =	vst v0  }
0x8d: {  	[tilespmem:$0x8400] =	vst v0  }
0x8e: {  	[tilespmem:$0x8410] =	vst v0  }
0x8f: {  	[tilespmem:$0x8420] =	vst v0  }
0x90: {  	[tilespmem:$0x8430] =	vst v0  }
0x91: {  	[tilespmem:$0x8440] =	vst v0  }
0x92: {  	[tilespmem:$0x8450] =	vst v0  }
0x93: {  	[tilespmem:$0x8460] =	vst v0  }
0x94: {  	[tilespmem:$0x8470] =	vst v0  }
0x95: {  	[tilespmem:$0x8480] =	vst v0  }
0x96: {  	[tilespmem:$0x8490] =	vst v0  }
0x97: {  	[tilespmem:$0x84A0] =	vst v0  }
0x98: {  	[tilespmem:$0x84B0] =	vst v0  }
0x99: {  	[tilespmem:$0x84C0] =	vst v0  }
0x9a: {  	[tilespmem:$0x84D0] =	vst v0  }
0x9b: {  	[tilespmem:$0x84E0] =	vst v0  }
0x9c: {  	[tilespmem:$0x84F0] =	vst v0  }
0x9d: {  	[tilespmem:$0x8500] =	vst v0  }
0x9e: {  	[tilespmem:$0x8510] =	vst v0  }
0x9f: {  	[tilespmem:$0x8520] =	vst v0  }
0xa0: {  	[tilespmem:$0x8530] =	vst v0  }
0xa1: {  	[tilespmem:$0x8540] =	vst v0  }
0xa2: {  	[tilespmem:$0x8550] =	vst v0  }
0xa3: {  	[tilespmem:$0x8560] =	vst v0  }
0xa4: {  	[tilespmem:$0x8570] =	vst v0  }
0xa5: {  	[tilespmem:$0x8580] =	vst v0  }
0xa6: {  	[tilespmem:$0x8590] =	vst v0  }
0xa7: {  	[tilespmem:$0x85A0] =	vst v0  }
0xa8: {  	[tilespmem:$0x85B0] =	vst v0  }
0xa9: {  	[tilespmem:$0x85C0] =	vst v0  }
0xaa: {  	[tilespmem:$0x85D0] =	vst v0  }
0xab: {  	[tilespmem:$0x85E0] =	vst v0  }
0xac: {  	[tilespmem:$0x85F0] =	vst v0  }
0xad: {  	[tilespmem:$0x8600] =	vst v0  }
0xae: {  	[tilespmem:$0x8610] =	vst v0  }
0xaf: {  	[tilespmem:$0x8620] =	vst v0  }
0xb0: {  	[tilespmem:$0x8630] =	vst v0  }
0xb1: {  	[tilespmem:$0x8640] =	vst v0  }
0xb2: {  	[tilespmem:$0x8650] =	vst v0  }
0xb3: {  	[tilespmem:$0x8660] =	vst v0  }
0xb4: {  	[tilespmem:$0x8670] =	vst v0  }
0xb5: {  	[tilespmem:$0x8680] =	vst v0  }
0xb6: {  	[tilespmem:$0x8690] =	vst v0  }
0xb7: {  	[tilespmem:$0x86A0] =	vst v0  }
0xb8: {  	[tilespmem:$0x86B0] =	vst v0  }
0xb9: {  	[tilespmem:$0x86C0] =	vst v0  }
0xba: {  	[tilespmem:$0x86D0] =	vst v0  }
0xbb: {  	[tilespmem:$0x86E0] =	vst v0  }
0xbc: {  	[tilespmem:$0x86F0] =	vst v0  }
0xbd: {  	[tilespmem:$0x8700] =	vst v0  }
0xbe: {  	[tilespmem:$0x8710] =	vst v0  }
0xbf: {  	[tilespmem:$0x8720] =	vst v0  }
0xc0: {  	[tilespmem:$0x8730] =	vst v0  }
0xc1: {  	[tilespmem:$0x8740] =	vst v0  }
0xc2: {  	[tilespmem:$0x8750] =	vst v0  }
0xc3: {  	[tilespmem:$0x8760] =	vst v0  }
0xc4: {  	[tilespmem:$0x8770] =	vst v0  }
0xc5: {  	[tilespmem:$0x8780] =	vst v0  }
0xc6: {  	[tilespmem:$0x8790] =	vst v0  }
0xc7: {  	[tilespmem:$0x87A0] =	vst v0  }
0xc8: {  	[tilespmem:$0x87B0] =	vst v0  }
0xc9: {  	[tilespmem:$0x87C0] =	vst v0  }
0xca: {  	[tilespmem:$0x87D0] =	vst v0  }
0xcb: {  	[tilespmem:$0x87E0] =	vst v0  }
0xcc: {  	[tilespmem:$0x87F0] =	vst v0  }
0xcd: {  	[spmem:s12] =	stream.linear.scatter [tilespmem:s16], [sflag:$0x7], $0x800, $0x38;
	[tilespmem:$0x1C800] =	vst v63  }
0xce: {  	_ =	swait.ge [sflag:s17], $0x800  }
0xcf: {  	[sflag:s17] =	ssyncset.done $0x0  }
0xd0: {  	s8 =	rddreg [dreg:$0xb];
	[sflag:s17] =	ssyncadd.s32 $0xFFFFF800  }
0xd1: {  	[spmem:s8] =	stream.linear.scatter [tilespmem:s16], [sflag:$0x7], $0x800, $0x38;
	[tilespmem:$0x1C800] =	vst v63  }
0xd2: {  	_ =	swait.ge [sflag:s17], $0x800  }
0xd3: {  	[sflag:s17] =	ssyncset.done $0x0  }
0xd4: {  	s9 =	rddreg [dreg:$0xc];
	[sflag:s17] =	ssyncadd.s32 $0xFFFFF800  }
0xd5: {  	[spmem:s9] =	stream.linear.scatter [tilespmem:s16], [sflag:$0x7], $0x800, $0x38;
	[tilespmem:$0x1C800] =	vst v63  }
0xd6: {  	_ =	swait.ge [sflag:s17], $0x800  }
0xd7: {  	[sflag:s17] =	ssyncset.done $0x0  }
0xd8: {  	s8 =	rddreg [dreg:$0xd];
	[sflag:s17] =	ssyncadd.s32 $0xFFFFF800  }
0xd9: {  	[spmem:s8] =	stream.linear.scatter [tilespmem:s16], [sflag:$0x7], $0x800, $0x38;
	[tilespmem:$0x1C800] =	vst v63  }
0xda: {  	_ =	swait.ge [sflag:s17], $0x800  }
0xdb: {  	[sflag:s17] =	ssyncset.done $0x0  }
0xdc: {  	s9 =	rddreg [dreg:$0xe];
	[sflag:s17] =	ssyncadd.s32 $0xFFFFF800  }
0xdd: {  	[spmem:s9] =	stream.linear.scatter [tilespmem:s16], [sflag:$0x7], $0x800, $0x38;
	[tilespmem:$0x1C800] =	vst v63  }
0xde: {  	_ =	swait.ge [sflag:s17], $0x800  }
0xdf: {  	[sflag:s17] =	ssyncset.done $0x0  }
0xe0: {  	s8 =	rddreg [dreg:$0x17];
	[sflag:s17] =	ssyncadd.s32 $0xFFFFF800  }
0xe1: {  	[spmem:s8] =	stream.linear.scatter [tilespmem:s16], [sflag:$0x7], $0x800, $0x38;
	[tilespmem:$0x1C800] =	vst v63  }
0xe2: {  	_ =	swait.ge [sflag:s17], $0x800  }
0xe3: {  	[sflag:s17] =	ssyncset.done $0x0  }
0xe4: {  	s9 =	rddreg [dreg:$0x18];
	[sflag:s17] =	ssyncadd.s32 $0xFFFFF800  }
0xe5: {  	[spmem:s9] =	stream.linear.scatter [tilespmem:s16], [sflag:$0x7], $0x800, $0x38;
	[tilespmem:$0x1C800] =	vst v63  }
0xe6: {  	_ =	swait.ge [sflag:s17], $0x800  }
0xe7: {  	[sflag:s17] =	ssyncset.done $0x0  }
0xe8: {  	s8 =	rddreg [dreg:$0x19];
	[sflag:s17] =	ssyncadd.s32 $0xFFFFF800  }
0xe9: {  	[spmem:s8] =	stream.linear.scatter [tilespmem:s16], [sflag:$0x7], $0x800, $0x38;
	[tilespmem:$0x1C800] =	vst v63  }
0xea: {  	_ =	swait.ge [sflag:s17], $0x800  }
0xeb: {  	[sflag:s17] =	ssyncset.done $0x0  }
0xec: {  	s9 =	rddreg [dreg:$0x1a];
	[sflag:s17] =	ssyncadd.s32 $0xFFFFF800  }
0xed: {  	[spmem:s9] =	stream.linear.scatter [tilespmem:s16], [sflag:$0x7], $0x800, $0x38;
	[tilespmem:$0x1C800] =	vst v63  }
0xee: {  	_ =	swait.ge [sflag:s17], $0x800  }
0xef: {  	[sflag:s17] =	ssyncset.done $0x0  }
0xf0: {  	s8 =	rddreg [dreg:$0x1b];
	[sflag:s17] =	ssyncadd.s32 $0xFFFFF800  }
0xf1: {  	[spmem:s8] =	stream.linear.scatter [tilespmem:s16], [sflag:$0x7], $0x800, $0x38;
	[tilespmem:$0x1C800] =	vst v63  }
0xf2: {  	_ =	swait.ge [sflag:s17], $0x800  }
0xf3: {  	[sflag:s17] =	ssyncset.done $0x0  }
0xf4: {  	s9 =	rddreg [dreg:$0x1c];
	[sflag:s17] =	ssyncadd.s32 $0xFFFFF800  }
0xf5: {  	[spmem:s9] =	stream.linear.scatter [tilespmem:s16], [sflag:$0x7], $0x800, $0x38;
	[tilespmem:$0x1C800] =	vst v63  }
0xf6: {  	_ =	swait.ge [sflag:s17], $0x800  }
0xf7: {  	[sflag:s17] =	ssyncset.done $0x0  }
0xf8: {  	s8 =	rddreg [dreg:$0x1d];
	[sflag:s17] =	ssyncadd.s32 $0xFFFFF800  }
0xf9: {  	[spmem:s8] =	stream.linear.scatter [tilespmem:s16], [sflag:$0x7], $0x800, $0x38;
	[tilespmem:$0x1C800] =	vst v63  }
0xfa: {  	_ =	swait.ge [sflag:s17], $0x800  }
0xfb: {  	[sflag:s17] =	ssyncset.done $0x0  }
0xfc: {  	s9 =	rddreg [dreg:$0x1e];
	[sflag:s17] =	ssyncadd.s32 $0xFFFFF800  }
0xfd: {  	[spmem:s9] =	stream.linear.scatter [tilespmem:s16], [sflag:$0x7], $0x800, $0x38;
	[tilespmem:$0x1C800] =	vst v63  }
0xfe: {  	_ =	swait.ge [sflag:s17], $0x800  }
0xff: {  	[sflag:s17] =	ssyncset.done $0x0  }
0x100: {  	s8 =	rddreg [dreg:$0x1f];
	[sflag:s17] =	ssyncadd.s32 $0xFFFFF800  }
0x101: {  	[spmem:s8] =	stream.linear.scatter [tilespmem:s16], [sflag:$0x7], $0x800, $0x38;
	[tilespmem:$0x1C800] =	vst v63  }
0x102: {  	_ =	swait.ge [sflag:s17], $0x800  }
0x103: {  	s9 =	sld [smem:$0x7E4]  }
0x104: {  	[sflag:s17] =	ssyncset.done $0x0  }
0x105: {  	[sflag:s17] =	ssyncadd.s32 $0xFFFFF800  }
0x106: {  	[spmem:s9] =	stream.linear.scatter [tilespmem:s16], [sflag:$0x7], $0x800, $0x38;
	[tilespmem:$0x1C800] =	vst v63  }
0x107: {  	_ =	swait.ge [sflag:s17], $0x800  }
0x108: {  	s8 =	sld [smem:$0x7E5]  }
0x109: {  	[sflag:s17] =	ssyncset.done $0x0  }
0x10a: {  	[sflag:s17] =	ssyncadd.s32 $0xFFFFF800  }
0x10b: {  	[spmem:s8] =	stream.linear.scatter [tilespmem:s16], [sflag:$0x7], $0x800, $0x38;
	[tilespmem:$0x1C800] =	vst v63  }
0x10c: {  	_ =	swait.ge [sflag:s17], $0x800  }
0x10d: {  	s9 =	sld [smem:$0x7E6]  }
0x10e: {  	[sflag:s17] =	ssyncset.done $0x0  }
0x10f: {  	[sflag:s17] =	ssyncadd.s32 $0xFFFFF800  }
0x110: {  	[spmem:s9] =	stream.linear.scatter [tilespmem:s16], [sflag:$0x7], $0x800, $0x38;
	[tilespmem:$0x1C800] =	vst v63  }
0x111: {  	_ =	swait.ge [sflag:s17], $0x800  }
0x112: {  	s8 =	sld [smem:$0x7E7]  }
0x113: {  	[sflag:s17] =	ssyncset.done $0x0  }
0x114: {  	[sflag:s17] =	ssyncadd.s32 $0xFFFFF800  }
0x115: {  	[spmem:s8] =	stream.linear.scatter [tilespmem:s16], [sflag:$0x7], $0x800, $0x38;
	[tilespmem:$0x1C800] =	vst v63  }
0x116: {  	_ =	swait.ge [sflag:s17], $0x800  }
0x117: {  	s9 =	sld [smem:$0x7E8]  }
0x118: {  	[sflag:s17] =	ssyncset.done $0x0  }
0x119: {  	[sflag:s17] =	ssyncadd.s32 $0xFFFFF800  }
0x11a: {  	[spmem:s9] =	stream.linear.scatter [tilespmem:s16], [sflag:$0x7], $0x800, $0x38;
	[tilespmem:$0x1C800] =	vst v63  }
0x11b: {  	_ =	swait.ge [sflag:s17], $0x800  }
0x11c: {  	s8 =	sld [smem:$0x7E9]  }
0x11d: {  	[sflag:s17] =	ssyncset.done $0x0  }
0x11e: {  	[sflag:s17] =	ssyncadd.s32 $0xFFFFF800  }
0x11f: {  	[spmem:s8] =	stream.linear.scatter [tilespmem:s16], [sflag:$0x7], $0x800, $0x38;
	[tilespmem:$0x1C800] =	vst v63  }
0x120: {  	_ =	swait.ge [sflag:s17], $0x800  }
0x121: {  	s9 =	sld [smem:$0x7EA]  }
0x122: {  	[sflag:s17] =	ssyncset.done $0x0  }
0x123: {  	[sflag:s17] =	ssyncadd.s32 $0xFFFFF800  }
0x124: {  	[spmem:s9] =	stream.linear.scatter [tilespmem:s16], [sflag:$0x7], $0x800, $0x38;
	[tilespmem:$0x1C800] =	vst v63  }
0x125: {  	_ =	swait.ge [sflag:s17], $0x800  }
0x126: {  	s8 =	sld [smem:$0x7EB]  }
0x127: {  	[sflag:s17] =	ssyncset.done $0x0  }
0x128: {  	[sflag:s17] =	ssyncadd.s32 $0xFFFFF800  }
0x129: {  	[spmem:s8] =	stream.linear.scatter [tilespmem:s16], [sflag:$0x7], $0x800, $0x38;
	[tilespmem:$0x1C800] =	vst v63  }
0x12a: {  	_ =	swait.ge [sflag:s17], $0x800  }
0x12b: {  	s9 =	sld [smem:$0x7EC]  }
0x12c: {  	[sflag:s17] =	ssyncset.done $0x0  }
0x12d: {  	[sflag:s17] =	ssyncadd.s32 $0xFFFFF800  }
0x12e: {  	[spmem:s9] =	stream.linear.scatter [tilespmem:s16], [sflag:$0x7], $0x800, $0x38;
	[tilespmem:$0x1C800] =	vst v63  }
0x12f: {  	_ =	swait.ge [sflag:s17], $0x800  }
0x130: {  	s8 =	sld [smem:$0x7ED]  }
0x131: {  	[sflag:s17] =	ssyncset.done $0x0  }
0x132: {  	[sflag:s17] =	ssyncadd.s32 $0xFFFFF800  }
0x133: {  	[spmem:s8] =	stream.linear.scatter [tilespmem:s16], [sflag:$0x7], $0x800, $0x38;
	[tilespmem:$0x1C800] =	vst v63  }
0x134: {  	_ =	swait.ge [sflag:s17], $0x800  }
0x135: {  	s9 =	sld [smem:$0x7EE]  }
0x136: {  	[sflag:s17] =	ssyncset.done $0x0  }
0x137: {  	[sflag:s17] =	ssyncadd.s32 $0xFFFFF800  }
0x138: {  	[spmem:s9] =	stream.linear.scatter [tilespmem:s16], [sflag:$0x7], $0x800, $0x38;
	[tilespmem:$0x1C800] =	vst v63  }
0x139: {  	_ =	swait.ge [sflag:s17], $0x800  }
0x13a: {  	s8 =	sld [smem:$0x7EF]  }
0x13b: {  	[sflag:s17] =	ssyncset.done $0x0  }
0x13c: {  	[sflag:s17] =	ssyncadd.s32 $0xFFFFF800  }
0x13d: {  	[spmem:s8] =	stream.linear.scatter [tilespmem:s16], [sflag:$0x7], $0x800, $0x38;
	[tilespmem:$0x1C800] =	vst v63  }
0x13e: {  	_ =	swait.ge [sflag:s17], $0x800  }
0x13f: {  	s9 =	sld [smem:$0x7F0]  }
0x140: {  	[sflag:s17] =	ssyncset.done $0x0  }
0x141: {  	[sflag:s17] =	ssyncadd.s32 $0xFFFFF800  }
0x142: {  	[spmem:s9] =	stream.linear.scatter [tilespmem:s16], [sflag:$0x7], $0x800, $0x38;
	[tilespmem:$0x1C800] =	vst v63  }
0x143: {  	_ =	swait.ge [sflag:s17], $0x800  }
0x144: {  	s8 =	sld [smem:$0x7F1]  }
0x145: {  	[sflag:s17] =	ssyncset.done $0x0  }
0x146: {  	[sflag:s17] =	ssyncadd.s32 $0xFFFFF800  }
0x147: {  	[spmem:s8] =	stream.linear.scatter [tilespmem:s16], [sflag:$0x7], $0x800, $0x38;
	[tilespmem:$0x1C800] =	vst v63  }
0x148: {  	_ =	swait.ge [sflag:s17], $0x800  }
0x149: {  	s9 =	sld [smem:$0x7F2]  }
0x14a: {  	[sflag:s17] =	ssyncset.done $0x0  }
0x14b: {  	[sflag:s17] =	ssyncadd.s32 $0xFFFFF800  }
0x14c: {  	[spmem:s9] =	stream.linear.scatter [tilespmem:s16], [sflag:$0x7], $0x800, $0x38;
	[tilespmem:$0x1C800] =	vst v63  }
0x14d: {  	_ =	swait.ge [sflag:s17], $0x800  }
0x14e: {  	s8 =	sld [smem:$0x7F3]  }
0x14f: {  	[sflag:s17] =	ssyncset.done $0x0  }
0x150: {  	[sflag:s17] =	ssyncadd.s32 $0xFFFFF800  }
0x151: {  	[spmem:s8] =	stream.linear.scatter [tilespmem:s16], [sflag:$0x7], $0x800, $0x38;
	[tilespmem:$0x1C800] =	vst v63  }
0x152: {  	_ =	swait.ge [sflag:s17], $0x800  }
0x153: {  	s9 =	sld [smem:$0x7F4]  }
0x154: {  	[sflag:s17] =	ssyncset.done $0x0  }
0x155: {  	[sflag:s17] =	ssyncadd.s32 $0xFFFFF800  }
0x156: {  	[spmem:s9] =	stream.linear.scatter [tilespmem:s16], [sflag:$0x7], $0x800, $0x38;
	[tilespmem:$0x1C800] =	vst v63  }
0x157: {  	_ =	swait.ge [sflag:s17], $0x800  }
0x158: {  	s8 =	sld [smem:$0x7F5]  }
0x159: {  	[sflag:s17] =	ssyncset.done $0x0  }
0x15a: {  	[sflag:s17] =	ssyncadd.s32 $0xFFFFF800  }
0x15b: {  	[spmem:s8] =	stream.linear.scatter [tilespmem:s16], [sflag:$0x7], $0x800, $0x38;
	[tilespmem:$0x1C800] =	vst v63  }
0x15c: {  	_ =	swait.ge [sflag:s17], $0x800  }
0x15d: {  	s9 =	sld [smem:$0x7F6]  }
0x15e: {  	[sflag:s17] =	ssyncset.done $0x0  }
0x15f: {  	[sflag:s17] =	ssyncadd.s32 $0xFFFFF800  }
0x160: {  	[spmem:s9] =	stream.linear.scatter [tilespmem:s16], [sflag:$0x7], $0x800, $0x38;
	[tilespmem:$0x1C800] =	vst v63  }
0x161: {  	_ =	swait.ge [sflag:s17], $0x800  }
0x162: {  	s8 =	sld [smem:$0x7F7]  }
0x163: {  	[sflag:s17] =	ssyncset.done $0x0  }
0x164: {  	[sflag:s17] =	ssyncadd.s32 $0xFFFFF800  }
0x165: {  	[spmem:s8] =	stream.linear.scatter [tilespmem:s16], [sflag:$0x7], $0x800, $0x38;
	[tilespmem:$0x1C800] =	vst v63  }
0x166: {  	_ =	swait.ge [sflag:s17], $0x800  }
0x167: {  	s9 =	sld [smem:$0x7F8]  }
0x168: {  	[sflag:s17] =	ssyncset.done $0x0  }
0x169: {  	[sflag:s17] =	ssyncadd.s32 $0xFFFFF800  }
0x16a: {  	[spmem:s9] =	stream.linear.scatter [tilespmem:s16], [sflag:$0x7], $0x800, $0x38;
	[tilespmem:$0x1C800] =	vst v63  }
0x16b: {  	_ =	swait.ge [sflag:s17], $0x800  }
0x16c: {  	s8 =	sld [smem:$0x7F9]  }
0x16d: {  	[sflag:s17] =	ssyncset.done $0x0  }
0x16e: {  	[sflag:s17] =	ssyncadd.s32 $0xFFFFF800  }
0x16f: {  	[spmem:s8] =	stream.linear.scatter [tilespmem:s16], [sflag:$0x7], $0x800, $0x38;
	[tilespmem:$0x1C800] =	vst v63  }
0x170: {  	_ =	swait.ge [sflag:s17], $0x800  }
0x171: {  	s9 =	sld [smem:$0x7FA]  }
0x172: {  	[sflag:s17] =	ssyncset.done $0x0  }
0x173: {  	[sflag:s17] =	ssyncadd.s32 $0xFFFFF800  }
0x174: {  	[spmem:s9] =	stream.linear.scatter [tilespmem:s16], [sflag:$0x7], $0x800, $0x38;
	[tilespmem:$0x1C800] =	vst v63  }
0x175: {  	_ =	swait.ge [sflag:s17], $0x800  }
0x176: {  	s8 =	sld [smem:$0x7FB]  }
0x177: {  	[sflag:s17] =	ssyncset.done $0x0  }
0x178: {  	[sflag:s17] =	ssyncadd.s32 $0xFFFFF800  }
0x179: {  	[spmem:s8] =	stream.linear.scatter [tilespmem:s16], [sflag:$0x7], $0x800, $0x38;
	[tilespmem:$0x1C800] =	vst v63  }
0x17a: {  	_ =	swait.ge [sflag:s17], $0x800  }
0x17b: {  	s9 =	sld [smem:$0x7FC]  }
0x17c: {  	[sflag:s17] =	ssyncset.done $0x0  }
0x17d: {  	[sflag:s17] =	ssyncadd.s32 $0xFFFFF800  }
0x17e: {  	[spmem:s9] =	stream.linear.scatter [tilespmem:s16], [sflag:$0x7], $0x800, $0x38;
	[tilespmem:$0x1C800] =	vst v63  }
0x17f: {  	_ =	swait.ge [sflag:s17], $0x800  }
0x180: {  	s8 =	sld [smem:$0x7FD]  }
0x181: {  	[sflag:s17] =	ssyncset.done $0x0  }
0x182: {  	[sflag:s17] =	ssyncadd.s32 $0xFFFFF800  }
0x183: {  	[spmem:s8] =	stream.linear.scatter [tilespmem:s16], [sflag:$0x7], $0x800, $0x38;
	[tilespmem:$0x1C800] =	vst v63  }
0x184: {  	_ =	swait.ge [sflag:s17], $0x800  }
0x185: {  	[sflag:s17] =	ssyncset.done $0x0  }
0x186: {  	[sflag:s17] =	ssyncadd.s32 $0xFFFFF800  }
0x187: {  	[bflag:$0x0] =	sbarrier.arrive $0xFFFF  }
0x188: {  	_ =	swait.ge [sflag:s18], $0x80  }
0x189: {  	[sflag:s18] =	ssyncset.done $0x0  }
0x18a: {  	[sflag:s18] =	ssyncadd.s32 $0xFFFFFF80  }
0x18b: {  	_ =	swait.ge [sflag:s18], $0x80  }
0x18c: {  	[sflag:s18] =	ssyncset.done $0x0  }
0x18d: {  	[sflag:s18] =	ssyncadd.s32 $0xFFFFFF80  }
0x18e: {  	v1 =	vld [tilespmem:$0x0];
	_ =	sdelay $0x1  }
0x18f: {  	v2 =	vld [tilespmem:$0x10];
	_ =	sdelay $0x1  }
0x190: {  	v3 =	vld [tilespmem:$0x20]  }
0x191: {  	v4 =	vand.u32 $0x3FFF, v1  }
0x192: {  	v1 =	vshrl.u32 v1, $0xE;
	[tilespmem:$0x400] =	vst v4;
	v4 =	vld [tilespmem:$0x30]  }
0x193: {  	[tilespmem:$0x600] =	vst v1;
	v1 =	vand.u32 $0x3FFF, v2  }
0x194: {  	[tilespmem:$0x410] =	vst v1;
	v1 =	vshrl.u32 v2, $0xE;
	v2 =	vld [tilespmem:$0x40]  }
0x195: {  	[tilespmem:$0x610] =	vst v1;
	v1 =	vand.u32 $0x3FFF, v3  }
0x196: {  	[tilespmem:$0x420] =	vst v1;
	v1 =	vshrl.u32 v3, $0xE  }
0x197: {  	[tilespmem:$0x620] =	vst v1;
	v1 =	vand.u32 $0x3FFF, v4  }
0x198: {  	[tilespmem:$0x430] =	vst v1;
	v1 =	vshrl.u32 v4, $0xE  }
0x199: {  	[tilespmem:$0x630] =	vst v1;
	v1 =	vand.u32 $0x3FFF, v2  }
0x19a: {  	[tilespmem:$0x440] =	vst v1;
	v1 =	vshrl.u32 v2, $0xE  }
0x19b: {  	[tilespmem:$0x640] =	vst v1  }
0x19c: {  	[tilespmem:s20], [sflag:$0x4] =	stream.indirect.gather [hbm4b:s3+s19], $0x80, s29, s19, $0xb8;
	[tilespmem:$0x1C800] =	vst v63  }
0x19d: {  	_ =	swait.ge [sflag:s21], $0x80  }
0x19e: {  	[sflag:s21] =	ssyncset.done $0x0  }
0x19f: {  	[sflag:s21] =	ssyncadd.s32 $0xFFFFFF80  }
0x1a0: {  	_ =	swait.ge [sflag:s21], $0x80  }
0x1a1: {  	[sflag:s21] =	ssyncset.done $0x0  }
0x1a2: {  	[sflag:s21] =	ssyncadd.s32 $0xFFFFFF80  }
0x1a3: {  	v1 =	vld [tilespmem:$0x80];
	_ =	sdelay $0x1  }
0x1a4: {  	v2 =	vld [tilespmem:$0x90];
	_ =	sdelay $0x1  }
0x1a5: {  	v3 =	vld [tilespmem:$0xA0]  }
0x1a6: {  	v4 =	vand.u32 $0x3FFF, v1  }
0x1a7: {  	v1 =	vshrl.u32 v1, $0xE;
	[tilespmem:$0x480] =	vst v4;
	v4 =	vld [tilespmem:$0xB0]  }
0x1a8: {  	[tilespmem:$0x680] =	vst v1;
	v1 =	vand.u32 $0x3FFF, v2  }
0x1a9: {  	[tilespmem:$0x490] =	vst v1;
	v1 =	vshrl.u32 v2, $0xE;
	v2 =	vld [tilespmem:$0xC0]  }
0x1aa: {  	[tilespmem:$0x690] =	vst v1;
	v1 =	vand.u32 $0x3FFF, v3  }
0x1ab: {  	[tilespmem:$0x4A0] =	vst v1;
	v1 =	vshrl.u32 v3, $0xE  }
0x1ac: {  	[tilespmem:$0x6A0] =	vst v1;
	v1 =	vand.u32 $0x3FFF, v4  }
0x1ad: {  	[tilespmem:$0x4B0] =	vst v1;
	v1 =	vshrl.u32 v4, $0xE  }
0x1ae: {  	[tilespmem:$0x6B0] =	vst v1;
	v1 =	vand.u32 $0x3FFF, v2  }
0x1af: {  	[tilespmem:$0x4C0] =	vst v1;
	v1 =	vshrl.u32 v2, $0xE  }
0x1b0: {  	[tilespmem:$0x6C0] =	vst v1  }
0x1b1: {  	[tilespmem:s23], [sflag:$0x5] =	stream.indirect.gather [hbm4b:s3+s19], $0x80, s22, s19, $0xb8;
	[tilespmem:$0x1C800] =	vst v63  }
0x1b2: {  	_ =	swait.ge [sflag:s24], $0x2800  }
0x1b3: {  	[sflag:s24] =	ssyncset.done $0x0  }
0x1b4: {  	s9 =	rddreg [dreg:$0xf];
	[sflag:s24] =	ssyncadd.s32 $0xFFFFD800  }
0x1b5: {  	[tilespmem:s4], [sflag:$0x1] =	stream.linear.gather [hbm4b:s9+s4], $0x80, $0x38;
	[tilespmem:$0x1C800] =	vst v63  }
0x1b6: {  	s8 =	rddreg [dreg:$0x10]  }
0x1b7: {  	[tilespmem:s10], [sflag:$0x1] =	stream.linear.gather [hbm4b:s8+s4], $0x80, $0x38;
	[tilespmem:$0x1C800] =	vst v63  }
0x1b8: {  	_ =	swait.ge [sflag:s25], $0x80  }
0x1b9: {  	[sflag:s25] =	ssyncset.done $0x0  }
0x1ba: {  	[sflag:s25] =	ssyncadd.s32 $0xFFFFFF80  }
0x1bb: {  	_ =	swait.ge [sflag:s25], $0x80  }
0x1bc: {  	[sflag:s25] =	ssyncset.done $0x0  }
0x1bd: {  	[sflag:s25] =	ssyncadd.s32 $0xFFFFFF80  }
0x1be: {  	v1 =	vld [tilespmem:$0x100];
	_ =	sdelay $0x1  }
0x1bf: {  	v2 =	vld [tilespmem:$0x110];
	_ =	sdelay $0x1  }
0x1c0: {  	v3 =	vld [tilespmem:$0x120]  }
0x1c1: {  	v4 =	vand.u32 $0x3FFF, v1  }
0x1c2: {  	v1 =	vshrl.u32 v1, $0xE;
	[tilespmem:$0x500] =	vst v4;
	v4 =	vld [tilespmem:$0x130]  }
0x1c3: {  	[tilespmem:$0x700] =	vst v1;
	v1 =	vand.u32 $0x3FFF, v2  }
0x1c4: {  	[tilespmem:$0x510] =	vst v1;
	v1 =	vshrl.u32 v2, $0xE;
	v2 =	vld [tilespmem:$0x140]  }
0x1c5: {  	[tilespmem:$0x710] =	vst v1;
	v1 =	vand.u32 $0x3FFF, v3  }
0x1c6: {  	[tilespmem:$0x520] =	vst v1;
	v1 =	vshrl.u32 v3, $0xE  }
0x1c7: {  	[tilespmem:$0x720] =	vst v1;
	v1 =	vand.u32 $0x3FFF, v4  }
0x1c8: {  	[tilespmem:$0x530] =	vst v1;
	v1 =	vshrl.u32 v4, $0xE  }
0x1c9: {  	[tilespmem:$0x730] =	vst v1;
	v1 =	vand.u32 $0x3FFF, v2  }
0x1ca: {  	[tilespmem:$0x540] =	vst v1;
	v1 =	vshrl.u32 v2, $0xE  }
0x1cb: {  	[tilespmem:$0x740] =	vst v1  }
0x1cc: {  	[tilespmem:s26], [sflag:$0x6] =	stream.indirect.gather [hbm4b:s3+s19], $0x80, s14, s19, $0xb8;
	[tilespmem:$0x1C800] =	vst v63  }
0x1cd: {  	_ =	swait.ge [sflag:s15], $0x2800  }
0x1ce: {  	[sflag:s15] =	ssyncset.done $0x0  }
0x1cf: {  	s9 =	rddreg [dreg:$0x11];
	[sflag:s15] =	ssyncadd.s32 $0xFFFFD800  }
0x1d0: {  	[tilespmem:s11], [sflag:$0x2] =	stream.linear.gather [hbm4b:s9+s4], $0x80, $0x38;
	[tilespmem:$0x1C800] =	vst v63  }
0x1d1: {  	s8 =	rddreg [dreg:$0x12]  }
0x1d2: {  	[tilespmem:s13], [sflag:$0x2] =	stream.linear.gather [hbm4b:s8+s4], $0x80, $0x38;
	[tilespmem:$0x1C800] =	vst v63  }
0x1d3: {  	_ =	swait.ge [sflag:s18], $0x80  }
0x1d4: {  	[sflag:s18] =	ssyncset.done $0x0  }
0x1d5: {  	[sflag:s18] =	ssyncadd.s32 $0xFFFFFF80  }
0x1d6: {  	_ =	swait.ge [sflag:s18], $0x80  }
0x1d7: {  	[sflag:s18] =	ssyncset.done $0x0  }
0x1d8: {  	[sflag:s18] =	ssyncadd.s32 $0xFFFFFF80  }
0x1d9: {  	v1 =	vld [tilespmem:$0x0];
	_ =	sdelay $0x1  }
0x1da: {  	v2 =	vld [tilespmem:$0x10];
	_ =	sdelay $0x1  }
0x1db: {  	v3 =	vld [tilespmem:$0x20]  }
0x1dc: {  	v4 =	vand.u32 $0x3FFF, v1  }
0x1dd: {  	v1 =	vshrl.u32 v1, $0xE;
	[tilespmem:$0x400] =	vst v4;
	v4 =	vld [tilespmem:$0x30]  }
0x1de: {  	[tilespmem:$0x600] =	vst v1;
	v1 =	vand.u32 $0x3FFF, v2  }
0x1df: {  	[tilespmem:$0x410] =	vst v1;
	v1 =	vshrl.u32 v2, $0xE;
	v2 =	vld [tilespmem:$0x40]  }
0x1e0: {  	[tilespmem:$0x610] =	vst v1;
	v1 =	vand.u32 $0x3FFF, v3  }
0x1e1: {  	[tilespmem:$0x420] =	vst v1;
	v1 =	vshrl.u32 v3, $0xE  }
0x1e2: {  	[tilespmem:$0x620] =	vst v1;
	v1 =	vand.u32 $0x3FFF, v4  }
0x1e3: {  	[tilespmem:$0x430] =	vst v1;
	v1 =	vshrl.u32 v4, $0xE  }
0x1e4: {  	[tilespmem:$0x630] =	vst v1;
	v1 =	vand.u32 $0x3FFF, v2  }
0x1e5: {  	[tilespmem:$0x440] =	vst v1;
	v1 =	vshrl.u32 v2, $0xE  }
0x1e6: {  	[tilespmem:$0x640] =	vst v1  }
0x1e7: {  	[tilespmem:s20], [sflag:$0x4] =	stream.indirect.gather [hbm4b:s3+s19], $0x80, s29, s19, $0xb8;
	[tilespmem:$0x1C800] =	vst v63  }
0x1e8: {  	_ =	swait.ge [sflag:s28], $0x2800  }
0x1e9: {  	[sflag:s28] =	ssyncset.done $0x0  }
0x1ea: {  	s9 =	rddreg [dreg:$0x13];
	[sflag:s28] =	ssyncadd.s32 $0xFFFFD800  }
0x1eb: {  	[tilespmem:s2], [sflag:$0x3] =	stream.linear.gather [hbm4b:s9+s4], $0x80, $0x38;
	[tilespmem:$0x1C800] =	vst v63  }
0x1ec: {  	s2 =	rddreg [dreg:$0x14]  }
0x1ed: {  	[tilespmem:s7], [sflag:$0x3] =	stream.linear.gather [hbm4b:s2+s4], $0x80, $0x38;
	[tilespmem:$0x1C800] =	vst v63  }
0x1ee: {  	_ =	swait.ge [sflag:s21], $0x80  }
0x1ef: {  	[sflag:s21] =	ssyncset.done $0x0  }
0x1f0: {  	[sflag:s21] =	ssyncadd.s32 $0xFFFFFF80  }
0x1f1: {  	_ =	swait.ge [sflag:s21], $0x80  }
0x1f2: {  	[sflag:s21] =	ssyncset.done $0x0  }
0x1f3: {  	[sflag:s21] =	ssyncadd.s32 $0xFFFFFF80  }
0x1f4: {  	v1 =	vld [tilespmem:$0x80];
	_ =	sdelay $0x1  }
0x1f5: {  	v2 =	vld [tilespmem:$0x90];
	_ =	sdelay $0x1  }
0x1f6: {  	v3 =	vld [tilespmem:$0xA0]  }
0x1f7: {  	v4 =	vand.u32 $0x3FFF, v1  }
0x1f8: {  	v1 =	vshrl.u32 v1, $0xE;
	[tilespmem:$0x480] =	vst v4;
	v4 =	vld [tilespmem:$0xB0]  }
0x1f9: {  	[tilespmem:$0x680] =	vst v1;
	v1 =	vand.u32 $0x3FFF, v2  }
0x1fa: {  	[tilespmem:$0x490] =	vst v1;
	v1 =	vshrl.u32 v2, $0xE;
	v2 =	vld [tilespmem:$0xC0]  }
0x1fb: {  	[tilespmem:$0x690] =	vst v1;
	v1 =	vand.u32 $0x3FFF, v3  }
0x1fc: {  	[tilespmem:$0x4A0] =	vst v1;
	v1 =	vshrl.u32 v3, $0xE  }
0x1fd: {  	[tilespmem:$0x6A0] =	vst v1;
	v1 =	vand.u32 $0x3FFF, v4  }
0x1fe: {  	[tilespmem:$0x4B0] =	vst v1;
	v1 =	vshrl.u32 v4, $0xE  }
0x1ff: {  	s8 =	simm.s32 $0x300;
	[tilespmem:$0x6B0] =	vst v1;
	v1 =	vand.u32 $0x3FFF, v2  }
0x200: {  	s31 =	sand.u32 $0xFC00, s8;
	[tilespmem:$0x4C0] =	vst v1;
	v1 =	vshrl.u32 v2, $0xE  }
0x201: {  	s31 =	sadd.s32 s6, s31;
	s2 =	sand.u32 $0x380, s8;
	[tilespmem:$0x6C0] =	vst v1  }
0x202: {  	[tilespmem:s23], [sflag:$0x5] =	stream.indirect.gather [hbm4b:s3+s19], $0x80, s22, s19, $0xb8;
	[tilespmem:$0x1C800] =	vst v63  }
0x203: {  	s2 =	sor.u32 s2, s31;
	_ =	swait.ge [sflag:s24], $0x2800  }
0x204: {  	s2 =	sshrl.u32 s2, $0x3;
	[sflag:s24] =	ssyncset.done $0x0  }
0x205: {  	s31 =	sadd.s32 s0, s2;
	[sflag:s24] =	ssyncadd.s32 $0xFFFFD800  }
0x206: {  	[tilespmem:s4], [sflag:$0x1] =	stream.linear.gather [hbm4b:s31+s4], $0x80, $0x38;
	[tilespmem:$0x1C800] =	vst v63  }
0x207: {  	s2 =	sadd.s32 s5, s2  }
0x208: {  	[tilespmem:s10], [sflag:$0x1] =	stream.linear.gather [hbm4b:s2+s4], $0x80, $0x38;
	[tilespmem:$0x1C800] =	vst v63  }
0x209: {  	_ =	swait.ge [sflag:s25], $0x80  }
0x20a: {  	[sflag:s25] =	ssyncset.done $0x0  }
0x20b: {  	[sflag:s25] =	ssyncadd.s32 $0xFFFFFF80  }
0x20c: {  	_ =	swait.ge [sflag:s25], $0x80  }
0x20d: {  	[sflag:s25] =	ssyncset.done $0x0  }
0x20e: {  	[sflag:s25] =	ssyncadd.s32 $0xFFFFFF80  }
0x20f: {  	v1 =	vld [tilespmem:$0x140]  }
0x210: {  	v2 =	vld [tilespmem:$0x110];
	_ =	sdelay $0x2  }
0x211: {  	v3 =	vld [tilespmem:$0x100]  }
0x212: {  	v4 =	vld [tilespmem:$0x120];
	v5 =	vand.u32 $0x3FFF, v1  }
0x213: {  	v7 =	vshrl.u32 v2, $0xE;
	[tilespmem:$0x540] =	vst v5  }
0x214: {  	v6 =	vld [tilespmem:$0x130];
	v2 =	vand.u32 $0x3FFF, v2;
	[tilespmem:$0x710] =	vst v7  }
0x215: {  	v1 =	vshrl.u32 v1, $0xE;
	[tilespmem:$0x510] =	vst v2  }
0x216: {  	v5 =	vshrl.u32 v3, $0xE;
	[tilespmem:$0x740] =	vst v1  }
0x217: {  	v2 =	vand.u32 $0x3FFF, v4;
	[tilespmem:$0x700] =	vst v5  }
0x218: {  	v3 =	vand.u32 $0x3FFF, v3;
	[tilespmem:$0x520] =	vst v2  }
0x219: {  	v2 =	vand.u32 $0x3FFF, v6;
	[tilespmem:$0x500] =	vst v3  }
0x21a: {  	s9 =	simm.s32 $0x380;
	v3 =	vshrl.u32 v4, $0xE;
	[tilespmem:$0x530] =	vst v2  }
0x21b: {  	s31 =	sand.u32 $0xFC00, s9;
	v2 =	vshrl.u32 v6, $0xE;
	[tilespmem:$0x720] =	vst v3  }
0x21c: {  	s31 =	sadd.s32 s6, s31;
	s2 =	sand.u32 $0x380, s9;
	[tilespmem:$0x730] =	vst v2  }
0x21d: {  	[tilespmem:s26], [sflag:$0x6] =	stream.indirect.gather [hbm4b:s3+s19], $0x80, s14, s19, $0xb8;
	[tilespmem:$0x1C800] =	vst v63  }
0x21e: {  	s2 =	sor.u32 s2, s31;
	_ =	swait.ge [sflag:s15], $0x2800  }
0x21f: {  	s2 =	sshrl.u32 s2, $0x3;
	[sflag:s15] =	ssyncset.done $0x0  }
0x220: {  	s31 =	sadd.s32 s0, s2;
	[sflag:s15] =	ssyncadd.s32 $0xFFFFD800  }
0x221: {  	[tilespmem:s11], [sflag:$0x2] =	stream.linear.gather [hbm4b:s31+s4], $0x80, $0x38;
	[tilespmem:$0x1C800] =	vst v63  }
0x222: {  	s2 =	sadd.s32 s5, s2  }
0x223: {  	[tilespmem:s13], [sflag:$0x2] =	stream.linear.gather [hbm4b:s2+s4], $0x80, $0x38;
	[tilespmem:$0x1C800] =	vst v63  }
0x224: {  	_ =	swait.ge [sflag:s18], $0x80  }
0x225: {  	[sflag:s18] =	ssyncset.done $0x0  }
0x226: {  	[sflag:s18] =	ssyncadd.s32 $0xFFFFFF80  }
0x227: {  	_ =	swait.ge [sflag:s18], $0x80  }
0x228: {  	[sflag:s18] =	ssyncset.done $0x0  }
0x229: {  	[sflag:s18] =	ssyncadd.s32 $0xFFFFFF80  }
0x22a: {  	v5 =	vld [tilespmem:$0x20]  }
0x22b: {  	v1 =	vld [tilespmem:$0x0]  }
0x22c: {  	v2 =	vld [tilespmem:$0x10]  }
0x22d: {  	v6 =	vld [tilespmem:$0x30];
	_ =	sdelay $0x1  }
0x22e: {  	v4 =	vand.u32 $0x3FFF, v5  }
0x22f: {  	v3 =	vshrl.u32 v1, $0xE;
	[tilespmem:$0x420] =	vst v4;
	v4 =	vld [tilespmem:$0x40]  }
0x230: {  	[tilespmem:$0x600] =	vst v3;
	v3 =	vshrl.u32 v2, $0xE  }
0x231: {  	v7 =	vand.u32 $0x3FFF, v6;
	[tilespmem:$0x610] =	vst v3;
	v3 =	vand.u32 $0x3FFF, v1  }
0x232: {  	s31 =	simm.s32 $0x400;
	s2 =	simm.s32 $0x580;
	[tilespmem:$0x430] =	vst v7;
	v1 =	vand.u32 $0x3FFF, v2;
	v2 =	vshrl.u32 v5, $0xE;
	v5 =	vshrl.u32 v6, $0xE  }
.LBB2_2:
0x233: {  	[tilespmem:$0x630] =	vst v5;
	s1 =	smov.u32 s2;
	s2 =	sadd.s32 $0x180, s2  }
0x234: {  	p0 =	sne.s32 s2, $0x4000;
	[tilespmem:$0x400] =	vst v3;
	v3 =	vshrl.u32 v4, $0xE  }
0x235: {  	v4 =	vand.u32 $0x3FFF, v4;
	[tilespmem:$0x640] =	vst v3  }
0x236: {  	[tilespmem:$0x440] =	vst v4  }
0x237: {  	p1 =	seq.s32 s31, $0x3E80;
	[tilespmem:$0x410] =	vst v1  }
0x238: {  	s7 =	sand.u32 @!p1 $0xFC00, s31;
	[tilespmem:$0x620] =	vst v2  }
0x239: {  	[tilespmem:s20], [sflag:$0x4] =	stream.indirect.gather [hbm4b:s3+s19], $0x80, s29, s19, $0xb8;
	[tilespmem:$0x1C800] =	vst v63  }
0x23a: {  	s31 =	sand.u32 @!p1 $0x380, s31;
	s7 =	sadd.s32 @!p1 s6, s7;
	_ =	swait.ge [sflag:s28], $0x2800  }
0x23b: {  	s7 =	sor.u32 @!p1 s31, s7;
	s31 =	smov.u32 s1;
	[sflag:s28] =	ssyncset.done $0x0  }
0x23c: {  	s1 =	sshrl.u32 @!p1 s7, $0x3;
	[sflag:s28] =	ssyncadd.s32 $0xFFFFD800  }
0x23d: {  	s8 =	simm.s32 @!p1 $0x0;
	s9 =	simm.s32 @!p1 $0x100;
	s7 =	sadd.s32 @!p1 s0, s1  }
0x23e: {  	[tilespmem:s9], [sflag:$0x3] =	stream.linear.gather @!p1 [hbm4b:s7+s8], $0x80, $0x38;
	[tilespmem:$0x1C800] =	vst v63  }
0x23f: {  	s1 =	sadd.s32 @!p1 s5, s1;
	s7 =	simm.s32 @!p1 $0x300  }
0x240: {  	[tilespmem:s7], [sflag:$0x3] =	stream.linear.gather @!p1 [hbm4b:s1+s8], $0x80, $0x38;
	[tilespmem:$0x1C800] =	vst v63  }
0x241: {  	_ =	swait.ge [sflag:s21], $0x80  }
0x242: {  	[sflag:s21] =	ssyncset.done $0x0  }
0x243: {  	[sflag:s21] =	ssyncadd.s32 $0xFFFFFF80  }
0x244: {  	_ =	swait.ge [sflag:s21], $0x80  }
0x245: {  	[sflag:s21] =	ssyncset.done $0x0  }
0x246: {  	[sflag:s21] =	ssyncadd.s32 $0xFFFFFF80  }
0x247: {  	v1 =	vld [tilespmem:$0x80]  }
0x248: {  	v2 =	vld [tilespmem:$0x90]  }
0x249: {  	v3 =	vld [tilespmem:$0xA0]  }
0x24a: {  	v4 =	vld [tilespmem:$0xB0]  }
0x24b: {  	v5 =	vld [tilespmem:$0xC0]  }
0x24c: {  	v6 =	vand.u32 $0x3FFF, v1;
	v1 =	vshrl.u32 v1, $0xE  }
0x24d: {  	[tilespmem:$0x480] =	vst v6;
	v6 =	vand.u32 $0x3FFF, v2;
	v2 =	vshrl.u32 v2, $0xE  }
0x24e: {  	s1 =	sadd.s32 $0xFFFFFF00, s31;
	[tilespmem:$0x490] =	vst v6;
	v6 =	vand.u32 $0x3FFF, v3;
	v3 =	vshrl.u32 v3, $0xE  }
0x24f: {  	s7 =	sand.u32 $0xFC00, s1;
	[tilespmem:$0x690] =	vst v2;
	v2 =	vand.u32 $0x3FFF, v4;
	v4 =	vshrl.u32 v4, $0xE  }
0x250: {  	s1 =	sand.u32 $0x380, s1;
	s7 =	sadd.s32 s6, s7;
	[tilespmem:$0x6A0] =	vst v3;
	v3 =	vand.u32 $0x3FFF, v5;
	v5 =	vshrl.u32 v5, $0xE  }
0x251: {  	s1 =	sor.u32 s1, s7;
	[tilespmem:$0x680] =	vst v1  }
0x252: {  	s1 =	sshrl.u32 s1, $0x3;
	[tilespmem:$0x6B0] =	vst v4  }
0x253: {  	s7 =	sadd.s32 s0, s1;
	[tilespmem:$0x4C0] =	vst v3  }
0x254: {  	[tilespmem:$0x4A0] =	vst v6  }
0x255: {  	[tilespmem:$0x6C0] =	vst v5  }
0x256: {  	[tilespmem:$0x4B0] =	vst v2  }
0x257: {  	[tilespmem:s23], [sflag:$0x5] =	stream.indirect.gather [hbm4b:s3+s19], $0x80, s22, s19, $0xb8;
	[tilespmem:$0x1C800] =	vst v63  }
0x258: {  	_ =	swait.ge [sflag:s24], $0x2800  }
0x259: {  	[sflag:s24] =	ssyncset.done $0x0  }
0x25a: {  	[sflag:s24] =	ssyncadd.s32 $0xFFFFD800  }
0x25b: {  	[tilespmem:s4], [sflag:$0x1] =	stream.linear.gather [hbm4b:s7+s4], $0x80, $0x38;
	[tilespmem:$0x1C800] =	vst v63  }
0x25c: {  	s1 =	sadd.s32 s5, s1  }
0x25d: {  	[tilespmem:s10], [sflag:$0x1] =	stream.linear.gather [hbm4b:s1+s4], $0x80, $0x38;
	[tilespmem:$0x1C800] =	vst v63  }
0x25e: {  	_ =	swait.ge [sflag:s25], $0x80  }
0x25f: {  	[sflag:s25] =	ssyncset.done $0x0  }
0x260: {  	[sflag:s25] =	ssyncadd.s32 $0xFFFFFF80  }
0x261: {  	_ =	swait.ge [sflag:s25], $0x80  }
0x262: {  	[sflag:s25] =	ssyncset.done $0x0  }
0x263: {  	[sflag:s25] =	ssyncadd.s32 $0xFFFFFF80  }
0x264: {  	v1 =	vld [tilespmem:$0x110]  }
0x265: {  	v2 =	vld [tilespmem:$0x140]  }
0x266: {  	v3 =	vld [tilespmem:$0x120]  }
0x267: {  	v4 =	vld [tilespmem:$0x130]  }
0x268: {  	v5 =	vld [tilespmem:$0x100];
	_ =	sdelay $0x1  }
0x269: {  	v6 =	vand.u32 $0x3FFF, v1;
	v1 =	vshrl.u32 v1, $0xE;
	v7 =	vand.u32 $0x3FFF, v2  }
0x26a: {  	v2 =	vshrl.u32 v2, $0xE;
	v8 =	vand.u32 $0x3FFF, v3;
	v3 =	vshrl.u32 v3, $0xE;
	[tilespmem:$0x540] =	vst v7  }
0x26b: {  	[tilespmem:$0x710] =	vst v1;
	v1 =	vand.u32 $0x3FFF, v4;
	v4 =	vshrl.u32 v4, $0xE  }
0x26c: {  	v7 =	vand.u32 $0x3FFF, v5;
	v5 =	vshrl.u32 v5, $0xE;
	[tilespmem:$0x510] =	vst v6  }
0x26d: {  	[tilespmem:$0x700] =	vst v5  }
0x26e: {  	[tilespmem:$0x520] =	vst v8  }
0x26f: {  	[tilespmem:$0x500] =	vst v7  }
0x270: {  	s1 =	sadd.s32 $0xFFFFFF80, s31;
	[tilespmem:$0x530] =	vst v1  }
0x271: {  	s7 =	sand.u32 $0xFC00, s1;
	[tilespmem:$0x720] =	vst v3  }
0x272: {  	s1 =	sand.u32 $0x380, s1;
	s7 =	sadd.s32 s6, s7;
	[tilespmem:$0x730] =	vst v4  }
0x273: {  	s1 =	sor.u32 s1, s7;
	[tilespmem:$0x740] =	vst v2  }
0x274: {  	[tilespmem:s26], [sflag:$0x6] =	stream.indirect.gather [hbm4b:s3+s19], $0x80, s14, s19, $0xb8;
	[tilespmem:$0x1C800] =	vst v63  }
0x275: {  	s1 =	sshrl.u32 s1, $0x3;
	_ =	swait.ge [sflag:s15], $0x2800  }
0x276: {  	s7 =	sadd.s32 s0, s1;
	[sflag:s15] =	ssyncset.done $0x0  }
0x277: {  	[sflag:s15] =	ssyncadd.s32 $0xFFFFD800  }
0x278: {  	[tilespmem:s11], [sflag:$0x2] =	stream.linear.gather [hbm4b:s7+s4], $0x80, $0x38;
	[tilespmem:$0x1C800] =	vst v63  }
0x279: {  	s1 =	sadd.s32 s5, s1  }
0x27a: {  	[tilespmem:s13], [sflag:$0x2] =	stream.linear.gather [hbm4b:s1+s4], $0x80, $0x38;
	[tilespmem:$0x1C800] =	vst v63  }
0x27b: {  	_ =	swait.ge [sflag:s18], $0x80  }
0x27c: {  	[sflag:s18] =	ssyncset.done $0x0  }
0x27d: {  	[sflag:s18] =	ssyncadd.s32 $0xFFFFFF80  }
0x27e: {  	_ =	swait.ge [sflag:s18], $0x80  }
0x27f: {  	[sflag:s18] =	ssyncset.done $0x0  }
0x280: {  	[sflag:s18] =	ssyncadd.s32 $0xFFFFFF80  }
0x281: {  	v1 =	vld [tilespmem:$0x0]  }
0x282: {  	v2 =	vld [tilespmem:$0x10]  }
0x283: {  	v5 =	vld [tilespmem:$0x20]  }
0x284: {  	v6 =	vld [tilespmem:$0x30];
	_ =	sdelay $0x1  }
.Ltmp0:
0x285: {  	v3 =	vand.u32 $0x3FFF, v1;
	v1 =	vshrl.u32 v1, $0xE;
	(pc) =	sbr.rel @p0 .LBB2_2-.Ltmp0, $4  }
0x286: {  	[tilespmem:$0x600] =	vst v1;
	v1 =	vand.u32 $0x3FFF, v2;
	v2 =	vshrl.u32 v2, $0xE;
	v4 =	vld [tilespmem:$0x40]  }
0x287: {  	[tilespmem:$0x610] =	vst v2;
	v7 =	vand.u32 $0x3FFF, v5;
	v2 =	vshrl.u32 v5, $0xE  }
0x288: {  	[tilespmem:$0x420] =	vst v7;
	v7 =	vand.u32 $0x3FFF, v6;
	v5 =	vshrl.u32 v6, $0xE  }
0x289: {  	[tilespmem:$0x430] =	vst v7  }
0x28a: {  	[tilespmem:$0x630] =	vst v5  }
0x28b: {  	[tilespmem:$0x400] =	vst v3  }
0x28c: {  	[tilespmem:$0x410] =	vst v1  }
0x28d: {  	p0 =	seq.s32 s31, $0x3E80;
	[tilespmem:$0x620] =	vst v2;
	v3 =	vshrl.u32 v4, $0xE  }
0x28e: {  	v59 =	vand.u32 $0x3FFF, v4;
	s1 =	sand.u32 @!p0 $0xFC00, s31;
	[tilespmem:$0x640] =	vst v3  }
0x28f: {  	s2 =	sand.u32 @!p0 $0x380, s31;
	[tilespmem:$0x440] =	vst v59;
	s1 =	sadd.s32 @!p0 s6, s1  }
0x290: {  	[tilespmem:s20], [sflag:$0x4] =	stream.indirect.gather [hbm4b:s3+s19], $0x80, s29, s19, $0xb8;
	[tilespmem:$0x1C800] =	vst v63  }
0x291: {  	s1 =	sor.u32 @!p0 s2, s1;
	_ =	swait.ge [sflag:s28], $0x2800  }
0x292: {  	s7 =	simm.s32 @!p0 $0x0;
	s1 =	sshrl.u32 @!p0 s1, $0x3;
	[sflag:s28] =	ssyncset.done $0x0  }
0x293: {  	s8 =	simm.s32 @!p0 $0x100;
	s2 =	sadd.s32 @!p0 s0, s1;
	[sflag:s28] =	ssyncadd.s32 $0xFFFFD800  }
0x294: {  	[tilespmem:s8], [sflag:$0x3] =	stream.linear.gather @!p0 [hbm4b:s2+s7], $0x80, $0x38;
	[tilespmem:$0x1C800] =	vst v63  }
0x295: {  	s1 =	sadd.s32 @!p0 s5, s1;
	s2 =	simm.s32 @!p0 $0x300  }
0x296: {  	[tilespmem:s2], [sflag:$0x3] =	stream.linear.gather @!p0 [hbm4b:s1+s7], $0x80, $0x38;
	[tilespmem:$0x1C800] =	vst v63  }
0x297: {  	_ =	swait.ge [sflag:s21], $0x80  }
0x298: {  	[sflag:s21] =	ssyncset.done $0x0  }
0x299: {  	[sflag:s21] =	ssyncadd.s32 $0xFFFFFF80  }
0x29a: {  	_ =	swait.ge [sflag:s21], $0x80  }
0x29b: {  	[sflag:s21] =	ssyncset.done $0x0  }
0x29c: {  	[sflag:s21] =	ssyncadd.s32 $0xFFFFFF80  }
0x29d: {  	v1 =	vld [tilespmem:$0x80]  }
0x29e: {  	v2 =	vld [tilespmem:$0x90];
	_ =	sdelay $0x1  }
0x29f: {  	v3 =	vld [tilespmem:$0xA0];
	_ =	sdelay $0x1  }
0x2a0: {  	v60 =	vld [tilespmem:$0xB0];
	v61 =	vand.u32 $0x3FFF, v1  }
0x2a1: {  	v6 =	vld [tilespmem:$0xC0];
	v62 =	vand.u32 $0x3FFF, v2;
	[tilespmem:$0x480] =	vst v61  }
0x2a2: {  	v2 =	vshrl.u32 v2, $0xE;
	[tilespmem:$0x490] =	vst v62  }
0x2a3: {  	v63 =	vshrl.u32 v3, $0xE;
	[tilespmem:$0x690] =	vst v2  }
0x2a4: {  	v1 =	vshrl.u32 v1, $0xE;
	[tilespmem:$0x6A0] =	vst v63  }
0x2a5: {  	v2 =	vshrl.u32 v60, $0xE;
	[tilespmem:$0x680] =	vst v1  }
0x2a6: {  	v1 =	vand.u32 $0x3FFF, v6;
	[tilespmem:$0x6B0] =	vst v2  }
0x2a7: {  	v2 =	vand.u32 $0x3FFF, v3;
	[tilespmem:$0x4C0] =	vst v1  }
0x2a8: {  	v1 =	vshrl.u32 v6, $0xE;
	[tilespmem:$0x4A0] =	vst v2  }
0x2a9: {  	v2 =	vand.u32 $0x3FFF, v60;
	[tilespmem:$0x6C0] =	vst v1  }
0x2aa: {  	[tilespmem:$0x4B0] =	vst v2  }
0x2ab: {  	[tilespmem:s23], [sflag:$0x5] =	stream.indirect.gather [hbm4b:s3+s19], $0x80, s22, s19, $0xb8;
	[tilespmem:$0x1C800] =	vst v63  }
0x2ac: {  	_ =	swait.ge [sflag:s24], $0x2800  }
0x2ad: {  	[sflag:s24] =	ssyncset.done $0x0  }
0x2ae: {  	[sflag:s24] =	ssyncadd.s32 $0xFFFFD800  }
0x2af: {  	_ =	swait.ge [sflag:s15], $0x2800  }
0x2b0: {  	[sflag:s15] =	ssyncset.done $0x0  }
0x2b1: {  	s7 =	stileid.u32;
	[sflag:s15] =	ssyncadd.s32 $0xFFFFD800  }
0x2b2: {  	s1 =	sshll.u32 s7, $0x6;
	[bflag:$0x0] =	sbarrier.arrive $0xFFFF  }
0x2b3: {  	s8 =	sshrl.u32 s12, $0x3;
	s1 =	sor.u32 $0x1C07, s1;
	s9 =	rddreg [dreg:$0x15]  }
0x2b4: {  	[hbm:s9], [sflag:s1] =	dma.local [spmem:s8], $0x2800  }
0x2b5: {  	_ =	swait.ge [sflag:s17], $0x2800  }
0x2b6: {  	s30 =	sadd.s32 $0x1, s30;
	s31 =	rddreg [dreg:$0x16]  }
0x2b7: {  	p0 =	sne.s32 s30, s31  }
.Ltmp1:
0x2b8: {  	_ = 	snop;
	(pc) =	sbr.rel @p0 .LBB2_1-.Ltmp1, $3  }
0x2b9: {  	_ =	sdelay $0x1  }
0x2ba: {  	[sflag:s17] =	ssyncset.done $0x0  }
0x2bb: {  	[sflag:s17] =	ssyncadd.s32 $0xFFFFD800  }
0x2bc: {  	_ =	sfence.sel $0x180000  }
0x2bd: {  	[bflag:$0x0] =	sbarrier.arrive $0xFFFF  }
0x2be: {  	_ =	strace $0x90000047  }
0x2bf: {  	s0 =	stileid.u32;
	[bflag:$0x2] =	sbarrier.arrive $0xFFFF  }
0x2c0: {  	p0 =	sne.s32 s0, $0x0;
	s0 =	rddreg [dreg:$0x4]  }
0x2c1: {  	s0 =	sadd.s32 @!p0 $0x100000, s0  }
0x2c2: {  	[sflag:s0] =	ssyncadd.tile.s32 @!p0 $0x1;
	_ =	shalt  }
.Lfunc_end2:
_tile_overlayer_lowered:
.L_overlay_start_2:
0x2c3: {  	(tag) =	ssettag $0x2  }
0x2c4: {  	s0 =	rddreg [dreg:$0x0];
	s2 =	stileid.u32  }
0x2c5: {  	s1 =	rddreg [dreg:$0x1];
	p0 =	sne.s32 s2, $0x0  }
0x2c6: {  	s3 =	rddreg [dreg:$0x2];
	[bflag:$0x3] =	sbarrier.arrive $0xFFFF;
	s2 =	simm.s32 @!p0 $0x1C07  }
0x2c7: {  	[timem:s3], [sflag:s2] =	dma.local @!p0 [hbm:s0], s1  }
0x2c8: {  	s0 =	simm.s32 @!p0 $0x7  }
0x2c9: {  	_ =	swait.ge @!p0 [sflag:s0], s1  }
0x2ca: {  	s1 =	ssub.s32 @!p0 $0x0, s1;
	[sflag:s0] =	ssyncset.done @!p0 $0x0  }
0x2cb: {  	[sflag:s0] =	ssyncadd.s32 @!p0 s1  }
0x2cc: {  	[bflag:$0x3] =	sbarrier.arrive $0xFFFF  }
0x2cd: {  	_ =	shalt  }

</sc_bundles>
